<compile_context>
chip_gen: v7x
topology: tpu7x:2x2x1
jax: 0.10.2.dev20260603
libtpu: 0.0.44.dev20260713+nightly
codegen_flags: <defaults>
</compile_context>

<pallas_src>
import functools

import jax
import jax.numpy as jnp
from jax import lax
from jax.experimental import pallas as pl
from jax.experimental.pallas import tpu as pltpu
from jax.experimental.pallas import tpu_sc as plsc

N_NODES = 10000
ACC_ROWS = 10112
DUMMY_ROW = N_NODES
NW = 32
C = 128



def _k1_body(x_ref, w1_ref, as_ref, ad_ref, tbl_ref, adt_ref):
    R = x_ref.shape[0]
    h = jnp.dot(x_ref[...], w1_ref[...], preferred_element_type=jnp.float32)
    col = lax.broadcasted_iota(jnp.int32, (128, 8), 0) // 16
    hd = lax.broadcasted_iota(jnp.int32, (128, 8), 1)
    msk = col == hd
    a_s = jnp.where(msk, as_ref[...], 0.0)
    a_d = jnp.where(msk, ad_ref[...], 0.0)
    asum = jnp.dot(h, a_s, preferred_element_type=jnp.float32)
    adum = jnp.dot(h, a_d, preferred_element_type=jnp.float32)
    z12 = jnp.zeros((R, 12), jnp.float32)
    tbl_ref[0] = jnp.concatenate([h[:, 0:64], asum[:, 0:4], z12], axis=1)
    tbl_ref[1] = jnp.concatenate([h[:, 64:128], asum[:, 4:8], z12], axis=1)
    adt_ref[0] = jnp.concatenate([adum[:, 0:4], z12], axis=1)
    adt_ref[1] = jnp.concatenate([adum[:, 4:8], z12], axis=1)


def _k2_body(p_ref, b1_ref, w2_ref, as2_ref, ad2_ref, h2e_ref, adp2_ref):
    R = p_ref.shape[2]
    pg0 = p_ref[0, 0] + p_ref[0, 1]
    pg1 = p_ref[1, 0] + p_ref[1, 1]
    numer = jnp.concatenate([pg0[:, 0:64], pg1[:, 0:64]], axis=1)
    den = jnp.concatenate([pg0[:, 64:68], pg1[:, 64:68]], axis=1)
    col = lax.broadcasted_iota(jnp.int32, (8, 128), 1) // 16
    row = lax.broadcasted_iota(jnp.int32, (8, 128), 0)
    P = jnp.where(col == row, 1.0, 0.0)
    den_e = jnp.dot(den, P, preferred_element_type=jnp.float32)
    o = numer / (den_e + 1e-16) + b1_ref[...]
    g = jnp.where(o > 0, o, jnp.exp(o) - 1.0)
    h2 = jnp.dot(g, w2_ref[...], preferred_element_type=jnp.float32)
    as2 = jnp.sum(h2 * as2_ref[...], axis=1, keepdims=True)
    ad2 = jnp.sum(h2 * ad2_ref[...], axis=1, keepdims=True)
    z15 = jnp.zeros((R, 15), jnp.float32)
    h2e_ref[...] = jnp.concatenate([h2, as2, z15], axis=1)
    adp2_ref[...] = jnp.concatenate([ad2, z15], axis=1)


def _k3_body(p_ref, b2_ref, out_ref):
    acc = p_ref[0, 0] + p_ref[0, 1]
    numer = acc[:, 0:16]
    den = acc[:, 16:17]
    o = numer / (den + 1e-16) + b2_ref[...]
    m = jnp.max(o, axis=1, keepdims=True)
    l = o - m
    lse = jnp.log(jnp.sum(jnp.exp(l), axis=1, keepdims=True))
    out_ref[...] = l - lse



def _splat(vec16, j):
    idx = jnp.full((16, 1), j, jnp.int32)
    dn = lax.GatherDimensionNumbers(
        offset_dims=(), collapsed_slice_dims=(0,), start_index_map=(0,))
    return lax.gather(vec16, idx, dn, (1,),
                      mode=lax.GatherScatterMode.PROMISE_IN_BOUNDS)


def _make_edge_kernel(chunks, n_groups, d_tbl, d_h, n_heads):
    hblks = d_h // 16
    mesh = plsc.VectorSubcoreMesh(core_axis_name="c", subcore_axis_name="s")

    @functools.partial(
        pl.kernel,
        mesh=mesh,
        compiler_params=pltpu.CompilerParams(use_tc_tiling_on_sc=False),
        out_type=jax.ShapeDtypeStruct((n_groups, 2, ACC_ROWS, d_tbl),
                                      jnp.float32),
        scratch_types=[
            pltpu.VMEM((chunks, C), jnp.int32),
            pltpu.VMEM((chunks, C), jnp.int32),
            pltpu.VMEM((C, d_tbl), jnp.float32),
            pltpu.VMEM((C, d_tbl), jnp.float32),
            pltpu.VMEM((C, 16), jnp.float32),
            pltpu.VMEM((C, 16), jnp.float32),
            pltpu.VMEM((C, d_tbl), jnp.float32),
            pltpu.VMEM((C, d_tbl), jnp.float32),
            pltpu.VMEM((C, d_tbl), jnp.float32),
            pltpu.VMEM_SHARED((ACC_ROWS, d_tbl), jnp.float32),
            pltpu.SemaphoreType.DMA,
            pltpu.SemaphoreType.DMA,
            pltpu.SemaphoreType.DMA,
            pltpu.SemaphoreType.DMA,
        ],
    )
    def edge_kernel(srcp, dstp, tbl, adt, out, srcv, dstv, hbuf0, hbuf1,
                    adbuf0, adbuf1, msg0, msg1, zbuf, acc, sg0, sg1, ss0,
                    ss1):
        cid = lax.axis_index("c")
        sid = lax.axis_index("s")
        wid = sid * 2 + cid
        pltpu.sync_copy(srcp.at[wid], srcv)
        pltpu.sync_copy(dstp.at[wid], dstv)

        zeros16 = jnp.zeros((16,), jnp.float32)
        rows_per = ACC_ROWS // 16
        base = sid * rows_per
        nfull = rows_per // C
        rem = rows_per - nfull * C
        hb_ = (hbuf0, hbuf1)
        ad_ = (adbuf0, adbuf1)
        ms_ = (msg0, msg1)
        sg_ = (sg0, sg1)
        ss_ = (ss0, ss1)

        def zb(e, carry):
            for b in range(d_tbl // 16):
                zbuf[e, b * 16:(b + 1) * 16] = zeros16
            return carry

        lax.fori_loop(0, C, zb, 0)

        for g in range(n_groups):
            for i in range(nfull):
                pltpu.sync_copy(zbuf, acc.at[pl.ds(base + i * C, C)])
            if rem:
                pltpu.sync_copy(zbuf.at[pl.ds(0, rem)],
                                acc.at[pl.ds(base + nfull * C, rem)])
            plsc.subcore_barrier()

            def start_gather(j, b):
                pltpu.async_copy(tbl.at[g].at[srcv.at[j]], hb_[b], sg_[b])
                pltpu.async_copy(adt.at[g].at[dstv.at[j]], ad_[b], sg_[b])

            def wait_gather(j, b):
                pltpu.make_async_copy(tbl.at[g].at[srcv.at[j]], hb_[b],
                                      sg_[b]).wait()
                pltpu.make_async_copy(adt.at[g].at[dstv.at[j]], ad_[b],
                                      sg_[b]).wait()

            def compute_msg(b):
                @plsc.parallel_loop(0, C, 1, unroll=8)
                def eloop(e):
                    srow = hb_[b][e, d_h:d_h + 16]
                    arow = ad_[b][e, 0:16]
                    sval = srow + arow
                    sval = jnp.maximum(sval, 0.2 * sval)
                    wv = jnp.exp(sval)
                    ms_[b][e, d_h:d_h + 16] = wv
                    for hblk in range(hblks):
                        ms_[b][e, hblk * 16:(hblk + 1) * 16] = (
                            hb_[b][e, hblk * 16:(hblk + 1) * 16]
                            * _splat(wv, hblk))

            start_gather(0, 0)
            npairs = (chunks + 1) // 2

            def pair_body(p, carry):
                for b in (0, 1):
                    j = 2 * p + b

                    @pl.when(j < chunks)
                    def _():
                        wait_gather(j, b)

                        @pl.when(j + 1 < chunks)
                        def _():
                            start_gather(j + 1, 1 - b)

                        @pl.when(j >= 2)
                        def _():
                            pltpu.make_async_copy(
                                ms_[b], acc.at[dstv.at[j]], ss_[b]).wait()

                        compute_msg(b)
                        pltpu.async_copy(ms_[b], acc.at[dstv.at[j]], ss_[b],
                                         add=True)
                return carry

            lax.fori_loop(0, npairs, pair_body, 0)
            pltpu.make_async_copy(ms_[0], acc.at[dstv.at[0]], ss_[0]).wait()
            pltpu.make_async_copy(ms_[1], acc.at[dstv.at[1]], ss_[1]).wait()
            plsc.subcore_barrier()
            pltpu.sync_copy(acc.at[pl.ds(base, rows_per)],
                            out.at[g].at[cid].at[pl.ds(base, rows_per)])

    return edge_kernel



def kernel(x, edge_index, W1, a_src1, a_dst1, b1, W2, a_src2, a_dst2, b2):
    N = x.shape[0]
    E = edge_index.shape[1]
    ei = edge_index.astype(jnp.int32)
    loop = jnp.arange(N, dtype=jnp.int32)
    src = jnp.concatenate([ei[0], loop])
    dst = jnp.concatenate([ei[1], loop])
    ntot = E + N
    chunks = -(-ntot // (NW * C))
    EP = NW * chunks * C
    src = jnp.pad(src, (0, EP - ntot), constant_values=0)
    dst = jnp.pad(dst, (0, EP - ntot), constant_values=DUMMY_ROW)
    srcp = src.reshape(NW, chunks, C)
    dstp = dst.reshape(NW, chunks, C)

    R = 2000
    G = N // R

    tbl1, adt1 = pl.pallas_call(
        _k1_body,
        grid=(G,),
        in_specs=[
            pl.BlockSpec((R, 128), lambda i: (i, 0)),
            pl.BlockSpec((128, 128), lambda i: (0, 0)),
            pl.BlockSpec((128, 1), lambda i: (0, 0)),
            pl.BlockSpec((128, 1), lambda i: (0, 0)),
        ],
        out_specs=[
            pl.BlockSpec((2, R, 80), lambda i: (0, i, 0)),
            pl.BlockSpec((2, R, 16), lambda i: (0, i, 0)),
        ],
        out_shape=[
            jax.ShapeDtypeStruct((2, N, 80), jnp.float32),
            jax.ShapeDtypeStruct((2, N, 16), jnp.float32),
        ],
    )(x, W1, a_src1.reshape(128, 1), a_dst1.reshape(128, 1))
    adt1 = jnp.pad(adt1, ((0, 0), (0, ACC_ROWS - N), (0, 0)))

    part1 = _make_edge_kernel(chunks, 2, 80, 64, 4)(srcp, dstp, tbl1, adt1)

    h2e, adp2 = pl.pallas_call(
        _k2_body,
        grid=(G,),
        in_specs=[
            pl.BlockSpec((2, 2, R, 80), lambda i: (0, 0, i, 0)),
            pl.BlockSpec((1, 128), lambda i: (0, 0)),
            pl.BlockSpec((128, 16), lambda i: (0, 0)),
            pl.BlockSpec((1, 16), lambda i: (0, 0)),
            pl.BlockSpec((1, 16), lambda i: (0, 0)),
        ],
        out_specs=[
            pl.BlockSpec((R, 32), lambda i: (i, 0)),
            pl.BlockSpec((R, 16), lambda i: (i, 0)),
        ],
        out_shape=[
            jax.ShapeDtypeStruct((N, 32), jnp.float32),
            jax.ShapeDtypeStruct((N, 16), jnp.float32),
        ],
    )(part1, b1.reshape(1, 128), W2, a_src2.reshape(1, 16),
      a_dst2.reshape(1, 16))

    h2e = h2e.reshape(1, N, 32)
    adp2 = jnp.pad(adp2, ((0, ACC_ROWS - N), (0, 0))).reshape(1, ACC_ROWS, 16)
    part2 = _make_edge_kernel(chunks, 1, 32, 16, 1)(srcp, dstp, h2e, adp2)

    out = pl.pallas_call(
        _k3_body,
        grid=(G,),
        in_specs=[
            pl.BlockSpec((1, 2, R, 32), lambda i: (0, 0, i, 0)),
            pl.BlockSpec((1, 16), lambda i: (0, 0)),
        ],
        out_specs=pl.BlockSpec((R, 16), lambda i: (i, 0)),
        out_shape=jax.ShapeDtypeStruct((N, 16), jnp.float32),
    )(part2, b2.reshape(1, 16))
    return out

# --- scband reference (transcript-rebuilt; emitter-appended) ---
"""Pipeline reference for scband-net-38766374813749 (READ-ONLY COPY).

The authoritative reference and input builder live on the scoring server;
editing this copy changes nothing except your own understanding.
"""

import jax, jax.numpy as jnp
import numpy as np

N_NODES = 10000
N_EDGES = 320000
NFEAT = 128
NCLASS = 16


def gat_conv(x, src, dst, W, a_src, a_dst, bias, heads, out_ch, concat):
    N = x.shape[0]
    h = (x @ W).reshape(N, heads, out_ch)
    alpha_src = (h * a_src).sum(-1)  # [N, heads]
    alpha_dst = (h * a_dst).sum(-1)  # [N, heads]
    e = alpha_src[src] + alpha_dst[dst]  # [E, heads]
    e = jax.nn.leaky_relu(e, 0.2)
    e_max = jax.ops.segment_max(e, dst, num_segments=N)
    e_max = jnp.where(jnp.isfinite(e_max), e_max, 0.0)
    ex = jnp.exp(e - e_max[dst])
    denom = jax.ops.segment_sum(ex, dst, num_segments=N)
    alpha = ex / (denom[dst] + 1e-16)
    msg = h[src] * alpha[:, :, None]
    out = jax.ops.segment_sum(msg, dst, num_segments=N)  # [N, heads, out_ch]
    if concat:
        out = out.reshape(N, heads * out_ch)
    else:
        out = out.mean(axis=1)
    return out + bias


def setup_inputs(seed: int = 0):
    key = jax.random.key(seed)
    ks = jax.random.split(key, 12)
    x = jax.random.normal(ks[0], (N_NODES, NFEAT), dtype=jnp.float32)
    edge_index = jax.random.randint(ks[1], (2, N_EDGES), 0, N_NODES, dtype=jnp.int64 if jax.config.read('jax_enable_x64') else jnp.int32)
    # layer 1: GATConv(128 -> 16, heads=8, concat=True)
    W1 = jax.random.normal(ks[2], (NFEAT, 8 * 16), dtype=jnp.float32) * (1.0 / np.sqrt(NFEAT))
    a_src1 = jax.random.normal(ks[3], (1, 8, 16), dtype=jnp.float32) * 0.1
    a_dst1 = jax.random.normal(ks[4], (1, 8, 16), dtype=jnp.float32) * 0.1
    b1 = jnp.zeros((8 * 16,), dtype=jnp.float32)
    # layer 2: GATConv(128 -> nclass, heads=1, concat=False)
    W2 = jax.random.normal(ks[5], (8 * 16, NCLASS), dtype=jnp.float32) * (1.0 / np.sqrt(8 * 16))
    a_src2 = jax.random.normal(ks[6], (1, 1, NCLASS), dtype=jnp.float32) * 0.1
    a_dst2 = jax.random.normal(ks[7], (1, 1, NCLASS), dtype=jnp.float32) * 0.1
    b2 = jnp.zeros((NCLASS,), dtype=jnp.float32)
    return {"x": x, "edge_index": edge_index, "W1": W1, "a_src1": a_src1, "a_dst1": a_dst1, "b1": b1, "W2": W2, "a_src2": a_src2, "a_dst2": a_dst2, "b2": b2}


def reference(x, edge_index, W1, a_src1, a_dst1, b1, W2, a_src2, a_dst2, b2):
    N = x.shape[0]
    loop = jnp.arange(N, dtype=edge_index.dtype)
    src = jnp.concatenate([edge_index[0], loop])
    dst = jnp.concatenate([edge_index[1], loop])
    # eval mode: dropout is identity
    h = gat_conv(x, src, dst, W1, a_src1, a_dst1, b1, heads=8, out_ch=16, concat=True)
    h = jax.nn.elu(h)
    h = gat_conv(h, src, dst, W2, a_src2, a_dst2, b2, heads=1, out_ch=NCLASS, concat=False)
    return jax.nn.log_softmax(h, axis=1)

if __name__ == "__main__":
    import jax
    _d = setup_inputs()
    print(jax.jit(kernel)(*tuple(_d.values())))

</pallas_src>

<mosaic_0001>
#map = affine_map<(d0, d1) -> (0, 0, 0)>
#map1 = affine_map<(d0, d1) -> (0, 0, 0, 0)>
module attributes {stable_mosaic.version = 14 : i64} {
  func.func @edge_kernel(%arg0: i32, %arg1: i32, %arg2: memref<32x81x128xi32, #tpu.memory_space<hbm>>, %arg3: memref<32x81x128xi32, #tpu.memory_space<hbm>>, %arg4: memref<1x10000x32xf32, #tpu.memory_space<hbm>>, %arg5: memref<1x10112x16xf32, #tpu.memory_space<hbm>>, %arg6: memref<1x2x10112x32xf32, #tpu.memory_space<hbm>>, %arg7: memref<81x128xi32, #tpu.memory_space<vmem>>, %arg8: memref<81x128xi32, #tpu.memory_space<vmem>>, %arg9: memref<128x32xf32, #tpu.memory_space<vmem>>, %arg10: memref<128x32xf32, #tpu.memory_space<vmem>>, %arg11: memref<128x16xf32, #tpu.memory_space<vmem>>, %arg12: memref<128x16xf32, #tpu.memory_space<vmem>>, %arg13: memref<128x32xf32, #tpu.memory_space<vmem>>, %arg14: memref<128x32xf32, #tpu.memory_space<vmem>>, %arg15: memref<128x32xf32, #tpu.memory_space<vmem>>, %arg16: memref<10112x32xf32, #tpu.memory_space<vmem_shared>>, %arg17: memref<!tpu.dma_semaphore, #tpu.memory_space<semaphore_mem>>, %arg18: memref<!tpu.dma_semaphore, #tpu.memory_space<semaphore_mem>>, %arg19: memref<!tpu.dma_semaphore, #tpu.memory_space<semaphore_mem>>, %arg20: memref<!tpu.dma_semaphore, #tpu.memory_space<semaphore_mem>>) attributes {dimension_semantics = [#tpu.dimension_semantics<core_parallel>, #tpu.dimension_semantics<subcore_parallel>], iteration_bounds = array<i64: 2, 16>, scalar_prefetch = 0 : i64, scratch_operands = 14 : i64, tpu.core_type = #tpu.core_type<sc_vector_subcore>, window_params = [{transform_indices = #map}, {transform_indices = #map}, {transform_indices = #map}, {transform_indices = #map}, {transform_indices = #map1}]} {
    %mul3A = arith.constant 2 : i32
    %mul3A_0 = arith.muli %arg1, %mul3A : i32
    %add3A = arith.addi %mul3A_0, %arg0 : i32
    "tpu.region"() ({
      %run_scoped3A_62 = tpu.sem_alloc : memref<!tpu.dma_semaphore, #tpu.memory_space<semaphore_mem>>
      %dma_start3A_63 = arith.constant 0 : i32
      %dma_start3A_64 = arith.constant 0 : i32
      %dma_start3A_65 = tpu.memref_slice %arg2[%add3A, %dma_start3A_63, %dma_start3A_64] : memref<32x81x128xi32, #tpu.memory_space<hbm>> -> memref<1x81x128xi32, #tpu.memory_space<hbm>>
      %dma_start3A_66 = tpu.memref_squeeze %dma_start3A_65 : memref<1x81x128xi32, #tpu.memory_space<hbm>> -> memref<81x128xi32, #tpu.memory_space<hbm>>
      %dma_start3A_67 = arith.constant 0 : i32
      %dma_start3A_68 = arith.constant 0 : i32
      %dma_start3A_69 = tpu.memref_slice %arg2[%add3A, %dma_start3A_67, %dma_start3A_68] : memref<32x81x128xi32, #tpu.memory_space<hbm>> -> memref<1x81x128xi32, #tpu.memory_space<hbm>>
      %dma_start3A_70 = tpu.memref_squeeze %dma_start3A_69 : memref<1x81x128xi32, #tpu.memory_space<hbm>> -> memref<81x128xi32, #tpu.memory_space<hbm>>
      tpu.enqueue_dma source(%dma_start3A_70 : memref<81x128xi32, #tpu.memory_space<hbm>>) target(%arg7 : memref<81x128xi32, #tpu.memory_space<vmem>>) target_semaphore(%run_scoped3A_62 : memref<!tpu.dma_semaphore, #tpu.memory_space<semaphore_mem>>)
      %dma_wait3A_71 = arith.constant 0 : i32
      %dma_wait3A_72 = arith.constant 0 : i32
      %dma_wait3A_73 = tpu.memref_slice %arg2[%add3A, %dma_wait3A_71, %dma_wait3A_72] : memref<32x81x128xi32, #tpu.memory_space<hbm>> -> memref<1x81x128xi32, #tpu.memory_space<hbm>>
      %dma_wait3A_74 = tpu.memref_squeeze %dma_wait3A_73 : memref<1x81x128xi32, #tpu.memory_space<hbm>> -> memref<81x128xi32, #tpu.memory_space<hbm>>
      %dma_wait3A_75 = arith.constant 0 : i32
      %dma_wait3A_76 = arith.constant 0 : i32
      %dma_wait3A_77 = tpu.memref_slice %arg2[%add3A, %dma_wait3A_75, %dma_wait3A_76] : memref<32x81x128xi32, #tpu.memory_space<hbm>> -> memref<1x81x128xi32, #tpu.memory_space<hbm>>
      %dma_wait3A_78 = tpu.memref_squeeze %dma_wait3A_77 : memref<1x81x128xi32, #tpu.memory_space<hbm>> -> memref<81x128xi32, #tpu.memory_space<hbm>>
      tpu.wait_dma2 semaphore(%run_scoped3A_62 : memref<!tpu.dma_semaphore, #tpu.memory_space<semaphore_mem>>) src(%dma_wait3A_78 : memref<81x128xi32, #tpu.memory_space<hbm>>) dst(%arg7 : memref<81x128xi32, #tpu.memory_space<vmem>>)
      tpu.yield
    }) : () -> ()
    "tpu.region"() ({
      %run_scoped3A_62 = tpu.sem_alloc : memref<!tpu.dma_semaphore, #tpu.memory_space<semaphore_mem>>
      %dma_start3A_63 = arith.constant 0 : i32
      %dma_start3A_64 = arith.constant 0 : i32
      %dma_start3A_65 = tpu.memref_slice %arg3[%add3A, %dma_start3A_63, %dma_start3A_64] : memref<32x81x128xi32, #tpu.memory_space<hbm>> -> memref<1x81x128xi32, #tpu.memory_space<hbm>>
      %dma_start3A_66 = tpu.memref_squeeze %dma_start3A_65 : memref<1x81x128xi32, #tpu.memory_space<hbm>> -> memref<81x128xi32, #tpu.memory_space<hbm>>
      %dma_start3A_67 = arith.constant 0 : i32
      %dma_start3A_68 = arith.constant 0 : i32
      %dma_start3A_69 = tpu.memref_slice %arg3[%add3A, %dma_start3A_67, %dma_start3A_68] : memref<32x81x128xi32, #tpu.memory_space<hbm>> -> memref<1x81x128xi32, #tpu.memory_space<hbm>>
      %dma_start3A_70 = tpu.memref_squeeze %dma_start3A_69 : memref<1x81x128xi32, #tpu.memory_space<hbm>> -> memref<81x128xi32, #tpu.memory_space<hbm>>
      tpu.enqueue_dma source(%dma_start3A_70 : memref<81x128xi32, #tpu.memory_space<hbm>>) target(%arg8 : memref<81x128xi32, #tpu.memory_space<vmem>>) target_semaphore(%run_scoped3A_62 : memref<!tpu.dma_semaphore, #tpu.memory_space<semaphore_mem>>)
      %dma_wait3A_71 = arith.constant 0 : i32
      %dma_wait3A_72 = arith.constant 0 : i32
      %dma_wait3A_73 = tpu.memref_slice %arg3[%add3A, %dma_wait3A_71, %dma_wait3A_72] : memref<32x81x128xi32, #tpu.memory_space<hbm>> -> memref<1x81x128xi32, #tpu.memory_space<hbm>>
      %dma_wait3A_74 = tpu.memref_squeeze %dma_wait3A_73 : memref<1x81x128xi32, #tpu.memory_space<hbm>> -> memref<81x128xi32, #tpu.memory_space<hbm>>
      %dma_wait3A_75 = arith.constant 0 : i32
      %dma_wait3A_76 = arith.constant 0 : i32
      %dma_wait3A_77 = tpu.memref_slice %arg3[%add3A, %dma_wait3A_75, %dma_wait3A_76] : memref<32x81x128xi32, #tpu.memory_space<hbm>> -> memref<1x81x128xi32, #tpu.memory_space<hbm>>
      %dma_wait3A_78 = tpu.memref_squeeze %dma_wait3A_77 : memref<1x81x128xi32, #tpu.memory_space<hbm>> -> memref<81x128xi32, #tpu.memory_space<hbm>>
      tpu.wait_dma2 semaphore(%run_scoped3A_62 : memref<!tpu.dma_semaphore, #tpu.memory_space<semaphore_mem>>) src(%dma_wait3A_78 : memref<81x128xi32, #tpu.memory_space<hbm>>) dst(%arg8 : memref<81x128xi32, #tpu.memory_space<vmem>>)
      tpu.yield
    }) : () -> ()
    %broadcast_in_dim3A = arith.constant 0.000000e+00 : f32
    %broadcast_in_dim3A_1 = vector.broadcast %broadcast_in_dim3A : f32 to vector<16xf32>
    %mul3A_2 = arith.constant 632 : i32
    %mul3A_3 = arith.muli %arg1, %mul3A_2 : i32
    %scan3A = arith.constant 0 : i32
    %scan3A_4 = arith.constant 0 : i32
    %scan3A_5 = arith.constant 128 : i32
    %scan3A_6 = arith.addi %scan3A_4, %scan3A_5 : i32
    %scan3A_7 = arith.constant 1 : i32
    scf.for %scan3A_62 = %scan3A_4 to %scan3A_6 step %scan3A_7  : i32 {
      %swap3A = arith.index_cast %scan3A_62 : i32 to index
      %swap3A_63 = arith.constant 0 : index
      %swap3A_64 = tpu.vector_load %arg15[%swap3A, %swap3A_63] {strides = array<i32>} : memref<128x32xf32, #tpu.memory_space<vmem>>, vector<1x16xf32>,
      %swap3A_65 = vector.shape_cast %swap3A_64 : vector<1x16xf32> to vector<16xf32>
      %swap3A_66 = vector.shape_cast %broadcast_in_dim3A_1 : vector<16xf32> to vector<1x16xf32>
      tpu.vector_store %arg15[%swap3A, %swap3A_63], %swap3A_66 {strides = array<i32>} : memref<128x32xf32, #tpu.memory_space<vmem>>, vector<1x16xf32>,
      %swap3A_67 = arith.index_cast %scan3A_62 : i32 to index
      %swap3A_68 = arith.constant 16 : index
      %swap3A_69 = tpu.vector_load %arg15[%swap3A_67, %swap3A_68] {strides = array<i32>} : memref<128x32xf32, #tpu.memory_space<vmem>>, vector<1x16xf32>,
      %swap3A_70 = vector.shape_cast %swap3A_69 : vector<1x16xf32> to vector<16xf32>
      %swap3A_71 = vector.shape_cast %broadcast_in_dim3A_1 : vector<16xf32> to vector<1x16xf32>
      tpu.vector_store %arg15[%swap3A_67, %swap3A_68], %swap3A_71 {strides = array<i32>} : memref<128x32xf32, #tpu.memory_space<vmem>>, vector<1x16xf32>,
    }
    %scan3A_8 = arith.constant 128 : i32
    %add3A_9 = arith.constant 0 : i32
    %add3A_10 = arith.addi %mul3A_3, %add3A_9 : i32
    "tpu.region"() ({
      %run_scoped3A_62 = tpu.sem_alloc : memref<!tpu.dma_semaphore, #tpu.memory_space<semaphore_mem>>
      %dma_start3A_63 = arith.constant 0 : i32
      %dma_start3A_64 = tpu.memref_slice %arg16[%add3A_10, %dma_start3A_63] : memref<10112x32xf32, #tpu.memory_space<vmem_shared>> -> memref<128x32xf32, #tpu.memory_space<vmem_shared>>
      %dma_start3A_65 = arith.constant 0 : i32
      %dma_start3A_66 = tpu.memref_slice %arg16[%add3A_10, %dma_start3A_65] : memref<10112x32xf32, #tpu.memory_space<vmem_shared>> -> memref<128x32xf32, #tpu.memory_space<vmem_shared>>
      tpu.enqueue_dma source(%arg15 : memref<128x32xf32, #tpu.memory_space<vmem>>) target(%dma_start3A_66 : memref<128x32xf32, #tpu.memory_space<vmem_shared>>) target_semaphore(%run_scoped3A_62 : memref<!tpu.dma_semaphore, #tpu.memory_space<semaphore_mem>>)
      %dma_wait3A_67 = arith.constant 0 : i32
      %dma_wait3A_68 = tpu.memref_slice %arg16[%add3A_10, %dma_wait3A_67] : memref<10112x32xf32, #tpu.memory_space<vmem_shared>> -> memref<128x32xf32, #tpu.memory_space<vmem_shared>>
      %dma_wait3A_69 = arith.constant 0 : i32
      %dma_wait3A_70 = tpu.memref_slice %arg16[%add3A_10, %dma_wait3A_69] : memref<10112x32xf32, #tpu.memory_space<vmem_shared>> -> memref<128x32xf32, #tpu.memory_space<vmem_shared>>
      tpu.wait_dma2 semaphore(%run_scoped3A_62 : memref<!tpu.dma_semaphore, #tpu.memory_space<semaphore_mem>>) src(%arg15 : memref<128x32xf32, #tpu.memory_space<vmem>>) dst(%dma_wait3A_70 : memref<128x32xf32, #tpu.memory_space<vmem_shared>>)
      tpu.yield
    }) : () -> ()
    %add3A_11 = arith.constant 128 : i32
    %add3A_12 = arith.addi %mul3A_3, %add3A_11 : i32
    "tpu.region"() ({
      %run_scoped3A_62 = tpu.sem_alloc : memref<!tpu.dma_semaphore, #tpu.memory_space<semaphore_mem>>
      %dma_start3A_63 = arith.constant 0 : i32
      %dma_start3A_64 = tpu.memref_slice %arg16[%add3A_12, %dma_start3A_63] : memref<10112x32xf32, #tpu.memory_space<vmem_shared>> -> memref<128x32xf32, #tpu.memory_space<vmem_shared>>
      %dma_start3A_65 = arith.constant 0 : i32
      %dma_start3A_66 = tpu.memref_slice %arg16[%add3A_12, %dma_start3A_65] : memref<10112x32xf32, #tpu.memory_space<vmem_shared>> -> memref<128x32xf32, #tpu.memory_space<vmem_shared>>
      tpu.enqueue_dma source(%arg15 : memref<128x32xf32, #tpu.memory_space<vmem>>) target(%dma_start3A_66 : memref<128x32xf32, #tpu.memory_space<vmem_shared>>) target_semaphore(%run_scoped3A_62 : memref<!tpu.dma_semaphore, #tpu.memory_space<semaphore_mem>>)
      %dma_wait3A_67 = arith.constant 0 : i32
      %dma_wait3A_68 = tpu.memref_slice %arg16[%add3A_12, %dma_wait3A_67] : memref<10112x32xf32, #tpu.memory_space<vmem_shared>> -> memref<128x32xf32, #tpu.memory_space<vmem_shared>>
      %dma_wait3A_69 = arith.constant 0 : i32
      %dma_wait3A_70 = tpu.memref_slice %arg16[%add3A_12, %dma_wait3A_69] : memref<10112x32xf32, #tpu.memory_space<vmem_shared>> -> memref<128x32xf32, #tpu.memory_space<vmem_shared>>
      tpu.wait_dma2 semaphore(%run_scoped3A_62 : memref<!tpu.dma_semaphore, #tpu.memory_space<semaphore_mem>>) src(%arg15 : memref<128x32xf32, #tpu.memory_space<vmem>>) dst(%dma_wait3A_70 : memref<128x32xf32, #tpu.memory_space<vmem_shared>>)
      tpu.yield
    }) : () -> ()
    %add3A_13 = arith.constant 256 : i32
    %add3A_14 = arith.addi %mul3A_3, %add3A_13 : i32
    "tpu.region"() ({
      %run_scoped3A_62 = tpu.sem_alloc : memref<!tpu.dma_semaphore, #tpu.memory_space<semaphore_mem>>
      %dma_start3A_63 = arith.constant 0 : i32
      %dma_start3A_64 = tpu.memref_slice %arg16[%add3A_14, %dma_start3A_63] : memref<10112x32xf32, #tpu.memory_space<vmem_shared>> -> memref<128x32xf32, #tpu.memory_space<vmem_shared>>
      %dma_start3A_65 = arith.constant 0 : i32
      %dma_start3A_66 = tpu.memref_slice %arg16[%add3A_14, %dma_start3A_65] : memref<10112x32xf32, #tpu.memory_space<vmem_shared>> -> memref<128x32xf32, #tpu.memory_space<vmem_shared>>
      tpu.enqueue_dma source(%arg15 : memref<128x32xf32, #tpu.memory_space<vmem>>) target(%dma_start3A_66 : memref<128x32xf32, #tpu.memory_space<vmem_shared>>) target_semaphore(%run_scoped3A_62 : memref<!tpu.dma_semaphore, #tpu.memory_space<semaphore_mem>>)
      %dma_wait3A_67 = arith.constant 0 : i32
      %dma_wait3A_68 = tpu.memref_slice %arg16[%add3A_14, %dma_wait3A_67] : memref<10112x32xf32, #tpu.memory_space<vmem_shared>> -> memref<128x32xf32, #tpu.memory_space<vmem_shared>>
      %dma_wait3A_69 = arith.constant 0 : i32
      %dma_wait3A_70 = tpu.memref_slice %arg16[%add3A_14, %dma_wait3A_69] : memref<10112x32xf32, #tpu.memory_space<vmem_shared>> -> memref<128x32xf32, #tpu.memory_space<vmem_shared>>
      tpu.wait_dma2 semaphore(%run_scoped3A_62 : memref<!tpu.dma_semaphore, #tpu.memory_space<semaphore_mem>>) src(%arg15 : memref<128x32xf32, #tpu.memory_space<vmem>>) dst(%dma_wait3A_70 : memref<128x32xf32, #tpu.memory_space<vmem_shared>>)
      tpu.yield
    }) : () -> ()
    %add3A_15 = arith.constant 384 : i32
    %add3A_16 = arith.addi %mul3A_3, %add3A_15 : i32
    "tpu.region"() ({
      %run_scoped3A_62 = tpu.sem_alloc : memref<!tpu.dma_semaphore, #tpu.memory_space<semaphore_mem>>
      %dma_start3A_63 = arith.constant 0 : i32
      %dma_start3A_64 = tpu.memref_slice %arg16[%add3A_16, %dma_start3A_63] : memref<10112x32xf32, #tpu.memory_space<vmem_shared>> -> memref<128x32xf32, #tpu.memory_space<vmem_shared>>
      %dma_start3A_65 = arith.constant 0 : i32
      %dma_start3A_66 = tpu.memref_slice %arg16[%add3A_16, %dma_start3A_65] : memref<10112x32xf32, #tpu.memory_space<vmem_shared>> -> memref<128x32xf32, #tpu.memory_space<vmem_shared>>
      tpu.enqueue_dma source(%arg15 : memref<128x32xf32, #tpu.memory_space<vmem>>) target(%dma_start3A_66 : memref<128x32xf32, #tpu.memory_space<vmem_shared>>) target_semaphore(%run_scoped3A_62 : memref<!tpu.dma_semaphore, #tpu.memory_space<semaphore_mem>>)
      %dma_wait3A_67 = arith.constant 0 : i32
      %dma_wait3A_68 = tpu.memref_slice %arg16[%add3A_16, %dma_wait3A_67] : memref<10112x32xf32, #tpu.memory_space<vmem_shared>> -> memref<128x32xf32, #tpu.memory_space<vmem_shared>>
      %dma_wait3A_69 = arith.constant 0 : i32
      %dma_wait3A_70 = tpu.memref_slice %arg16[%add3A_16, %dma_wait3A_69] : memref<10112x32xf32, #tpu.memory_space<vmem_shared>> -> memref<128x32xf32, #tpu.memory_space<vmem_shared>>
      tpu.wait_dma2 semaphore(%run_scoped3A_62 : memref<!tpu.dma_semaphore, #tpu.memory_space<semaphore_mem>>) src(%arg15 : memref<128x32xf32, #tpu.memory_space<vmem>>) dst(%dma_wait3A_70 : memref<128x32xf32, #tpu.memory_space<vmem_shared>>)
      tpu.yield
    }) : () -> ()
    %add3A_17 = arith.constant 512 : i32
    %add3A_18 = arith.addi %mul3A_3, %add3A_17 : i32
    "tpu.region"() ({
      %run_scoped3A_62 = tpu.sem_alloc : memref<!tpu.dma_semaphore, #tpu.memory_space<semaphore_mem>>
      %dma_start3A_63 = arith.constant 0 : i32
      %dma_start3A_64 = arith.constant 0 : i32
      %dma_start3A_65 = tpu.memref_slice %arg15[%dma_start3A_63, %dma_start3A_64] : memref<128x32xf32, #tpu.memory_space<vmem>> -> memref<120x32xf32, #tpu.memory_space<vmem>>
      %dma_start3A_66 = arith.constant 0 : i32
      %dma_start3A_67 = tpu.memref_slice %arg16[%add3A_18, %dma_start3A_66] : memref<10112x32xf32, #tpu.memory_space<vmem_shared>> -> memref<120x32xf32, #tpu.memory_space<vmem_shared>>
      %dma_start3A_68 = arith.constant 0 : i32
      %dma_start3A_69 = tpu.memref_slice %arg16[%add3A_18, %dma_start3A_68] : memref<10112x32xf32, #tpu.memory_space<vmem_shared>> -> memref<120x32xf32, #tpu.memory_space<vmem_shared>>
      %dma_start3A_70 = arith.constant 0 : i32
      %dma_start3A_71 = arith.constant 0 : i32
      %dma_start3A_72 = tpu.memref_slice %arg15[%dma_start3A_70, %dma_start3A_71] : memref<128x32xf32, #tpu.memory_space<vmem>> -> memref<120x32xf32, #tpu.memory_space<vmem>>
      tpu.enqueue_dma source(%dma_start3A_72 : memref<120x32xf32, #tpu.memory_space<vmem>>) target(%dma_start3A_69 : memref<120x32xf32, #tpu.memory_space<vmem_shared>>) target_semaphore(%run_scoped3A_62 : memref<!tpu.dma_semaphore, #tpu.memory_space<semaphore_mem>>)
      %dma_wait3A_73 = arith.constant 0 : i32
      %dma_wait3A_74 = arith.constant 0 : i32
      %dma_wait3A_75 = tpu.memref_slice %arg15[%dma_wait3A_73, %dma_wait3A_74] : memref<128x32xf32, #tpu.memory_space<vmem>> -> memref<120x32xf32, #tpu.memory_space<vmem>>
      %dma_wait3A_76 = arith.constant 0 : i32
      %dma_wait3A_77 = tpu.memref_slice %arg16[%add3A_18, %dma_wait3A_76] : memref<10112x32xf32, #tpu.memory_space<vmem_shared>> -> memref<120x32xf32, #tpu.memory_space<vmem_shared>>
      %dma_wait3A_78 = arith.constant 0 : i32
      %dma_wait3A_79 = tpu.memref_slice %arg16[%add3A_18, %dma_wait3A_78] : memref<10112x32xf32, #tpu.memory_space<vmem_shared>> -> memref<120x32xf32, #tpu.memory_space<vmem_shared>>
      %dma_wait3A_80 = arith.constant 0 : i32
      %dma_wait3A_81 = arith.constant 0 : i32
      %dma_wait3A_82 = tpu.memref_slice %arg15[%dma_wait3A_80, %dma_wait3A_81] : memref<128x32xf32, #tpu.memory_space<vmem>> -> memref<120x32xf32, #tpu.memory_space<vmem>>
      tpu.wait_dma2 semaphore(%run_scoped3A_62 : memref<!tpu.dma_semaphore, #tpu.memory_space<semaphore_mem>>) src(%dma_wait3A_82 : memref<120x32xf32, #tpu.memory_space<vmem>>) dst(%dma_wait3A_79 : memref<120x32xf32, #tpu.memory_space<vmem_shared>>)
      tpu.yield
    }) : () -> ()
    %barrier3A = arith.constant 0 : index
    tpu.barrier barrier_id(%barrier3A)
    %dma_start3A = arith.constant 0 : i32
    %dma_start3A_19 = arith.constant 0 : i32
    %dma_start3A_20 = arith.constant 0 : i32
    %dma_start3A_21 = tpu.memref_slice %arg7[%dma_start3A_19, %dma_start3A_20] : memref<81x128xi32, #tpu.memory_space<vmem>> -> memref<1x128xi32, #tpu.memory_space<vmem>>
    %dma_start3A_22 = tpu.memref_squeeze %dma_start3A_21 : memref<1x128xi32, #tpu.memory_space<vmem>> -> memref<128xi32, #tpu.memory_space<vmem>>
    %dma_start3A_23 = arith.constant 0 : i32
    %dma_start3A_24 = arith.constant 0 : i32
    %dma_start3A_25 = tpu.memref_slice %arg4[%dma_start3A, %dma_start3A_23, %dma_start3A_24] : memref<1x10000x32xf32, #tpu.memory_space<hbm>> -> memref<1x10000x32xf32, #tpu.memory_space<hbm>>
    %dma_start3A_26 = tpu.memref_squeeze %dma_start3A_25 : memref<1x10000x32xf32, #tpu.memory_space<hbm>> -> memref<10000x32xf32, #tpu.memory_space<hbm>>
    %dma_start3A_27 = arith.constant 0 : i32
    %dma_start3A_28 = arith.constant 0 : i32
    %dma_start3A_29 = tpu.memref_slice %dma_start3A_26[%dma_start3A_27, %dma_start3A_28] : memref<10000x32xf32, #tpu.memory_space<hbm>> -> memref<10000x32xf32, #tpu.memory_space<hbm>>
    tpu.enqueue_indirect_dma source(%dma_start3A_29 : memref<10000x32xf32, #tpu.memory_space<hbm>>) target(%arg9 : memref<128x32xf32, #tpu.memory_space<vmem>>) offsets(%dma_start3A_22 : memref<128xi32, #tpu.memory_space<vmem>>) semaphore(%arg17 : memref<!tpu.dma_semaphore, #tpu.memory_space<semaphore_mem>>)
    %dma_start3A_30 = arith.constant 0 : i32
    %dma_start3A_31 = arith.constant 0 : i32
    %dma_start3A_32 = arith.constant 0 : i32
    %dma_start3A_33 = tpu.memref_slice %arg8[%dma_start3A_31, %dma_start3A_32] : memref<81x128xi32, #tpu.memory_space<vmem>> -> memref<1x128xi32, #tpu.memory_space<vmem>>
    %dma_start3A_34 = tpu.memref_squeeze %dma_start3A_33 : memref<1x128xi32, #tpu.memory_space<vmem>> -> memref<128xi32, #tpu.memory_space<vmem>>
    %dma_start3A_35 = arith.constant 0 : i32
    %dma_start3A_36 = arith.constant 0 : i32
    %dma_start3A_37 = tpu.memref_slice %arg5[%dma_start3A_30, %dma_start3A_35, %dma_start3A_36] : memref<1x10112x16xf32, #tpu.memory_space<hbm>> -> memref<1x10112x16xf32, #tpu.memory_space<hbm>>
    %dma_start3A_38 = tpu.memref_squeeze %dma_start3A_37 : memref<1x10112x16xf32, #tpu.memory_space<hbm>> -> memref<10112x16xf32, #tpu.memory_space<hbm>>
    %dma_start3A_39 = arith.constant 0 : i32
    %dma_start3A_40 = arith.constant 0 : i32
    %dma_start3A_41 = tpu.memref_slice %dma_start3A_38[%dma_start3A_39, %dma_start3A_40] : memref<10112x16xf32, #tpu.memory_space<hbm>> -> memref<10112x16xf32, #tpu.memory_space<hbm>>
    tpu.enqueue_indirect_dma source(%dma_start3A_41 : memref<10112x16xf32, #tpu.memory_space<hbm>>) target(%arg11 : memref<128x16xf32, #tpu.memory_space<vmem>>) offsets(%dma_start3A_34 : memref<128xi32, #tpu.memory_space<vmem>>) semaphore(%arg17 : memref<!tpu.dma_semaphore, #tpu.memory_space<semaphore_mem>>)
    %scan3A_42 = arith.constant 0 : i32
    %scan3A_43 = arith.constant 0 : i32
    %scan3A_44 = arith.constant 41 : i32
    %scan3A_45 = arith.addi %scan3A_43, %scan3A_44 : i32
    %scan3A_46 = arith.constant 1 : i32
    scf.for %scan3A_62 = %scan3A_43 to %scan3A_45 step %scan3A_46  : i32 {
      %mul3A_63 = arith.constant 2 : i32
      %mul3A_64 = arith.muli %mul3A_63, %scan3A_62 : i32
      %add3A_65 = arith.constant 0 : i32
      %add3A_66 = arith.addi %mul3A_64, %add3A_65 : i32
      %lt3A = arith.constant 81 : i32
      %lt3A_67 = arith.cmpi slt, %add3A_66, %lt3A : i32
      %convert_element_type3A = arith.extui %lt3A_67 : i1 to i32
      %cond3A = arith.constant 0 : i32
      %cond3A_68 = arith.cmpi ne, %convert_element_type3A, %cond3A : i32
      scf.if %cond3A_68 {
        %dma_wait3A_78 = arith.constant 0 : i32
        %dma_wait3A_79 = arith.constant 0 : i32
        %dma_wait3A_80 = tpu.memref_slice %arg7[%add3A_66, %dma_wait3A_79] : memref<81x128xi32, #tpu.memory_space<vmem>> -> memref<1x128xi32, #tpu.memory_space<vmem>>
        %dma_wait3A_81 = tpu.memref_squeeze %dma_wait3A_80 : memref<1x128xi32, #tpu.memory_space<vmem>> -> memref<128xi32, #tpu.memory_space<vmem>>
        %dma_wait3A_82 = arith.constant 0 : i32
        %dma_wait3A_83 = arith.constant 0 : i32
        %dma_wait3A_84 = tpu.memref_slice %arg4[%dma_wait3A_78, %dma_wait3A_82, %dma_wait3A_83] : memref<1x10000x32xf32, #tpu.memory_space<hbm>> -> memref<1x10000x32xf32, #tpu.memory_space<hbm>>
        %dma_wait3A_85 = tpu.memref_squeeze %dma_wait3A_84 : memref<1x10000x32xf32, #tpu.memory_space<hbm>> -> memref<10000x32xf32, #tpu.memory_space<hbm>>
        %dma_wait3A_86 = arith.constant 0 : i32
        %dma_wait3A_87 = arith.constant 0 : i32
        %dma_wait3A_88 = tpu.memref_slice %dma_wait3A_85[%dma_wait3A_86, %dma_wait3A_87] : memref<10000x32xf32, #tpu.memory_space<hbm>> -> memref<10000x32xf32, #tpu.memory_space<hbm>>
        tpu.wait_indirect_dma semaphore(%arg17 : memref<!tpu.dma_semaphore, #tpu.memory_space<semaphore_mem>>) src(%dma_wait3A_88 : memref<10000x32xf32, #tpu.memory_space<hbm>>) dst(%arg9 : memref<128x32xf32, #tpu.memory_space<vmem>>)
        %dma_wait3A_89 = arith.constant 0 : i32
        %dma_wait3A_90 = arith.constant 0 : i32
        %dma_wait3A_91 = tpu.memref_slice %arg8[%add3A_66, %dma_wait3A_90] : memref<81x128xi32, #tpu.memory_space<vmem>> -> memref<1x128xi32, #tpu.memory_space<vmem>>
        %dma_wait3A_92 = tpu.memref_squeeze %dma_wait3A_91 : memref<1x128xi32, #tpu.memory_space<vmem>> -> memref<128xi32, #tpu.memory_space<vmem>>
        %dma_wait3A_93 = arith.constant 0 : i32
        %dma_wait3A_94 = arith.constant 0 : i32
        %dma_wait3A_95 = tpu.memref_slice %arg5[%dma_wait3A_89, %dma_wait3A_93, %dma_wait3A_94] : memref<1x10112x16xf32, #tpu.memory_space<hbm>> -> memref<1x10112x16xf32, #tpu.memory_space<hbm>>
        %dma_wait3A_96 = tpu.memref_squeeze %dma_wait3A_95 : memref<1x10112x16xf32, #tpu.memory_space<hbm>> -> memref<10112x16xf32, #tpu.memory_space<hbm>>
        %dma_wait3A_97 = arith.constant 0 : i32
        %dma_wait3A_98 = arith.constant 0 : i32
        %dma_wait3A_99 = tpu.memref_slice %dma_wait3A_96[%dma_wait3A_97, %dma_wait3A_98] : memref<10112x16xf32, #tpu.memory_space<hbm>> -> memref<10112x16xf32, #tpu.memory_space<hbm>>
        tpu.wait_indirect_dma semaphore(%arg17 : memref<!tpu.dma_semaphore, #tpu.memory_space<semaphore_mem>>) src(%dma_wait3A_99 : memref<10112x16xf32, #tpu.memory_space<hbm>>) dst(%arg11 : memref<128x16xf32, #tpu.memory_space<vmem>>)
        %add3A_100 = arith.constant 1 : i32
        %add3A_101 = arith.addi %add3A_66, %add3A_100 : i32
        %lt3A_102 = arith.constant 81 : i32
        %lt3A_103 = arith.cmpi slt, %add3A_101, %lt3A_102 : i32
        %convert_element_type3A_104 = arith.extui %lt3A_103 : i1 to i32
        %cond3A_105 = arith.constant 0 : i32
        %cond3A_106 = arith.cmpi ne, %convert_element_type3A_104, %cond3A_105 : i32
        scf.if %cond3A_106 {
          %add3A_119 = arith.constant 1 : i32
          %add3A_120 = arith.addi %add3A_66, %add3A_119 : i32
          %dma_start3A_121 = arith.constant 0 : i32
          %dma_start3A_122 = arith.constant 0 : i32
          %dma_start3A_123 = tpu.memref_slice %arg7[%add3A_120, %dma_start3A_122] : memref<81x128xi32, #tpu.memory_space<vmem>> -> memref<1x128xi32, #tpu.memory_space<vmem>>
          %dma_start3A_124 = tpu.memref_squeeze %dma_start3A_123 : memref<1x128xi32, #tpu.memory_space<vmem>> -> memref<128xi32, #tpu.memory_space<vmem>>
          %dma_start3A_125 = arith.constant 0 : i32
          %dma_start3A_126 = arith.constant 0 : i32
          %dma_start3A_127 = tpu.memref_slice %arg4[%dma_start3A_121, %dma_start3A_125, %dma_start3A_126] : memref<1x10000x32xf32, #tpu.memory_space<hbm>> -> memref<1x10000x32xf32, #tpu.memory_space<hbm>>
          %dma_start3A_128 = tpu.memref_squeeze %dma_start3A_127 : memref<1x10000x32xf32, #tpu.memory_space<hbm>> -> memref<10000x32xf32, #tpu.memory_space<hbm>>
          %dma_start3A_129 = arith.constant 0 : i32
          %dma_start3A_130 = arith.constant 0 : i32
          %dma_start3A_131 = tpu.memref_slice %dma_start3A_128[%dma_start3A_129, %dma_start3A_130] : memref<10000x32xf32, #tpu.memory_space<hbm>> -> memref<10000x32xf32, #tpu.memory_space<hbm>>
          tpu.enqueue_indirect_dma source(%dma_start3A_131 : memref<10000x32xf32, #tpu.memory_space<hbm>>) target(%arg10 : memref<128x32xf32, #tpu.memory_space<vmem>>) offsets(%dma_start3A_124 : memref<128xi32, #tpu.memory_space<vmem>>) semaphore(%arg18 : memref<!tpu.dma_semaphore, #tpu.memory_space<semaphore_mem>>)
          %dma_start3A_132 = arith.constant 0 : i32
          %dma_start3A_133 = arith.constant 0 : i32
          %dma_start3A_134 = tpu.memref_slice %arg8[%add3A_120, %dma_start3A_133] : memref<81x128xi32, #tpu.memory_space<vmem>> -> memref<1x128xi32, #tpu.memory_space<vmem>>
          %dma_start3A_135 = tpu.memref_squeeze %dma_start3A_134 : memref<1x128xi32, #tpu.memory_space<vmem>> -> memref<128xi32, #tpu.memory_space<vmem>>
          %dma_start3A_136 = arith.constant 0 : i32
          %dma_start3A_137 = arith.constant 0 : i32
          %dma_start3A_138 = tpu.memref_slice %arg5[%dma_start3A_132, %dma_start3A_136, %dma_start3A_137] : memref<1x10112x16xf32, #tpu.memory_space<hbm>> -> memref<1x10112x16xf32, #tpu.memory_space<hbm>>
          %dma_start3A_139 = tpu.memref_squeeze %dma_start3A_138 : memref<1x10112x16xf32, #tpu.memory_space<hbm>> -> memref<10112x16xf32, #tpu.memory_space<hbm>>
          %dma_start3A_140 = arith.constant 0 : i32
          %dma_start3A_141 = arith.constant 0 : i32
          %dma_start3A_142 = tpu.memref_slice %dma_start3A_139[%dma_start3A_140, %dma_start3A_141] : memref<10112x16xf32, #tpu.memory_space<hbm>> -> memref<10112x16xf32, #tpu.memory_space<hbm>>
          tpu.enqueue_indirect_dma source(%dma_start3A_142 : memref<10112x16xf32, #tpu.memory_space<hbm>>) target(%arg12 : memref<128x16xf32, #tpu.memory_space<vmem>>) offsets(%dma_start3A_135 : memref<128xi32, #tpu.memory_space<vmem>>) semaphore(%arg18 : memref<!tpu.dma_semaphore, #tpu.memory_space<semaphore_mem>>)
        } else {
        }
        %ge3A = arith.constant 2 : i32
        %ge3A_107 = arith.cmpi sge, %add3A_66, %ge3A : i32
        %convert_element_type3A_108 = arith.extui %ge3A_107 : i1 to i32
        %cond3A_109 = arith.constant 0 : i32
        %cond3A_110 = arith.cmpi ne, %convert_element_type3A_108, %cond3A_109 : i32
        scf.if %cond3A_110 {
          %dma_wait3A_119 = arith.constant 0 : i32
          %dma_wait3A_120 = tpu.memref_slice %arg8[%add3A_66, %dma_wait3A_119] : memref<81x128xi32, #tpu.memory_space<vmem>> -> memref<1x128xi32, #tpu.memory_space<vmem>>
          %dma_wait3A_121 = tpu.memref_squeeze %dma_wait3A_120 : memref<1x128xi32, #tpu.memory_space<vmem>> -> memref<128xi32, #tpu.memory_space<vmem>>
          %dma_wait3A_122 = arith.constant 0 : i32
          %dma_wait3A_123 = arith.constant 0 : i32
          %dma_wait3A_124 = tpu.memref_slice %arg16[%dma_wait3A_122, %dma_wait3A_123] : memref<10112x32xf32, #tpu.memory_space<vmem_shared>> -> memref<10112x32xf32, #tpu.memory_space<vmem_shared>>
          tpu.wait_indirect_dma semaphore(%arg19 : memref<!tpu.dma_semaphore, #tpu.memory_space<semaphore_mem>>) src(%arg13 : memref<128x32xf32, #tpu.memory_space<vmem>>) dst(%dma_wait3A_124 : memref<10112x32xf32, #tpu.memory_space<vmem_shared>>)
        } else {
        }
        %parallel_loop3A = arith.constant 0 : i32
        %parallel_loop3A_111 = arith.constant 128 : i32
        %parallel_loop3A_112 = arith.constant 1 : i32
        scf.for %parallel_loop3A_119 = %parallel_loop3A to %parallel_loop3A_111 step %parallel_loop3A_112  : i32 {
          %parallel_loop3A_120 = arith.index_cast %parallel_loop3A_119 : i32 to index
          %parallel_loop3A_121 = arith.constant 16 : index
          %parallel_loop3A_122 = tpu.vector_load %arg9[%parallel_loop3A_120, %parallel_loop3A_121] {strides = array<i32>} : memref<128x32xf32, #tpu.memory_space<vmem>>, vector<1x16xf32>,
          %parallel_loop3A_123 = vector.shape_cast %parallel_loop3A_122 : vector<1x16xf32> to vector<16xf32>
          %parallel_loop3A_124 = arith.index_cast %parallel_loop3A_119 : i32 to index
          %parallel_loop3A_125 = arith.constant 0 : index
          %parallel_loop3A_126 = tpu.vector_load %arg11[%parallel_loop3A_124, %parallel_loop3A_125] {strides = array<i32>} : memref<128x16xf32, #tpu.memory_space<vmem>>, vector<1x16xf32>,
          %parallel_loop3A_127 = vector.shape_cast %parallel_loop3A_126 : vector<1x16xf32> to vector<16xf32>
          %parallel_loop3A_128 = arith.addf %parallel_loop3A_123, %parallel_loop3A_127 : vector<16xf32>
          %parallel_loop3A_129 = arith.constant 2.000000e-01 : f32
          %parallel_loop3A_130 = vector.broadcast %parallel_loop3A_129 : f32 to vector<16xf32>
          %parallel_loop3A_131 = arith.mulf %parallel_loop3A_130, %parallel_loop3A_128 : vector<16xf32>
          %parallel_loop3A_132 = arith.maximumf %parallel_loop3A_128, %parallel_loop3A_131 : vector<16xf32>
          %parallel_loop3A_133 = math.exp %parallel_loop3A_132 : vector<16xf32>
          %parallel_loop3A_134 = arith.index_cast %parallel_loop3A_119 : i32 to index
          %parallel_loop3A_135 = arith.constant 16 : index
          %parallel_loop3A_136 = tpu.vector_load %arg13[%parallel_loop3A_134, %parallel_loop3A_135] {strides = array<i32>} : memref<128x32xf32, #tpu.memory_space<vmem>>, vector<1x16xf32>,
          %parallel_loop3A_137 = vector.shape_cast %parallel_loop3A_136 : vector<1x16xf32> to vector<16xf32>
          %parallel_loop3A_138 = vector.shape_cast %parallel_loop3A_133 : vector<16xf32> to vector<1x16xf32>
          tpu.vector_store %arg13[%parallel_loop3A_134, %parallel_loop3A_135], %parallel_loop3A_138 {strides = array<i32>} : memref<128x32xf32, #tpu.memory_space<vmem>>, vector<1x16xf32>,
          %parallel_loop3A_139 = arith.index_cast %parallel_loop3A_119 : i32 to index
          %parallel_loop3A_140 = arith.constant 0 : index
          %parallel_loop3A_141 = tpu.vector_load %arg9[%parallel_loop3A_139, %parallel_loop3A_140] {strides = array<i32>} : memref<128x32xf32, #tpu.memory_space<vmem>>, vector<1x16xf32>,
          %parallel_loop3A_142 = vector.shape_cast %parallel_loop3A_141 : vector<1x16xf32> to vector<16xf32>
          %parallel_loop3A_143 = arith.constant 0 : i32
          %parallel_loop3A_144 = vector.broadcast %parallel_loop3A_143 : i32 to vector<16x1xi32>
          %parallel_loop3A_145 = vector.shape_cast %parallel_loop3A_144 : vector<16x1xi32> to vector<16xi32>
          %parallel_loop3A_146 = tpu.dynamic_gather %parallel_loop3A_133[%parallel_loop3A_145] in [0] : vector<16xf32>, vector<16xi32> -> vector<16xf32>
          %parallel_loop3A_147 = arith.mulf %parallel_loop3A_142, %parallel_loop3A_146 : vector<16xf32>
          %parallel_loop3A_148 = arith.index_cast %parallel_loop3A_119 : i32 to index
          %parallel_loop3A_149 = arith.constant 0 : index
          %parallel_loop3A_150 = tpu.vector_load %arg13[%parallel_loop3A_148, %parallel_loop3A_149] {strides = array<i32>} : memref<128x32xf32, #tpu.memory_space<vmem>>, vector<1x16xf32>,
          %parallel_loop3A_151 = vector.shape_cast %parallel_loop3A_150 : vector<1x16xf32> to vector<16xf32>
          %parallel_loop3A_152 = vector.shape_cast %parallel_loop3A_147 : vector<16xf32> to vector<1x16xf32>
          tpu.vector_store %arg13[%parallel_loop3A_148, %parallel_loop3A_149], %parallel_loop3A_152 {strides = array<i32>} : memref<128x32xf32, #tpu.memory_space<vmem>>, vector<1x16xf32>,
        } {sc.loop_unroll_factor = 8 : i64, sc.parallel_access}
        %dma_start3A_113 = arith.constant 0 : i32
        %dma_start3A_114 = tpu.memref_slice %arg8[%add3A_66, %dma_start3A_113] : memref<81x128xi32, #tpu.memory_space<vmem>> -> memref<1x128xi32, #tpu.memory_space<vmem>>
        %dma_start3A_115 = tpu.memref_squeeze %dma_start3A_114 : memref<1x128xi32, #tpu.memory_space<vmem>> -> memref<128xi32, #tpu.memory_space<vmem>>
        %dma_start3A_116 = arith.constant 0 : i32
        %dma_start3A_117 = arith.constant 0 : i32
        %dma_start3A_118 = tpu.memref_slice %arg16[%dma_start3A_116, %dma_start3A_117] : memref<10112x32xf32, #tpu.memory_space<vmem_shared>> -> memref<10112x32xf32, #tpu.memory_space<vmem_shared>>
        tpu.enqueue_indirect_dma source(%arg13 : memref<128x32xf32, #tpu.memory_space<vmem>>) target(%dma_start3A_118 : memref<10112x32xf32, #tpu.memory_space<vmem_shared>>) offsets(%dma_start3A_115 : memref<128xi32, #tpu.memory_space<vmem>>) semaphore(%arg19 : memref<!tpu.dma_semaphore, #tpu.memory_space<semaphore_mem>>) {add = true}
      } else {
      }
      %mul3A_69 = arith.constant 2 : i32
      %mul3A_70 = arith.muli %mul3A_69, %scan3A_62 : i32
      %add3A_71 = arith.constant 1 : i32
      %add3A_72 = arith.addi %mul3A_70, %add3A_71 : i32
      %lt3A_73 = arith.constant 81 : i32
      %lt3A_74 = arith.cmpi slt, %add3A_72, %lt3A_73 : i32
      %convert_element_type3A_75 = arith.extui %lt3A_74 : i1 to i32
      %cond3A_76 = arith.constant 0 : i32
      %cond3A_77 = arith.cmpi ne, %convert_element_type3A_75, %cond3A_76 : i32
      scf.if %cond3A_77 {
        %dma_wait3A_78 = arith.constant 0 : i32
        %dma_wait3A_79 = arith.constant 0 : i32
        %dma_wait3A_80 = tpu.memref_slice %arg7[%add3A_72, %dma_wait3A_79] : memref<81x128xi32, #tpu.memory_space<vmem>> -> memref<1x128xi32, #tpu.memory_space<vmem>>
        %dma_wait3A_81 = tpu.memref_squeeze %dma_wait3A_80 : memref<1x128xi32, #tpu.memory_space<vmem>> -> memref<128xi32, #tpu.memory_space<vmem>>
        %dma_wait3A_82 = arith.constant 0 : i32
        %dma_wait3A_83 = arith.constant 0 : i32
        %dma_wait3A_84 = tpu.memref_slice %arg4[%dma_wait3A_78, %dma_wait3A_82, %dma_wait3A_83] : memref<1x10000x32xf32, #tpu.memory_space<hbm>> -> memref<1x10000x32xf32, #tpu.memory_space<hbm>>
        %dma_wait3A_85 = tpu.memref_squeeze %dma_wait3A_84 : memref<1x10000x32xf32, #tpu.memory_space<hbm>> -> memref<10000x32xf32, #tpu.memory_space<hbm>>
        %dma_wait3A_86 = arith.constant 0 : i32
        %dma_wait3A_87 = arith.constant 0 : i32
        %dma_wait3A_88 = tpu.memref_slice %dma_wait3A_85[%dma_wait3A_86, %dma_wait3A_87] : memref<10000x32xf32, #tpu.memory_space<hbm>> -> memref<10000x32xf32, #tpu.memory_space<hbm>>
        tpu.wait_indirect_dma semaphore(%arg18 : memref<!tpu.dma_semaphore, #tpu.memory_space<semaphore_mem>>) src(%dma_wait3A_88 : memref<10000x32xf32, #tpu.memory_space<hbm>>) dst(%arg10 : memref<128x32xf32, #tpu.memory_space<vmem>>)
        %dma_wait3A_89 = arith.constant 0 : i32
        %dma_wait3A_90 = arith.constant 0 : i32
        %dma_wait3A_91 = tpu.memref_slice %arg8[%add3A_72, %dma_wait3A_90] : memref<81x128xi32, #tpu.memory_space<vmem>> -> memref<1x128xi32, #tpu.memory_space<vmem>>
        %dma_wait3A_92 = tpu.memref_squeeze %dma_wait3A_91 : memref<1x128xi32, #tpu.memory_space<vmem>> -> memref<128xi32, #tpu.memory_space<vmem>>
        %dma_wait3A_93 = arith.constant 0 : i32
        %dma_wait3A_94 = arith.constant 0 : i32
        %dma_wait3A_95 = tpu.memref_slice %arg5[%dma_wait3A_89, %dma_wait3A_93, %dma_wait3A_94] : memref<1x10112x16xf32, #tpu.memory_space<hbm>> -> memref<1x10112x16xf32, #tpu.memory_space<hbm>>
        %dma_wait3A_96 = tpu.memref_squeeze %dma_wait3A_95 : memref<1x10112x16xf32, #tpu.memory_space<hbm>> -> memref<10112x16xf32, #tpu.memory_space<hbm>>
        %dma_wait3A_97 = arith.constant 0 : i32
        %dma_wait3A_98 = arith.constant 0 : i32
        %dma_wait3A_99 = tpu.memref_slice %dma_wait3A_96[%dma_wait3A_97, %dma_wait3A_98] : memref<10112x16xf32, #tpu.memory_space<hbm>> -> memref<10112x16xf32, #tpu.memory_space<hbm>>
        tpu.wait_indirect_dma semaphore(%arg18 : memref<!tpu.dma_semaphore, #tpu.memory_space<semaphore_mem>>) src(%dma_wait3A_99 : memref<10112x16xf32, #tpu.memory_space<hbm>>) dst(%arg12 : memref<128x16xf32, #tpu.memory_space<vmem>>)
        %add3A_100 = arith.constant 1 : i32
        %add3A_101 = arith.addi %add3A_72, %add3A_100 : i32
        %lt3A_102 = arith.constant 81 : i32
        %lt3A_103 = arith.cmpi slt, %add3A_101, %lt3A_102 : i32
        %convert_element_type3A_104 = arith.extui %lt3A_103 : i1 to i32
        %cond3A_105 = arith.constant 0 : i32
        %cond3A_106 = arith.cmpi ne, %convert_element_type3A_104, %cond3A_105 : i32
        scf.if %cond3A_106 {
          %add3A_119 = arith.constant 1 : i32
          %add3A_120 = arith.addi %add3A_72, %add3A_119 : i32
          %dma_start3A_121 = arith.constant 0 : i32
          %dma_start3A_122 = arith.constant 0 : i32
          %dma_start3A_123 = tpu.memref_slice %arg7[%add3A_120, %dma_start3A_122] : memref<81x128xi32, #tpu.memory_space<vmem>> -> memref<1x128xi32, #tpu.memory_space<vmem>>
          %dma_start3A_124 = tpu.memref_squeeze %dma_start3A_123 : memref<1x128xi32, #tpu.memory_space<vmem>> -> memref<128xi32, #tpu.memory_space<vmem>>
          %dma_start3A_125 = arith.constant 0 : i32
          %dma_start3A_126 = arith.constant 0 : i32
          %dma_start3A_127 = tpu.memref_slice %arg4[%dma_start3A_121, %dma_start3A_125, %dma_start3A_126] : memref<1x10000x32xf32, #tpu.memory_space<hbm>> -> memref<1x10000x32xf32, #tpu.memory_space<hbm>>
          %dma_start3A_128 = tpu.memref_squeeze %dma_start3A_127 : memref<1x10000x32xf32, #tpu.memory_space<hbm>> -> memref<10000x32xf32, #tpu.memory_space<hbm>>
          %dma_start3A_129 = arith.constant 0 : i32
          %dma_start3A_130 = arith.constant 0 : i32
          %dma_start3A_131 = tpu.memref_slice %dma_start3A_128[%dma_start3A_129, %dma_start3A_130] : memref<10000x32xf32, #tpu.memory_space<hbm>> -> memref<10000x32xf32, #tpu.memory_space<hbm>>
          tpu.enqueue_indirect_dma source(%dma_start3A_131 : memref<10000x32xf32, #tpu.memory_space<hbm>>) target(%arg9 : memref<128x32xf32, #tpu.memory_space<vmem>>) offsets(%dma_start3A_124 : memref<128xi32, #tpu.memory_space<vmem>>) semaphore(%arg17 : memref<!tpu.dma_semaphore, #tpu.memory_space<semaphore_mem>>)
          %dma_start3A_132 = arith.constant 0 : i32
          %dma_start3A_133 = arith.constant 0 : i32
          %dma_start3A_134 = tpu.memref_slice %arg8[%add3A_120, %dma_start3A_133] : memref<81x128xi32, #tpu.memory_space<vmem>> -> memref<1x128xi32, #tpu.memory_space<vmem>>
          %dma_start3A_135 = tpu.memref_squeeze %dma_start3A_134 : memref<1x128xi32, #tpu.memory_space<vmem>> -> memref<128xi32, #tpu.memory_space<vmem>>
          %dma_start3A_136 = arith.constant 0 : i32
          %dma_start3A_137 = arith.constant 0 : i32
          %dma_start3A_138 = tpu.memref_slice %arg5[%dma_start3A_132, %dma_start3A_136, %dma_start3A_137] : memref<1x10112x16xf32, #tpu.memory_space<hbm>> -> memref<1x10112x16xf32, #tpu.memory_space<hbm>>
          %dma_start3A_139 = tpu.memref_squeeze %dma_start3A_138 : memref<1x10112x16xf32, #tpu.memory_space<hbm>> -> memref<10112x16xf32, #tpu.memory_space<hbm>>
          %dma_start3A_140 = arith.constant 0 : i32
          %dma_start3A_141 = arith.constant 0 : i32
          %dma_start3A_142 = tpu.memref_slice %dma_start3A_139[%dma_start3A_140, %dma_start3A_141] : memref<10112x16xf32, #tpu.memory_space<hbm>> -> memref<10112x16xf32, #tpu.memory_space<hbm>>
          tpu.enqueue_indirect_dma source(%dma_start3A_142 : memref<10112x16xf32, #tpu.memory_space<hbm>>) target(%arg11 : memref<128x16xf32, #tpu.memory_space<vmem>>) offsets(%dma_start3A_135 : memref<128xi32, #tpu.memory_space<vmem>>) semaphore(%arg17 : memref<!tpu.dma_semaphore, #tpu.memory_space<semaphore_mem>>)
        } else {
        }
        %ge3A = arith.constant 2 : i32
        %ge3A_107 = arith.cmpi sge, %add3A_72, %ge3A : i32
        %convert_element_type3A_108 = arith.extui %ge3A_107 : i1 to i32
        %cond3A_109 = arith.constant 0 : i32
        %cond3A_110 = arith.cmpi ne, %convert_element_type3A_108, %cond3A_109 : i32
        scf.if %cond3A_110 {
          %dma_wait3A_119 = arith.constant 0 : i32
          %dma_wait3A_120 = tpu.memref_slice %arg8[%add3A_72, %dma_wait3A_119] : memref<81x128xi32, #tpu.memory_space<vmem>> -> memref<1x128xi32, #tpu.memory_space<vmem>>
          %dma_wait3A_121 = tpu.memref_squeeze %dma_wait3A_120 : memref<1x128xi32, #tpu.memory_space<vmem>> -> memref<128xi32, #tpu.memory_space<vmem>>
          %dma_wait3A_122 = arith.constant 0 : i32
          %dma_wait3A_123 = arith.constant 0 : i32
          %dma_wait3A_124 = tpu.memref_slice %arg16[%dma_wait3A_122, %dma_wait3A_123] : memref<10112x32xf32, #tpu.memory_space<vmem_shared>> -> memref<10112x32xf32, #tpu.memory_space<vmem_shared>>
          tpu.wait_indirect_dma semaphore(%arg20 : memref<!tpu.dma_semaphore, #tpu.memory_space<semaphore_mem>>) src(%arg14 : memref<128x32xf32, #tpu.memory_space<vmem>>) dst(%dma_wait3A_124 : memref<10112x32xf32, #tpu.memory_space<vmem_shared>>)
        } else {
        }
        %parallel_loop3A = arith.constant 0 : i32
        %parallel_loop3A_111 = arith.constant 128 : i32
        %parallel_loop3A_112 = arith.constant 1 : i32
        scf.for %parallel_loop3A_119 = %parallel_loop3A to %parallel_loop3A_111 step %parallel_loop3A_112  : i32 {
          %parallel_loop3A_120 = arith.index_cast %parallel_loop3A_119 : i32 to index
          %parallel_loop3A_121 = arith.constant 16 : index
          %parallel_loop3A_122 = tpu.vector_load %arg10[%parallel_loop3A_120, %parallel_loop3A_121] {strides = array<i32>} : memref<128x32xf32, #tpu.memory_space<vmem>>, vector<1x16xf32>,
          %parallel_loop3A_123 = vector.shape_cast %parallel_loop3A_122 : vector<1x16xf32> to vector<16xf32>
          %parallel_loop3A_124 = arith.index_cast %parallel_loop3A_119 : i32 to index
          %parallel_loop3A_125 = arith.constant 0 : index
          %parallel_loop3A_126 = tpu.vector_load %arg12[%parallel_loop3A_124, %parallel_loop3A_125] {strides = array<i32>} : memref<128x16xf32, #tpu.memory_space<vmem>>, vector<1x16xf32>,
          %parallel_loop3A_127 = vector.shape_cast %parallel_loop3A_126 : vector<1x16xf32> to vector<16xf32>
          %parallel_loop3A_128 = arith.addf %parallel_loop3A_123, %parallel_loop3A_127 : vector<16xf32>
          %parallel_loop3A_129 = arith.constant 2.000000e-01 : f32
          %parallel_loop3A_130 = vector.broadcast %parallel_loop3A_129 : f32 to vector<16xf32>
          %parallel_loop3A_131 = arith.mulf %parallel_loop3A_130, %parallel_loop3A_128 : vector<16xf32>
          %parallel_loop3A_132 = arith.maximumf %parallel_loop3A_128, %parallel_loop3A_131 : vector<16xf32>
          %parallel_loop3A_133 = math.exp %parallel_loop3A_132 : vector<16xf32>
          %parallel_loop3A_134 = arith.index_cast %parallel_loop3A_119 : i32 to index
          %parallel_loop3A_135 = arith.constant 16 : index
          %parallel_loop3A_136 = tpu.vector_load %arg14[%parallel_loop3A_134, %parallel_loop3A_135] {strides = array<i32>} : memref<128x32xf32, #tpu.memory_space<vmem>>, vector<1x16xf32>,
          %parallel_loop3A_137 = vector.shape_cast %parallel_loop3A_136 : vector<1x16xf32> to vector<16xf32>
          %parallel_loop3A_138 = vector.shape_cast %parallel_loop3A_133 : vector<16xf32> to vector<1x16xf32>
          tpu.vector_store %arg14[%parallel_loop3A_134, %parallel_loop3A_135], %parallel_loop3A_138 {strides = array<i32>} : memref<128x32xf32, #tpu.memory_space<vmem>>, vector<1x16xf32>,
          %parallel_loop3A_139 = arith.index_cast %parallel_loop3A_119 : i32 to index
          %parallel_loop3A_140 = arith.constant 0 : index
          %parallel_loop3A_141 = tpu.vector_load %arg10[%parallel_loop3A_139, %parallel_loop3A_140] {strides = array<i32>} : memref<128x32xf32, #tpu.memory_space<vmem>>, vector<1x16xf32>,
          %parallel_loop3A_142 = vector.shape_cast %parallel_loop3A_141 : vector<1x16xf32> to vector<16xf32>
          %parallel_loop3A_143 = arith.constant 0 : i32
          %parallel_loop3A_144 = vector.broadcast %parallel_loop3A_143 : i32 to vector<16x1xi32>
          %parallel_loop3A_145 = vector.shape_cast %parallel_loop3A_144 : vector<16x1xi32> to vector<16xi32>
          %parallel_loop3A_146 = tpu.dynamic_gather %parallel_loop3A_133[%parallel_loop3A_145] in [0] : vector<16xf32>, vector<16xi32> -> vector<16xf32>
          %parallel_loop3A_147 = arith.mulf %parallel_loop3A_142, %parallel_loop3A_146 : vector<16xf32>
          %parallel_loop3A_148 = arith.index_cast %parallel_loop3A_119 : i32 to index
          %parallel_loop3A_149 = arith.constant 0 : index
          %parallel_loop3A_150 = tpu.vector_load %arg14[%parallel_loop3A_148, %parallel_loop3A_149] {strides = array<i32>} : memref<128x32xf32, #tpu.memory_space<vmem>>, vector<1x16xf32>,
          %parallel_loop3A_151 = vector.shape_cast %parallel_loop3A_150 : vector<1x16xf32> to vector<16xf32>
          %parallel_loop3A_152 = vector.shape_cast %parallel_loop3A_147 : vector<16xf32> to vector<1x16xf32>
          tpu.vector_store %arg14[%parallel_loop3A_148, %parallel_loop3A_149], %parallel_loop3A_152 {strides = array<i32>} : memref<128x32xf32, #tpu.memory_space<vmem>>, vector<1x16xf32>,
        } {sc.loop_unroll_factor = 8 : i64, sc.parallel_access}
        %dma_start3A_113 = arith.constant 0 : i32
        %dma_start3A_114 = tpu.memref_slice %arg8[%add3A_72, %dma_start3A_113] : memref<81x128xi32, #tpu.memory_space<vmem>> -> memref<1x128xi32, #tpu.memory_space<vmem>>
        %dma_start3A_115 = tpu.memref_squeeze %dma_start3A_114 : memref<1x128xi32, #tpu.memory_space<vmem>> -> memref<128xi32, #tpu.memory_space<vmem>>
        %dma_start3A_116 = arith.constant 0 : i32
        %dma_start3A_117 = arith.constant 0 : i32
        %dma_start3A_118 = tpu.memref_slice %arg16[%dma_start3A_116, %dma_start3A_117] : memref<10112x32xf32, #tpu.memory_space<vmem_shared>> -> memref<10112x32xf32, #tpu.memory_space<vmem_shared>>
        tpu.enqueue_indirect_dma source(%arg14 : memref<128x32xf32, #tpu.memory_space<vmem>>) target(%dma_start3A_118 : memref<10112x32xf32, #tpu.memory_space<vmem_shared>>) offsets(%dma_start3A_115 : memref<128xi32, #tpu.memory_space<vmem>>) semaphore(%arg20 : memref<!tpu.dma_semaphore, #tpu.memory_space<semaphore_mem>>) {add = true}
      } else {
      }
    }
    %scan3A_47 = arith.constant 41 : i32
    %dma_wait3A = arith.constant 0 : i32
    %dma_wait3A_48 = arith.constant 0 : i32
    %dma_wait3A_49 = tpu.memref_slice %arg8[%dma_wait3A, %dma_wait3A_48] : memref<81x128xi32, #tpu.memory_space<vmem>> -> memref<1x128xi32, #tpu.memory_space<vmem>>
    %dma_wait3A_50 = tpu.memref_squeeze %dma_wait3A_49 : memref<1x128xi32, #tpu.memory_space<vmem>> -> memref<128xi32, #tpu.memory_space<vmem>>
    %dma_wait3A_51 = arith.constant 0 : i32
    %dma_wait3A_52 = arith.constant 0 : i32
    %dma_wait3A_53 = tpu.memref_slice %arg16[%dma_wait3A_51, %dma_wait3A_52] : memref<10112x32xf32, #tpu.memory_space<vmem_shared>> -> memref<10112x32xf32, #tpu.memory_space<vmem_shared>>
    tpu.wait_indirect_dma semaphore(%arg19 : memref<!tpu.dma_semaphore, #tpu.memory_space<semaphore_mem>>) src(%arg13 : memref<128x32xf32, #tpu.memory_space<vmem>>) dst(%dma_wait3A_53 : memref<10112x32xf32, #tpu.memory_space<vmem_shared>>)
    %dma_wait3A_54 = arith.constant 1 : i32
    %dma_wait3A_55 = arith.constant 0 : i32
    %dma_wait3A_56 = tpu.memref_slice %arg8[%dma_wait3A_54, %dma_wait3A_55] : memref<81x128xi32, #tpu.memory_space<vmem>> -> memref<1x128xi32, #tpu.memory_space<vmem>>
    %dma_wait3A_57 = tpu.memref_squeeze %dma_wait3A_56 : memref<1x128xi32, #tpu.memory_space<vmem>> -> memref<128xi32, #tpu.memory_space<vmem>>
    %dma_wait3A_58 = arith.constant 0 : i32
    %dma_wait3A_59 = arith.constant 0 : i32
    %dma_wait3A_60 = tpu.memref_slice %arg16[%dma_wait3A_58, %dma_wait3A_59] : memref<10112x32xf32, #tpu.memory_space<vmem_shared>> -> memref<10112x32xf32, #tpu.memory_space<vmem_shared>>
    tpu.wait_indirect_dma semaphore(%arg20 : memref<!tpu.dma_semaphore, #tpu.memory_space<semaphore_mem>>) src(%arg14 : memref<128x32xf32, #tpu.memory_space<vmem>>) dst(%dma_wait3A_60 : memref<10112x32xf32, #tpu.memory_space<vmem_shared>>)
    %barrier3A_61 = arith.constant 0 : index
    tpu.barrier barrier_id(%barrier3A_61)
    %run_scoped3A = arith.constant 0 : i32
    "tpu.region"() ({
      %run_scoped3A_62 = tpu.sem_alloc : memref<!tpu.dma_semaphore, #tpu.memory_space<semaphore_mem>>
      %dma_start3A_63 = arith.constant 0 : i32
      %dma_start3A_64 = arith.constant 0 : i32
      %dma_start3A_65 = arith.constant 0 : i32
      %dma_start3A_66 = tpu.memref_slice %arg6[%run_scoped3A, %dma_start3A_63, %dma_start3A_64, %dma_start3A_65] : memref<1x2x10112x32xf32, #tpu.memory_space<hbm>> -> memref<1x2x10112x32xf32, #tpu.memory_space<hbm>>
      %dma_start3A_67 = tpu.memref_squeeze %dma_start3A_66 : memref<1x2x10112x32xf32, #tpu.memory_space<hbm>> -> memref<2x10112x32xf32, #tpu.memory_space<hbm>>
      %dma_start3A_68 = arith.constant 0 : i32
      %dma_start3A_69 = arith.constant 0 : i32
      %dma_start3A_70 = tpu.memref_slice %dma_start3A_67[%arg0, %dma_start3A_68, %dma_start3A_69] : memref<2x10112x32xf32, #tpu.memory_space<hbm>> -> memref<1x10112x32xf32, #tpu.memory_space<hbm>>
      %dma_start3A_71 = tpu.memref_squeeze %dma_start3A_70 : memref<1x10112x32xf32, #tpu.memory_space<hbm>> -> memref<10112x32xf32, #tpu.memory_space<hbm>>
      %dma_start3A_72 = arith.constant 0 : i32
      %dma_start3A_73 = tpu.memref_slice %dma_start3A_71[%mul3A_3, %dma_start3A_72] : memref<10112x32xf32, #tpu.memory_space<hbm>> -> memref<632x32xf32, #tpu.memory_space<hbm>>
      %dma_start3A_74 = arith.constant 0 : i32
      %dma_start3A_75 = tpu.memref_slice %arg16[%mul3A_3, %dma_start3A_74] : memref<10112x32xf32, #tpu.memory_space<vmem_shared>> -> memref<632x32xf32, #tpu.memory_space<vmem_shared>>
      tpu.enqueue_dma source(%dma_start3A_75 : memref<632x32xf32, #tpu.memory_space<vmem_shared>>) target(%dma_start3A_73 : memref<632x32xf32, #tpu.memory_space<hbm>>) target_semaphore(%run_scoped3A_62 : memref<!tpu.dma_semaphore, #tpu.memory_space<semaphore_mem>>)
      %dma_wait3A_76 = arith.constant 0 : i32
      %dma_wait3A_77 = arith.constant 0 : i32
      %dma_wait3A_78 = arith.constant 0 : i32
      %dma_wait3A_79 = tpu.memref_slice %arg6[%run_scoped3A, %dma_wait3A_76, %dma_wait3A_77, %dma_wait3A_78] : memref<1x2x10112x32xf32, #tpu.memory_space<hbm>> -> memref<1x2x10112x32xf32, #tpu.memory_space<hbm>>
      %dma_wait3A_80 = tpu.memref_squeeze %dma_wait3A_79 : memref<1x2x10112x32xf32, #tpu.memory_space<hbm>> -> memref<2x10112x32xf32, #tpu.memory_space<hbm>>
      %dma_wait3A_81 = arith.constant 0 : i32
      %dma_wait3A_82 = arith.constant 0 : i32
      %dma_wait3A_83 = tpu.memref_slice %dma_wait3A_80[%arg0, %dma_wait3A_81, %dma_wait3A_82] : memref<2x10112x32xf32, #tpu.memory_space<hbm>> -> memref<1x10112x32xf32, #tpu.memory_space<hbm>>
      %dma_wait3A_84 = tpu.memref_squeeze %dma_wait3A_83 : memref<1x10112x32xf32, #tpu.memory_space<hbm>> -> memref<10112x32xf32, #tpu.memory_space<hbm>>
      %dma_wait3A_85 = arith.constant 0 : i32
      %dma_wait3A_86 = tpu.memref_slice %dma_wait3A_84[%mul3A_3, %dma_wait3A_85] : memref<10112x32xf32, #tpu.memory_space<hbm>> -> memref<632x32xf32, #tpu.memory_space<hbm>>
      %dma_wait3A_87 = arith.constant 0 : i32
      %dma_wait3A_88 = tpu.memref_slice %arg16[%mul3A_3, %dma_wait3A_87] : memref<10112x32xf32, #tpu.memory_space<vmem_shared>> -> memref<632x32xf32, #tpu.memory_space<vmem_shared>>
      tpu.wait_dma2 semaphore(%run_scoped3A_62 : memref<!tpu.dma_semaphore, #tpu.memory_space<semaphore_mem>>) src(%dma_wait3A_88 : memref<632x32xf32, #tpu.memory_space<vmem_shared>>) dst(%dma_wait3A_86 : memref<632x32xf32, #tpu.memory_space<hbm>>)
      tpu.yield
    }) : () -> ()
    return
  }
}

#map = affine_map<(d0, d1) -> (0, 0, 0)>
#map1 = affine_map<(d0, d1) -> (0, 0, 0, 0)>
module attributes {stable_mosaic.version = 14 : i64} {
  func.func @edge_kernel(%arg0: i32, %arg1: i32, %arg2: memref<32x81x128xi32, #tpu.memory_space<hbm>>, %arg3: memref<32x81x128xi32, #tpu.memory_space<hbm>>, %arg4: memref<2x10000x80xf32, #tpu.memory_space<hbm>>, %arg5: memref<2x10112x16xf32, #tpu.memory_space<hbm>>, %arg6: memref<2x2x10112x80xf32, #tpu.memory_space<hbm>>, %arg7: memref<81x128xi32, #tpu.memory_space<vmem>>, %arg8: memref<81x128xi32, #tpu.memory_space<vmem>>, %arg9: memref<128x80xf32, #tpu.memory_space<vmem>>, %arg10: memref<128x80xf32, #tpu.memory_space<vmem>>, %arg11: memref<128x16xf32, #tpu.memory_space<vmem>>, %arg12: memref<128x16xf32, #tpu.memory_space<vmem>>, %arg13: memref<128x80xf32, #tpu.memory_space<vmem>>, %arg14: memref<128x80xf32, #tpu.memory_space<vmem>>, %arg15: memref<128x80xf32, #tpu.memory_space<vmem>>, %arg16: memref<10112x80xf32, #tpu.memory_space<vmem_shared>>, %arg17: memref<!tpu.dma_semaphore, #tpu.memory_space<semaphore_mem>>, %arg18: memref<!tpu.dma_semaphore, #tpu.memory_space<semaphore_mem>>, %arg19: memref<!tpu.dma_semaphore, #tpu.memory_space<semaphore_mem>>, %arg20: memref<!tpu.dma_semaphore, #tpu.memory_space<semaphore_mem>>) attributes {dimension_semantics = [#tpu.dimension_semantics<core_parallel>, #tpu.dimension_semantics<subcore_parallel>], iteration_bounds = array<i64: 2, 16>, scalar_prefetch = 0 : i64, scratch_operands = 14 : i64, tpu.core_type = #tpu.core_type<sc_vector_subcore>, window_params = [{transform_indices = #map}, {transform_indices = #map}, {transform_indices = #map}, {transform_indices = #map}, {transform_indices = #map1}]} {
    %mul3A = arith.constant 2 : i32
    %mul3A_0 = arith.muli %arg1, %mul3A : i32
    %add3A = arith.addi %mul3A_0, %arg0 : i32
    "tpu.region"() ({
      %run_scoped3A_119 = tpu.sem_alloc : memref<!tpu.dma_semaphore, #tpu.memory_space<semaphore_mem>>
      %dma_start3A_120 = arith.constant 0 : i32
      %dma_start3A_121 = arith.constant 0 : i32
      %dma_start3A_122 = tpu.memref_slice %arg2[%add3A, %dma_start3A_120, %dma_start3A_121] : memref<32x81x128xi32, #tpu.memory_space<hbm>> -> memref<1x81x128xi32, #tpu.memory_space<hbm>>
      %dma_start3A_123 = tpu.memref_squeeze %dma_start3A_122 : memref<1x81x128xi32, #tpu.memory_space<hbm>> -> memref<81x128xi32, #tpu.memory_space<hbm>>
      %dma_start3A_124 = arith.constant 0 : i32
      %dma_start3A_125 = arith.constant 0 : i32
      %dma_start3A_126 = tpu.memref_slice %arg2[%add3A, %dma_start3A_124, %dma_start3A_125] : memref<32x81x128xi32, #tpu.memory_space<hbm>> -> memref<1x81x128xi32, #tpu.memory_space<hbm>>
      %dma_start3A_127 = tpu.memref_squeeze %dma_start3A_126 : memref<1x81x128xi32, #tpu.memory_space<hbm>> -> memref<81x128xi32, #tpu.memory_space<hbm>>
      tpu.enqueue_dma source(%dma_start3A_127 : memref<81x128xi32, #tpu.memory_space<hbm>>) target(%arg7 : memref<81x128xi32, #tpu.memory_space<vmem>>) target_semaphore(%run_scoped3A_119 : memref<!tpu.dma_semaphore, #tpu.memory_space<semaphore_mem>>)
      %dma_wait3A_128 = arith.constant 0 : i32
      %dma_wait3A_129 = arith.constant 0 : i32
      %dma_wait3A_130 = tpu.memref_slice %arg2[%add3A, %dma_wait3A_128, %dma_wait3A_129] : memref<32x81x128xi32, #tpu.memory_space<hbm>> -> memref<1x81x128xi32, #tpu.memory_space<hbm>>
      %dma_wait3A_131 = tpu.memref_squeeze %dma_wait3A_130 : memref<1x81x128xi32, #tpu.memory_space<hbm>> -> memref<81x128xi32, #tpu.memory_space<hbm>>
      %dma_wait3A_132 = arith.constant 0 : i32
      %dma_wait3A_133 = arith.constant 0 : i32
      %dma_wait3A_134 = tpu.memref_slice %arg2[%add3A, %dma_wait3A_132, %dma_wait3A_133] : memref<32x81x128xi32, #tpu.memory_space<hbm>> -> memref<1x81x128xi32, #tpu.memory_space<hbm>>
      %dma_wait3A_135 = tpu.memref_squeeze %dma_wait3A_134 : memref<1x81x128xi32, #tpu.memory_space<hbm>> -> memref<81x128xi32, #tpu.memory_space<hbm>>
      tpu.wait_dma2 semaphore(%run_scoped3A_119 : memref<!tpu.dma_semaphore, #tpu.memory_space<semaphore_mem>>) src(%dma_wait3A_135 : memref<81x128xi32, #tpu.memory_space<hbm>>) dst(%arg7 : memref<81x128xi32, #tpu.memory_space<vmem>>)
      tpu.yield
    }) : () -> ()
    "tpu.region"() ({
      %run_scoped3A_119 = tpu.sem_alloc : memref<!tpu.dma_semaphore, #tpu.memory_space<semaphore_mem>>
      %dma_start3A_120 = arith.constant 0 : i32
      %dma_start3A_121 = arith.constant 0 : i32
      %dma_start3A_122 = tpu.memref_slice %arg3[%add3A, %dma_start3A_120, %dma_start3A_121] : memref<32x81x128xi32, #tpu.memory_space<hbm>> -> memref<1x81x128xi32, #tpu.memory_space<hbm>>
      %dma_start3A_123 = tpu.memref_squeeze %dma_start3A_122 : memref<1x81x128xi32, #tpu.memory_space<hbm>> -> memref<81x128xi32, #tpu.memory_space<hbm>>
      %dma_start3A_124 = arith.constant 0 : i32
      %dma_start3A_125 = arith.constant 0 : i32
      %dma_start3A_126 = tpu.memref_slice %arg3[%add3A, %dma_start3A_124, %dma_start3A_125] : memref<32x81x128xi32, #tpu.memory_space<hbm>> -> memref<1x81x128xi32, #tpu.memory_space<hbm>>
      %dma_start3A_127 = tpu.memref_squeeze %dma_start3A_126 : memref<1x81x128xi32, #tpu.memory_space<hbm>> -> memref<81x128xi32, #tpu.memory_space<hbm>>
      tpu.enqueue_dma source(%dma_start3A_127 : memref<81x128xi32, #tpu.memory_space<hbm>>) target(%arg8 : memref<81x128xi32, #tpu.memory_space<vmem>>) target_semaphore(%run_scoped3A_119 : memref<!tpu.dma_semaphore, #tpu.memory_space<semaphore_mem>>)
      %dma_wait3A_128 = arith.constant 0 : i32
      %dma_wait3A_129 = arith.constant 0 : i32
      %dma_wait3A_130 = tpu.memref_slice %arg3[%add3A, %dma_wait3A_128, %dma_wait3A_129] : memref<32x81x128xi32, #tpu.memory_space<hbm>> -> memref<1x81x128xi32, #tpu.memory_space<hbm>>
      %dma_wait3A_131 = tpu.memref_squeeze %dma_wait3A_130 : memref<1x81x128xi32, #tpu.memory_space<hbm>> -> memref<81x128xi32, #tpu.memory_space<hbm>>
      %dma_wait3A_132 = arith.constant 0 : i32
      %dma_wait3A_133 = arith.constant 0 : i32
      %dma_wait3A_134 = tpu.memref_slice %arg3[%add3A, %dma_wait3A_132, %dma_wait3A_133] : memref<32x81x128xi32, #tpu.memory_space<hbm>> -> memref<1x81x128xi32, #tpu.memory_space<hbm>>
      %dma_wait3A_135 = tpu.memref_squeeze %dma_wait3A_134 : memref<1x81x128xi32, #tpu.memory_space<hbm>> -> memref<81x128xi32, #tpu.memory_space<hbm>>
      tpu.wait_dma2 semaphore(%run_scoped3A_119 : memref<!tpu.dma_semaphore, #tpu.memory_space<semaphore_mem>>) src(%dma_wait3A_135 : memref<81x128xi32, #tpu.memory_space<hbm>>) dst(%arg8 : memref<81x128xi32, #tpu.memory_space<vmem>>)
      tpu.yield
    }) : () -> ()
    %broadcast_in_dim3A = arith.constant 0.000000e+00 : f32
    %broadcast_in_dim3A_1 = vector.broadcast %broadcast_in_dim3A : f32 to vector<16xf32>
    %mul3A_2 = arith.constant 632 : i32
    %mul3A_3 = arith.muli %arg1, %mul3A_2 : i32
    %scan3A = arith.constant 0 : i32
    %scan3A_4 = arith.constant 0 : i32
    %scan3A_5 = arith.constant 128 : i32
    %scan3A_6 = arith.addi %scan3A_4, %scan3A_5 : i32
    %scan3A_7 = arith.constant 1 : i32
    scf.for %scan3A_119 = %scan3A_4 to %scan3A_6 step %scan3A_7  : i32 {
      %swap3A = arith.index_cast %scan3A_119 : i32 to index
      %swap3A_120 = arith.constant 0 : index
      %swap3A_121 = tpu.vector_load %arg15[%swap3A, %swap3A_120] {strides = array<i32>} : memref<128x80xf32, #tpu.memory_space<vmem>>, vector<1x16xf32>,
      %swap3A_122 = vector.shape_cast %swap3A_121 : vector<1x16xf32> to vector<16xf32>
      %swap3A_123 = vector.shape_cast %broadcast_in_dim3A_1 : vector<16xf32> to vector<1x16xf32>
      tpu.vector_store %arg15[%swap3A, %swap3A_120], %swap3A_123 {strides = array<i32>} : memref<128x80xf32, #tpu.memory_space<vmem>>, vector<1x16xf32>,
      %swap3A_124 = arith.index_cast %scan3A_119 : i32 to index
      %swap3A_125 = arith.constant 16 : index
      %swap3A_126 = tpu.vector_load %arg15[%swap3A_124, %swap3A_125] {strides = array<i32>} : memref<128x80xf32, #tpu.memory_space<vmem>>, vector<1x16xf32>,
      %swap3A_127 = vector.shape_cast %swap3A_126 : vector<1x16xf32> to vector<16xf32>
      %swap3A_128 = vector.shape_cast %broadcast_in_dim3A_1 : vector<16xf32> to vector<1x16xf32>
      tpu.vector_store %arg15[%swap3A_124, %swap3A_125], %swap3A_128 {strides = array<i32>} : memref<128x80xf32, #tpu.memory_space<vmem>>, vector<1x16xf32>,
      %swap3A_129 = arith.index_cast %scan3A_119 : i32 to index
      %swap3A_130 = arith.constant 32 : index
      %swap3A_131 = tpu.vector_load %arg15[%swap3A_129, %swap3A_130] {strides = array<i32>} : memref<128x80xf32, #tpu.memory_space<vmem>>, vector<1x16xf32>,
      %swap3A_132 = vector.shape_cast %swap3A_131 : vector<1x16xf32> to vector<16xf32>
      %swap3A_133 = vector.shape_cast %broadcast_in_dim3A_1 : vector<16xf32> to vector<1x16xf32>
      tpu.vector_store %arg15[%swap3A_129, %swap3A_130], %swap3A_133 {strides = array<i32>} : memref<128x80xf32, #tpu.memory_space<vmem>>, vector<1x16xf32>,
      %swap3A_134 = arith.index_cast %scan3A_119 : i32 to index
      %swap3A_135 = arith.constant 48 : index
      %swap3A_136 = tpu.vector_load %arg15[%swap3A_134, %swap3A_135] {strides = array<i32>} : memref<128x80xf32, #tpu.memory_space<vmem>>, vector<1x16xf32>,
      %swap3A_137 = vector.shape_cast %swap3A_136 : vector<1x16xf32> to vector<16xf32>
      %swap3A_138 = vector.shape_cast %broadcast_in_dim3A_1 : vector<16xf32> to vector<1x16xf32>
      tpu.vector_store %arg15[%swap3A_134, %swap3A_135], %swap3A_138 {strides = array<i32>} : memref<128x80xf32, #tpu.memory_space<vmem>>, vector<1x16xf32>,
      %swap3A_139 = arith.index_cast %scan3A_119 : i32 to index
      %swap3A_140 = arith.constant 64 : index
      %swap3A_141 = tpu.vector_load %arg15[%swap3A_139, %swap3A_140] {strides = array<i32>} : memref<128x80xf32, #tpu.memory_space<vmem>>, vector<1x16xf32>,
      %swap3A_142 = vector.shape_cast %swap3A_141 : vector<1x16xf32> to vector<16xf32>
      %swap3A_143 = vector.shape_cast %broadcast_in_dim3A_1 : vector<16xf32> to vector<1x16xf32>
      tpu.vector_store %arg15[%swap3A_139, %swap3A_140], %swap3A_143 {strides = array<i32>} : memref<128x80xf32, #tpu.memory_space<vmem>>, vector<1x16xf32>,
    }
    %scan3A_8 = arith.constant 128 : i32
    %add3A_9 = arith.constant 0 : i32
    %add3A_10 = arith.addi %mul3A_3, %add3A_9 : i32
    "tpu.region"() ({
      %run_scoped3A_119 = tpu.sem_alloc : memref<!tpu.dma_semaphore, #tpu.memory_space<semaphore_mem>>
      %dma_start3A_120 = arith.constant 0 : i32
      %dma_start3A_121 = tpu.memref_slice %arg16[%add3A_10, %dma_start3A_120] : memref<10112x80xf32, #tpu.memory_space<vmem_shared>> -> memref<128x80xf32, #tpu.memory_space<vmem_shared>>
      %dma_start3A_122 = arith.constant 0 : i32
      %dma_start3A_123 = tpu.memref_slice %arg16[%add3A_10, %dma_start3A_122] : memref<10112x80xf32, #tpu.memory_space<vmem_shared>> -> memref<128x80xf32, #tpu.memory_space<vmem_shared>>
      tpu.enqueue_dma source(%arg15 : memref<128x80xf32, #tpu.memory_space<vmem>>) target(%dma_start3A_123 : memref<128x80xf32, #tpu.memory_space<vmem_shared>>) target_semaphore(%run_scoped3A_119 : memref<!tpu.dma_semaphore, #tpu.memory_space<semaphore_mem>>)
      %dma_wait3A_124 = arith.constant 0 : i32
      %dma_wait3A_125 = tpu.memref_slice %arg16[%add3A_10, %dma_wait3A_124] : memref<10112x80xf32, #tpu.memory_space<vmem_shared>> -> memref<128x80xf32, #tpu.memory_space<vmem_shared>>
      %dma_wait3A_126 = arith.constant 0 : i32
      %dma_wait3A_127 = tpu.memref_slice %arg16[%add3A_10, %dma_wait3A_126] : memref<10112x80xf32, #tpu.memory_space<vmem_shared>> -> memref<128x80xf32, #tpu.memory_space<vmem_shared>>
      tpu.wait_dma2 semaphore(%run_scoped3A_119 : memref<!tpu.dma_semaphore, #tpu.memory_space<semaphore_mem>>) src(%arg15 : memref<128x80xf32, #tpu.memory_space<vmem>>) dst(%dma_wait3A_127 : memref<128x80xf32, #tpu.memory_space<vmem_shared>>)
      tpu.yield
    }) : () -> ()
    %add3A_11 = arith.constant 128 : i32
    %add3A_12 = arith.addi %mul3A_3, %add3A_11 : i32
    "tpu.region"() ({
      %run_scoped3A_119 = tpu.sem_alloc : memref<!tpu.dma_semaphore, #tpu.memory_space<semaphore_mem>>
      %dma_start3A_120 = arith.constant 0 : i32
      %dma_start3A_121 = tpu.memref_slice %arg16[%add3A_12, %dma_start3A_120] : memref<10112x80xf32, #tpu.memory_space<vmem_shared>> -> memref<128x80xf32, #tpu.memory_space<vmem_shared>>
      %dma_start3A_122 = arith.constant 0 : i32
      %dma_start3A_123 = tpu.memref_slice %arg16[%add3A_12, %dma_start3A_122] : memref<10112x80xf32, #tpu.memory_space<vmem_shared>> -> memref<128x80xf32, #tpu.memory_space<vmem_shared>>
      tpu.enqueue_dma source(%arg15 : memref<128x80xf32, #tpu.memory_space<vmem>>) target(%dma_start3A_123 : memref<128x80xf32, #tpu.memory_space<vmem_shared>>) target_semaphore(%run_scoped3A_119 : memref<!tpu.dma_semaphore, #tpu.memory_space<semaphore_mem>>)
      %dma_wait3A_124 = arith.constant 0 : i32
      %dma_wait3A_125 = tpu.memref_slice %arg16[%add3A_12, %dma_wait3A_124] : memref<10112x80xf32, #tpu.memory_space<vmem_shared>> -> memref<128x80xf32, #tpu.memory_space<vmem_shared>>
      %dma_wait3A_126 = arith.constant 0 : i32
      %dma_wait3A_127 = tpu.memref_slice %arg16[%add3A_12, %dma_wait3A_126] : memref<10112x80xf32, #tpu.memory_space<vmem_shared>> -> memref<128x80xf32, #tpu.memory_space<vmem_shared>>
      tpu.wait_dma2 semaphore(%run_scoped3A_119 : memref<!tpu.dma_semaphore, #tpu.memory_space<semaphore_mem>>) src(%arg15 : memref<128x80xf32, #tpu.memory_space<vmem>>) dst(%dma_wait3A_127 : memref<128x80xf32, #tpu.memory_space<vmem_shared>>)
      tpu.yield
    }) : () -> ()
    %add3A_13 = arith.constant 256 : i32
    %add3A_14 = arith.addi %mul3A_3, %add3A_13 : i32
    "tpu.region"() ({
      %run_scoped3A_119 = tpu.sem_alloc : memref<!tpu.dma_semaphore, #tpu.memory_space<semaphore_mem>>
      %dma_start3A_120 = arith.constant 0 : i32
      %dma_start3A_121 = tpu.memref_slice %arg16[%add3A_14, %dma_start3A_120] : memref<10112x80xf32, #tpu.memory_space<vmem_shared>> -> memref<128x80xf32, #tpu.memory_space<vmem_shared>>
      %dma_start3A_122 = arith.constant 0 : i32
      %dma_start3A_123 = tpu.memref_slice %arg16[%add3A_14, %dma_start3A_122] : memref<10112x80xf32, #tpu.memory_space<vmem_shared>> -> memref<128x80xf32, #tpu.memory_space<vmem_shared>>
      tpu.enqueue_dma source(%arg15 : memref<128x80xf32, #tpu.memory_space<vmem>>) target(%dma_start3A_123 : memref<128x80xf32, #tpu.memory_space<vmem_shared>>) target_semaphore(%run_scoped3A_119 : memref<!tpu.dma_semaphore, #tpu.memory_space<semaphore_mem>>)
      %dma_wait3A_124 = arith.constant 0 : i32
      %dma_wait3A_125 = tpu.memref_slice %arg16[%add3A_14, %dma_wait3A_124] : memref<10112x80xf32, #tpu.memory_space<vmem_shared>> -> memref<128x80xf32, #tpu.memory_space<vmem_shared>>
      %dma_wait3A_126 = arith.constant 0 : i32
      %dma_wait3A_127 = tpu.memref_slice %arg16[%add3A_14, %dma_wait3A_126] : memref<10112x80xf32, #tpu.memory_space<vmem_shared>> -> memref<128x80xf32, #tpu.memory_space<vmem_shared>>
      tpu.wait_dma2 semaphore(%run_scoped3A_119 : memref<!tpu.dma_semaphore, #tpu.memory_space<semaphore_mem>>) src(%arg15 : memref<128x80xf32, #tpu.memory_space<vmem>>) dst(%dma_wait3A_127 : memref<128x80xf32, #tpu.memory_space<vmem_shared>>)
      tpu.yield
    }) : () -> ()
    %add3A_15 = arith.constant 384 : i32
    %add3A_16 = arith.addi %mul3A_3, %add3A_15 : i32
    "tpu.region"() ({
      %run_scoped3A_119 = tpu.sem_alloc : memref<!tpu.dma_semaphore, #tpu.memory_space<semaphore_mem>>
      %dma_start3A_120 = arith.constant 0 : i32
      %dma_start3A_121 = tpu.memref_slice %arg16[%add3A_16, %dma_start3A_120] : memref<10112x80xf32, #tpu.memory_space<vmem_shared>> -> memref<128x80xf32, #tpu.memory_space<vmem_shared>>
      %dma_start3A_122 = arith.constant 0 : i32
      %dma_start3A_123 = tpu.memref_slice %arg16[%add3A_16, %dma_start3A_122] : memref<10112x80xf32, #tpu.memory_space<vmem_shared>> -> memref<128x80xf32, #tpu.memory_space<vmem_shared>>
      tpu.enqueue_dma source(%arg15 : memref<128x80xf32, #tpu.memory_space<vmem>>) target(%dma_start3A_123 : memref<128x80xf32, #tpu.memory_space<vmem_shared>>) target_semaphore(%run_scoped3A_119 : memref<!tpu.dma_semaphore, #tpu.memory_space<semaphore_mem>>)
      %dma_wait3A_124 = arith.constant 0 : i32
      %dma_wait3A_125 = tpu.memref_slice %arg16[%add3A_16, %dma_wait3A_124] : memref<10112x80xf32, #tpu.memory_space<vmem_shared>> -> memref<128x80xf32, #tpu.memory_space<vmem_shared>>
      %dma_wait3A_126 = arith.constant 0 : i32
      %dma_wait3A_127 = tpu.memref_slice %arg16[%add3A_16, %dma_wait3A_126] : memref<10112x80xf32, #tpu.memory_space<vmem_shared>> -> memref<128x80xf32, #tpu.memory_space<vmem_shared>>
      tpu.wait_dma2 semaphore(%run_scoped3A_119 : memref<!tpu.dma_semaphore, #tpu.memory_space<semaphore_mem>>) src(%arg15 : memref<128x80xf32, #tpu.memory_space<vmem>>) dst(%dma_wait3A_127 : memref<128x80xf32, #tpu.memory_space<vmem_shared>>)
      tpu.yield
    }) : () -> ()
    %add3A_17 = arith.constant 512 : i32
    %add3A_18 = arith.addi %mul3A_3, %add3A_17 : i32
    "tpu.region"() ({
      %run_scoped3A_119 = tpu.sem_alloc : memref<!tpu.dma_semaphore, #tpu.memory_space<semaphore_mem>>
      %dma_start3A_120 = arith.constant 0 : i32
      %dma_start3A_121 = arith.constant 0 : i32
      %dma_start3A_122 = tpu.memref_slice %arg15[%dma_start3A_120, %dma_start3A_121] : memref<128x80xf32, #tpu.memory_space<vmem>> -> memref<120x80xf32, #tpu.memory_space<vmem>>
      %dma_start3A_123 = arith.constant 0 : i32
      %dma_start3A_124 = tpu.memref_slice %arg16[%add3A_18, %dma_start3A_123] : memref<10112x80xf32, #tpu.memory_space<vmem_shared>> -> memref<120x80xf32, #tpu.memory_space<vmem_shared>>
      %dma_start3A_125 = arith.constant 0 : i32
      %dma_start3A_126 = tpu.memref_slice %arg16[%add3A_18, %dma_start3A_125] : memref<10112x80xf32, #tpu.memory_space<vmem_shared>> -> memref<120x80xf32, #tpu.memory_space<vmem_shared>>
      %dma_start3A_127 = arith.constant 0 : i32
      %dma_start3A_128 = arith.constant 0 : i32
      %dma_start3A_129 = tpu.memref_slice %arg15[%dma_start3A_127, %dma_start3A_128] : memref<128x80xf32, #tpu.memory_space<vmem>> -> memref<120x80xf32, #tpu.memory_space<vmem>>
      tpu.enqueue_dma source(%dma_start3A_129 : memref<120x80xf32, #tpu.memory_space<vmem>>) target(%dma_start3A_126 : memref<120x80xf32, #tpu.memory_space<vmem_shared>>) target_semaphore(%run_scoped3A_119 : memref<!tpu.dma_semaphore, #tpu.memory_space<semaphore_mem>>)
      %dma_wait3A_130 = arith.constant 0 : i32
      %dma_wait3A_131 = arith.constant 0 : i32
      %dma_wait3A_132 = tpu.memref_slice %arg15[%dma_wait3A_130, %dma_wait3A_131] : memref<128x80xf32, #tpu.memory_space<vmem>> -> memref<120x80xf32, #tpu.memory_space<vmem>>
      %dma_wait3A_133 = arith.constant 0 : i32
      %dma_wait3A_134 = tpu.memref_slice %arg16[%add3A_18, %dma_wait3A_133] : memref<10112x80xf32, #tpu.memory_space<vmem_shared>> -> memref<120x80xf32, #tpu.memory_space<vmem_shared>>
      %dma_wait3A_135 = arith.constant 0 : i32
      %dma_wait3A_136 = tpu.memref_slice %arg16[%add3A_18, %dma_wait3A_135] : memref<10112x80xf32, #tpu.memory_space<vmem_shared>> -> memref<120x80xf32, #tpu.memory_space<vmem_shared>>
      %dma_wait3A_137 = arith.constant 0 : i32
      %dma_wait3A_138 = arith.constant 0 : i32
      %dma_wait3A_139 = tpu.memref_slice %arg15[%dma_wait3A_137, %dma_wait3A_138] : memref<128x80xf32, #tpu.memory_space<vmem>> -> memref<120x80xf32, #tpu.memory_space<vmem>>
      tpu.wait_dma2 semaphore(%run_scoped3A_119 : memref<!tpu.dma_semaphore, #tpu.memory_space<semaphore_mem>>) src(%dma_wait3A_139 : memref<120x80xf32, #tpu.memory_space<vmem>>) dst(%dma_wait3A_136 : memref<120x80xf32, #tpu.memory_space<vmem_shared>>)
      tpu.yield
    }) : () -> ()
    %barrier3A = arith.constant 0 : index
    tpu.barrier barrier_id(%barrier3A)
    %dma_start3A = arith.constant 0 : i32
    %dma_start3A_19 = arith.constant 0 : i32
    %dma_start3A_20 = arith.constant 0 : i32
    %dma_start3A_21 = tpu.memref_slice %arg7[%dma_start3A_19, %dma_start3A_20] : memref<81x128xi32, #tpu.memory_space<vmem>> -> memref<1x128xi32, #tpu.memory_space<vmem>>
    %dma_start3A_22 = tpu.memref_squeeze %dma_start3A_21 : memref<1x128xi32, #tpu.memory_space<vmem>> -> memref<128xi32, #tpu.memory_space<vmem>>
    %dma_start3A_23 = arith.constant 0 : i32
    %dma_start3A_24 = arith.constant 0 : i32
    %dma_start3A_25 = tpu.memref_slice %arg4[%dma_start3A, %dma_start3A_23, %dma_start3A_24] : memref<2x10000x80xf32, #tpu.memory_space<hbm>> -> memref<1x10000x80xf32, #tpu.memory_space<hbm>>
    %dma_start3A_26 = tpu.memref_squeeze %dma_start3A_25 : memref<1x10000x80xf32, #tpu.memory_space<hbm>> -> memref<10000x80xf32, #tpu.memory_space<hbm>>
    %dma_start3A_27 = arith.constant 0 : i32
    %dma_start3A_28 = arith.constant 0 : i32
    %dma_start3A_29 = tpu.memref_slice %dma_start3A_26[%dma_start3A_27, %dma_start3A_28] : memref<10000x80xf32, #tpu.memory_space<hbm>> -> memref<10000x80xf32, #tpu.memory_space<hbm>>
    tpu.enqueue_indirect_dma source(%dma_start3A_29 : memref<10000x80xf32, #tpu.memory_space<hbm>>) target(%arg9 : memref<128x80xf32, #tpu.memory_space<vmem>>) offsets(%dma_start3A_22 : memref<128xi32, #tpu.memory_space<vmem>>) semaphore(%arg17 : memref<!tpu.dma_semaphore, #tpu.memory_space<semaphore_mem>>)
    %dma_start3A_30 = arith.constant 0 : i32
    %dma_start3A_31 = arith.constant 0 : i32
    %dma_start3A_32 = arith.constant 0 : i32
    %dma_start3A_33 = tpu.memref_slice %arg8[%dma_start3A_31, %dma_start3A_32] : memref<81x128xi32, #tpu.memory_space<vmem>> -> memref<1x128xi32, #tpu.memory_space<vmem>>
    %dma_start3A_34 = tpu.memref_squeeze %dma_start3A_33 : memref<1x128xi32, #tpu.memory_space<vmem>> -> memref<128xi32, #tpu.memory_space<vmem>>
    %dma_start3A_35 = arith.constant 0 : i32
    %dma_start3A_36 = arith.constant 0 : i32
    %dma_start3A_37 = tpu.memref_slice %arg5[%dma_start3A_30, %dma_start3A_35, %dma_start3A_36] : memref<2x10112x16xf32, #tpu.memory_space<hbm>> -> memref<1x10112x16xf32, #tpu.memory_space<hbm>>
    %dma_start3A_38 = tpu.memref_squeeze %dma_start3A_37 : memref<1x10112x16xf32, #tpu.memory_space<hbm>> -> memref<10112x16xf32, #tpu.memory_space<hbm>>
    %dma_start3A_39 = arith.constant 0 : i32
    %dma_start3A_40 = arith.constant 0 : i32
    %dma_start3A_41 = tpu.memref_slice %dma_start3A_38[%dma_start3A_39, %dma_start3A_40] : memref<10112x16xf32, #tpu.memory_space<hbm>> -> memref<10112x16xf32, #tpu.memory_space<hbm>>
    tpu.enqueue_indirect_dma source(%dma_start3A_41 : memref<10112x16xf32, #tpu.memory_space<hbm>>) target(%arg11 : memref<128x16xf32, #tpu.memory_space<vmem>>) offsets(%dma_start3A_34 : memref<128xi32, #tpu.memory_space<vmem>>) semaphore(%arg17 : memref<!tpu.dma_semaphore, #tpu.memory_space<semaphore_mem>>)
    %scan3A_42 = arith.constant 0 : i32
    %scan3A_43 = arith.constant 0 : i32
    %scan3A_44 = arith.constant 41 : i32
    %scan3A_45 = arith.addi %scan3A_43, %scan3A_44 : i32
    %scan3A_46 = arith.constant 1 : i32
    scf.for %scan3A_119 = %scan3A_43 to %scan3A_45 step %scan3A_46  : i32 {
      %mul3A_120 = arith.constant 2 : i32
      %mul3A_121 = arith.muli %mul3A_120, %scan3A_119 : i32
      %add3A_122 = arith.constant 0 : i32
      %add3A_123 = arith.addi %mul3A_121, %add3A_122 : i32
      %lt3A = arith.constant 81 : i32
      %lt3A_124 = arith.cmpi slt, %add3A_123, %lt3A : i32
      %convert_element_type3A = arith.extui %lt3A_124 : i1 to i32
      %cond3A = arith.constant 0 : i32
      %cond3A_125 = arith.cmpi ne, %convert_element_type3A, %cond3A : i32
      scf.if %cond3A_125 {
        %dma_wait3A_135 = arith.constant 0 : i32
        %dma_wait3A_136 = arith.constant 0 : i32
        %dma_wait3A_137 = tpu.memref_slice %arg7[%add3A_123, %dma_wait3A_136] : memref<81x128xi32, #tpu.memory_space<vmem>> -> memref<1x128xi32, #tpu.memory_space<vmem>>
        %dma_wait3A_138 = tpu.memref_squeeze %dma_wait3A_137 : memref<1x128xi32, #tpu.memory_space<vmem>> -> memref<128xi32, #tpu.memory_space<vmem>>
        %dma_wait3A_139 = arith.constant 0 : i32
        %dma_wait3A_140 = arith.constant 0 : i32
        %dma_wait3A_141 = tpu.memref_slice %arg4[%dma_wait3A_135, %dma_wait3A_139, %dma_wait3A_140] : memref<2x10000x80xf32, #tpu.memory_space<hbm>> -> memref<1x10000x80xf32, #tpu.memory_space<hbm>>
        %dma_wait3A_142 = tpu.memref_squeeze %dma_wait3A_141 : memref<1x10000x80xf32, #tpu.memory_space<hbm>> -> memref<10000x80xf32, #tpu.memory_space<hbm>>
        %dma_wait3A_143 = arith.constant 0 : i32
        %dma_wait3A_144 = arith.constant 0 : i32
        %dma_wait3A_145 = tpu.memref_slice %dma_wait3A_142[%dma_wait3A_143, %dma_wait3A_144] : memref<10000x80xf32, #tpu.memory_space<hbm>> -> memref<10000x80xf32, #tpu.memory_space<hbm>>
        tpu.wait_indirect_dma semaphore(%arg17 : memref<!tpu.dma_semaphore, #tpu.memory_space<semaphore_mem>>) src(%dma_wait3A_145 : memref<10000x80xf32, #tpu.memory_space<hbm>>) dst(%arg9 : memref<128x80xf32, #tpu.memory_space<vmem>>)
        %dma_wait3A_146 = arith.constant 0 : i32
        %dma_wait3A_147 = arith.constant 0 : i32
        %dma_wait3A_148 = tpu.memref_slice %arg8[%add3A_123, %dma_wait3A_147] : memref<81x128xi32, #tpu.memory_space<vmem>> -> memref<1x128xi32, #tpu.memory_space<vmem>>
        %dma_wait3A_149 = tpu.memref_squeeze %dma_wait3A_148 : memref<1x128xi32, #tpu.memory_space<vmem>> -> memref<128xi32, #tpu.memory_space<vmem>>
        %dma_wait3A_150 = arith.constant 0 : i32
        %dma_wait3A_151 = arith.constant 0 : i32
        %dma_wait3A_152 = tpu.memref_slice %arg5[%dma_wait3A_146, %dma_wait3A_150, %dma_wait3A_151] : memref<2x10112x16xf32, #tpu.memory_space<hbm>> -> memref<1x10112x16xf32, #tpu.memory_space<hbm>>
        %dma_wait3A_153 = tpu.memref_squeeze %dma_wait3A_152 : memref<1x10112x16xf32, #tpu.memory_space<hbm>> -> memref<10112x16xf32, #tpu.memory_space<hbm>>
        %dma_wait3A_154 = arith.constant 0 : i32
        %dma_wait3A_155 = arith.constant 0 : i32
        %dma_wait3A_156 = tpu.memref_slice %dma_wait3A_153[%dma_wait3A_154, %dma_wait3A_155] : memref<10112x16xf32, #tpu.memory_space<hbm>> -> memref<10112x16xf32, #tpu.memory_space<hbm>>
        tpu.wait_indirect_dma semaphore(%arg17 : memref<!tpu.dma_semaphore, #tpu.memory_space<semaphore_mem>>) src(%dma_wait3A_156 : memref<10112x16xf32, #tpu.memory_space<hbm>>) dst(%arg11 : memref<128x16xf32, #tpu.memory_space<vmem>>)
        %add3A_157 = arith.constant 1 : i32
        %add3A_158 = arith.addi %add3A_123, %add3A_157 : i32
        %lt3A_159 = arith.constant 81 : i32
        %lt3A_160 = arith.cmpi slt, %add3A_158, %lt3A_159 : i32
        %convert_element_type3A_161 = arith.extui %lt3A_160 : i1 to i32
        %cond3A_162 = arith.constant 0 : i32
        %cond3A_163 = arith.cmpi ne, %convert_element_type3A_161, %cond3A_162 : i32
        scf.if %cond3A_163 {
          %add3A_176 = arith.constant 1 : i32
          %add3A_177 = arith.addi %add3A_123, %add3A_176 : i32
          %dma_start3A_178 = arith.constant 0 : i32
          %dma_start3A_179 = arith.constant 0 : i32
          %dma_start3A_180 = tpu.memref_slice %arg7[%add3A_177, %dma_start3A_179] : memref<81x128xi32, #tpu.memory_space<vmem>> -> memref<1x128xi32, #tpu.memory_space<vmem>>
          %dma_start3A_181 = tpu.memref_squeeze %dma_start3A_180 : memref<1x128xi32, #tpu.memory_space<vmem>> -> memref<128xi32, #tpu.memory_space<vmem>>
          %dma_start3A_182 = arith.constant 0 : i32
          %dma_start3A_183 = arith.constant 0 : i32
          %dma_start3A_184 = tpu.memref_slice %arg4[%dma_start3A_178, %dma_start3A_182, %dma_start3A_183] : memref<2x10000x80xf32, #tpu.memory_space<hbm>> -> memref<1x10000x80xf32, #tpu.memory_space<hbm>>
          %dma_start3A_185 = tpu.memref_squeeze %dma_start3A_184 : memref<1x10000x80xf32, #tpu.memory_space<hbm>> -> memref<10000x80xf32, #tpu.memory_space<hbm>>
          %dma_start3A_186 = arith.constant 0 : i32
          %dma_start3A_187 = arith.constant 0 : i32
          %dma_start3A_188 = tpu.memref_slice %dma_start3A_185[%dma_start3A_186, %dma_start3A_187] : memref<10000x80xf32, #tpu.memory_space<hbm>> -> memref<10000x80xf32, #tpu.memory_space<hbm>>
          tpu.enqueue_indirect_dma source(%dma_start3A_188 : memref<10000x80xf32, #tpu.memory_space<hbm>>) target(%arg10 : memref<128x80xf32, #tpu.memory_space<vmem>>) offsets(%dma_start3A_181 : memref<128xi32, #tpu.memory_space<vmem>>) semaphore(%arg18 : memref<!tpu.dma_semaphore, #tpu.memory_space<semaphore_mem>>)
          %dma_start3A_189 = arith.constant 0 : i32
          %dma_start3A_190 = arith.constant 0 : i32
          %dma_start3A_191 = tpu.memref_slice %arg8[%add3A_177, %dma_start3A_190] : memref<81x128xi32, #tpu.memory_space<vmem>> -> memref<1x128xi32, #tpu.memory_space<vmem>>
          %dma_start3A_192 = tpu.memref_squeeze %dma_start3A_191 : memref<1x128xi32, #tpu.memory_space<vmem>> -> memref<128xi32, #tpu.memory_space<vmem>>
          %dma_start3A_193 = arith.constant 0 : i32
          %dma_start3A_194 = arith.constant 0 : i32
          %dma_start3A_195 = tpu.memref_slice %arg5[%dma_start3A_189, %dma_start3A_193, %dma_start3A_194] : memref<2x10112x16xf32, #tpu.memory_space<hbm>> -> memref<1x10112x16xf32, #tpu.memory_space<hbm>>
          %dma_start3A_196 = tpu.memref_squeeze %dma_start3A_195 : memref<1x10112x16xf32, #tpu.memory_space<hbm>> -> memref<10112x16xf32, #tpu.memory_space<hbm>>
          %dma_start3A_197 = arith.constant 0 : i32
          %dma_start3A_198 = arith.constant 0 : i32
          %dma_start3A_199 = tpu.memref_slice %dma_start3A_196[%dma_start3A_197, %dma_start3A_198] : memref<10112x16xf32, #tpu.memory_space<hbm>> -> memref<10112x16xf32, #tpu.memory_space<hbm>>
          tpu.enqueue_indirect_dma source(%dma_start3A_199 : memref<10112x16xf32, #tpu.memory_space<hbm>>) target(%arg12 : memref<128x16xf32, #tpu.memory_space<vmem>>) offsets(%dma_start3A_192 : memref<128xi32, #tpu.memory_space<vmem>>) semaphore(%arg18 : memref<!tpu.dma_semaphore, #tpu.memory_space<semaphore_mem>>)
        } else {
        }
        %ge3A = arith.constant 2 : i32
        %ge3A_164 = arith.cmpi sge, %add3A_123, %ge3A : i32
        %convert_element_type3A_165 = arith.extui %ge3A_164 : i1 to i32
        %cond3A_166 = arith.constant 0 : i32
        %cond3A_167 = arith.cmpi ne, %convert_element_type3A_165, %cond3A_166 : i32
        scf.if %cond3A_167 {
          %dma_wait3A_176 = arith.constant 0 : i32
          %dma_wait3A_177 = tpu.memref_slice %arg8[%add3A_123, %dma_wait3A_176] : memref<81x128xi32, #tpu.memory_space<vmem>> -> memref<1x128xi32, #tpu.memory_space<vmem>>
          %dma_wait3A_178 = tpu.memref_squeeze %dma_wait3A_177 : memref<1x128xi32, #tpu.memory_space<vmem>> -> memref<128xi32, #tpu.memory_space<vmem>>
          %dma_wait3A_179 = arith.constant 0 : i32
          %dma_wait3A_180 = arith.constant 0 : i32
          %dma_wait3A_181 = tpu.memref_slice %arg16[%dma_wait3A_179, %dma_wait3A_180] : memref<10112x80xf32, #tpu.memory_space<vmem_shared>> -> memref<10112x80xf32, #tpu.memory_space<vmem_shared>>
          tpu.wait_indirect_dma semaphore(%arg19 : memref<!tpu.dma_semaphore, #tpu.memory_space<semaphore_mem>>) src(%arg13 : memref<128x80xf32, #tpu.memory_space<vmem>>) dst(%dma_wait3A_181 : memref<10112x80xf32, #tpu.memory_space<vmem_shared>>)
        } else {
        }
        %parallel_loop3A = arith.constant 0 : i32
        %parallel_loop3A_168 = arith.constant 128 : i32
        %parallel_loop3A_169 = arith.constant 1 : i32
        scf.for %parallel_loop3A_176 = %parallel_loop3A to %parallel_loop3A_168 step %parallel_loop3A_169  : i32 {
          %parallel_loop3A_177 = arith.index_cast %parallel_loop3A_176 : i32 to index
          %parallel_loop3A_178 = arith.constant 64 : index
          %parallel_loop3A_179 = tpu.vector_load %arg9[%parallel_loop3A_177, %parallel_loop3A_178] {strides = array<i32>} : memref<128x80xf32, #tpu.memory_space<vmem>>, vector<1x16xf32>,
          %parallel_loop3A_180 = vector.shape_cast %parallel_loop3A_179 : vector<1x16xf32> to vector<16xf32>
          %parallel_loop3A_181 = arith.index_cast %parallel_loop3A_176 : i32 to index
          %parallel_loop3A_182 = arith.constant 0 : index
          %parallel_loop3A_183 = tpu.vector_load %arg11[%parallel_loop3A_181, %parallel_loop3A_182] {strides = array<i32>} : memref<128x16xf32, #tpu.memory_space<vmem>>, vector<1x16xf32>,
          %parallel_loop3A_184 = vector.shape_cast %parallel_loop3A_183 : vector<1x16xf32> to vector<16xf32>
          %parallel_loop3A_185 = arith.addf %parallel_loop3A_180, %parallel_loop3A_184 : vector<16xf32>
          %parallel_loop3A_186 = arith.constant 2.000000e-01 : f32
          %parallel_loop3A_187 = vector.broadcast %parallel_loop3A_186 : f32 to vector<16xf32>
          %parallel_loop3A_188 = arith.mulf %parallel_loop3A_187, %parallel_loop3A_185 : vector<16xf32>
          %parallel_loop3A_189 = arith.maximumf %parallel_loop3A_185, %parallel_loop3A_188 : vector<16xf32>
          %parallel_loop3A_190 = math.exp %parallel_loop3A_189 : vector<16xf32>
          %parallel_loop3A_191 = arith.index_cast %parallel_loop3A_176 : i32 to index
          %parallel_loop3A_192 = arith.constant 64 : index
          %parallel_loop3A_193 = tpu.vector_load %arg13[%parallel_loop3A_191, %parallel_loop3A_192] {strides = array<i32>} : memref<128x80xf32, #tpu.memory_space<vmem>>, vector<1x16xf32>,
          %parallel_loop3A_194 = vector.shape_cast %parallel_loop3A_193 : vector<1x16xf32> to vector<16xf32>
          %parallel_loop3A_195 = vector.shape_cast %parallel_loop3A_190 : vector<16xf32> to vector<1x16xf32>
          tpu.vector_store %arg13[%parallel_loop3A_191, %parallel_loop3A_192], %parallel_loop3A_195 {strides = array<i32>} : memref<128x80xf32, #tpu.memory_space<vmem>>, vector<1x16xf32>,
          %parallel_loop3A_196 = arith.index_cast %parallel_loop3A_176 : i32 to index
          %parallel_loop3A_197 = arith.constant 0 : index
          %parallel_loop3A_198 = tpu.vector_load %arg9[%parallel_loop3A_196, %parallel_loop3A_197] {strides = array<i32>} : memref<128x80xf32, #tpu.memory_space<vmem>>, vector<1x16xf32>,
          %parallel_loop3A_199 = vector.shape_cast %parallel_loop3A_198 : vector<1x16xf32> to vector<16xf32>
          %parallel_loop3A_200 = arith.constant 0 : i32
          %parallel_loop3A_201 = vector.broadcast %parallel_loop3A_200 : i32 to vector<16x1xi32>
          %parallel_loop3A_202 = vector.shape_cast %parallel_loop3A_201 : vector<16x1xi32> to vector<16xi32>
          %parallel_loop3A_203 = tpu.dynamic_gather %parallel_loop3A_190[%parallel_loop3A_202] in [0] : vector<16xf32>, vector<16xi32> -> vector<16xf32>
          %parallel_loop3A_204 = arith.mulf %parallel_loop3A_199, %parallel_loop3A_203 : vector<16xf32>
          %parallel_loop3A_205 = arith.index_cast %parallel_loop3A_176 : i32 to index
          %parallel_loop3A_206 = arith.constant 0 : index
          %parallel_loop3A_207 = tpu.vector_load %arg13[%parallel_loop3A_205, %parallel_loop3A_206] {strides = array<i32>} : memref<128x80xf32, #tpu.memory_space<vmem>>, vector<1x16xf32>,
          %parallel_loop3A_208 = vector.shape_cast %parallel_loop3A_207 : vector<1x16xf32> to vector<16xf32>
          %parallel_loop3A_209 = vector.shape_cast %parallel_loop3A_204 : vector<16xf32> to vector<1x16xf32>
          tpu.vector_store %arg13[%parallel_loop3A_205, %parallel_loop3A_206], %parallel_loop3A_209 {strides = array<i32>} : memref<128x80xf32, #tpu.memory_space<vmem>>, vector<1x16xf32>,
          %parallel_loop3A_210 = arith.index_cast %parallel_loop3A_176 : i32 to index
          %parallel_loop3A_211 = arith.constant 16 : index
          %parallel_loop3A_212 = tpu.vector_load %arg9[%parallel_loop3A_210, %parallel_loop3A_211] {strides = array<i32>} : memref<128x80xf32, #tpu.memory_space<vmem>>, vector<1x16xf32>,
          %parallel_loop3A_213 = vector.shape_cast %parallel_loop3A_212 : vector<1x16xf32> to vector<16xf32>
          %parallel_loop3A_214 = arith.constant 1 : i32
          %parallel_loop3A_215 = vector.broadcast %parallel_loop3A_214 : i32 to vector<16x1xi32>
          %parallel_loop3A_216 = vector.shape_cast %parallel_loop3A_215 : vector<16x1xi32> to vector<16xi32>
          %parallel_loop3A_217 = tpu.dynamic_gather %parallel_loop3A_190[%parallel_loop3A_216] in [0] : vector<16xf32>, vector<16xi32> -> vector<16xf32>
          %parallel_loop3A_218 = arith.mulf %parallel_loop3A_213, %parallel_loop3A_217 : vector<16xf32>
          %parallel_loop3A_219 = arith.index_cast %parallel_loop3A_176 : i32 to index
          %parallel_loop3A_220 = arith.constant 16 : index
          %parallel_loop3A_221 = tpu.vector_load %arg13[%parallel_loop3A_219, %parallel_loop3A_220] {strides = array<i32>} : memref<128x80xf32, #tpu.memory_space<vmem>>, vector<1x16xf32>,
          %parallel_loop3A_222 = vector.shape_cast %parallel_loop3A_221 : vector<1x16xf32> to vector<16xf32>
          %parallel_loop3A_223 = vector.shape_cast %parallel_loop3A_218 : vector<16xf32> to vector<1x16xf32>
          tpu.vector_store %arg13[%parallel_loop3A_219, %parallel_loop3A_220], %parallel_loop3A_223 {strides = array<i32>} : memref<128x80xf32, #tpu.memory_space<vmem>>, vector<1x16xf32>,
          %parallel_loop3A_224 = arith.index_cast %parallel_loop3A_176 : i32 to index
          %parallel_loop3A_225 = arith.constant 32 : index
          %parallel_loop3A_226 = tpu.vector_load %arg9[%parallel_loop3A_224, %parallel_loop3A_225] {strides = array<i32>} : memref<128x80xf32, #tpu.memory_space<vmem>>, vector<1x16xf32>,
          %parallel_loop3A_227 = vector.shape_cast %parallel_loop3A_226 : vector<1x16xf32> to vector<16xf32>
          %parallel_loop3A_228 = arith.constant 2 : i32
          %parallel_loop3A_229 = vector.broadcast %parallel_loop3A_228 : i32 to vector<16x1xi32>
          %parallel_loop3A_230 = vector.shape_cast %parallel_loop3A_229 : vector<16x1xi32> to vector<16xi32>
          %parallel_loop3A_231 = tpu.dynamic_gather %parallel_loop3A_190[%parallel_loop3A_230] in [0] : vector<16xf32>, vector<16xi32> -> vector<16xf32>
          %parallel_loop3A_232 = arith.mulf %parallel_loop3A_227, %parallel_loop3A_231 : vector<16xf32>
          %parallel_loop3A_233 = arith.index_cast %parallel_loop3A_176 : i32 to index
          %parallel_loop3A_234 = arith.constant 32 : index
          %parallel_loop3A_235 = tpu.vector_load %arg13[%parallel_loop3A_233, %parallel_loop3A_234] {strides = array<i32>} : memref<128x80xf32, #tpu.memory_space<vmem>>, vector<1x16xf32>,
          %parallel_loop3A_236 = vector.shape_cast %parallel_loop3A_235 : vector<1x16xf32> to vector<16xf32>
          %parallel_loop3A_237 = vector.shape_cast %parallel_loop3A_232 : vector<16xf32> to vector<1x16xf32>
          tpu.vector_store %arg13[%parallel_loop3A_233, %parallel_loop3A_234], %parallel_loop3A_237 {strides = array<i32>} : memref<128x80xf32, #tpu.memory_space<vmem>>, vector<1x16xf32>,
          %parallel_loop3A_238 = arith.index_cast %parallel_loop3A_176 : i32 to index
          %parallel_loop3A_239 = arith.constant 48 : index
          %parallel_loop3A_240 = tpu.vector_load %arg9[%parallel_loop3A_238, %parallel_loop3A_239] {strides = array<i32>} : memref<128x80xf32, #tpu.memory_space<vmem>>, vector<1x16xf32>,
          %parallel_loop3A_241 = vector.shape_cast %parallel_loop3A_240 : vector<1x16xf32> to vector<16xf32>
          %parallel_loop3A_242 = arith.constant 3 : i32
          %parallel_loop3A_243 = vector.broadcast %parallel_loop3A_242 : i32 to vector<16x1xi32>
          %parallel_loop3A_244 = vector.shape_cast %parallel_loop3A_243 : vector<16x1xi32> to vector<16xi32>
          %parallel_loop3A_245 = tpu.dynamic_gather %parallel_loop3A_190[%parallel_loop3A_244] in [0] : vector<16xf32>, vector<16xi32> -> vector<16xf32>
          %parallel_loop3A_246 = arith.mulf %parallel_loop3A_241, %parallel_loop3A_245 : vector<16xf32>
          %parallel_loop3A_247 = arith.index_cast %parallel_loop3A_176 : i32 to index
          %parallel_loop3A_248 = arith.constant 48 : index
          %parallel_loop3A_249 = tpu.vector_load %arg13[%parallel_loop3A_247, %parallel_loop3A_248] {strides = array<i32>} : memref<128x80xf32, #tpu.memory_space<vmem>>, vector<1x16xf32>,
          %parallel_loop3A_250 = vector.shape_cast %parallel_loop3A_249 : vector<1x16xf32> to vector<16xf32>
          %parallel_loop3A_251 = vector.shape_cast %parallel_loop3A_246 : vector<16xf32> to vector<1x16xf32>
          tpu.vector_store %arg13[%parallel_loop3A_247, %parallel_loop3A_248], %parallel_loop3A_251 {strides = array<i32>} : memref<128x80xf32, #tpu.memory_space<vmem>>, vector<1x16xf32>,
        } {sc.loop_unroll_factor = 8 : i64, sc.parallel_access}
        %dma_start3A_170 = arith.constant 0 : i32
        %dma_start3A_171 = tpu.memref_slice %arg8[%add3A_123, %dma_start3A_170] : memref<81x128xi32, #tpu.memory_space<vmem>> -> memref<1x128xi32, #tpu.memory_space<vmem>>
        %dma_start3A_172 = tpu.memref_squeeze %dma_start3A_171 : memref<1x128xi32, #tpu.memory_space<vmem>> -> memref<128xi32, #tpu.memory_space<vmem>>
        %dma_start3A_173 = arith.constant 0 : i32
        %dma_start3A_174 = arith.constant 0 : i32
        %dma_start3A_175 = tpu.memref_slice %arg16[%dma_start3A_173, %dma_start3A_174] : memref<10112x80xf32, #tpu.memory_space<vmem_shared>> -> memref<10112x80xf32, #tpu.memory_space<vmem_shared>>
        tpu.enqueue_indirect_dma source(%arg13 : memref<128x80xf32, #tpu.memory_space<vmem>>) target(%dma_start3A_175 : memref<10112x80xf32, #tpu.memory_space<vmem_shared>>) offsets(%dma_start3A_172 : memref<128xi32, #tpu.memory_space<vmem>>) semaphore(%arg19 : memref<!tpu.dma_semaphore, #tpu.memory_space<semaphore_mem>>) {add = true}
      } else {
      }
      %mul3A_126 = arith.constant 2 : i32
      %mul3A_127 = arith.muli %mul3A_126, %scan3A_119 : i32
      %add3A_128 = arith.constant 1 : i32
      %add3A_129 = arith.addi %mul3A_127, %add3A_128 : i32
      %lt3A_130 = arith.constant 81 : i32
      %lt3A_131 = arith.cmpi slt, %add3A_129, %lt3A_130 : i32
      %convert_element_type3A_132 = arith.extui %lt3A_131 : i1 to i32
      %cond3A_133 = arith.constant 0 : i32
      %cond3A_134 = arith.cmpi ne, %convert_element_type3A_132, %cond3A_133 : i32
      scf.if %cond3A_134 {
        %dma_wait3A_135 = arith.constant 0 : i32
        %dma_wait3A_136 = arith.constant 0 : i32
        %dma_wait3A_137 = tpu.memref_slice %arg7[%add3A_129, %dma_wait3A_136] : memref<81x128xi32, #tpu.memory_space<vmem>> -> memref<1x128xi32, #tpu.memory_space<vmem>>
        %dma_wait3A_138 = tpu.memref_squeeze %dma_wait3A_137 : memref<1x128xi32, #tpu.memory_space<vmem>> -> memref<128xi32, #tpu.memory_space<vmem>>
        %dma_wait3A_139 = arith.constant 0 : i32
        %dma_wait3A_140 = arith.constant 0 : i32
        %dma_wait3A_141 = tpu.memref_slice %arg4[%dma_wait3A_135, %dma_wait3A_139, %dma_wait3A_140] : memref<2x10000x80xf32, #tpu.memory_space<hbm>> -> memref<1x10000x80xf32, #tpu.memory_space<hbm>>
        %dma_wait3A_142 = tpu.memref_squeeze %dma_wait3A_141 : memref<1x10000x80xf32, #tpu.memory_space<hbm>> -> memref<10000x80xf32, #tpu.memory_space<hbm>>
        %dma_wait3A_143 = arith.constant 0 : i32
        %dma_wait3A_144 = arith.constant 0 : i32
        %dma_wait3A_145 = tpu.memref_slice %dma_wait3A_142[%dma_wait3A_143, %dma_wait3A_144] : memref<10000x80xf32, #tpu.memory_space<hbm>> -> memref<10000x80xf32, #tpu.memory_space<hbm>>
        tpu.wait_indirect_dma semaphore(%arg18 : memref<!tpu.dma_semaphore, #tpu.memory_space<semaphore_mem>>) src(%dma_wait3A_145 : memref<10000x80xf32, #tpu.memory_space<hbm>>) dst(%arg10 : memref<128x80xf32, #tpu.memory_space<vmem>>)
        %dma_wait3A_146 = arith.constant 0 : i32
        %dma_wait3A_147 = arith.constant 0 : i32
        %dma_wait3A_148 = tpu.memref_slice %arg8[%add3A_129, %dma_wait3A_147] : memref<81x128xi32, #tpu.memory_space<vmem>> -> memref<1x128xi32, #tpu.memory_space<vmem>>
        %dma_wait3A_149 = tpu.memref_squeeze %dma_wait3A_148 : memref<1x128xi32, #tpu.memory_space<vmem>> -> memref<128xi32, #tpu.memory_space<vmem>>
        %dma_wait3A_150 = arith.constant 0 : i32
        %dma_wait3A_151 = arith.constant 0 : i32
        %dma_wait3A_152 = tpu.memref_slice %arg5[%dma_wait3A_146, %dma_wait3A_150, %dma_wait3A_151] : memref<2x10112x16xf32, #tpu.memory_space<hbm>> -> memref<1x10112x16xf32, #tpu.memory_space<hbm>>
        %dma_wait3A_153 = tpu.memref_squeeze %dma_wait3A_152 : memref<1x10112x16xf32, #tpu.memory_space<hbm>> -> memref<10112x16xf32, #tpu.memory_space<hbm>>
        %dma_wait3A_154 = arith.constant 0 : i32
        %dma_wait3A_155 = arith.constant 0 : i32
        %dma_wait3A_156 = tpu.memref_slice %dma_wait3A_153[%dma_wait3A_154, %dma_wait3A_155] : memref<10112x16xf32, #tpu.memory_space<hbm>> -> memref<10112x16xf32, #tpu.memory_space<hbm>>
        tpu.wait_indirect_dma semaphore(%arg18 : memref<!tpu.dma_semaphore, #tpu.memory_space<semaphore_mem>>) src(%dma_wait3A_156 : memref<10112x16xf32, #tpu.memory_space<hbm>>) dst(%arg12 : memref<128x16xf32, #tpu.memory_space<vmem>>)
        %add3A_157 = arith.constant 1 : i32
        %add3A_158 = arith.addi %add3A_129, %add3A_157 : i32
        %lt3A_159 = arith.constant 81 : i32
        %lt3A_160 = arith.cmpi slt, %add3A_158, %lt3A_159 : i32
        %convert_element_type3A_161 = arith.extui %lt3A_160 : i1 to i32
        %cond3A_162 = arith.constant 0 : i32
        %cond3A_163 = arith.cmpi ne, %convert_element_type3A_161, %cond3A_162 : i32
        scf.if %cond3A_163 {
          %add3A_176 = arith.constant 1 : i32
          %add3A_177 = arith.addi %add3A_129, %add3A_176 : i32
          %dma_start3A_178 = arith.constant 0 : i32
          %dma_start3A_179 = arith.constant 0 : i32
          %dma_start3A_180 = tpu.memref_slice %arg7[%add3A_177, %dma_start3A_179] : memref<81x128xi32, #tpu.memory_space<vmem>> -> memref<1x128xi32, #tpu.memory_space<vmem>>
          %dma_start3A_181 = tpu.memref_squeeze %dma_start3A_180 : memref<1x128xi32, #tpu.memory_space<vmem>> -> memref<128xi32, #tpu.memory_space<vmem>>
          %dma_start3A_182 = arith.constant 0 : i32
          %dma_start3A_183 = arith.constant 0 : i32
          %dma_start3A_184 = tpu.memref_slice %arg4[%dma_start3A_178, %dma_start3A_182, %dma_start3A_183] : memref<2x10000x80xf32, #tpu.memory_space<hbm>> -> memref<1x10000x80xf32, #tpu.memory_space<hbm>>
          %dma_start3A_185 = tpu.memref_squeeze %dma_start3A_184 : memref<1x10000x80xf32, #tpu.memory_space<hbm>> -> memref<10000x80xf32, #tpu.memory_space<hbm>>
          %dma_start3A_186 = arith.constant 0 : i32
          %dma_start3A_187 = arith.constant 0 : i32
          %dma_start3A_188 = tpu.memref_slice %dma_start3A_185[%dma_start3A_186, %dma_start3A_187] : memref<10000x80xf32, #tpu.memory_space<hbm>> -> memref<10000x80xf32, #tpu.memory_space<hbm>>
          tpu.enqueue_indirect_dma source(%dma_start3A_188 : memref<10000x80xf32, #tpu.memory_space<hbm>>) target(%arg9 : memref<128x80xf32, #tpu.memory_space<vmem>>) offsets(%dma_start3A_181 : memref<128xi32, #tpu.memory_space<vmem>>) semaphore(%arg17 : memref<!tpu.dma_semaphore, #tpu.memory_space<semaphore_mem>>)
          %dma_start3A_189 = arith.constant 0 : i32
          %dma_start3A_190 = arith.constant 0 : i32
          %dma_start3A_191 = tpu.memref_slice %arg8[%add3A_177, %dma_start3A_190] : memref<81x128xi32, #tpu.memory_space<vmem>> -> memref<1x128xi32, #tpu.memory_space<vmem>>
          %dma_start3A_192 = tpu.memref_squeeze %dma_start3A_191 : memref<1x128xi32, #tpu.memory_space<vmem>> -> memref<128xi32, #tpu.memory_space<vmem>>
          %dma_start3A_193 = arith.constant 0 : i32
          %dma_start3A_194 = arith.constant 0 : i32
          %dma_start3A_195 = tpu.memref_slice %arg5[%dma_start3A_189, %dma_start3A_193, %dma_start3A_194] : memref<2x10112x16xf32, #tpu.memory_space<hbm>> -> memref<1x10112x16xf32, #tpu.memory_space<hbm>>
          %dma_start3A_196 = tpu.memref_squeeze %dma_start3A_195 : memref<1x10112x16xf32, #tpu.memory_space<hbm>> -> memref<10112x16xf32, #tpu.memory_space<hbm>>
          %dma_start3A_197 = arith.constant 0 : i32
          %dma_start3A_198 = arith.constant 0 : i32
          %dma_start3A_199 = tpu.memref_slice %dma_start3A_196[%dma_start3A_197, %dma_start3A_198] : memref<10112x16xf32, #tpu.memory_space<hbm>> -> memref<10112x16xf32, #tpu.memory_space<hbm>>
          tpu.enqueue_indirect_dma source(%dma_start3A_199 : memref<10112x16xf32, #tpu.memory_space<hbm>>) target(%arg11 : memref<128x16xf32, #tpu.memory_space<vmem>>) offsets(%dma_start3A_192 : memref<128xi32, #tpu.memory_space<vmem>>) semaphore(%arg17 : memref<!tpu.dma_semaphore, #tpu.memory_space<semaphore_mem>>)
        } else {
        }
        %ge3A = arith.constant 2 : i32
        %ge3A_164 = arith.cmpi sge, %add3A_129, %ge3A : i32
        %convert_element_type3A_165 = arith.extui %ge3A_164 : i1 to i32
        %cond3A_166 = arith.constant 0 : i32
        %cond3A_167 = arith.cmpi ne, %convert_element_type3A_165, %cond3A_166 : i32
        scf.if %cond3A_167 {
          %dma_wait3A_176 = arith.constant 0 : i32
          %dma_wait3A_177 = tpu.memref_slice %arg8[%add3A_129, %dma_wait3A_176] : memref<81x128xi32, #tpu.memory_space<vmem>> -> memref<1x128xi32, #tpu.memory_space<vmem>>
          %dma_wait3A_178 = tpu.memref_squeeze %dma_wait3A_177 : memref<1x128xi32, #tpu.memory_space<vmem>> -> memref<128xi32, #tpu.memory_space<vmem>>
          %dma_wait3A_179 = arith.constant 0 : i32
          %dma_wait3A_180 = arith.constant 0 : i32
          %dma_wait3A_181 = tpu.memref_slice %arg16[%dma_wait3A_179, %dma_wait3A_180] : memref<10112x80xf32, #tpu.memory_space<vmem_shared>> -> memref<10112x80xf32, #tpu.memory_space<vmem_shared>>
          tpu.wait_indirect_dma semaphore(%arg20 : memref<!tpu.dma_semaphore, #tpu.memory_space<semaphore_mem>>) src(%arg14 : memref<128x80xf32, #tpu.memory_space<vmem>>) dst(%dma_wait3A_181 : memref<10112x80xf32, #tpu.memory_space<vmem_shared>>)
        } else {
        }
        %parallel_loop3A = arith.constant 0 : i32
        %parallel_loop3A_168 = arith.constant 128 : i32
        %parallel_loop3A_169 = arith.constant 1 : i32
        scf.for %parallel_loop3A_176 = %parallel_loop3A to %parallel_loop3A_168 step %parallel_loop3A_169  : i32 {
          %parallel_loop3A_177 = arith.index_cast %parallel_loop3A_176 : i32 to index
          %parallel_loop3A_178 = arith.constant 64 : index
          %parallel_loop3A_179 = tpu.vector_load %arg10[%parallel_loop3A_177, %parallel_loop3A_178] {strides = array<i32>} : memref<128x80xf32, #tpu.memory_space<vmem>>, vector<1x16xf32>,
          %parallel_loop3A_180 = vector.shape_cast %parallel_loop3A_179 : vector<1x16xf32> to vector<16xf32>
          %parallel_loop3A_181 = arith.index_cast %parallel_loop3A_176 : i32 to index
          %parallel_loop3A_182 = arith.constant 0 : index
          %parallel_loop3A_183 = tpu.vector_load %arg12[%parallel_loop3A_181, %parallel_loop3A_182] {strides = array<i32>} : memref<128x16xf32, #tpu.memory_space<vmem>>, vector<1x16xf32>,
          %parallel_loop3A_184 = vector.shape_cast %parallel_loop3A_183 : vector<1x16xf32> to vector<16xf32>
          %parallel_loop3A_185 = arith.addf %parallel_loop3A_180, %parallel_loop3A_184 : vector<16xf32>
          %parallel_loop3A_186 = arith.constant 2.000000e-01 : f32
          %parallel_loop3A_187 = vector.broadcast %parallel_loop3A_186 : f32 to vector<16xf32>
          %parallel_loop3A_188 = arith.mulf %parallel_loop3A_187, %parallel_loop3A_185 : vector<16xf32>
          %parallel_loop3A_189 = arith.maximumf %parallel_loop3A_185, %parallel_loop3A_188 : vector<16xf32>
          %parallel_loop3A_190 = math.exp %parallel_loop3A_189 : vector<16xf32>
          %parallel_loop3A_191 = arith.index_cast %parallel_loop3A_176 : i32 to index
          %parallel_loop3A_192 = arith.constant 64 : index
          %parallel_loop3A_193 = tpu.vector_load %arg14[%parallel_loop3A_191, %parallel_loop3A_192] {strides = array<i32>} : memref<128x80xf32, #tpu.memory_space<vmem>>, vector<1x16xf32>,
          %parallel_loop3A_194 = vector.shape_cast %parallel_loop3A_193 : vector<1x16xf32> to vector<16xf32>
          %parallel_loop3A_195 = vector.shape_cast %parallel_loop3A_190 : vector<16xf32> to vector<1x16xf32>
          tpu.vector_store %arg14[%parallel_loop3A_191, %parallel_loop3A_192], %parallel_loop3A_195 {strides = array<i32>} : memref<128x80xf32, #tpu.memory_space<vmem>>, vector<1x16xf32>,
          %parallel_loop3A_196 = arith.index_cast %parallel_loop3A_176 : i32 to index
          %parallel_loop3A_197 = arith.constant 0 : index
          %parallel_loop3A_198 = tpu.vector_load %arg10[%parallel_loop3A_196, %parallel_loop3A_197] {strides = array<i32>} : memref<128x80xf32, #tpu.memory_space<vmem>>, vector<1x16xf32>,
          %parallel_loop3A_199 = vector.shape_cast %parallel_loop3A_198 : vector<1x16xf32> to vector<16xf32>
          %parallel_loop3A_200 = arith.constant 0 : i32
          %parallel_loop3A_201 = vector.broadcast %parallel_loop3A_200 : i32 to vector<16x1xi32>
          %parallel_loop3A_202 = vector.shape_cast %parallel_loop3A_201 : vector<16x1xi32> to vector<16xi32>
          %parallel_loop3A_203 = tpu.dynamic_gather %parallel_loop3A_190[%parallel_loop3A_202] in [0] : vector<16xf32>, vector<16xi32> -> vector<16xf32>
          %parallel_loop3A_204 = arith.mulf %parallel_loop3A_199, %parallel_loop3A_203 : vector<16xf32>
          %parallel_loop3A_205 = arith.index_cast %parallel_loop3A_176 : i32 to index
          %parallel_loop3A_206 = arith.constant 0 : index
          %parallel_loop3A_207 = tpu.vector_load %arg14[%parallel_loop3A_205, %parallel_loop3A_206] {strides = array<i32>} : memref<128x80xf32, #tpu.memory_space<vmem>>, vector<1x16xf32>,
          %parallel_loop3A_208 = vector.shape_cast %parallel_loop3A_207 : vector<1x16xf32> to vector<16xf32>
          %parallel_loop3A_209 = vector.shape_cast %parallel_loop3A_204 : vector<16xf32> to vector<1x16xf32>
          tpu.vector_store %arg14[%parallel_loop3A_205, %parallel_loop3A_206], %parallel_loop3A_209 {strides = array<i32>} : memref<128x80xf32, #tpu.memory_space<vmem>>, vector<1x16xf32>,
          %parallel_loop3A_210 = arith.index_cast %parallel_loop3A_176 : i32 to index
          %parallel_loop3A_211 = arith.constant 16 : index
          %parallel_loop3A_212 = tpu.vector_load %arg10[%parallel_loop3A_210, %parallel_loop3A_211] {strides = array<i32>} : memref<128x80xf32, #tpu.memory_space<vmem>>, vector<1x16xf32>,
          %parallel_loop3A_213 = vector.shape_cast %parallel_loop3A_212 : vector<1x16xf32> to vector<16xf32>
          %parallel_loop3A_214 = arith.constant 1 : i32
          %parallel_loop3A_215 = vector.broadcast %parallel_loop3A_214 : i32 to vector<16x1xi32>
          %parallel_loop3A_216 = vector.shape_cast %parallel_loop3A_215 : vector<16x1xi32> to vector<16xi32>
          %parallel_loop3A_217 = tpu.dynamic_gather %parallel_loop3A_190[%parallel_loop3A_216] in [0] : vector<16xf32>, vector<16xi32> -> vector<16xf32>
          %parallel_loop3A_218 = arith.mulf %parallel_loop3A_213, %parallel_loop3A_217 : vector<16xf32>
          %parallel_loop3A_219 = arith.index_cast %parallel_loop3A_176 : i32 to index
          %parallel_loop3A_220 = arith.constant 16 : index
          %parallel_loop3A_221 = tpu.vector_load %arg14[%parallel_loop3A_219, %parallel_loop3A_220] {strides = array<i32>} : memref<128x80xf32, #tpu.memory_space<vmem>>, vector<1x16xf32>,
          %parallel_loop3A_222 = vector.shape_cast %parallel_loop3A_221 : vector<1x16xf32> to vector<16xf32>
          %parallel_loop3A_223 = vector.shape_cast %parallel_loop3A_218 : vector<16xf32> to vector<1x16xf32>
          tpu.vector_store %arg14[%parallel_loop3A_219, %parallel_loop3A_220], %parallel_loop3A_223 {strides = array<i32>} : memref<128x80xf32, #tpu.memory_space<vmem>>, vector<1x16xf32>,
          %parallel_loop3A_224 = arith.index_cast %parallel_loop3A_176 : i32 to index
          %parallel_loop3A_225 = arith.constant 32 : index
          %parallel_loop3A_226 = tpu.vector_load %arg10[%parallel_loop3A_224, %parallel_loop3A_225] {strides = array<i32>} : memref<128x80xf32, #tpu.memory_space<vmem>>, vector<1x16xf32>,
          %parallel_loop3A_227 = vector.shape_cast %parallel_loop3A_226 : vector<1x16xf32> to vector<16xf32>
          %parallel_loop3A_228 = arith.constant 2 : i32
          %parallel_loop3A_229 = vector.broadcast %parallel_loop3A_228 : i32 to vector<16x1xi32>
          %parallel_loop3A_230 = vector.shape_cast %parallel_loop3A_229 : vector<16x1xi32> to vector<16xi32>
          %parallel_loop3A_231 = tpu.dynamic_gather %parallel_loop3A_190[%parallel_loop3A_230] in [0] : vector<16xf32>, vector<16xi32> -> vector<16xf32>
          %parallel_loop3A_232 = arith.mulf %parallel_loop3A_227, %parallel_loop3A_231 : vector<16xf32>
          %parallel_loop3A_233 = arith.index_cast %parallel_loop3A_176 : i32 to index
          %parallel_loop3A_234 = arith.constant 32 : index
          %parallel_loop3A_235 = tpu.vector_load %arg14[%parallel_loop3A_233, %parallel_loop3A_234] {strides = array<i32>} : memref<128x80xf32, #tpu.memory_space<vmem>>, vector<1x16xf32>,
          %parallel_loop3A_236 = vector.shape_cast %parallel_loop3A_235 : vector<1x16xf32> to vector<16xf32>
          %parallel_loop3A_237 = vector.shape_cast %parallel_loop3A_232 : vector<16xf32> to vector<1x16xf32>
          tpu.vector_store %arg14[%parallel_loop3A_233, %parallel_loop3A_234], %parallel_loop3A_237 {strides = array<i32>} : memref<128x80xf32, #tpu.memory_space<vmem>>, vector<1x16xf32>,
          %parallel_loop3A_238 = arith.index_cast %parallel_loop3A_176 : i32 to index
          %parallel_loop3A_239 = arith.constant 48 : index
          %parallel_loop3A_240 = tpu.vector_load %arg10[%parallel_loop3A_238, %parallel_loop3A_239] {strides = array<i32>} : memref<128x80xf32, #tpu.memory_space<vmem>>, vector<1x16xf32>,
          %parallel_loop3A_241 = vector.shape_cast %parallel_loop3A_240 : vector<1x16xf32> to vector<16xf32>
          %parallel_loop3A_242 = arith.constant 3 : i32
          %parallel_loop3A_243 = vector.broadcast %parallel_loop3A_242 : i32 to vector<16x1xi32>
          %parallel_loop3A_244 = vector.shape_cast %parallel_loop3A_243 : vector<16x1xi32> to vector<16xi32>
          %parallel_loop3A_245 = tpu.dynamic_gather %parallel_loop3A_190[%parallel_loop3A_244] in [0] : vector<16xf32>, vector<16xi32> -> vector<16xf32>
          %parallel_loop3A_246 = arith.mulf %parallel_loop3A_241, %parallel_loop3A_245 : vector<16xf32>
          %parallel_loop3A_247 = arith.index_cast %parallel_loop3A_176 : i32 to index
          %parallel_loop3A_248 = arith.constant 48 : index
          %parallel_loop3A_249 = tpu.vector_load %arg14[%parallel_loop3A_247, %parallel_loop3A_248] {strides = array<i32>} : memref<128x80xf32, #tpu.memory_space<vmem>>, vector<1x16xf32>,
          %parallel_loop3A_250 = vector.shape_cast %parallel_loop3A_249 : vector<1x16xf32> to vector<16xf32>
          %parallel_loop3A_251 = vector.shape_cast %parallel_loop3A_246 : vector<16xf32> to vector<1x16xf32>
          tpu.vector_store %arg14[%parallel_loop3A_247, %parallel_loop3A_248], %parallel_loop3A_251 {strides = array<i32>} : memref<128x80xf32, #tpu.memory_space<vmem>>, vector<1x16xf32>,
        } {sc.loop_unroll_factor = 8 : i64, sc.parallel_access}
        %dma_start3A_170 = arith.constant 0 : i32
        %dma_start3A_171 = tpu.memref_slice %arg8[%add3A_129, %dma_start3A_170] : memref<81x128xi32, #tpu.memory_space<vmem>> -> memref<1x128xi32, #tpu.memory_space<vmem>>
        %dma_start3A_172 = tpu.memref_squeeze %dma_start3A_171 : memref<1x128xi32, #tpu.memory_space<vmem>> -> memref<128xi32, #tpu.memory_space<vmem>>
        %dma_start3A_173 = arith.constant 0 : i32
        %dma_start3A_174 = arith.constant 0 : i32
        %dma_start3A_175 = tpu.memref_slice %arg16[%dma_start3A_173, %dma_start3A_174] : memref<10112x80xf32, #tpu.memory_space<vmem_shared>> -> memref<10112x80xf32, #tpu.memory_space<vmem_shared>>
        tpu.enqueue_indirect_dma source(%arg14 : memref<128x80xf32, #tpu.memory_space<vmem>>) target(%dma_start3A_175 : memref<10112x80xf32, #tpu.memory_space<vmem_shared>>) offsets(%dma_start3A_172 : memref<128xi32, #tpu.memory_space<vmem>>) semaphore(%arg20 : memref<!tpu.dma_semaphore, #tpu.memory_space<semaphore_mem>>) {add = true}
      } else {
      }
    }
    %scan3A_47 = arith.constant 41 : i32
    %dma_wait3A = arith.constant 0 : i32
    %dma_wait3A_48 = arith.constant 0 : i32
    %dma_wait3A_49 = tpu.memref_slice %arg8[%dma_wait3A, %dma_wait3A_48] : memref<81x128xi32, #tpu.memory_space<vmem>> -> memref<1x128xi32, #tpu.memory_space<vmem>>
    %dma_wait3A_50 = tpu.memref_squeeze %dma_wait3A_49 : memref<1x128xi32, #tpu.memory_space<vmem>> -> memref<128xi32, #tpu.memory_space<vmem>>
    %dma_wait3A_51 = arith.constant 0 : i32
    %dma_wait3A_52 = arith.constant 0 : i32
    %dma_wait3A_53 = tpu.memref_slice %arg16[%dma_wait3A_51, %dma_wait3A_52] : memref<10112x80xf32, #tpu.memory_space<vmem_shared>> -> memref<10112x80xf32, #tpu.memory_space<vmem_shared>>
    tpu.wait_indirect_dma semaphore(%arg19 : memref<!tpu.dma_semaphore, #tpu.memory_space<semaphore_mem>>) src(%arg13 : memref<128x80xf32, #tpu.memory_space<vmem>>) dst(%dma_wait3A_53 : memref<10112x80xf32, #tpu.memory_space<vmem_shared>>)
    %dma_wait3A_54 = arith.constant 1 : i32
    %dma_wait3A_55 = arith.constant 0 : i32
    %dma_wait3A_56 = tpu.memref_slice %arg8[%dma_wait3A_54, %dma_wait3A_55] : memref<81x128xi32, #tpu.memory_space<vmem>> -> memref<1x128xi32, #tpu.memory_space<vmem>>
    %dma_wait3A_57 = tpu.memref_squeeze %dma_wait3A_56 : memref<1x128xi32, #tpu.memory_space<vmem>> -> memref<128xi32, #tpu.memory_space<vmem>>
    %dma_wait3A_58 = arith.constant 0 : i32
    %dma_wait3A_59 = arith.constant 0 : i32
    %dma_wait3A_60 = tpu.memref_slice %arg16[%dma_wait3A_58, %dma_wait3A_59] : memref<10112x80xf32, #tpu.memory_space<vmem_shared>> -> memref<10112x80xf32, #tpu.memory_space<vmem_shared>>
    tpu.wait_indirect_dma semaphore(%arg20 : memref<!tpu.dma_semaphore, #tpu.memory_space<semaphore_mem>>) src(%arg14 : memref<128x80xf32, #tpu.memory_space<vmem>>) dst(%dma_wait3A_60 : memref<10112x80xf32, #tpu.memory_space<vmem_shared>>)
    %barrier3A_61 = arith.constant 0 : index
    tpu.barrier barrier_id(%barrier3A_61)
    %run_scoped3A = arith.constant 0 : i32
    "tpu.region"() ({
      %run_scoped3A_119 = tpu.sem_alloc : memref<!tpu.dma_semaphore, #tpu.memory_space<semaphore_mem>>
      %dma_start3A_120 = arith.constant 0 : i32
      %dma_start3A_121 = arith.constant 0 : i32
      %dma_start3A_122 = arith.constant 0 : i32
      %dma_start3A_123 = tpu.memref_slice %arg6[%run_scoped3A, %dma_start3A_120, %dma_start3A_121, %dma_start3A_122] : memref<2x2x10112x80xf32, #tpu.memory_space<hbm>> -> memref<1x2x10112x80xf32, #tpu.memory_space<hbm>>
      %dma_start3A_124 = tpu.memref_squeeze %dma_start3A_123 : memref<1x2x10112x80xf32, #tpu.memory_space<hbm>> -> memref<2x10112x80xf32, #tpu.memory_space<hbm>>
      %dma_start3A_125 = arith.constant 0 : i32
      %dma_start3A_126 = arith.constant 0 : i32
      %dma_start3A_127 = tpu.memref_slice %dma_start3A_124[%arg0, %dma_start3A_125, %dma_start3A_126] : memref<2x10112x80xf32, #tpu.memory_space<hbm>> -> memref<1x10112x80xf32, #tpu.memory_space<hbm>>
      %dma_start3A_128 = tpu.memref_squeeze %dma_start3A_127 : memref<1x10112x80xf32, #tpu.memory_space<hbm>> -> memref<10112x80xf32, #tpu.memory_space<hbm>>
      %dma_start3A_129 = arith.constant 0 : i32
      %dma_start3A_130 = tpu.memref_slice %dma_start3A_128[%mul3A_3, %dma_start3A_129] : memref<10112x80xf32, #tpu.memory_space<hbm>> -> memref<632x80xf32, #tpu.memory_space<hbm>>
      %dma_start3A_131 = arith.constant 0 : i32
      %dma_start3A_132 = tpu.memref_slice %arg16[%mul3A_3, %dma_start3A_131] : memref<10112x80xf32, #tpu.memory_space<vmem_shared>> -> memref<632x80xf32, #tpu.memory_space<vmem_shared>>
      tpu.enqueue_dma source(%dma_start3A_132 : memref<632x80xf32, #tpu.memory_space<vmem_shared>>) target(%dma_start3A_130 : memref<632x80xf32, #tpu.memory_space<hbm>>) target_semaphore(%run_scoped3A_119 : memref<!tpu.dma_semaphore, #tpu.memory_space<semaphore_mem>>)
      %dma_wait3A_133 = arith.constant 0 : i32
      %dma_wait3A_134 = arith.constant 0 : i32
      %dma_wait3A_135 = arith.constant 0 : i32
      %dma_wait3A_136 = tpu.memref_slice %arg6[%run_scoped3A, %dma_wait3A_133, %dma_wait3A_134, %dma_wait3A_135] : memref<2x2x10112x80xf32, #tpu.memory_space<hbm>> -> memref<1x2x10112x80xf32, #tpu.memory_space<hbm>>
      %dma_wait3A_137 = tpu.memref_squeeze %dma_wait3A_136 : memref<1x2x10112x80xf32, #tpu.memory_space<hbm>> -> memref<2x10112x80xf32, #tpu.memory_space<hbm>>
      %dma_wait3A_138 = arith.constant 0 : i32
      %dma_wait3A_139 = arith.constant 0 : i32
      %dma_wait3A_140 = tpu.memref_slice %dma_wait3A_137[%arg0, %dma_wait3A_138, %dma_wait3A_139] : memref<2x10112x80xf32, #tpu.memory_space<hbm>> -> memref<1x10112x80xf32, #tpu.memory_space<hbm>>
      %dma_wait3A_141 = tpu.memref_squeeze %dma_wait3A_140 : memref<1x10112x80xf32, #tpu.memory_space<hbm>> -> memref<10112x80xf32, #tpu.memory_space<hbm>>
      %dma_wait3A_142 = arith.constant 0 : i32
      %dma_wait3A_143 = tpu.memref_slice %dma_wait3A_141[%mul3A_3, %dma_wait3A_142] : memref<10112x80xf32, #tpu.memory_space<hbm>> -> memref<632x80xf32, #tpu.memory_space<hbm>>
      %dma_wait3A_144 = arith.constant 0 : i32
      %dma_wait3A_145 = tpu.memref_slice %arg16[%mul3A_3, %dma_wait3A_144] : memref<10112x80xf32, #tpu.memory_space<vmem_shared>> -> memref<632x80xf32, #tpu.memory_space<vmem_shared>>
      tpu.wait_dma2 semaphore(%run_scoped3A_119 : memref<!tpu.dma_semaphore, #tpu.memory_space<semaphore_mem>>) src(%dma_wait3A_145 : memref<632x80xf32, #tpu.memory_space<vmem_shared>>) dst(%dma_wait3A_143 : memref<632x80xf32, #tpu.memory_space<hbm>>)
      tpu.yield
    }) : () -> ()
    %add3A_62 = arith.constant 0 : i32
    %add3A_63 = arith.addi %mul3A_3, %add3A_62 : i32
    "tpu.region"() ({
      %run_scoped3A_119 = tpu.sem_alloc : memref<!tpu.dma_semaphore, #tpu.memory_space<semaphore_mem>>
      %dma_start3A_120 = arith.constant 0 : i32
      %dma_start3A_121 = tpu.memref_slice %arg16[%add3A_63, %dma_start3A_120] : memref<10112x80xf32, #tpu.memory_space<vmem_shared>> -> memref<128x80xf32, #tpu.memory_space<vmem_shared>>
      %dma_start3A_122 = arith.constant 0 : i32
      %dma_start3A_123 = tpu.memref_slice %arg16[%add3A_63, %dma_start3A_122] : memref<10112x80xf32, #tpu.memory_space<vmem_shared>> -> memref<128x80xf32, #tpu.memory_space<vmem_shared>>
      tpu.enqueue_dma source(%arg15 : memref<128x80xf32, #tpu.memory_space<vmem>>) target(%dma_start3A_123 : memref<128x80xf32, #tpu.memory_space<vmem_shared>>) target_semaphore(%run_scoped3A_119 : memref<!tpu.dma_semaphore, #tpu.memory_space<semaphore_mem>>)
      %dma_wait3A_124 = arith.constant 0 : i32
      %dma_wait3A_125 = tpu.memref_slice %arg16[%add3A_63, %dma_wait3A_124] : memref<10112x80xf32, #tpu.memory_space<vmem_shared>> -> memref<128x80xf32, #tpu.memory_space<vmem_shared>>
      %dma_wait3A_126 = arith.constant 0 : i32
      %dma_wait3A_127 = tpu.memref_slice %arg16[%add3A_63, %dma_wait3A_126] : memref<10112x80xf32, #tpu.memory_space<vmem_shared>> -> memref<128x80xf32, #tpu.memory_space<vmem_shared>>
      tpu.wait_dma2 semaphore(%run_scoped3A_119 : memref<!tpu.dma_semaphore, #tpu.memory_space<semaphore_mem>>) src(%arg15 : memref<128x80xf32, #tpu.memory_space<vmem>>) dst(%dma_wait3A_127 : memref<128x80xf32, #tpu.memory_space<vmem_shared>>)
      tpu.yield
    }) : () -> ()
    %add3A_64 = arith.constant 128 : i32
    %add3A_65 = arith.addi %mul3A_3, %add3A_64 : i32
    "tpu.region"() ({
      %run_scoped3A_119 = tpu.sem_alloc : memref<!tpu.dma_semaphore, #tpu.memory_space<semaphore_mem>>
      %dma_start3A_120 = arith.constant 0 : i32
      %dma_start3A_121 = tpu.memref_slice %arg16[%add3A_65, %dma_start3A_120] : memref<10112x80xf32, #tpu.memory_space<vmem_shared>> -> memref<128x80xf32, #tpu.memory_space<vmem_shared>>
      %dma_start3A_122 = arith.constant 0 : i32
      %dma_start3A_123 = tpu.memref_slice %arg16[%add3A_65, %dma_start3A_122] : memref<10112x80xf32, #tpu.memory_space<vmem_shared>> -> memref<128x80xf32, #tpu.memory_space<vmem_shared>>
      tpu.enqueue_dma source(%arg15 : memref<128x80xf32, #tpu.memory_space<vmem>>) target(%dma_start3A_123 : memref<128x80xf32, #tpu.memory_space<vmem_shared>>) target_semaphore(%run_scoped3A_119 : memref<!tpu.dma_semaphore, #tpu.memory_space<semaphore_mem>>)
      %dma_wait3A_124 = arith.constant 0 : i32
      %dma_wait3A_125 = tpu.memref_slice %arg16[%add3A_65, %dma_wait3A_124] : memref<10112x80xf32, #tpu.memory_space<vmem_shared>> -> memref<128x80xf32, #tpu.memory_space<vmem_shared>>
      %dma_wait3A_126 = arith.constant 0 : i32
      %dma_wait3A_127 = tpu.memref_slice %arg16[%add3A_65, %dma_wait3A_126] : memref<10112x80xf32, #tpu.memory_space<vmem_shared>> -> memref<128x80xf32, #tpu.memory_space<vmem_shared>>
      tpu.wait_dma2 semaphore(%run_scoped3A_119 : memref<!tpu.dma_semaphore, #tpu.memory_space<semaphore_mem>>) src(%arg15 : memref<128x80xf32, #tpu.memory_space<vmem>>) dst(%dma_wait3A_127 : memref<128x80xf32, #tpu.memory_space<vmem_shared>>)
      tpu.yield
    }) : () -> ()
    %add3A_66 = arith.constant 256 : i32
    %add3A_67 = arith.addi %mul3A_3, %add3A_66 : i32
    "tpu.region"() ({
      %run_scoped3A_119 = tpu.sem_alloc : memref<!tpu.dma_semaphore, #tpu.memory_space<semaphore_mem>>
      %dma_start3A_120 = arith.constant 0 : i32
      %dma_start3A_121 = tpu.memref_slice %arg16[%add3A_67, %dma_start3A_120] : memref<10112x80xf32, #tpu.memory_space<vmem_shared>> -> memref<128x80xf32, #tpu.memory_space<vmem_shared>>
      %dma_start3A_122 = arith.constant 0 : i32
      %dma_start3A_123 = tpu.memref_slice %arg16[%add3A_67, %dma_start3A_122] : memref<10112x80xf32, #tpu.memory_space<vmem_shared>> -> memref<128x80xf32, #tpu.memory_space<vmem_shared>>
      tpu.enqueue_dma source(%arg15 : memref<128x80xf32, #tpu.memory_space<vmem>>) target(%dma_start3A_123 : memref<128x80xf32, #tpu.memory_space<vmem_shared>>) target_semaphore(%run_scoped3A_119 : memref<!tpu.dma_semaphore, #tpu.memory_space<semaphore_mem>>)
      %dma_wait3A_124 = arith.constant 0 : i32
      %dma_wait3A_125 = tpu.memref_slice %arg16[%add3A_67, %dma_wait3A_124] : memref<10112x80xf32, #tpu.memory_space<vmem_shared>> -> memref<128x80xf32, #tpu.memory_space<vmem_shared>>
      %dma_wait3A_126 = arith.constant 0 : i32
      %dma_wait3A_127 = tpu.memref_slice %arg16[%add3A_67, %dma_wait3A_126] : memref<10112x80xf32, #tpu.memory_space<vmem_shared>> -> memref<128x80xf32, #tpu.memory_space<vmem_shared>>
      tpu.wait_dma2 semaphore(%run_scoped3A_119 : memref<!tpu.dma_semaphore, #tpu.memory_space<semaphore_mem>>) src(%arg15 : memref<128x80xf32, #tpu.memory_space<vmem>>) dst(%dma_wait3A_127 : memref<128x80xf32, #tpu.memory_space<vmem_shared>>)
      tpu.yield
    }) : () -> ()
    %add3A_68 = arith.constant 384 : i32
    %add3A_69 = arith.addi %mul3A_3, %add3A_68 : i32
    "tpu.region"() ({
      %run_scoped3A_119 = tpu.sem_alloc : memref<!tpu.dma_semaphore, #tpu.memory_space<semaphore_mem>>
      %dma_start3A_120 = arith.constant 0 : i32
      %dma_start3A_121 = tpu.memref_slice %arg16[%add3A_69, %dma_start3A_120] : memref<10112x80xf32, #tpu.memory_space<vmem_shared>> -> memref<128x80xf32, #tpu.memory_space<vmem_shared>>
      %dma_start3A_122 = arith.constant 0 : i32
      %dma_start3A_123 = tpu.memref_slice %arg16[%add3A_69, %dma_start3A_122] : memref<10112x80xf32, #tpu.memory_space<vmem_shared>> -> memref<128x80xf32, #tpu.memory_space<vmem_shared>>
      tpu.enqueue_dma source(%arg15 : memref<128x80xf32, #tpu.memory_space<vmem>>) target(%dma_start3A_123 : memref<128x80xf32, #tpu.memory_space<vmem_shared>>) target_semaphore(%run_scoped3A_119 : memref<!tpu.dma_semaphore, #tpu.memory_space<semaphore_mem>>)
      %dma_wait3A_124 = arith.constant 0 : i32
      %dma_wait3A_125 = tpu.memref_slice %arg16[%add3A_69, %dma_wait3A_124] : memref<10112x80xf32, #tpu.memory_space<vmem_shared>> -> memref<128x80xf32, #tpu.memory_space<vmem_shared>>
      %dma_wait3A_126 = arith.constant 0 : i32
      %dma_wait3A_127 = tpu.memref_slice %arg16[%add3A_69, %dma_wait3A_126] : memref<10112x80xf32, #tpu.memory_space<vmem_shared>> -> memref<128x80xf32, #tpu.memory_space<vmem_shared>>
      tpu.wait_dma2 semaphore(%run_scoped3A_119 : memref<!tpu.dma_semaphore, #tpu.memory_space<semaphore_mem>>) src(%arg15 : memref<128x80xf32, #tpu.memory_space<vmem>>) dst(%dma_wait3A_127 : memref<128x80xf32, #tpu.memory_space<vmem_shared>>)
      tpu.yield
    }) : () -> ()
    %add3A_70 = arith.constant 512 : i32
    %add3A_71 = arith.addi %mul3A_3, %add3A_70 : i32
    "tpu.region"() ({
      %run_scoped3A_119 = tpu.sem_alloc : memref<!tpu.dma_semaphore, #tpu.memory_space<semaphore_mem>>
      %dma_start3A_120 = arith.constant 0 : i32
      %dma_start3A_121 = arith.constant 0 : i32
      %dma_start3A_122 = tpu.memref_slice %arg15[%dma_start3A_120, %dma_start3A_121] : memref<128x80xf32, #tpu.memory_space<vmem>> -> memref<120x80xf32, #tpu.memory_space<vmem>>
      %dma_start3A_123 = arith.constant 0 : i32
      %dma_start3A_124 = tpu.memref_slice %arg16[%add3A_71, %dma_start3A_123] : memref<10112x80xf32, #tpu.memory_space<vmem_shared>> -> memref<120x80xf32, #tpu.memory_space<vmem_shared>>
      %dma_start3A_125 = arith.constant 0 : i32
      %dma_start3A_126 = tpu.memref_slice %arg16[%add3A_71, %dma_start3A_125] : memref<10112x80xf32, #tpu.memory_space<vmem_shared>> -> memref<120x80xf32, #tpu.memory_space<vmem_shared>>
      %dma_start3A_127 = arith.constant 0 : i32
      %dma_start3A_128 = arith.constant 0 : i32
      %dma_start3A_129 = tpu.memref_slice %arg15[%dma_start3A_127, %dma_start3A_128] : memref<128x80xf32, #tpu.memory_space<vmem>> -> memref<120x80xf32, #tpu.memory_space<vmem>>
      tpu.enqueue_dma source(%dma_start3A_129 : memref<120x80xf32, #tpu.memory_space<vmem>>) target(%dma_start3A_126 : memref<120x80xf32, #tpu.memory_space<vmem_shared>>) target_semaphore(%run_scoped3A_119 : memref<!tpu.dma_semaphore, #tpu.memory_space<semaphore_mem>>)
      %dma_wait3A_130 = arith.constant 0 : i32
      %dma_wait3A_131 = arith.constant 0 : i32
      %dma_wait3A_132 = tpu.memref_slice %arg15[%dma_wait3A_130, %dma_wait3A_131] : memref<128x80xf32, #tpu.memory_space<vmem>> -> memref<120x80xf32, #tpu.memory_space<vmem>>
      %dma_wait3A_133 = arith.constant 0 : i32
      %dma_wait3A_134 = tpu.memref_slice %arg16[%add3A_71, %dma_wait3A_133] : memref<10112x80xf32, #tpu.memory_space<vmem_shared>> -> memref<120x80xf32, #tpu.memory_space<vmem_shared>>
      %dma_wait3A_135 = arith.constant 0 : i32
      %dma_wait3A_136 = tpu.memref_slice %arg16[%add3A_71, %dma_wait3A_135] : memref<10112x80xf32, #tpu.memory_space<vmem_shared>> -> memref<120x80xf32, #tpu.memory_space<vmem_shared>>
      %dma_wait3A_137 = arith.constant 0 : i32
      %dma_wait3A_138 = arith.constant 0 : i32
      %dma_wait3A_139 = tpu.memref_slice %arg15[%dma_wait3A_137, %dma_wait3A_138] : memref<128x80xf32, #tpu.memory_space<vmem>> -> memref<120x80xf32, #tpu.memory_space<vmem>>
      tpu.wait_dma2 semaphore(%run_scoped3A_119 : memref<!tpu.dma_semaphore, #tpu.memory_space<semaphore_mem>>) src(%dma_wait3A_139 : memref<120x80xf32, #tpu.memory_space<vmem>>) dst(%dma_wait3A_136 : memref<120x80xf32, #tpu.memory_space<vmem_shared>>)
      tpu.yield
    }) : () -> ()
    %barrier3A_72 = arith.constant 0 : index
    tpu.barrier barrier_id(%barrier3A_72)
    %dma_start3A_73 = arith.constant 1 : i32
    %dma_start3A_74 = arith.constant 0 : i32
    %dma_start3A_75 = arith.constant 0 : i32
    %dma_start3A_76 = tpu.memref_slice %arg7[%dma_start3A_74, %dma_start3A_75] : memref<81x128xi32, #tpu.memory_space<vmem>> -> memref<1x128xi32, #tpu.memory_space<vmem>>
    %dma_start3A_77 = tpu.memref_squeeze %dma_start3A_76 : memref<1x128xi32, #tpu.memory_space<vmem>> -> memref<128xi32, #tpu.memory_space<vmem>>
    %dma_start3A_78 = arith.constant 0 : i32
    %dma_start3A_79 = arith.constant 0 : i32
    %dma_start3A_80 = tpu.memref_slice %arg4[%dma_start3A_73, %dma_start3A_78, %dma_start3A_79] : memref<2x10000x80xf32, #tpu.memory_space<hbm>> -> memref<1x10000x80xf32, #tpu.memory_space<hbm>>
    %dma_start3A_81 = tpu.memref_squeeze %dma_start3A_80 : memref<1x10000x80xf32, #tpu.memory_space<hbm>> -> memref<10000x80xf32, #tpu.memory_space<hbm>>
    %dma_start3A_82 = arith.constant 0 : i32
    %dma_start3A_83 = arith.constant 0 : i32
    %dma_start3A_84 = tpu.memref_slice %dma_start3A_81[%dma_start3A_82, %dma_start3A_83] : memref<10000x80xf32, #tpu.memory_space<hbm>> -> memref<10000x80xf32, #tpu.memory_space<hbm>>
    tpu.enqueue_indirect_dma source(%dma_start3A_84 : memref<10000x80xf32, #tpu.memory_space<hbm>>) target(%arg9 : memref<128x80xf32, #tpu.memory_space<vmem>>) offsets(%dma_start3A_77 : memref<128xi32, #tpu.memory_space<vmem>>) semaphore(%arg17 : memref<!tpu.dma_semaphore, #tpu.memory_space<semaphore_mem>>)
    %dma_start3A_85 = arith.constant 1 : i32
    %dma_start3A_86 = arith.constant 0 : i32
    %dma_start3A_87 = arith.constant 0 : i32
    %dma_start3A_88 = tpu.memref_slice %arg8[%dma_start3A_86, %dma_start3A_87] : memref<81x128xi32, #tpu.memory_space<vmem>> -> memref<1x128xi32, #tpu.memory_space<vmem>>
    %dma_start3A_89 = tpu.memref_squeeze %dma_start3A_88 : memref<1x128xi32, #tpu.memory_space<vmem>> -> memref<128xi32, #tpu.memory_space<vmem>>
    %dma_start3A_90 = arith.constant 0 : i32
    %dma_start3A_91 = arith.constant 0 : i32
    %dma_start3A_92 = tpu.memref_slice %arg5[%dma_start3A_85, %dma_start3A_90, %dma_start3A_91] : memref<2x10112x16xf32, #tpu.memory_space<hbm>> -> memref<1x10112x16xf32, #tpu.memory_space<hbm>>
    %dma_start3A_93 = tpu.memref_squeeze %dma_start3A_92 : memref<1x10112x16xf32, #tpu.memory_space<hbm>> -> memref<10112x16xf32, #tpu.memory_space<hbm>>
    %dma_start3A_94 = arith.constant 0 : i32
    %dma_start3A_95 = arith.constant 0 : i32
    %dma_start3A_96 = tpu.memref_slice %dma_start3A_93[%dma_start3A_94, %dma_start3A_95] : memref<10112x16xf32, #tpu.memory_space<hbm>> -> memref<10112x16xf32, #tpu.memory_space<hbm>>
    tpu.enqueue_indirect_dma source(%dma_start3A_96 : memref<10112x16xf32, #tpu.memory_space<hbm>>) target(%arg11 : memref<128x16xf32, #tpu.memory_space<vmem>>) offsets(%dma_start3A_89 : memref<128xi32, #tpu.memory_space<vmem>>) semaphore(%arg17 : memref<!tpu.dma_semaphore, #tpu.memory_space<semaphore_mem>>)
    %scan3A_97 = arith.constant 0 : i32
    %scan3A_98 = arith.constant 0 : i32
    %scan3A_99 = arith.constant 41 : i32
    %scan3A_100 = arith.addi %scan3A_98, %scan3A_99 : i32
    %scan3A_101 = arith.constant 1 : i32
    scf.for %scan3A_119 = %scan3A_98 to %scan3A_100 step %scan3A_101  : i32 {
      %mul3A_120 = arith.constant 2 : i32
      %mul3A_121 = arith.muli %mul3A_120, %scan3A_119 : i32
      %add3A_122 = arith.constant 0 : i32
      %add3A_123 = arith.addi %mul3A_121, %add3A_122 : i32
      %lt3A = arith.constant 81 : i32
      %lt3A_124 = arith.cmpi slt, %add3A_123, %lt3A : i32
      %convert_element_type3A = arith.extui %lt3A_124 : i1 to i32
      %cond3A = arith.constant 0 : i32
      %cond3A_125 = arith.cmpi ne, %convert_element_type3A, %cond3A : i32
      scf.if %cond3A_125 {
        %dma_wait3A_135 = arith.constant 1 : i32
        %dma_wait3A_136 = arith.constant 0 : i32
        %dma_wait3A_137 = tpu.memref_slice %arg7[%add3A_123, %dma_wait3A_136] : memref<81x128xi32, #tpu.memory_space<vmem>> -> memref<1x128xi32, #tpu.memory_space<vmem>>
        %dma_wait3A_138 = tpu.memref_squeeze %dma_wait3A_137 : memref<1x128xi32, #tpu.memory_space<vmem>> -> memref<128xi32, #tpu.memory_space<vmem>>
        %dma_wait3A_139 = arith.constant 0 : i32
        %dma_wait3A_140 = arith.constant 0 : i32
        %dma_wait3A_141 = tpu.memref_slice %arg4[%dma_wait3A_135, %dma_wait3A_139, %dma_wait3A_140] : memref<2x10000x80xf32, #tpu.memory_space<hbm>> -> memref<1x10000x80xf32, #tpu.memory_space<hbm>>
        %dma_wait3A_142 = tpu.memref_squeeze %dma_wait3A_141 : memref<1x10000x80xf32, #tpu.memory_space<hbm>> -> memref<10000x80xf32, #tpu.memory_space<hbm>>
        %dma_wait3A_143 = arith.constant 0 : i32
        %dma_wait3A_144 = arith.constant 0 : i32
        %dma_wait3A_145 = tpu.memref_slice %dma_wait3A_142[%dma_wait3A_143, %dma_wait3A_144] : memref<10000x80xf32, #tpu.memory_space<hbm>> -> memref<10000x80xf32, #tpu.memory_space<hbm>>
        tpu.wait_indirect_dma semaphore(%arg17 : memref<!tpu.dma_semaphore, #tpu.memory_space<semaphore_mem>>) src(%dma_wait3A_145 : memref<10000x80xf32, #tpu.memory_space<hbm>>) dst(%arg9 : memref<128x80xf32, #tpu.memory_space<vmem>>)
        %dma_wait3A_146 = arith.constant 1 : i32
        %dma_wait3A_147 = arith.constant 0 : i32
        %dma_wait3A_148 = tpu.memref_slice %arg8[%add3A_123, %dma_wait3A_147] : memref<81x128xi32, #tpu.memory_space<vmem>> -> memref<1x128xi32, #tpu.memory_space<vmem>>
        %dma_wait3A_149 = tpu.memref_squeeze %dma_wait3A_148 : memref<1x128xi32, #tpu.memory_space<vmem>> -> memref<128xi32, #tpu.memory_space<vmem>>
        %dma_wait3A_150 = arith.constant 0 : i32
        %dma_wait3A_151 = arith.constant 0 : i32
        %dma_wait3A_152 = tpu.memref_slice %arg5[%dma_wait3A_146, %dma_wait3A_150, %dma_wait3A_151] : memref<2x10112x16xf32, #tpu.memory_space<hbm>> -> memref<1x10112x16xf32, #tpu.memory_space<hbm>>
        %dma_wait3A_153 = tpu.memref_squeeze %dma_wait3A_152 : memref<1x10112x16xf32, #tpu.memory_space<hbm>> -> memref<10112x16xf32, #tpu.memory_space<hbm>>
        %dma_wait3A_154 = arith.constant 0 : i32
        %dma_wait3A_155 = arith.constant 0 : i32
        %dma_wait3A_156 = tpu.memref_slice %dma_wait3A_153[%dma_wait3A_154, %dma_wait3A_155] : memref<10112x16xf32, #tpu.memory_space<hbm>> -> memref<10112x16xf32, #tpu.memory_space<hbm>>
        tpu.wait_indirect_dma semaphore(%arg17 : memref<!tpu.dma_semaphore, #tpu.memory_space<semaphore_mem>>) src(%dma_wait3A_156 : memref<10112x16xf32, #tpu.memory_space<hbm>>) dst(%arg11 : memref<128x16xf32, #tpu.memory_space<vmem>>)
        %add3A_157 = arith.constant 1 : i32
        %add3A_158 = arith.addi %add3A_123, %add3A_157 : i32
        %lt3A_159 = arith.constant 81 : i32
        %lt3A_160 = arith.cmpi slt, %add3A_158, %lt3A_159 : i32
        %convert_element_type3A_161 = arith.extui %lt3A_160 : i1 to i32
        %cond3A_162 = arith.constant 0 : i32
        %cond3A_163 = arith.cmpi ne, %convert_element_type3A_161, %cond3A_162 : i32
        scf.if %cond3A_163 {
          %add3A_176 = arith.constant 1 : i32
          %add3A_177 = arith.addi %add3A_123, %add3A_176 : i32
          %dma_start3A_178 = arith.constant 1 : i32
          %dma_start3A_179 = arith.constant 0 : i32
          %dma_start3A_180 = tpu.memref_slice %arg7[%add3A_177, %dma_start3A_179] : memref<81x128xi32, #tpu.memory_space<vmem>> -> memref<1x128xi32, #tpu.memory_space<vmem>>
          %dma_start3A_181 = tpu.memref_squeeze %dma_start3A_180 : memref<1x128xi32, #tpu.memory_space<vmem>> -> memref<128xi32, #tpu.memory_space<vmem>>
          %dma_start3A_182 = arith.constant 0 : i32
          %dma_start3A_183 = arith.constant 0 : i32
          %dma_start3A_184 = tpu.memref_slice %arg4[%dma_start3A_178, %dma_start3A_182, %dma_start3A_183] : memref<2x10000x80xf32, #tpu.memory_space<hbm>> -> memref<1x10000x80xf32, #tpu.memory_space<hbm>>
          %dma_start3A_185 = tpu.memref_squeeze %dma_start3A_184 : memref<1x10000x80xf32, #tpu.memory_space<hbm>> -> memref<10000x80xf32, #tpu.memory_space<hbm>>
          %dma_start3A_186 = arith.constant 0 : i32
          %dma_start3A_187 = arith.constant 0 : i32
          %dma_start3A_188 = tpu.memref_slice %dma_start3A_185[%dma_start3A_186, %dma_start3A_187] : memref<10000x80xf32, #tpu.memory_space<hbm>> -> memref<10000x80xf32, #tpu.memory_space<hbm>>
          tpu.enqueue_indirect_dma source(%dma_start3A_188 : memref<10000x80xf32, #tpu.memory_space<hbm>>) target(%arg10 : memref<128x80xf32, #tpu.memory_space<vmem>>) offsets(%dma_start3A_181 : memref<128xi32, #tpu.memory_space<vmem>>) semaphore(%arg18 : memref<!tpu.dma_semaphore, #tpu.memory_space<semaphore_mem>>)
          %dma_start3A_189 = arith.constant 1 : i32
          %dma_start3A_190 = arith.constant 0 : i32
          %dma_start3A_191 = tpu.memref_slice %arg8[%add3A_177, %dma_start3A_190] : memref<81x128xi32, #tpu.memory_space<vmem>> -> memref<1x128xi32, #tpu.memory_space<vmem>>
          %dma_start3A_192 = tpu.memref_squeeze %dma_start3A_191 : memref<1x128xi32, #tpu.memory_space<vmem>> -> memref<128xi32, #tpu.memory_space<vmem>>
          %dma_start3A_193 = arith.constant 0 : i32
          %dma_start3A_194 = arith.constant 0 : i32
          %dma_start3A_195 = tpu.memref_slice %arg5[%dma_start3A_189, %dma_start3A_193, %dma_start3A_194] : memref<2x10112x16xf32, #tpu.memory_space<hbm>> -> memref<1x10112x16xf32, #tpu.memory_space<hbm>>
          %dma_start3A_196 = tpu.memref_squeeze %dma_start3A_195 : memref<1x10112x16xf32, #tpu.memory_space<hbm>> -> memref<10112x16xf32, #tpu.memory_space<hbm>>
          %dma_start3A_197 = arith.constant 0 : i32
          %dma_start3A_198 = arith.constant 0 : i32
          %dma_start3A_199 = tpu.memref_slice %dma_start3A_196[%dma_start3A_197, %dma_start3A_198] : memref<10112x16xf32, #tpu.memory_space<hbm>> -> memref<10112x16xf32, #tpu.memory_space<hbm>>
          tpu.enqueue_indirect_dma source(%dma_start3A_199 : memref<10112x16xf32, #tpu.memory_space<hbm>>) target(%arg12 : memref<128x16xf32, #tpu.memory_space<vmem>>) offsets(%dma_start3A_192 : memref<128xi32, #tpu.memory_space<vmem>>) semaphore(%arg18 : memref<!tpu.dma_semaphore, #tpu.memory_space<semaphore_mem>>)
        } else {
        }
        %ge3A = arith.constant 2 : i32
        %ge3A_164 = arith.cmpi sge, %add3A_123, %ge3A : i32
        %convert_element_type3A_165 = arith.extui %ge3A_164 : i1 to i32
        %cond3A_166 = arith.constant 0 : i32
        %cond3A_167 = arith.cmpi ne, %convert_element_type3A_165, %cond3A_166 : i32
        scf.if %cond3A_167 {
          %dma_wait3A_176 = arith.constant 0 : i32
          %dma_wait3A_177 = tpu.memref_slice %arg8[%add3A_123, %dma_wait3A_176] : memref<81x128xi32, #tpu.memory_space<vmem>> -> memref<1x128xi32, #tpu.memory_space<vmem>>
          %dma_wait3A_178 = tpu.memref_squeeze %dma_wait3A_177 : memref<1x128xi32, #tpu.memory_space<vmem>> -> memref<128xi32, #tpu.memory_space<vmem>>
          %dma_wait3A_179 = arith.constant 0 : i32
          %dma_wait3A_180 = arith.constant 0 : i32
          %dma_wait3A_181 = tpu.memref_slice %arg16[%dma_wait3A_179, %dma_wait3A_180] : memref<10112x80xf32, #tpu.memory_space<vmem_shared>> -> memref<10112x80xf32, #tpu.memory_space<vmem_shared>>
          tpu.wait_indirect_dma semaphore(%arg19 : memref<!tpu.dma_semaphore, #tpu.memory_space<semaphore_mem>>) src(%arg13 : memref<128x80xf32, #tpu.memory_space<vmem>>) dst(%dma_wait3A_181 : memref<10112x80xf32, #tpu.memory_space<vmem_shared>>)
        } else {
        }
        %parallel_loop3A = arith.constant 0 : i32
        %parallel_loop3A_168 = arith.constant 128 : i32
        %parallel_loop3A_169 = arith.constant 1 : i32
        scf.for %parallel_loop3A_176 = %parallel_loop3A to %parallel_loop3A_168 step %parallel_loop3A_169  : i32 {
          %parallel_loop3A_177 = arith.index_cast %parallel_loop3A_176 : i32 to index
          %parallel_loop3A_178 = arith.constant 64 : index
          %parallel_loop3A_179 = tpu.vector_load %arg9[%parallel_loop3A_177, %parallel_loop3A_178] {strides = array<i32>} : memref<128x80xf32, #tpu.memory_space<vmem>>, vector<1x16xf32>,
          %parallel_loop3A_180 = vector.shape_cast %parallel_loop3A_179 : vector<1x16xf32> to vector<16xf32>
          %parallel_loop3A_181 = arith.index_cast %parallel_loop3A_176 : i32 to index
          %parallel_loop3A_182 = arith.constant 0 : index
          %parallel_loop3A_183 = tpu.vector_load %arg11[%parallel_loop3A_181, %parallel_loop3A_182] {strides = array<i32>} : memref<128x16xf32, #tpu.memory_space<vmem>>, vector<1x16xf32>,
          %parallel_loop3A_184 = vector.shape_cast %parallel_loop3A_183 : vector<1x16xf32> to vector<16xf32>
          %parallel_loop3A_185 = arith.addf %parallel_loop3A_180, %parallel_loop3A_184 : vector<16xf32>
          %parallel_loop3A_186 = arith.constant 2.000000e-01 : f32
          %parallel_loop3A_187 = vector.broadcast %parallel_loop3A_186 : f32 to vector<16xf32>
          %parallel_loop3A_188 = arith.mulf %parallel_loop3A_187, %parallel_loop3A_185 : vector<16xf32>
          %parallel_loop3A_189 = arith.maximumf %parallel_loop3A_185, %parallel_loop3A_188 : vector<16xf32>
          %parallel_loop3A_190 = math.exp %parallel_loop3A_189 : vector<16xf32>
          %parallel_loop3A_191 = arith.index_cast %parallel_loop3A_176 : i32 to index
          %parallel_loop3A_192 = arith.constant 64 : index
          %parallel_loop3A_193 = tpu.vector_load %arg13[%parallel_loop3A_191, %parallel_loop3A_192] {strides = array<i32>} : memref<128x80xf32, #tpu.memory_space<vmem>>, vector<1x16xf32>,
          %parallel_loop3A_194 = vector.shape_cast %parallel_loop3A_193 : vector<1x16xf32> to vector<16xf32>
          %parallel_loop3A_195 = vector.shape_cast %parallel_loop3A_190 : vector<16xf32> to vector<1x16xf32>
          tpu.vector_store %arg13[%parallel_loop3A_191, %parallel_loop3A_192], %parallel_loop3A_195 {strides = array<i32>} : memref<128x80xf32, #tpu.memory_space<vmem>>, vector<1x16xf32>,
          %parallel_loop3A_196 = arith.index_cast %parallel_loop3A_176 : i32 to index
          %parallel_loop3A_197 = arith.constant 0 : index
          %parallel_loop3A_198 = tpu.vector_load %arg9[%parallel_loop3A_196, %parallel_loop3A_197] {strides = array<i32>} : memref<128x80xf32, #tpu.memory_space<vmem>>, vector<1x16xf32>,
          %parallel_loop3A_199 = vector.shape_cast %parallel_loop3A_198 : vector<1x16xf32> to vector<16xf32>
          %parallel_loop3A_200 = arith.constant 0 : i32
          %parallel_loop3A_201 = vector.broadcast %parallel_loop3A_200 : i32 to vector<16x1xi32>
          %parallel_loop3A_202 = vector.shape_cast %parallel_loop3A_201 : vector<16x1xi32> to vector<16xi32>
          %parallel_loop3A_203 = tpu.dynamic_gather %parallel_loop3A_190[%parallel_loop3A_202] in [0] : vector<16xf32>, vector<16xi32> -> vector<16xf32>
          %parallel_loop3A_204 = arith.mulf %parallel_loop3A_199, %parallel_loop3A_203 : vector<16xf32>
          %parallel_loop3A_205 = arith.index_cast %parallel_loop3A_176 : i32 to index
          %parallel_loop3A_206 = arith.constant 0 : index
          %parallel_loop3A_207 = tpu.vector_load %arg13[%parallel_loop3A_205, %parallel_loop3A_206] {strides = array<i32>} : memref<128x80xf32, #tpu.memory_space<vmem>>, vector<1x16xf32>,
          %parallel_loop3A_208 = vector.shape_cast %parallel_loop3A_207 : vector<1x16xf32> to vector<16xf32>
          %parallel_loop3A_209 = vector.shape_cast %parallel_loop3A_204 : vector<16xf32> to vector<1x16xf32>
          tpu.vector_store %arg13[%parallel_loop3A_205, %parallel_loop3A_206], %parallel_loop3A_209 {strides = array<i32>} : memref<128x80xf32, #tpu.memory_space<vmem>>, vector<1x16xf32>,
          %parallel_loop3A_210 = arith.index_cast %parallel_loop3A_176 : i32 to index
          %parallel_loop3A_211 = arith.constant 16 : index
          %parallel_loop3A_212 = tpu.vector_load %arg9[%parallel_loop3A_210, %parallel_loop3A_211] {strides = array<i32>} : memref<128x80xf32, #tpu.memory_space<vmem>>, vector<1x16xf32>,
          %parallel_loop3A_213 = vector.shape_cast %parallel_loop3A_212 : vector<1x16xf32> to vector<16xf32>
          %parallel_loop3A_214 = arith.constant 1 : i32
          %parallel_loop3A_215 = vector.broadcast %parallel_loop3A_214 : i32 to vector<16x1xi32>
          %parallel_loop3A_216 = vector.shape_cast %parallel_loop3A_215 : vector<16x1xi32> to vector<16xi32>
          %parallel_loop3A_217 = tpu.dynamic_gather %parallel_loop3A_190[%parallel_loop3A_216] in [0] : vector<16xf32>, vector<16xi32> -> vector<16xf32>
          %parallel_loop3A_218 = arith.mulf %parallel_loop3A_213, %parallel_loop3A_217 : vector<16xf32>
          %parallel_loop3A_219 = arith.index_cast %parallel_loop3A_176 : i32 to index
          %parallel_loop3A_220 = arith.constant 16 : index
          %parallel_loop3A_221 = tpu.vector_load %arg13[%parallel_loop3A_219, %parallel_loop3A_220] {strides = array<i32>} : memref<128x80xf32, #tpu.memory_space<vmem>>, vector<1x16xf32>,
          %parallel_loop3A_222 = vector.shape_cast %parallel_loop3A_221 : vector<1x16xf32> to vector<16xf32>
          %parallel_loop3A_223 = vector.shape_cast %parallel_loop3A_218 : vector<16xf32> to vector<1x16xf32>
          tpu.vector_store %arg13[%parallel_loop3A_219, %parallel_loop3A_220], %parallel_loop3A_223 {strides = array<i32>} : memref<128x80xf32, #tpu.memory_space<vmem>>, vector<1x16xf32>,
          %parallel_loop3A_224 = arith.index_cast %parallel_loop3A_176 : i32 to index
          %parallel_loop3A_225 = arith.constant 32 : index
          %parallel_loop3A_226 = tpu.vector_load %arg9[%parallel_loop3A_224, %parallel_loop3A_225] {strides = array<i32>} : memref<128x80xf32, #tpu.memory_space<vmem>>, vector<1x16xf32>,
          %parallel_loop3A_227 = vector.shape_cast %parallel_loop3A_226 : vector<1x16xf32> to vector<16xf32>
          %parallel_loop3A_228 = arith.constant 2 : i32
          %parallel_loop3A_229 = vector.broadcast %parallel_loop3A_228 : i32 to vector<16x1xi32>
          %parallel_loop3A_230 = vector.shape_cast %parallel_loop3A_229 : vector<16x1xi32> to vector<16xi32>
          %parallel_loop3A_231 = tpu.dynamic_gather %parallel_loop3A_190[%parallel_loop3A_230] in [0] : vector<16xf32>, vector<16xi32> -> vector<16xf32>
          %parallel_loop3A_232 = arith.mulf %parallel_loop3A_227, %parallel_loop3A_231 : vector<16xf32>
          %parallel_loop3A_233 = arith.index_cast %parallel_loop3A_176 : i32 to index
          %parallel_loop3A_234 = arith.constant 32 : index
          %parallel_loop3A_235 = tpu.vector_load %arg13[%parallel_loop3A_233, %parallel_loop3A_234] {strides = array<i32>} : memref<128x80xf32, #tpu.memory_space<vmem>>, vector<1x16xf32>,
          %parallel_loop3A_236 = vector.shape_cast %parallel_loop3A_235 : vector<1x16xf32> to vector<16xf32>
          %parallel_loop3A_237 = vector.shape_cast %parallel_loop3A_232 : vector<16xf32> to vector<1x16xf32>
          tpu.vector_store %arg13[%parallel_loop3A_233, %parallel_loop3A_234], %parallel_loop3A_237 {strides = array<i32>} : memref<128x80xf32, #tpu.memory_space<vmem>>, vector<1x16xf32>,
          %parallel_loop3A_238 = arith.index_cast %parallel_loop3A_176 : i32 to index
          %parallel_loop3A_239 = arith.constant 48 : index
          %parallel_loop3A_240 = tpu.vector_load %arg9[%parallel_loop3A_238, %parallel_loop3A_239] {strides = array<i32>} : memref<128x80xf32, #tpu.memory_space<vmem>>, vector<1x16xf32>,
          %parallel_loop3A_241 = vector.shape_cast %parallel_loop3A_240 : vector<1x16xf32> to vector<16xf32>
          %parallel_loop3A_242 = arith.constant 3 : i32
          %parallel_loop3A_243 = vector.broadcast %parallel_loop3A_242 : i32 to vector<16x1xi32>
          %parallel_loop3A_244 = vector.shape_cast %parallel_loop3A_243 : vector<16x1xi32> to vector<16xi32>
          %parallel_loop3A_245 = tpu.dynamic_gather %parallel_loop3A_190[%parallel_loop3A_244] in [0] : vector<16xf32>, vector<16xi32> -> vector<16xf32>
          %parallel_loop3A_246 = arith.mulf %parallel_loop3A_241, %parallel_loop3A_245 : vector<16xf32>
          %parallel_loop3A_247 = arith.index_cast %parallel_loop3A_176 : i32 to index
          %parallel_loop3A_248 = arith.constant 48 : index
          %parallel_loop3A_249 = tpu.vector_load %arg13[%parallel_loop3A_247, %parallel_loop3A_248] {strides = array<i32>} : memref<128x80xf32, #tpu.memory_space<vmem>>, vector<1x16xf32>,
          %parallel_loop3A_250 = vector.shape_cast %parallel_loop3A_249 : vector<1x16xf32> to vector<16xf32>
          %parallel_loop3A_251 = vector.shape_cast %parallel_loop3A_246 : vector<16xf32> to vector<1x16xf32>
          tpu.vector_store %arg13[%parallel_loop3A_247, %parallel_loop3A_248], %parallel_loop3A_251 {strides = array<i32>} : memref<128x80xf32, #tpu.memory_space<vmem>>, vector<1x16xf32>,
        } {sc.loop_unroll_factor = 8 : i64, sc.parallel_access}
        %dma_start3A_170 = arith.constant 0 : i32
        %dma_start3A_171 = tpu.memref_slice %arg8[%add3A_123, %dma_start3A_170] : memref<81x128xi32, #tpu.memory_space<vmem>> -> memref<1x128xi32, #tpu.memory_space<vmem>>
        %dma_start3A_172 = tpu.memref_squeeze %dma_start3A_171 : memref<1x128xi32, #tpu.memory_space<vmem>> -> memref<128xi32, #tpu.memory_space<vmem>>
        %dma_start3A_173 = arith.constant 0 : i32
        %dma_start3A_174 = arith.constant 0 : i32
        %dma_start3A_175 = tpu.memref_slice %arg16[%dma_start3A_173, %dma_start3A_174] : memref<10112x80xf32, #tpu.memory_space<vmem_shared>> -> memref<10112x80xf32, #tpu.memory_space<vmem_shared>>
        tpu.enqueue_indirect_dma source(%arg13 : memref<128x80xf32, #tpu.memory_space<vmem>>) target(%dma_start3A_175 : memref<10112x80xf32, #tpu.memory_space<vmem_shared>>) offsets(%dma_start3A_172 : memref<128xi32, #tpu.memory_space<vmem>>) semaphore(%arg19 : memref<!tpu.dma_semaphore, #tpu.memory_space<semaphore_mem>>) {add = true}
      } else {
      }
      %mul3A_126 = arith.constant 2 : i32
      %mul3A_127 = arith.muli %mul3A_126, %scan3A_119 : i32
      %add3A_128 = arith.constant 1 : i32
      %add3A_129 = arith.addi %mul3A_127, %add3A_128 : i32
      %lt3A_130 = arith.constant 81 : i32
      %lt3A_131 = arith.cmpi slt, %add3A_129, %lt3A_130 : i32
      %convert_element_type3A_132 = arith.extui %lt3A_131 : i1 to i32
      %cond3A_133 = arith.constant 0 : i32
      %cond3A_134 = arith.cmpi ne, %convert_element_type3A_132, %cond3A_133 : i32
      scf.if %cond3A_134 {
        %dma_wait3A_135 = arith.constant 1 : i32
        %dma_wait3A_136 = arith.constant 0 : i32
        %dma_wait3A_137 = tpu.memref_slice %arg7[%add3A_129, %dma_wait3A_136] : memref<81x128xi32, #tpu.memory_space<vmem>> -> memref<1x128xi32, #tpu.memory_space<vmem>>
        %dma_wait3A_138 = tpu.memref_squeeze %dma_wait3A_137 : memref<1x128xi32, #tpu.memory_space<vmem>> -> memref<128xi32, #tpu.memory_space<vmem>>
        %dma_wait3A_139 = arith.constant 0 : i32
        %dma_wait3A_140 = arith.constant 0 : i32
        %dma_wait3A_141 = tpu.memref_slice %arg4[%dma_wait3A_135, %dma_wait3A_139, %dma_wait3A_140] : memref<2x10000x80xf32, #tpu.memory_space<hbm>> -> memref<1x10000x80xf32, #tpu.memory_space<hbm>>
        %dma_wait3A_142 = tpu.memref_squeeze %dma_wait3A_141 : memref<1x10000x80xf32, #tpu.memory_space<hbm>> -> memref<10000x80xf32, #tpu.memory_space<hbm>>
        %dma_wait3A_143 = arith.constant 0 : i32
        %dma_wait3A_144 = arith.constant 0 : i32
        %dma_wait3A_145 = tpu.memref_slice %dma_wait3A_142[%dma_wait3A_143, %dma_wait3A_144] : memref<10000x80xf32, #tpu.memory_space<hbm>> -> memref<10000x80xf32, #tpu.memory_space<hbm>>
        tpu.wait_indirect_dma semaphore(%arg18 : memref<!tpu.dma_semaphore, #tpu.memory_space<semaphore_mem>>) src(%dma_wait3A_145 : memref<10000x80xf32, #tpu.memory_space<hbm>>) dst(%arg10 : memref<128x80xf32, #tpu.memory_space<vmem>>)
        %dma_wait3A_146 = arith.constant 1 : i32
        %dma_wait3A_147 = arith.constant 0 : i32
        %dma_wait3A_148 = tpu.memref_slice %arg8[%add3A_129, %dma_wait3A_147] : memref<81x128xi32, #tpu.memory_space<vmem>> -> memref<1x128xi32, #tpu.memory_space<vmem>>
        %dma_wait3A_149 = tpu.memref_squeeze %dma_wait3A_148 : memref<1x128xi32, #tpu.memory_space<vmem>> -> memref<128xi32, #tpu.memory_space<vmem>>
        %dma_wait3A_150 = arith.constant 0 : i32
        %dma_wait3A_151 = arith.constant 0 : i32
        %dma_wait3A_152 = tpu.memref_slice %arg5[%dma_wait3A_146, %dma_wait3A_150, %dma_wait3A_151] : memref<2x10112x16xf32, #tpu.memory_space<hbm>> -> memref<1x10112x16xf32, #tpu.memory_space<hbm>>
        %dma_wait3A_153 = tpu.memref_squeeze %dma_wait3A_152 : memref<1x10112x16xf32, #tpu.memory_space<hbm>> -> memref<10112x16xf32, #tpu.memory_space<hbm>>
        %dma_wait3A_154 = arith.constant 0 : i32
        %dma_wait3A_155 = arith.constant 0 : i32
        %dma_wait3A_156 = tpu.memref_slice %dma_wait3A_153[%dma_wait3A_154, %dma_wait3A_155] : memref<10112x16xf32, #tpu.memory_space<hbm>> -> memref<10112x16xf32, #tpu.memory_space<hbm>>
        tpu.wait_indirect_dma semaphore(%arg18 : memref<!tpu.dma_semaphore, #tpu.memory_space<semaphore_mem>>) src(%dma_wait3A_156 : memref<10112x16xf32, #tpu.memory_space<hbm>>) dst(%arg12 : memref<128x16xf32, #tpu.memory_space<vmem>>)
        %add3A_157 = arith.constant 1 : i32
        %add3A_158 = arith.addi %add3A_129, %add3A_157 : i32
        %lt3A_159 = arith.constant 81 : i32
        %lt3A_160 = arith.cmpi slt, %add3A_158, %lt3A_159 : i32
        %convert_element_type3A_161 = arith.extui %lt3A_160 : i1 to i32
        %cond3A_162 = arith.constant 0 : i32
        %cond3A_163 = arith.cmpi ne, %convert_element_type3A_161, %cond3A_162 : i32
        scf.if %cond3A_163 {
          %add3A_176 = arith.constant 1 : i32
          %add3A_177 = arith.addi %add3A_129, %add3A_176 : i32
          %dma_start3A_178 = arith.constant 1 : i32
          %dma_start3A_179 = arith.constant 0 : i32
          %dma_start3A_180 = tpu.memref_slice %arg7[%add3A_177, %dma_start3A_179] : memref<81x128xi32, #tpu.memory_space<vmem>> -> memref<1x128xi32, #tpu.memory_space<vmem>>
          %dma_start3A_181 = tpu.memref_squeeze %dma_start3A_180 : memref<1x128xi32, #tpu.memory_space<vmem>> -> memref<128xi32, #tpu.memory_space<vmem>>
          %dma_start3A_182 = arith.constant 0 : i32
          %dma_start3A_183 = arith.constant 0 : i32
          %dma_start3A_184 = tpu.memref_slice %arg4[%dma_start3A_178, %dma_start3A_182, %dma_start3A_183] : memref<2x10000x80xf32, #tpu.memory_space<hbm>> -> memref<1x10000x80xf32, #tpu.memory_space<hbm>>
          %dma_start3A_185 = tpu.memref_squeeze %dma_start3A_184 : memref<1x10000x80xf32, #tpu.memory_space<hbm>> -> memref<10000x80xf32, #tpu.memory_space<hbm>>
          %dma_start3A_186 = arith.constant 0 : i32
          %dma_start3A_187 = arith.constant 0 : i32
          %dma_start3A_188 = tpu.memref_slice %dma_start3A_185[%dma_start3A_186, %dma_start3A_187] : memref<10000x80xf32, #tpu.memory_space<hbm>> -> memref<10000x80xf32, #tpu.memory_space<hbm>>
          tpu.enqueue_indirect_dma source(%dma_start3A_188 : memref<10000x80xf32, #tpu.memory_space<hbm>>) target(%arg9 : memref<128x80xf32, #tpu.memory_space<vmem>>) offsets(%dma_start3A_181 : memref<128xi32, #tpu.memory_space<vmem>>) semaphore(%arg17 : memref<!tpu.dma_semaphore, #tpu.memory_space<semaphore_mem>>)
          %dma_start3A_189 = arith.constant 1 : i32
          %dma_start3A_190 = arith.constant 0 : i32
          %dma_start3A_191 = tpu.memref_slice %arg8[%add3A_177, %dma_start3A_190] : memref<81x128xi32, #tpu.memory_space<vmem>> -> memref<1x128xi32, #tpu.memory_space<vmem>>
          %dma_start3A_192 = tpu.memref_squeeze %dma_start3A_191 : memref<1x128xi32, #tpu.memory_space<vmem>> -> memref<128xi32, #tpu.memory_space<vmem>>
          %dma_start3A_193 = arith.constant 0 : i32
          %dma_start3A_194 = arith.constant 0 : i32
          %dma_start3A_195 = tpu.memref_slice %arg5[%dma_start3A_189, %dma_start3A_193, %dma_start3A_194] : memref<2x10112x16xf32, #tpu.memory_space<hbm>> -> memref<1x10112x16xf32, #tpu.memory_space<hbm>>
          %dma_start3A_196 = tpu.memref_squeeze %dma_start3A_195 : memref<1x10112x16xf32, #tpu.memory_space<hbm>> -> memref<10112x16xf32, #tpu.memory_space<hbm>>
          %dma_start3A_197 = arith.constant 0 : i32
          %dma_start3A_198 = arith.constant 0 : i32
          %dma_start3A_199 = tpu.memref_slice %dma_start3A_196[%dma_start3A_197, %dma_start3A_198] : memref<10112x16xf32, #tpu.memory_space<hbm>> -> memref<10112x16xf32, #tpu.memory_space<hbm>>
          tpu.enqueue_indirect_dma source(%dma_start3A_199 : memref<10112x16xf32, #tpu.memory_space<hbm>>) target(%arg11 : memref<128x16xf32, #tpu.memory_space<vmem>>) offsets(%dma_start3A_192 : memref<128xi32, #tpu.memory_space<vmem>>) semaphore(%arg17 : memref<!tpu.dma_semaphore, #tpu.memory_space<semaphore_mem>>)
        } else {
        }
        %ge3A = arith.constant 2 : i32
        %ge3A_164 = arith.cmpi sge, %add3A_129, %ge3A : i32
        %convert_element_type3A_165 = arith.extui %ge3A_164 : i1 to i32
        %cond3A_166 = arith.constant 0 : i32
        %cond3A_167 = arith.cmpi ne, %convert_element_type3A_165, %cond3A_166 : i32
        scf.if %cond3A_167 {
          %dma_wait3A_176 = arith.constant 0 : i32
          %dma_wait3A_177 = tpu.memref_slice %arg8[%add3A_129, %dma_wait3A_176] : memref<81x128xi32, #tpu.memory_space<vmem>> -> memref<1x128xi32, #tpu.memory_space<vmem>>
          %dma_wait3A_178 = tpu.memref_squeeze %dma_wait3A_177 : memref<1x128xi32, #tpu.memory_space<vmem>> -> memref<128xi32, #tpu.memory_space<vmem>>
          %dma_wait3A_179 = arith.constant 0 : i32
          %dma_wait3A_180 = arith.constant 0 : i32
          %dma_wait3A_181 = tpu.memref_slice %arg16[%dma_wait3A_179, %dma_wait3A_180] : memref<10112x80xf32, #tpu.memory_space<vmem_shared>> -> memref<10112x80xf32, #tpu.memory_space<vmem_shared>>
          tpu.wait_indirect_dma semaphore(%arg20 : memref<!tpu.dma_semaphore, #tpu.memory_space<semaphore_mem>>) src(%arg14 : memref<128x80xf32, #tpu.memory_space<vmem>>) dst(%dma_wait3A_181 : memref<10112x80xf32, #tpu.memory_space<vmem_shared>>)
        } else {
        }
        %parallel_loop3A = arith.constant 0 : i32
        %parallel_loop3A_168 = arith.constant 128 : i32
        %parallel_loop3A_169 = arith.constant 1 : i32
        scf.for %parallel_loop3A_176 = %parallel_loop3A to %parallel_loop3A_168 step %parallel_loop3A_169  : i32 {
          %parallel_loop3A_177 = arith.index_cast %parallel_loop3A_176 : i32 to index
          %parallel_loop3A_178 = arith.constant 64 : index
          %parallel_loop3A_179 = tpu.vector_load %arg10[%parallel_loop3A_177, %parallel_loop3A_178] {strides = array<i32>} : memref<128x80xf32, #tpu.memory_space<vmem>>, vector<1x16xf32>,
          %parallel_loop3A_180 = vector.shape_cast %parallel_loop3A_179 : vector<1x16xf32> to vector<16xf32>
          %parallel_loop3A_181 = arith.index_cast %parallel_loop3A_176 : i32 to index
          %parallel_loop3A_182 = arith.constant 0 : index
          %parallel_loop3A_183 = tpu.vector_load %arg12[%parallel_loop3A_181, %parallel_loop3A_182] {strides = array<i32>} : memref<128x16xf32, #tpu.memory_space<vmem>>, vector<1x16xf32>,
          %parallel_loop3A_184 = vector.shape_cast %parallel_loop3A_183 : vector<1x16xf32> to vector<16xf32>
          %parallel_loop3A_185 = arith.addf %parallel_loop3A_180, %parallel_loop3A_184 : vector<16xf32>
          %parallel_loop3A_186 = arith.constant 2.000000e-01 : f32
          %parallel_loop3A_187 = vector.broadcast %parallel_loop3A_186 : f32 to vector<16xf32>
          %parallel_loop3A_188 = arith.mulf %parallel_loop3A_187, %parallel_loop3A_185 : vector<16xf32>
          %parallel_loop3A_189 = arith.maximumf %parallel_loop3A_185, %parallel_loop3A_188 : vector<16xf32>
          %parallel_loop3A_190 = math.exp %parallel_loop3A_189 : vector<16xf32>
          %parallel_loop3A_191 = arith.index_cast %parallel_loop3A_176 : i32 to index
          %parallel_loop3A_192 = arith.constant 64 : index
          %parallel_loop3A_193 = tpu.vector_load %arg14[%parallel_loop3A_191, %parallel_loop3A_192] {strides = array<i32>} : memref<128x80xf32, #tpu.memory_space<vmem>>, vector<1x16xf32>,
          %parallel_loop3A_194 = vector.shape_cast %parallel_loop3A_193 : vector<1x16xf32> to vector<16xf32>
          %parallel_loop3A_195 = vector.shape_cast %parallel_loop3A_190 : vector<16xf32> to vector<1x16xf32>
          tpu.vector_store %arg14[%parallel_loop3A_191, %parallel_loop3A_192], %parallel_loop3A_195 {strides = array<i32>} : memref<128x80xf32, #tpu.memory_space<vmem>>, vector<1x16xf32>,
          %parallel_loop3A_196 = arith.index_cast %parallel_loop3A_176 : i32 to index
          %parallel_loop3A_197 = arith.constant 0 : index
          %parallel_loop3A_198 = tpu.vector_load %arg10[%parallel_loop3A_196, %parallel_loop3A_197] {strides = array<i32>} : memref<128x80xf32, #tpu.memory_space<vmem>>, vector<1x16xf32>,
          %parallel_loop3A_199 = vector.shape_cast %parallel_loop3A_198 : vector<1x16xf32> to vector<16xf32>
          %parallel_loop3A_200 = arith.constant 0 : i32
          %parallel_loop3A_201 = vector.broadcast %parallel_loop3A_200 : i32 to vector<16x1xi32>
          %parallel_loop3A_202 = vector.shape_cast %parallel_loop3A_201 : vector<16x1xi32> to vector<16xi32>
          %parallel_loop3A_203 = tpu.dynamic_gather %parallel_loop3A_190[%parallel_loop3A_202] in [0] : vector<16xf32>, vector<16xi32> -> vector<16xf32>
          %parallel_loop3A_204 = arith.mulf %parallel_loop3A_199, %parallel_loop3A_203 : vector<16xf32>
          %parallel_loop3A_205 = arith.index_cast %parallel_loop3A_176 : i32 to index
          %parallel_loop3A_206 = arith.constant 0 : index
          %parallel_loop3A_207 = tpu.vector_load %arg14[%parallel_loop3A_205, %parallel_loop3A_206] {strides = array<i32>} : memref<128x80xf32, #tpu.memory_space<vmem>>, vector<1x16xf32>,
          %parallel_loop3A_208 = vector.shape_cast %parallel_loop3A_207 : vector<1x16xf32> to vector<16xf32>
          %parallel_loop3A_209 = vector.shape_cast %parallel_loop3A_204 : vector<16xf32> to vector<1x16xf32>
          tpu.vector_store %arg14[%parallel_loop3A_205, %parallel_loop3A_206], %parallel_loop3A_209 {strides = array<i32>} : memref<128x80xf32, #tpu.memory_space<vmem>>, vector<1x16xf32>,
          %parallel_loop3A_210 = arith.index_cast %parallel_loop3A_176 : i32 to index
          %parallel_loop3A_211 = arith.constant 16 : index
          %parallel_loop3A_212 = tpu.vector_load %arg10[%parallel_loop3A_210, %parallel_loop3A_211] {strides = array<i32>} : memref<128x80xf32, #tpu.memory_space<vmem>>, vector<1x16xf32>,
          %parallel_loop3A_213 = vector.shape_cast %parallel_loop3A_212 : vector<1x16xf32> to vector<16xf32>
          %parallel_loop3A_214 = arith.constant 1 : i32
          %parallel_loop3A_215 = vector.broadcast %parallel_loop3A_214 : i32 to vector<16x1xi32>
          %parallel_loop3A_216 = vector.shape_cast %parallel_loop3A_215 : vector<16x1xi32> to vector<16xi32>
          %parallel_loop3A_217 = tpu.dynamic_gather %parallel_loop3A_190[%parallel_loop3A_216] in [0] : vector<16xf32>, vector<16xi32> -> vector<16xf32>
          %parallel_loop3A_218 = arith.mulf %parallel_loop3A_213, %parallel_loop3A_217 : vector<16xf32>
          %parallel_loop3A_219 = arith.index_cast %parallel_loop3A_176 : i32 to index
          %parallel_loop3A_220 = arith.constant 16 : index
          %parallel_loop3A_221 = tpu.vector_load %arg14[%parallel_loop3A_219, %parallel_loop3A_220] {strides = array<i32>} : memref<128x80xf32, #tpu.memory_space<vmem>>, vector<1x16xf32>,
          %parallel_loop3A_222 = vector.shape_cast %parallel_loop3A_221 : vector<1x16xf32> to vector<16xf32>
          %parallel_loop3A_223 = vector.shape_cast %parallel_loop3A_218 : vector<16xf32> to vector<1x16xf32>
          tpu.vector_store %arg14[%parallel_loop3A_219, %parallel_loop3A_220], %parallel_loop3A_223 {strides = array<i32>} : memref<128x80xf32, #tpu.memory_space<vmem>>, vector<1x16xf32>,
          %parallel_loop3A_224 = arith.index_cast %parallel_loop3A_176 : i32 to index
          %parallel_loop3A_225 = arith.constant 32 : index
          %parallel_loop3A_226 = tpu.vector_load %arg10[%parallel_loop3A_224, %parallel_loop3A_225] {strides = array<i32>} : memref<128x80xf32, #tpu.memory_space<vmem>>, vector<1x16xf32>,
          %parallel_loop3A_227 = vector.shape_cast %parallel_loop3A_226 : vector<1x16xf32> to vector<16xf32>
          %parallel_loop3A_228 = arith.constant 2 : i32
          %parallel_loop3A_229 = vector.broadcast %parallel_loop3A_228 : i32 to vector<16x1xi32>
          %parallel_loop3A_230 = vector.shape_cast %parallel_loop3A_229 : vector<16x1xi32> to vector<16xi32>
          %parallel_loop3A_231 = tpu.dynamic_gather %parallel_loop3A_190[%parallel_loop3A_230] in [0] : vector<16xf32>, vector<16xi32> -> vector<16xf32>
          %parallel_loop3A_232 = arith.mulf %parallel_loop3A_227, %parallel_loop3A_231 : vector<16xf32>
          %parallel_loop3A_233 = arith.index_cast %parallel_loop3A_176 : i32 to index
          %parallel_loop3A_234 = arith.constant 32 : index
          %parallel_loop3A_235 = tpu.vector_load %arg14[%parallel_loop3A_233, %parallel_loop3A_234] {strides = array<i32>} : memref<128x80xf32, #tpu.memory_space<vmem>>, vector<1x16xf32>,
          %parallel_loop3A_236 = vector.shape_cast %parallel_loop3A_235 : vector<1x16xf32> to vector<16xf32>
          %parallel_loop3A_237 = vector.shape_cast %parallel_loop3A_232 : vector<16xf32> to vector<1x16xf32>
          tpu.vector_store %arg14[%parallel_loop3A_233, %parallel_loop3A_234], %parallel_loop3A_237 {strides = array<i32>} : memref<128x80xf32, #tpu.memory_space<vmem>>, vector<1x16xf32>,
          %parallel_loop3A_238 = arith.index_cast %parallel_loop3A_176 : i32 to index
          %parallel_loop3A_239 = arith.constant 48 : index
          %parallel_loop3A_240 = tpu.vector_load %arg10[%parallel_loop3A_238, %parallel_loop3A_239] {strides = array<i32>} : memref<128x80xf32, #tpu.memory_space<vmem>>, vector<1x16xf32>,
          %parallel_loop3A_241 = vector.shape_cast %parallel_loop3A_240 : vector<1x16xf32> to vector<16xf32>
          %parallel_loop3A_242 = arith.constant 3 : i32
          %parallel_loop3A_243 = vector.broadcast %parallel_loop3A_242 : i32 to vector<16x1xi32>
          %parallel_loop3A_244 = vector.shape_cast %parallel_loop3A_243 : vector<16x1xi32> to vector<16xi32>
          %parallel_loop3A_245 = tpu.dynamic_gather %parallel_loop3A_190[%parallel_loop3A_244] in [0] : vector<16xf32>, vector<16xi32> -> vector<16xf32>
          %parallel_loop3A_246 = arith.mulf %parallel_loop3A_241, %parallel_loop3A_245 : vector<16xf32>
          %parallel_loop3A_247 = arith.index_cast %parallel_loop3A_176 : i32 to index
          %parallel_loop3A_248 = arith.constant 48 : index
          %parallel_loop3A_249 = tpu.vector_load %arg14[%parallel_loop3A_247, %parallel_loop3A_248] {strides = array<i32>} : memref<128x80xf32, #tpu.memory_space<vmem>>, vector<1x16xf32>,
          %parallel_loop3A_250 = vector.shape_cast %parallel_loop3A_249 : vector<1x16xf32> to vector<16xf32>
          %parallel_loop3A_251 = vector.shape_cast %parallel_loop3A_246 : vector<16xf32> to vector<1x16xf32>
          tpu.vector_store %arg14[%parallel_loop3A_247, %parallel_loop3A_248], %parallel_loop3A_251 {strides = array<i32>} : memref<128x80xf32, #tpu.memory_space<vmem>>, vector<1x16xf32>,
        } {sc.loop_unroll_factor = 8 : i64, sc.parallel_access}
        %dma_start3A_170 = arith.constant 0 : i32
        %dma_start3A_171 = tpu.memref_slice %arg8[%add3A_129, %dma_start3A_170] : memref<81x128xi32, #tpu.memory_space<vmem>> -> memref<1x128xi32, #tpu.memory_space<vmem>>
        %dma_start3A_172 = tpu.memref_squeeze %dma_start3A_171 : memref<1x128xi32, #tpu.memory_space<vmem>> -> memref<128xi32, #tpu.memory_space<vmem>>
        %dma_start3A_173 = arith.constant 0 : i32
        %dma_start3A_174 = arith.constant 0 : i32
        %dma_start3A_175 = tpu.memref_slice %arg16[%dma_start3A_173, %dma_start3A_174] : memref<10112x80xf32, #tpu.memory_space<vmem_shared>> -> memref<10112x80xf32, #tpu.memory_space<vmem_shared>>
        tpu.enqueue_indirect_dma source(%arg14 : memref<128x80xf32, #tpu.memory_space<vmem>>) target(%dma_start3A_175 : memref<10112x80xf32, #tpu.memory_space<vmem_shared>>) offsets(%dma_start3A_172 : memref<128xi32, #tpu.memory_space<vmem>>) semaphore(%arg20 : memref<!tpu.dma_semaphore, #tpu.memory_space<semaphore_mem>>) {add = true}
      } else {
      }
    }
    %scan3A_102 = arith.constant 41 : i32
    %dma_wait3A_103 = arith.constant 0 : i32
    %dma_wait3A_104 = arith.constant 0 : i32
    %dma_wait3A_105 = tpu.memref_slice %arg8[%dma_wait3A_103, %dma_wait3A_104] : memref<81x128xi32, #tpu.memory_space<vmem>> -> memref<1x128xi32, #tpu.memory_space<vmem>>
    %dma_wait3A_106 = tpu.memref_squeeze %dma_wait3A_105 : memref<1x128xi32, #tpu.memory_space<vmem>> -> memref<128xi32, #tpu.memory_space<vmem>>
    %dma_wait3A_107 = arith.constant 0 : i32
    %dma_wait3A_108 = arith.constant 0 : i32
    %dma_wait3A_109 = tpu.memref_slice %arg16[%dma_wait3A_107, %dma_wait3A_108] : memref<10112x80xf32, #tpu.memory_space<vmem_shared>> -> memref<10112x80xf32, #tpu.memory_space<vmem_shared>>
    tpu.wait_indirect_dma semaphore(%arg19 : memref<!tpu.dma_semaphore, #tpu.memory_space<semaphore_mem>>) src(%arg13 : memref<128x80xf32, #tpu.memory_space<vmem>>) dst(%dma_wait3A_109 : memref<10112x80xf32, #tpu.memory_space<vmem_shared>>)
    %dma_wait3A_110 = arith.constant 1 : i32
    %dma_wait3A_111 = arith.constant 0 : i32
    %dma_wait3A_112 = tpu.memref_slice %arg8[%dma_wait3A_110, %dma_wait3A_111] : memref<81x128xi32, #tpu.memory_space<vmem>> -> memref<1x128xi32, #tpu.memory_space<vmem>>
    %dma_wait3A_113 = tpu.memref_squeeze %dma_wait3A_112 : memref<1x128xi32, #tpu.memory_space<vmem>> -> memref<128xi32, #tpu.memory_space<vmem>>
    %dma_wait3A_114 = arith.constant 0 : i32
    %dma_wait3A_115 = arith.constant 0 : i32
    %dma_wait3A_116 = tpu.memref_slice %arg16[%dma_wait3A_114, %dma_wait3A_115] : memref<10112x80xf32, #tpu.memory_space<vmem_shared>> -> memref<10112x80xf32, #tpu.memory_space<vmem_shared>>
    tpu.wait_indirect_dma semaphore(%arg20 : memref<!tpu.dma_semaphore, #tpu.memory_space<semaphore_mem>>) src(%arg14 : memref<128x80xf32, #tpu.memory_space<vmem>>) dst(%dma_wait3A_116 : memref<10112x80xf32, #tpu.memory_space<vmem_shared>>)
    %barrier3A_117 = arith.constant 0 : index
    tpu.barrier barrier_id(%barrier3A_117)
    %run_scoped3A_118 = arith.constant 1 : i32
    "tpu.region"() ({
      %run_scoped3A_119 = tpu.sem_alloc : memref<!tpu.dma_semaphore, #tpu.memory_space<semaphore_mem>>
      %dma_start3A_120 = arith.constant 0 : i32
      %dma_start3A_121 = arith.constant 0 : i32
      %dma_start3A_122 = arith.constant 0 : i32
      %dma_start3A_123 = tpu.memref_slice %arg6[%run_scoped3A_118, %dma_start3A_120, %dma_start3A_121, %dma_start3A_122] : memref<2x2x10112x80xf32, #tpu.memory_space<hbm>> -> memref<1x2x10112x80xf32, #tpu.memory_space<hbm>>
      %dma_start3A_124 = tpu.memref_squeeze %dma_start3A_123 : memref<1x2x10112x80xf32, #tpu.memory_space<hbm>> -> memref<2x10112x80xf32, #tpu.memory_space<hbm>>
      %dma_start3A_125 = arith.constant 0 : i32
      %dma_start3A_126 = arith.constant 0 : i32
      %dma_start3A_127 = tpu.memref_slice %dma_start3A_124[%arg0, %dma_start3A_125, %dma_start3A_126] : memref<2x10112x80xf32, #tpu.memory_space<hbm>> -> memref<1x10112x80xf32, #tpu.memory_space<hbm>>
      %dma_start3A_128 = tpu.memref_squeeze %dma_start3A_127 : memref<1x10112x80xf32, #tpu.memory_space<hbm>> -> memref<10112x80xf32, #tpu.memory_space<hbm>>
      %dma_start3A_129 = arith.constant 0 : i32
      %dma_start3A_130 = tpu.memref_slice %dma_start3A_128[%mul3A_3, %dma_start3A_129] : memref<10112x80xf32, #tpu.memory_space<hbm>> -> memref<632x80xf32, #tpu.memory_space<hbm>>
      %dma_start3A_131 = arith.constant 0 : i32
      %dma_start3A_132 = tpu.memref_slice %arg16[%mul3A_3, %dma_start3A_131] : memref<10112x80xf32, #tpu.memory_space<vmem_shared>> -> memref<632x80xf32, #tpu.memory_space<vmem_shared>>
      tpu.enqueue_dma source(%dma_start3A_132 : memref<632x80xf32, #tpu.memory_space<vmem_shared>>) target(%dma_start3A_130 : memref<632x80xf32, #tpu.memory_space<hbm>>) target_semaphore(%run_scoped3A_119 : memref<!tpu.dma_semaphore, #tpu.memory_space<semaphore_mem>>)
      %dma_wait3A_133 = arith.constant 0 : i32
      %dma_wait3A_134 = arith.constant 0 : i32
      %dma_wait3A_135 = arith.constant 0 : i32
      %dma_wait3A_136 = tpu.memref_slice %arg6[%run_scoped3A_118, %dma_wait3A_133, %dma_wait3A_134, %dma_wait3A_135] : memref<2x2x10112x80xf32, #tpu.memory_space<hbm>> -> memref<1x2x10112x80xf32, #tpu.memory_space<hbm>>
      %dma_wait3A_137 = tpu.memref_squeeze %dma_wait3A_136 : memref<1x2x10112x80xf32, #tpu.memory_space<hbm>> -> memref<2x10112x80xf32, #tpu.memory_space<hbm>>
      %dma_wait3A_138 = arith.constant 0 : i32
      %dma_wait3A_139 = arith.constant 0 : i32
      %dma_wait3A_140 = tpu.memref_slice %dma_wait3A_137[%arg0, %dma_wait3A_138, %dma_wait3A_139] : memref<2x10112x80xf32, #tpu.memory_space<hbm>> -> memref<1x10112x80xf32, #tpu.memory_space<hbm>>
      %dma_wait3A_141 = tpu.memref_squeeze %dma_wait3A_140 : memref<1x10112x80xf32, #tpu.memory_space<hbm>> -> memref<10112x80xf32, #tpu.memory_space<hbm>>
      %dma_wait3A_142 = arith.constant 0 : i32
      %dma_wait3A_143 = tpu.memref_slice %dma_wait3A_141[%mul3A_3, %dma_wait3A_142] : memref<10112x80xf32, #tpu.memory_space<hbm>> -> memref<632x80xf32, #tpu.memory_space<hbm>>
      %dma_wait3A_144 = arith.constant 0 : i32
      %dma_wait3A_145 = tpu.memref_slice %arg16[%mul3A_3, %dma_wait3A_144] : memref<10112x80xf32, #tpu.memory_space<vmem_shared>> -> memref<632x80xf32, #tpu.memory_space<vmem_shared>>
      tpu.wait_dma2 semaphore(%run_scoped3A_119 : memref<!tpu.dma_semaphore, #tpu.memory_space<semaphore_mem>>) src(%dma_wait3A_145 : memref<632x80xf32, #tpu.memory_space<vmem_shared>>) dst(%dma_wait3A_143 : memref<632x80xf32, #tpu.memory_space<hbm>>)
      tpu.yield
    }) : () -> ()
    return
  }
}

module attributes {stable_mosaic.version = 14 : i64} {
  func.func @_k1_body(%arg0: i32, %arg1: memref<2000x128xf32, #tpu.memory_space<vmem>>, %arg2: memref<128x128xf32, #tpu.memory_space<vmem>>, %arg3: memref<128x1xf32, #tpu.memory_space<vmem>>, %arg4: memref<128x1xf32, #tpu.memory_space<vmem>>, %arg5: memref<2x2000x80xf32, #tpu.memory_space<vmem>>, %arg6: memref<2x2000x16xf32, #tpu.memory_space<vmem>>) attributes {dimension_semantics = [#tpu.dimension_semantics<arbitrary>], iteration_bounds = array<i64: 5>, scalar_prefetch = 0 : i64, scratch_operands = 0 : i64, tpu.core_type = #tpu.core_type<tc>, window_params = [{transform_indices = @transform_0, window_bounds = array<i64: 2000, 128>}, {pipeline_mode = #tpu.pipeline_mode<synchronous>, transform_indices = @transform_1, window_bounds = array<i64: 128, 128>}, {pipeline_mode = #tpu.pipeline_mode<synchronous>, transform_indices = @transform_2, window_bounds = array<i64: 128, 1>}, {pipeline_mode = #tpu.pipeline_mode<synchronous>, transform_indices = @transform_3, window_bounds = array<i64: 128, 1>}, {transform_indices = @transform_4, window_bounds = array<i64: 2, 2000, 80>}, {transform_indices = @transform_5, window_bounds = array<i64: 2, 2000, 16>}]} {
    %get3A = arith.constant 0 : index
    %get3A_0 = arith.constant 0 : index
    %get3A_1 = vector.load %arg1[%get3A, %get3A_0] : memref<2000x128xf32, #tpu.memory_space<vmem>>, vector<2000x128xf32>
    %get3A_2 = arith.constant 0 : index
    %get3A_3 = arith.constant 0 : index
    %get3A_4 = vector.load %arg2[%get3A_2, %get3A_3] : memref<128x128xf32, #tpu.memory_space<vmem>>, vector<128x128xf32>
    %dot_general3A = arith.constant dense<0.000000e+00> : vector<2000x128xf32>
    %dot_general3A_5 = tpu.matmul %get3A_1, %get3A_4, %dot_general3A {dimension_numbers = #tpu.dot_dimension_numbers<[1], [0], [0], [1], [0, 0, 1, 1], [], []>, transpose_lhs_hint = false} : vector<2000x128xf32>, vector<128x128xf32>, vector<2000x128xf32> -> vector<2000x128xf32>
    %iota3A = tpu.iota {dimensions = array<i32: 0>} : vector<128x8xi32>
    %jit3A = arith.constant 16 : i32
    %div3A = vector.broadcast %jit3A : i32 to vector<128x8xi32>
    %div3A_6 = arith.divsi %iota3A, %div3A : vector<128x8xi32>
    %sign3A = arith.constant 0 : i32
    %sign3A_7 = vector.broadcast %sign3A : i32 to vector<128x8xi32>
    %sign3A_8 = arith.cmpi sgt, %iota3A, %sign3A_7 : vector<128x8xi32>
    %sign3A_9 = arith.extui %sign3A_8 : vector<128x8xi1> to vector<128x8xi32>
    %sign3A_10 = arith.constant 0 : i32
    %sign3A_11 = vector.broadcast %sign3A_10 : i32 to vector<128x8xi32>
    %sign3A_12 = arith.cmpi slt, %iota3A, %sign3A_11 : vector<128x8xi32>
    %sign3A_13 = arith.extui %sign3A_12 : vector<128x8xi1> to vector<128x8xi32>
    %sign3A_14 = arith.subi %sign3A_9, %sign3A_13 : vector<128x8xi32>
    %sign3A_15 = arith.constant 0 : i32
    %sign3A_16 = arith.cmpi sgt, %jit3A, %sign3A_15 : i32
    %sign3A_17 = arith.extui %sign3A_16 : i1 to i32
    %sign3A_18 = arith.constant 0 : i32
    %sign3A_19 = arith.cmpi slt, %jit3A, %sign3A_18 : i32
    %sign3A_20 = arith.extui %sign3A_19 : i1 to i32
    %sign3A_21 = arith.subi %sign3A_17, %sign3A_20 : i32
    %ne3A = vector.broadcast %sign3A_21 : i32 to vector<128x8xi32>
    %ne3A_22 = arith.cmpi ne, %sign3A_14, %ne3A : vector<128x8xi32>
    %rem3A = vector.broadcast %jit3A : i32 to vector<128x8xi32>
    %rem3A_23 = arith.remsi %iota3A, %rem3A : vector<128x8xi32>
    %ne3A_24 = arith.constant 0 : i32
    %ne3A_25 = vector.broadcast %ne3A_24 : i32 to vector<128x8xi32>
    %ne3A_26 = arith.cmpi ne, %rem3A_23, %ne3A_25 : vector<128x8xi32>
    %and3A = arith.andi %ne3A_22, %ne3A_26 : vector<128x8xi1>
    %sub3A = arith.constant 1 : i32
    %sub3A_27 = vector.broadcast %sub3A : i32 to vector<128x8xi32>
    %sub3A_28 = arith.subi %div3A_6, %sub3A_27 : vector<128x8xi32>
    %select_n3A = arith.select %and3A, %sub3A_28, %div3A_6 : vector<128x8xi1>, vector<128x8xi32>
    %iota3A_29 = tpu.iota {dimensions = array<i32: 1>} : vector<128x8xi32>
    %eq3A = arith.cmpi eq, %select_n3A, %iota3A_29 : vector<128x8xi32>
    %get3A_30 = arith.constant 0 : index
    %get3A_31 = arith.constant 0 : index
    %get3A_32 = vector.load %arg3[%get3A_30, %get3A_31] : memref<128x1xf32, #tpu.memory_space<vmem>>, vector<128x1xf32>
    %jit3A_33 = arith.constant 0.000000e+00 : f32
    %broadcast_in_dim3A = vector.shape_cast %get3A_32 : vector<128x1xf32> to vector<128x1xf32>
    %broadcast_in_dim3A_34 = vector.broadcast %broadcast_in_dim3A : vector<128x1xf32> to vector<128x8xf32>
    %broadcast_in_dim3A_35 = vector.broadcast %jit3A_33 : f32 to vector<128x8xf32>
    %select_n3A_36 = arith.select %eq3A, %broadcast_in_dim3A_34, %broadcast_in_dim3A_35 : vector<128x8xi1>, vector<128x8xf32>
    %get3A_37 = arith.constant 0 : index
    %get3A_38 = arith.constant 0 : index
    %get3A_39 = vector.load %arg4[%get3A_37, %get3A_38] : memref<128x1xf32, #tpu.memory_space<vmem>>, vector<128x1xf32>
    %jit3A_40 = arith.constant 0.000000e+00 : f32
    %broadcast_in_dim3A_41 = vector.shape_cast %get3A_39 : vector<128x1xf32> to vector<128x1xf32>
    %broadcast_in_dim3A_42 = vector.broadcast %broadcast_in_dim3A_41 : vector<128x1xf32> to vector<128x8xf32>
    %broadcast_in_dim3A_43 = vector.broadcast %jit3A_40 : f32 to vector<128x8xf32>
    %select_n3A_44 = arith.select %eq3A, %broadcast_in_dim3A_42, %broadcast_in_dim3A_43 : vector<128x8xi1>, vector<128x8xf32>
    %dot_general3A_45 = arith.constant dense<0.000000e+00> : vector<2000x8xf32>
    %dot_general3A_46 = tpu.matmul %dot_general3A_5, %select_n3A_36, %dot_general3A_45 {dimension_numbers = #tpu.dot_dimension_numbers<[1], [0], [0], [1], [0, 0, 1, 1], [], []>, transpose_lhs_hint = false} : vector<2000x128xf32>, vector<128x8xf32>, vector<2000x8xf32> -> vector<2000x8xf32>
    %dot_general3A_47 = arith.constant dense<0.000000e+00> : vector<2000x8xf32>
    %dot_general3A_48 = tpu.matmul %dot_general3A_5, %select_n3A_44, %dot_general3A_47 {dimension_numbers = #tpu.dot_dimension_numbers<[1], [0], [0], [1], [0, 0, 1, 1], [], []>, transpose_lhs_hint = false} : vector<2000x128xf32>, vector<128x8xf32>, vector<2000x8xf32> -> vector<2000x8xf32>
    %broadcast_in_dim3A_49 = arith.constant 0.000000e+00 : f32
    %broadcast_in_dim3A_50 = vector.broadcast %broadcast_in_dim3A_49 : f32 to vector<2000x12xf32>
    %slice3A = vector.extract_strided_slice %dot_general3A_5 {offsets = [0, 0], sizes = [2000, 64], strides = [1, 1]} : vector<2000x128xf32> to vector<2000x64xf32>
    %slice3A_51 = vector.extract_strided_slice %dot_general3A_46 {offsets = [0, 0], sizes = [2000, 4], strides = [1, 1]} : vector<2000x8xf32> to vector<2000x4xf32>
    %concatenate3A = tpu.concatenate %slice3A, %slice3A_51, %broadcast_in_dim3A_50 in 1 : vector<2000x64xf32>, vector<2000x4xf32>, vector<2000x12xf32> -> vector<2000x80xf32>
    %swap3A = arith.constant 0 : index
    %swap3A_52 = arith.constant 0 : index
    %swap3A_53 = arith.constant 0 : index
    %swap3A_54 = vector.load %arg5[%swap3A, %swap3A_52, %swap3A_53] : memref<2x2000x80xf32, #tpu.memory_space<vmem>>, vector<1x2000x80xf32>
    %swap3A_55 = vector.shape_cast %swap3A_54 : vector<1x2000x80xf32> to vector<2000x80xf32>
    %swap3A_56 = vector.shape_cast %concatenate3A : vector<2000x80xf32> to vector<1x2000x80xf32>
    tpu.vector_store %arg5[%swap3A, %swap3A_52, %swap3A_53], %swap3A_56 {strides = array<i32>} : memref<2x2000x80xf32, #tpu.memory_space<vmem>>, vector<1x2000x80xf32>,
    %slice3A_57 = vector.extract_strided_slice %dot_general3A_5 {offsets = [0, 64], sizes = [2000, 64], strides = [1, 1]} : vector<2000x128xf32> to vector<2000x64xf32>
    %slice3A_58 = vector.extract_strided_slice %dot_general3A_46 {offsets = [0, 4], sizes = [2000, 4], strides = [1, 1]} : vector<2000x8xf32> to vector<2000x4xf32>
    %concatenate3A_59 = tpu.concatenate %slice3A_57, %slice3A_58, %broadcast_in_dim3A_50 in 1 : vector<2000x64xf32>, vector<2000x4xf32>, vector<2000x12xf32> -> vector<2000x80xf32>
    %swap3A_60 = arith.constant 1 : index
    %swap3A_61 = arith.constant 0 : index
    %swap3A_62 = arith.constant 0 : index
    %swap3A_63 = vector.load %arg5[%swap3A_60, %swap3A_61, %swap3A_62] : memref<2x2000x80xf32, #tpu.memory_space<vmem>>, vector<1x2000x80xf32>
    %swap3A_64 = vector.shape_cast %swap3A_63 : vector<1x2000x80xf32> to vector<2000x80xf32>
    %swap3A_65 = vector.shape_cast %concatenate3A_59 : vector<2000x80xf32> to vector<1x2000x80xf32>
    tpu.vector_store %arg5[%swap3A_60, %swap3A_61, %swap3A_62], %swap3A_65 {strides = array<i32>} : memref<2x2000x80xf32, #tpu.memory_space<vmem>>, vector<1x2000x80xf32>,
    %slice3A_66 = vector.extract_strided_slice %dot_general3A_48 {offsets = [0, 0], sizes = [2000, 4], strides = [1, 1]} : vector<2000x8xf32> to vector<2000x4xf32>
    %concatenate3A_67 = tpu.concatenate %slice3A_66, %broadcast_in_dim3A_50 in 1 : vector<2000x4xf32>, vector<2000x12xf32> -> vector<2000x16xf32>
    %swap3A_68 = arith.constant 0 : index
    %swap3A_69 = arith.constant 0 : index
    %swap3A_70 = arith.constant 0 : index
    %swap3A_71 = vector.load %arg6[%swap3A_68, %swap3A_69, %swap3A_70] : memref<2x2000x16xf32, #tpu.memory_space<vmem>>, vector<1x2000x16xf32>
    %swap3A_72 = vector.shape_cast %swap3A_71 : vector<1x2000x16xf32> to vector<2000x16xf32>
    %swap3A_73 = vector.shape_cast %concatenate3A_67 : vector<2000x16xf32> to vector<1x2000x16xf32>
    tpu.vector_store %arg6[%swap3A_68, %swap3A_69, %swap3A_70], %swap3A_73 {strides = array<i32>} : memref<2x2000x16xf32, #tpu.memory_space<vmem>>, vector<1x2000x16xf32>,
    %slice3A_74 = vector.extract_strided_slice %dot_general3A_48 {offsets = [0, 4], sizes = [2000, 4], strides = [1, 1]} : vector<2000x8xf32> to vector<2000x4xf32>
    %concatenate3A_75 = tpu.concatenate %slice3A_74, %broadcast_in_dim3A_50 in 1 : vector<2000x4xf32>, vector<2000x12xf32> -> vector<2000x16xf32>
    %swap3A_76 = arith.constant 1 : index
    %swap3A_77 = arith.constant 0 : index
    %swap3A_78 = arith.constant 0 : index
    %swap3A_79 = vector.load %arg6[%swap3A_76, %swap3A_77, %swap3A_78] : memref<2x2000x16xf32, #tpu.memory_space<vmem>>, vector<1x2000x16xf32>
    %swap3A_80 = vector.shape_cast %swap3A_79 : vector<1x2000x16xf32> to vector<2000x16xf32>
    %swap3A_81 = vector.shape_cast %concatenate3A_75 : vector<2000x16xf32> to vector<1x2000x16xf32>
    tpu.vector_store %arg6[%swap3A_76, %swap3A_77, %swap3A_78], %swap3A_81 {strides = array<i32>} : memref<2x2000x16xf32, #tpu.memory_space<vmem>>, vector<1x2000x16xf32>,
    return
  }
  func.func @transform_0(%arg0: i32) -> (i32, i32) {
    %c0_i32 = arith.constant 0 : i32
    %c0_i32_0 = arith.constant 0 : i32
    return %arg0, %c0_i32 : i32, i32
  }
  func.func @transform_1(%arg0: i32) -> (i32, i32) {
    %c0_i32 = arith.constant 0 : i32
    %c0_i32_0 = arith.constant 0 : i32
    %c0_i32_1 = arith.constant 0 : i32
    return %c0_i32, %c0_i32_0 : i32, i32
  }
  func.func @transform_2(%arg0: i32) -> (i32, i32) {
    %c0_i32 = arith.constant 0 : i32
    %c0_i32_0 = arith.constant 0 : i32
    %c0_i32_1 = arith.constant 0 : i32
    return %c0_i32, %c0_i32_0 : i32, i32
  }
  func.func @transform_3(%arg0: i32) -> (i32, i32) {
    %c0_i32 = arith.constant 0 : i32
    %c0_i32_0 = arith.constant 0 : i32
    %c0_i32_1 = arith.constant 0 : i32
    return %c0_i32, %c0_i32_0 : i32, i32
  }
  func.func @transform_4(%arg0: i32) -> (i32, i32, i32) {
    %c0_i32 = arith.constant 0 : i32
    %c0_i32_0 = arith.constant 0 : i32
    %c0_i32_1 = arith.constant 0 : i32
    return %c0_i32, %arg0, %c0_i32_0 : i32, i32, i32
  }
  func.func @transform_5(%arg0: i32) -> (i32, i32, i32) {
    %c0_i32 = arith.constant 0 : i32
    %c0_i32_0 = arith.constant 0 : i32
    %c0_i32_1 = arith.constant 0 : i32
    return %c0_i32, %arg0, %c0_i32_0 : i32, i32, i32
  }
}

module attributes {stable_mosaic.version = 14 : i64} {
  func.func @_k2_body(%arg0: i32, %arg1: memref<2x2x2000x80xf32, #tpu.memory_space<vmem>>, %arg2: memref<1x128xf32, #tpu.memory_space<vmem>>, %arg3: memref<128x16xf32, #tpu.memory_space<vmem>>, %arg4: memref<1x16xf32, #tpu.memory_space<vmem>>, %arg5: memref<1x16xf32, #tpu.memory_space<vmem>>, %arg6: memref<2000x32xf32, #tpu.memory_space<vmem>>, %arg7: memref<2000x16xf32, #tpu.memory_space<vmem>>) attributes {dimension_semantics = [#tpu.dimension_semantics<arbitrary>], iteration_bounds = array<i64: 5>, scalar_prefetch = 0 : i64, scratch_operands = 0 : i64, tpu.core_type = #tpu.core_type<tc>, window_params = [{transform_indices = @transform_0, window_bounds = array<i64: 2, 2, 2000, 80>}, {pipeline_mode = #tpu.pipeline_mode<synchronous>, transform_indices = @transform_1, window_bounds = array<i64: 1, 128>}, {pipeline_mode = #tpu.pipeline_mode<synchronous>, transform_indices = @transform_2, window_bounds = array<i64: 128, 16>}, {pipeline_mode = #tpu.pipeline_mode<synchronous>, transform_indices = @transform_3, window_bounds = array<i64: 1, 16>}, {pipeline_mode = #tpu.pipeline_mode<synchronous>, transform_indices = @transform_4, window_bounds = array<i64: 1, 16>}, {transform_indices = @transform_5, window_bounds = array<i64: 2000, 32>}, {transform_indices = @transform_6, window_bounds = array<i64: 2000, 16>}]} {
    %get3A = arith.constant 0 : index
    %get3A_0 = arith.constant 0 : index
    %get3A_1 = arith.constant 0 : index
    %get3A_2 = arith.constant 0 : index
    %get3A_3 = vector.load %arg1[%get3A, %get3A_0, %get3A_1, %get3A_2] : memref<2x2x2000x80xf32, #tpu.memory_space<vmem>>, vector<1x1x2000x80xf32>
    %get3A_4 = vector.shape_cast %get3A_3 : vector<1x1x2000x80xf32> to vector<2000x80xf32>
    %get3A_5 = arith.constant 0 : index
    %get3A_6 = arith.constant 1 : index
    %get3A_7 = arith.constant 0 : index
    %get3A_8 = arith.constant 0 : index
    %get3A_9 = vector.load %arg1[%get3A_5, %get3A_6, %get3A_7, %get3A_8] : memref<2x2x2000x80xf32, #tpu.memory_space<vmem>>, vector<1x1x2000x80xf32>
    %get3A_10 = vector.shape_cast %get3A_9 : vector<1x1x2000x80xf32> to vector<2000x80xf32>
    %add3A = arith.addf %get3A_4, %get3A_10 : vector<2000x80xf32>
    %get3A_11 = arith.constant 1 : index
    %get3A_12 = arith.constant 0 : index
    %get3A_13 = arith.constant 0 : index
    %get3A_14 = arith.constant 0 : index
    %get3A_15 = vector.load %arg1[%get3A_11, %get3A_12, %get3A_13, %get3A_14] : memref<2x2x2000x80xf32, #tpu.memory_space<vmem>>, vector<1x1x2000x80xf32>
    %get3A_16 = vector.shape_cast %get3A_15 : vector<1x1x2000x80xf32> to vector<2000x80xf32>
    %get3A_17 = arith.constant 1 : index
    %get3A_18 = arith.constant 1 : index
    %get3A_19 = arith.constant 0 : index
    %get3A_20 = arith.constant 0 : index
    %get3A_21 = vector.load %arg1[%get3A_17, %get3A_18, %get3A_19, %get3A_20] : memref<2x2x2000x80xf32, #tpu.memory_space<vmem>>, vector<1x1x2000x80xf32>
    %get3A_22 = vector.shape_cast %get3A_21 : vector<1x1x2000x80xf32> to vector<2000x80xf32>
    %add3A_23 = arith.addf %get3A_16, %get3A_22 : vector<2000x80xf32>
    %slice3A = vector.extract_strided_slice %add3A {offsets = [0, 0], sizes = [2000, 64], strides = [1, 1]} : vector<2000x80xf32> to vector<2000x64xf32>
    %slice3A_24 = vector.extract_strided_slice %add3A_23 {offsets = [0, 0], sizes = [2000, 64], strides = [1, 1]} : vector<2000x80xf32> to vector<2000x64xf32>
    %concatenate3A = tpu.concatenate %slice3A, %slice3A_24 in 1 : vector<2000x64xf32>, vector<2000x64xf32> -> vector<2000x128xf32>
    %slice3A_25 = vector.extract_strided_slice %add3A {offsets = [0, 64], sizes = [2000, 4], strides = [1, 1]} : vector<2000x80xf32> to vector<2000x4xf32>
    %slice3A_26 = vector.extract_strided_slice %add3A_23 {offsets = [0, 64], sizes = [2000, 4], strides = [1, 1]} : vector<2000x80xf32> to vector<2000x4xf32>
    %concatenate3A_27 = tpu.concatenate %slice3A_25, %slice3A_26 in 1 : vector<2000x4xf32>, vector<2000x4xf32> -> vector<2000x8xf32>
    %iota3A = tpu.iota {dimensions = array<i32: 1>} : vector<8x128xi32>
    %jit3A = arith.constant 16 : i32
    %div3A = vector.broadcast %jit3A : i32 to vector<8x128xi32>
    %div3A_28 = arith.divsi %iota3A, %div3A : vector<8x128xi32>
    %sign3A = arith.constant 0 : i32
    %sign3A_29 = vector.broadcast %sign3A : i32 to vector<8x128xi32>
    %sign3A_30 = arith.cmpi sgt, %iota3A, %sign3A_29 : vector<8x128xi32>
    %sign3A_31 = arith.extui %sign3A_30 : vector<8x128xi1> to vector<8x128xi32>
    %sign3A_32 = arith.constant 0 : i32
    %sign3A_33 = vector.broadcast %sign3A_32 : i32 to vector<8x128xi32>
    %sign3A_34 = arith.cmpi slt, %iota3A, %sign3A_33 : vector<8x128xi32>
    %sign3A_35 = arith.extui %sign3A_34 : vector<8x128xi1> to vector<8x128xi32>
    %sign3A_36 = arith.subi %sign3A_31, %sign3A_35 : vector<8x128xi32>
    %sign3A_37 = arith.constant 0 : i32
    %sign3A_38 = arith.cmpi sgt, %jit3A, %sign3A_37 : i32
    %sign3A_39 = arith.extui %sign3A_38 : i1 to i32
    %sign3A_40 = arith.constant 0 : i32
    %sign3A_41 = arith.cmpi slt, %jit3A, %sign3A_40 : i32
    %sign3A_42 = arith.extui %sign3A_41 : i1 to i32
    %sign3A_43 = arith.subi %sign3A_39, %sign3A_42 : i32
    %ne3A = vector.broadcast %sign3A_43 : i32 to vector<8x128xi32>
    %ne3A_44 = arith.cmpi ne, %sign3A_36, %ne3A : vector<8x128xi32>
    %rem3A = vector.broadcast %jit3A : i32 to vector<8x128xi32>
    %rem3A_45 = arith.remsi %iota3A, %rem3A : vector<8x128xi32>
    %ne3A_46 = arith.constant 0 : i32
    %ne3A_47 = vector.broadcast %ne3A_46 : i32 to vector<8x128xi32>
    %ne3A_48 = arith.cmpi ne, %rem3A_45, %ne3A_47 : vector<8x128xi32>
    %and3A = arith.andi %ne3A_44, %ne3A_48 : vector<8x128xi1>
    %sub3A = arith.constant 1 : i32
    %sub3A_49 = vector.broadcast %sub3A : i32 to vector<8x128xi32>
    %sub3A_50 = arith.subi %div3A_28, %sub3A_49 : vector<8x128xi32>
    %select_n3A = arith.select %and3A, %sub3A_50, %div3A_28 : vector<8x128xi1>, vector<8x128xi32>
    %iota3A_51 = tpu.iota {dimensions = array<i32: 0>} : vector<8x128xi32>
    %eq3A = arith.cmpi eq, %select_n3A, %iota3A_51 : vector<8x128xi32>
    %jit3A_52 = arith.constant 1.000000e+00 : f32
    %jit3A_53 = arith.constant 0.000000e+00 : f32
    %broadcast_in_dim3A = vector.broadcast %jit3A_52 : f32 to vector<8x128xf32>
    %broadcast_in_dim3A_54 = vector.broadcast %jit3A_53 : f32 to vector<8x128xf32>
    %select_n3A_55 = arith.select %eq3A, %broadcast_in_dim3A, %broadcast_in_dim3A_54 : vector<8x128xi1>, vector<8x128xf32>
    %dot_general3A = arith.constant dense<0.000000e+00> : vector<2000x128xf32>
    %dot_general3A_56 = tpu.matmul %concatenate3A_27, %select_n3A_55, %dot_general3A {dimension_numbers = #tpu.dot_dimension_numbers<[1], [0], [0], [1], [0, 0, 1, 1], [], []>, transpose_lhs_hint = false} : vector<2000x8xf32>, vector<8x128xf32>, vector<2000x128xf32> -> vector<2000x128xf32>
    %add3A_57 = arith.constant 1.000000e-16 : f32
    %add3A_58 = vector.broadcast %add3A_57 : f32 to vector<2000x128xf32>
    %add3A_59 = arith.addf %dot_general3A_56, %add3A_58 : vector<2000x128xf32>
    %div3A_60 = arith.divf %concatenate3A, %add3A_59 : vector<2000x128xf32>
    %get3A_61 = arith.constant 0 : index
    %get3A_62 = arith.constant 0 : index
    %get3A_63 = vector.load %arg2[%get3A_61, %get3A_62] : memref<1x128xf32, #tpu.memory_space<vmem>>, vector<1x128xf32>
    %add3A_64 = vector.broadcast %get3A_63 : vector<1x128xf32> to vector<2000x128xf32>
    %add3A_65 = arith.addf %div3A_60, %add3A_64 : vector<2000x128xf32>
    %gt3A = arith.constant 0.000000e+00 : f32
    %gt3A_66 = vector.broadcast %gt3A : f32 to vector<2000x128xf32>
    %gt3A_67 = arith.cmpf ogt, %add3A_65, %gt3A_66 : vector<2000x128xf32>
    %exp3A = math.exp %add3A_65 : vector<2000x128xf32>
    %sub3A_68 = arith.constant 1.000000e+00 : f32
    %sub3A_69 = vector.broadcast %sub3A_68 : f32 to vector<2000x128xf32>
    %sub3A_70 = arith.subf %exp3A, %sub3A_69 : vector<2000x128xf32>
    %select_n3A_71 = arith.select %gt3A_67, %add3A_65, %sub3A_70 : vector<2000x128xi1>, vector<2000x128xf32>
    %get3A_72 = arith.constant 0 : index
    %get3A_73 = arith.constant 0 : index
    %get3A_74 = vector.load %arg3[%get3A_72, %get3A_73] : memref<128x16xf32, #tpu.memory_space<vmem>>, vector<128x16xf32>
    %dot_general3A_75 = arith.constant dense<0.000000e+00> : vector<2000x16xf32>
    %dot_general3A_76 = tpu.matmul %select_n3A_71, %get3A_74, %dot_general3A_75 {dimension_numbers = #tpu.dot_dimension_numbers<[1], [0], [0], [1], [0, 0, 1, 1], [], []>, transpose_lhs_hint = false} : vector<2000x128xf32>, vector<128x16xf32>, vector<2000x16xf32> -> vector<2000x16xf32>
    %get3A_77 = arith.constant 0 : index
    %get3A_78 = arith.constant 0 : index
    %get3A_79 = vector.load %arg4[%get3A_77, %get3A_78] : memref<1x16xf32, #tpu.memory_space<vmem>>, vector<1x16xf32>
    %mul3A = vector.broadcast %get3A_79 : vector<1x16xf32> to vector<2000x16xf32>
    %mul3A_80 = arith.mulf %dot_general3A_76, %mul3A : vector<2000x16xf32>
    %reduce_sum3A = arith.constant dense<0.000000e+00> : vector<2000xf32>
    %reduce_sum3A_81 = vector.multi_reduction <add>, %mul3A_80, %reduce_sum3A [1] : vector<2000x16xf32> to vector<2000xf32>
    %broadcast_in_dim3A_82 = vector.shape_cast %reduce_sum3A_81 : vector<2000xf32> to vector<2000x1xf32>
    %get3A_83 = arith.constant 0 : index
    %get3A_84 = arith.constant 0 : index
    %get3A_85 = vector.load %arg5[%get3A_83, %get3A_84] : memref<1x16xf32, #tpu.memory_space<vmem>>, vector<1x16xf32>
    %mul3A_86 = vector.broadcast %get3A_85 : vector<1x16xf32> to vector<2000x16xf32>
    %mul3A_87 = arith.mulf %dot_general3A_76, %mul3A_86 : vector<2000x16xf32>
    %reduce_sum3A_88 = arith.constant dense<0.000000e+00> : vector<2000xf32>
    %reduce_sum3A_89 = vector.multi_reduction <add>, %mul3A_87, %reduce_sum3A_88 [1] : vector<2000x16xf32> to vector<2000xf32>
    %broadcast_in_dim3A_90 = vector.shape_cast %reduce_sum3A_89 : vector<2000xf32> to vector<2000x1xf32>
    %broadcast_in_dim3A_91 = arith.constant 0.000000e+00 : f32
    %broadcast_in_dim3A_92 = vector.broadcast %broadcast_in_dim3A_91 : f32 to vector<2000x15xf32>
    %concatenate3A_93 = tpu.concatenate %dot_general3A_76, %broadcast_in_dim3A_82, %broadcast_in_dim3A_92 in 1 : vector<2000x16xf32>, vector<2000x1xf32>, vector<2000x15xf32> -> vector<2000x32xf32>
    %swap3A = arith.constant 0 : index
    %swap3A_94 = arith.constant 0 : index
    %swap3A_95 = vector.load %arg6[%swap3A, %swap3A_94] : memref<2000x32xf32, #tpu.memory_space<vmem>>, vector<2000x32xf32>
    tpu.vector_store %arg6[%swap3A, %swap3A_94], %concatenate3A_93 {strides = array<i32>} : memref<2000x32xf32, #tpu.memory_space<vmem>>, vector<2000x32xf32>,
    %concatenate3A_96 = tpu.concatenate %broadcast_in_dim3A_90, %broadcast_in_dim3A_92 in 1 : vector<2000x1xf32>, vector<2000x15xf32> -> vector<2000x16xf32>
    %swap3A_97 = arith.constant 0 : index
    %swap3A_98 = arith.constant 0 : index
    %swap3A_99 = vector.load %arg7[%swap3A_97, %swap3A_98] : memref<2000x16xf32, #tpu.memory_space<vmem>>, vector<2000x16xf32>
    tpu.vector_store %arg7[%swap3A_97, %swap3A_98], %concatenate3A_96 {strides = array<i32>} : memref<2000x16xf32, #tpu.memory_space<vmem>>, vector<2000x16xf32>,
    return
  }
  func.func @transform_0(%arg0: i32) -> (i32, i32, i32, i32) {
    %c0_i32 = arith.constant 0 : i32
    %c0_i32_0 = arith.constant 0 : i32
    %c0_i32_1 = arith.constant 0 : i32
    %c0_i32_2 = arith.constant 0 : i32
    return %c0_i32, %c0_i32_0, %arg0, %c0_i32_1 : i32, i32, i32, i32
  }
  func.func @transform_1(%arg0: i32) -> (i32, i32) {
    %c0_i32 = arith.constant 0 : i32
    %c0_i32_0 = arith.constant 0 : i32
    %c0_i32_1 = arith.constant 0 : i32
    return %c0_i32, %c0_i32_0 : i32, i32
  }
  func.func @transform_2(%arg0: i32) -> (i32, i32) {
    %c0_i32 = arith.constant 0 : i32
    %c0_i32_0 = arith.constant 0 : i32
    %c0_i32_1 = arith.constant 0 : i32
    return %c0_i32, %c0_i32_0 : i32, i32
  }
  func.func @transform_3(%arg0: i32) -> (i32, i32) {
    %c0_i32 = arith.constant 0 : i32
    %c0_i32_0 = arith.constant 0 : i32
    %c0_i32_1 = arith.constant 0 : i32
    return %c0_i32, %c0_i32_0 : i32, i32
  }
  func.func @transform_4(%arg0: i32) -> (i32, i32) {
    %c0_i32 = arith.constant 0 : i32
    %c0_i32_0 = arith.constant 0 : i32
    %c0_i32_1 = arith.constant 0 : i32
    return %c0_i32, %c0_i32_0 : i32, i32
  }
  func.func @transform_5(%arg0: i32) -> (i32, i32) {
    %c0_i32 = arith.constant 0 : i32
    %c0_i32_0 = arith.constant 0 : i32
    return %arg0, %c0_i32 : i32, i32
  }
  func.func @transform_6(%arg0: i32) -> (i32, i32) {
    %c0_i32 = arith.constant 0 : i32
    %c0_i32_0 = arith.constant 0 : i32
    return %arg0, %c0_i32 : i32, i32
  }
}

module attributes {stable_mosaic.version = 14 : i64} {
  func.func @_k3_body(%arg0: i32, %arg1: memref<1x2x2000x32xf32, #tpu.memory_space<vmem>>, %arg2: memref<1x16xf32, #tpu.memory_space<vmem>>, %arg3: memref<2000x16xf32, #tpu.memory_space<vmem>>) attributes {dimension_semantics = [#tpu.dimension_semantics<arbitrary>], iteration_bounds = array<i64: 5>, scalar_prefetch = 0 : i64, scratch_operands = 0 : i64, tpu.core_type = #tpu.core_type<tc>, window_params = [{transform_indices = @transform_0, window_bounds = array<i64: 1, 2, 2000, 32>}, {pipeline_mode = #tpu.pipeline_mode<synchronous>, transform_indices = @transform_1, window_bounds = array<i64: 1, 16>}, {transform_indices = @transform_2, window_bounds = array<i64: 2000, 16>}]} {
    %get3A = arith.constant 0 : index
    %get3A_0 = arith.constant 0 : index
    %get3A_1 = arith.constant 0 : index
    %get3A_2 = arith.constant 0 : index
    %get3A_3 = vector.load %arg1[%get3A, %get3A_0, %get3A_1, %get3A_2] : memref<1x2x2000x32xf32, #tpu.memory_space<vmem>>, vector<1x1x2000x32xf32>
    %get3A_4 = vector.shape_cast %get3A_3 : vector<1x1x2000x32xf32> to vector<2000x32xf32>
    %get3A_5 = arith.constant 0 : index
    %get3A_6 = arith.constant 1 : index
    %get3A_7 = arith.constant 0 : index
    %get3A_8 = arith.constant 0 : index
    %get3A_9 = vector.load %arg1[%get3A_5, %get3A_6, %get3A_7, %get3A_8] : memref<1x2x2000x32xf32, #tpu.memory_space<vmem>>, vector<1x1x2000x32xf32>
    %get3A_10 = vector.shape_cast %get3A_9 : vector<1x1x2000x32xf32> to vector<2000x32xf32>
    %add3A = arith.addf %get3A_4, %get3A_10 : vector<2000x32xf32>
    %slice3A = vector.extract_strided_slice %add3A {offsets = [0, 0], sizes = [2000, 16], strides = [1, 1]} : vector<2000x32xf32> to vector<2000x16xf32>
    %slice3A_11 = vector.extract_strided_slice %add3A {offsets = [0, 16], sizes = [2000, 1], strides = [1, 1]} : vector<2000x32xf32> to vector<2000x1xf32>
    %add3A_12 = arith.constant 1.000000e-16 : f32
    %add3A_13 = vector.broadcast %add3A_12 : f32 to vector<2000x1xf32>
    %add3A_14 = arith.addf %slice3A_11, %add3A_13 : vector<2000x1xf32>
    %div3A = vector.broadcast %add3A_14 : vector<2000x1xf32> to vector<2000x16xf32>
    %div3A_15 = arith.divf %slice3A, %div3A : vector<2000x16xf32>
    %get3A_16 = arith.constant 0 : index
    %get3A_17 = arith.constant 0 : index
    %get3A_18 = vector.load %arg2[%get3A_16, %get3A_17] : memref<1x16xf32, #tpu.memory_space<vmem>>, vector<1x16xf32>
    %add3A_19 = vector.broadcast %get3A_18 : vector<1x16xf32> to vector<2000x16xf32>
    %add3A_20 = arith.addf %div3A_15, %add3A_19 : vector<2000x16xf32>
    %reduce_max3A = arith.constant dense<0xFF800000> : vector<2000xf32>
    %reduce_max3A_21 = vector.multi_reduction <maximumf>, %add3A_20, %reduce_max3A [1] : vector<2000x16xf32> to vector<2000xf32>
    %broadcast_in_dim3A = vector.shape_cast %reduce_max3A_21 : vector<2000xf32> to vector<2000x1xf32>
    %sub3A = vector.broadcast %broadcast_in_dim3A : vector<2000x1xf32> to vector<2000x16xf32>
    %sub3A_22 = arith.subf %add3A_20, %sub3A : vector<2000x16xf32>
    %exp3A = math.exp %sub3A_22 : vector<2000x16xf32>
    %reduce_sum3A = arith.constant dense<0.000000e+00> : vector<2000xf32>
    %reduce_sum3A_23 = vector.multi_reduction <add>, %exp3A, %reduce_sum3A [1] : vector<2000x16xf32> to vector<2000xf32>
    %broadcast_in_dim3A_24 = vector.shape_cast %reduce_sum3A_23 : vector<2000xf32> to vector<2000x1xf32>
    %log3A = math.log %broadcast_in_dim3A_24 : vector<2000x1xf32>
    %sub3A_25 = vector.broadcast %log3A : vector<2000x1xf32> to vector<2000x16xf32>
    %sub3A_26 = arith.subf %sub3A_22, %sub3A_25 : vector<2000x16xf32>
    %swap3A = arith.constant 0 : index
    %swap3A_27 = arith.constant 0 : index
    %swap3A_28 = vector.load %arg3[%swap3A, %swap3A_27] : memref<2000x16xf32, #tpu.memory_space<vmem>>, vector<2000x16xf32>
    tpu.vector_store %arg3[%swap3A, %swap3A_27], %sub3A_26 {strides = array<i32>} : memref<2000x16xf32, #tpu.memory_space<vmem>>, vector<2000x16xf32>,
    return
  }
  func.func @transform_0(%arg0: i32) -> (i32, i32, i32, i32) {
    %c0_i32 = arith.constant 0 : i32
    %c0_i32_0 = arith.constant 0 : i32
    %c0_i32_1 = arith.constant 0 : i32
    %c0_i32_2 = arith.constant 0 : i32
    return %c0_i32, %c0_i32_0, %arg0, %c0_i32_1 : i32, i32, i32, i32
  }
  func.func @transform_1(%arg0: i32) -> (i32, i32) {
    %c0_i32 = arith.constant 0 : i32
    %c0_i32_0 = arith.constant 0 : i32
    %c0_i32_1 = arith.constant 0 : i32
    return %c0_i32, %c0_i32_0 : i32, i32
  }
  func.func @transform_2(%arg0: i32) -> (i32, i32) {
    %c0_i32 = arith.constant 0 : i32
    %c0_i32_0 = arith.constant 0 : i32
    return %arg0, %c0_i32 : i32, i32
  }
}

</mosaic_0001>

<sc_bundles>
// kernel: kernel.10.cloned.1.call-start
scs
__scs_entry_jumppad:
0x0: {  	(pc) =	sbr.rel $0x88, $3  }
0x1: {  	(tag) =	ssettag $0x0;
	lr =	simm.s32 $0x1  }
0x2: {  	[smem:$0x3F97] =	sst lr;
	_ =	strace $0xD0000000  }
0x3: {  	_ = 	snop  }
0x4: {  	_ = 	snop  }
0x5: {  	_ = 	snop  }
0x6: {  	_ = 	snop  }
0x7: {  	_ = 	snop  }
__scs_overlays_trampoline_lowered:
0x8: {  	[smem:$0x3FA6] =	sst s0  }
0x9: {  	[smem:$0x3FA7] =	sst s1  }
0xa: {  	[smem:$0x3FA8] =	sst s2  }
0xb: {  	[smem:$0x3FA9] =	sst s3  }
0xc: {  	[smem:$0x3FAA] =	sst s4  }
0xd: {  	[smem:$0x3FAB] =	sst s5  }
0xe: {  	[smem:$0x3FAC] =	sst s6  }
0xf: {  	[smem:$0x3FAD] =	sst s7  }
0x10: {  	[smem:$0x3FAE] =	sst s8  }
0x11: {  	[smem:$0x3FAF] =	sst s9;
	s0 =	simm.s32 @!p0 $0x0  }
0x12: {  	s1 =	sld [smem:$0x3F95];
	s0 =	simm.s32 @p0 $0x1  }
0x13: {  	[smem:$0x3FB0] =	sst s0;
	s0 =	simm.s32 @!p1 $0x0  }
0x14: {  	s2 =	sld [smem:$0x3F94];
	s0 =	simm.s32 @p1 $0x1  }
0x15: {  	[smem:$0x3FB1] =	sst s0;
	s0 =	simm.s32 @!p2 $0x0  }
0x16: {  	s3 =	sld [smem:$0x3FDB];
	s0 =	simm.s32 @p2 $0x1  }
0x17: {  	s4 =	simm.s32 $0x1BF5;
	[smem:$0x3FB3] =	sst s0  }
0x18: {  	s0 =	sld [smem:$0x3F96];
	_ =	swait.ge [sflag:s4], $0x0  }
0x19: {  	s7 =	sld [smem:$0x3F97]  }
0x1a: {  	s8 =	sadd.s32 $0xFFFFE003, lr  }
0x1b: {  	s9 =	sadd.s32 $0xFFFFFEF7, lr;
	s5 =	simm.s32 $0xFFFFFFFF;
	p2 =	slt.u32 s8, $0xFFFFF086  }
0x1c: {  	p1 =	slt.u32 s9, $0xF7A;
	s5 =	simm.s32 @!p2 $0x0  }
0x1d: {  	s5 =	simm.s32 @p1 $0x1;
	p0 =	seq.s32 s7, s2  }
0x1e: {  	s7 =	smul.u32 @!p0 $0xF7A, s2;
	p2 =	seq.s32 @!p0 s5, $0x0  }
0x1f: {  	s9 =	smul.u32 $0xF7A, s1;
	s8 =	simm.s32 @!p0 $0x1BF5;
	p2 =	por !p2, p0  }
0x20: {  	[sflag:s8] =	ssyncset.s32 @!p0 $0xFFFFF086;
	s6 =	sadd.s32 @!p0 s3, s7;
	s7 =	simm.s32 @!p0 $0x108  }
0x21: {  	s3 =	sadd.s32 s3, s9;
	s6 =	sadd.s32 @!p0 $0x88, s6;
	s7 =	simm.s32 @p2 $0x1082  }
0x22: {  	[simem:s7], [sflag:s8] =	dma.local @!p0 [hbm:s6], $0xF7A  }
0x23: {  	s9 =	sor.u32 $0xD0000000, s2;
	s6 =	simm.s32 $0x108;
	_ =	swait.ge @!p0 [sflag:s8], $0x0  }
0x24: {  	s3 =	sadd.s32 $0x88, s3;
	s6 =	simm.s32 @!p1 $0x1082;
	[sflag:s4] =	ssyncset.s32 $0xFFFFF086  }
0x25: {  	[simem:s6], [sflag:s4] =	dma.local [hbm:s3], $0xF7A  }
0x26: {  	[smem:$0x3F97] =	sst s1;
	(tag) =	ssettag s2;
	_ =	strace s9  }
0x27: {  	s1 =	sld [smem:$0x3FA7]  }
0x28: {  	s2 =	sld [smem:$0x3FA8]  }
0x29: {  	s4 =	sld [smem:$0x3FAA]  }
0x2a: {  	p0 =	seq.s32 s5, $0x0;
	s5 =	sld [smem:$0x3FAB]  }
0x2b: {  	s6 =	sld [smem:$0x3FAC]  }
0x2c: {  	s7 =	sld [smem:$0x3FAD]  }
0x2d: {  	s3 =	simm.s32 $0x108;
	s8 =	sld [smem:$0x3FAE]  }
0x2e: {  	s3 =	simm.s32 @!p0 $0x1082;
	s9 =	sld [smem:$0x3FAF]  }
0x2f: {  	lr =	sadd.s32 s0, s3;
	s0 =	sld [smem:$0x3FA6]  }
0x30: {  	s3 =	sld [smem:$0x3FA9]  }
0x31: {  	[smem:$0x3FB2] =	sst s10  }
0x32: {  	s10 =	sld [smem:$0x3FB0];
	_ =	sdelay $0x3  }
0x33: {  	p0 =	seq.s32 s10, $0x1;
	s10 =	sld [smem:$0x3FB2];
	_ =	sdelay $0x3  }
0x34: {  	[smem:$0x3FB2] =	sst s10  }
0x35: {  	s10 =	sld [smem:$0x3FB1];
	_ =	sdelay $0x3  }
0x36: {  	p1 =	seq.s32 s10, $0x1;
	s10 =	sld [smem:$0x3FB2];
	_ =	sdelay $0x3  }
0x37: {  	[smem:$0x3FB2] =	sst s10  }
0x38: {  	s10 =	sld [smem:$0x3FB3]  }
0x39: {  	_ = 	snop;
	(pc) =	sbr.ind lr, $3  }
0x3a: {  	_ = 	snop  }
0x3b: {  	_ = 	snop  }
0x3c: {  	p2 =	seq.s32 s10, $0x1;
	s10 =	sld [smem:$0x3FB2]  }
0x3d: {  	_ =	shalt  }
0x3e: {  	_ =	shalt  }
0x3f: {  	_ =	shalt  }
0x40: {  	_ =	shalt  }
0x41: {  	_ =	shalt  }
0x42: {  	_ =	shalt  }
0x43: {  	_ =	shalt  }
0x44: {  	_ =	shalt  }
0x45: {  	_ =	shalt  }
0x46: {  	_ =	shalt  }
0x47: {  	_ =	shalt  }
0x48: {  	_ =	shalt  }
0x49: {  	_ =	shalt  }
0x4a: {  	_ =	shalt  }
0x4b: {  	_ =	shalt  }
0x4c: {  	_ =	shalt  }
0x4d: {  	_ =	shalt  }
0x4e: {  	_ =	shalt  }
0x4f: {  	_ =	shalt  }
0x50: {  	_ =	shalt  }
0x51: {  	_ =	shalt  }
0x52: {  	_ =	shalt  }
0x53: {  	_ =	shalt  }
0x54: {  	_ =	shalt  }
0x55: {  	_ =	shalt  }
0x56: {  	_ =	shalt  }
0x57: {  	_ =	shalt  }
0x58: {  	_ =	shalt  }
0x59: {  	_ =	shalt  }
0x5a: {  	_ =	shalt  }
0x5b: {  	_ =	shalt  }
0x5c: {  	_ =	shalt  }
0x5d: {  	_ =	shalt  }
0x5e: {  	_ =	shalt  }
0x5f: {  	_ =	shalt  }
0x60: {  	_ =	shalt  }
0x61: {  	_ =	shalt  }
0x62: {  	_ =	shalt  }
0x63: {  	_ =	shalt  }
0x64: {  	_ =	shalt  }
0x65: {  	_ =	shalt  }
0x66: {  	_ =	shalt  }
0x67: {  	_ =	shalt  }
0x68: {  	_ =	shalt  }
0x69: {  	_ =	shalt  }
0x6a: {  	_ =	shalt  }
0x6b: {  	_ =	shalt  }
0x6c: {  	_ =	shalt  }
0x6d: {  	_ =	shalt  }
0x6e: {  	_ =	shalt  }
0x6f: {  	_ =	shalt  }
0x70: {  	_ =	shalt  }
0x71: {  	_ =	shalt  }
0x72: {  	_ =	shalt  }
0x73: {  	_ =	shalt  }
0x74: {  	_ =	shalt  }
0x75: {  	_ =	shalt  }
0x76: {  	_ =	shalt  }
0x77: {  	_ =	shalt  }
0x78: {  	_ =	shalt  }
0x79: {  	_ =	shalt  }
0x7a: {  	_ =	shalt  }
0x7b: {  	_ =	shalt  }
0x7c: {  	_ =	shalt  }
0x7d: {  	_ =	shalt  }
0x7e: {  	_ =	shalt  }
0x7f: {  	_ =	shalt  }
0x80: {  	_ =	shalt  }
0x81: {  	_ =	shalt  }
0x82: {  	_ =	shalt  }
0x83: {  	_ =	shalt  }
0x84: {  	_ =	shalt  }
0x85: {  	_ =	shalt  }
0x86: {  	_ =	shalt  }
0x87: {  	_ =	shalt  }
.Lfunc_end0:
.L_simem_size_0:
called_computation.1_lowered:
.L_overlay_start_0:
0x88: {  	s2 =	sld [smem:$0x3FD9]  }
0x89: {  	s3 =	sld [smem:$0x3FFE];
	_ =	sdelay $0x1  }
0x8a: {  	s1 =	srdreg.scid  }
0x8b: {  	s0 =	sand.u32 $0x1, s1  }
0x8c: {  	s17 =	sshll.u32 s0, $0xA;
	s2 =	sadd.s32 s3, s2  }
0x8d: {  	s2 =	sadd.s32 s2, s17  }
0x8e: {  	[smem:$0x3FBE] =	sst s2  }
0x8f: {  	_ = 	snop  }
0x90: {  	s2 =	sld [smem:$0x3FD0];
	(tm) =	ssettm $0x1  }
0x91: {  	s18 =	sld [smem:$0x3FFB];
	_ =	sdelay $0x3  }
0x92: {  	_ =	strace s18  }
0x93: {  	s3 =	sld [smem:$0x3FFC];
	_ =	sdelay $0x3  }
0x94: {  	_ =	strace s3  }
0x95: {  	s3 =	sld [smem:$0x3FFD];
	_ =	sdelay $0x3  }
0x96: {  	_ =	strace s3  }
0x97: {  	_ =	strace $0x8FFFFFFF  }
0x98: {  	s19 =	sld [smem:$0x3FDB];
	_ =	sdelay $0x1  }
0x99: {  	s4 =	simm.s32 $_scs_section_size  }
0x9a: {  	s5 =	simm.s32 $_size__tile_overlayer_lowered;
	s6 =	simm.s32 $_tile_overlayer_lowered  }
0x9b: {  	s22 =	simm.s32 $0x1BFF;
	s21 =	sshll.u32 s6, $0x1;
	s3 =	sadd.s32 s4, s19  }
0x9c: {  	s7 =	simm.s32 $0x0;
	s20 =	sshll.u32 s5, $0x1;
	s5 =	sadd.s32 s21, s3  }
0x9d: {  	[timem:s7], [sflag:s22] =	dma.local [hbm:s5], s20  }
0x9e: {  	_ =	swait.ge [sflag:s22], s20  }
0x9f: {  	s4 =	ssub.s32 $0x0, s20;
	[sflag:s22] =	ssyncset.done $0x0  }
0xa0: {  	[sflag:s22] =	ssyncadd.s32 s4;
	_ =	sdelay $0x1  }
0xa1: {  	s23 =	simm.s32 $0x1B8B  }
0xa2: {  	_ =	swait.ge [sflag:s23], $0x1  }
0xa3: {  	[sflag:s23] =	ssyncset.done $0x0  }
0xa4: {  	s25 =	simm.s32 $0x1B8E;
	s24 =	sld [smem:$0x3FFE];
	[sflag:s23] =	ssyncadd.s32 $0xFFFFFFFF  }
0xa5: {  	s26 =	simm.s32 $execute0_lowered;
	[smem:$0x3FD2] =	sst s25  }
0xa6: {  	s5 =	sshll.u32 s26, $0x1;
	_ =	strace $0x80000049;
	[dreg:$0x1] =	wrdreg $0xFFFFFFFF  }
0xa7: {  	s28 =	simm.s32 $_size_execute0_lowered;
	s3 =	sadd.s32 s3, s5;
	[dreg:$0x0] =	wrdreg $0x0  }
0xa8: {  	s5 =	sshll.u32 s28, $0x1;
	[dreg:$0x2] =	wrdreg s3  }
0xa9: {  	[dreg:$0x3] =	wrdreg s5  }
0xaa: {  	[dreg:$0x4] =	wrdreg $0xC0  }
0xab: {  	_ =	task [dreg:s7], $0x5FFFF  }
0xac: {  	[dreg:$0x1] =	wrdreg $0xFFFFFFFF  }
0xad: {  	[dreg:$0x0] =	wrdreg $0x60  }
0xae: {  	[dreg:$0x2] =	wrdreg s24  }
0xaf: {  	[dreg:$0x3] =	wrdreg s2  }
0xb0: {  	[dreg:$0x4] =	wrdreg $0xB1000  }
0xb1: {  	[dreg:$0x5] =	wrdreg $0x9  }
0xb2: {  	_ =	task.clear_ibuf [dreg:s7], $0x6FFFF;
	_ =	strace $0x90000049  }
0xb3: {  	s29 =	simm.s32 $0x9;
	_ =	strace $0x8000004B  }
0xb4: {  	_ =	swait.ge [sflag:s29], $0x1  }
0xb5: {  	[sflag:s29] =	ssyncadd.s32 $0xFFFFFFFF  }
0xb6: {  	_ =	strace $0x9000004B  }
0xb7: {  	_ =	sfence  }
0xb8: {  	s30 =	sld [smem:$0x0];
	_ =	sdelay $0x2  }
0xb9: {  	s31 =	sshll.u32 s1, $0xD;
	s1 =	sshrl.u32 s1, $0x2  }
0xba: {  	s3 =	sand.u32 $0x4000, s31;
	s1 =	sadd.s32 s1, s30  }
0xbb: {  	s0 =	sor.u32 s3, s0;
	s1 =	sshll.u32 s1, $0x11  }
0xbc: {  	s0 =	sor.u32 s1, s0  }
0xbd: {  	s0 =	sadd.s32 $0x8F2B, s0  }
0xbe: {  	[sflag:s0] =	ssyncadd.remote.s32 $0x1  }
0xbf: {  	_ =	sfence.sel $0xFFFF  }
0xc0: {  	[dreg:$0x0] =	wrdreg $0xFFFFFFFF;
	(pc) =	sbr.abs _section_cstart, $3  }
0xc1: {  	[dreg:$0x1] =	wrdreg $0xFFFFFFFF  }
0xc2: {  	_ =	task.clear_ibuf [dreg:s7], $0x2FFFF;
	_ =	strace $0x9FFFFFFF  }
0xc3: {  	(tm) =	ssettm $0x7FFFFFFF  }
tec
execute0_lowered:
.L_overlay_start_1:
0x0: {  	(tag) =	ssettag $0x1  }
0x1: {  	s0 =	rddreg [dreg:$0x0];
	s1 =	srdreg.scid  }
0x2: {  	s8 =	stileid.u32;
	s2 =	rddreg [dreg:$0x1]  }
0x3: {  	s3 =	rddreg [dreg:$0x2];
	s5 =	simm.s32 $0x0;
	s14 =	simm.s32 $0x5  }
0x4: {  	s16 =	simm.s32 $0xA100;
	s17 =	simm.s32 $0x80;
	s18 =	simm.s32 $0x5100  }
0x5: {  	s19 =	simm.s32 $0x7100;
	s20 =	simm.s32 $0x1;
	s21 =	simm.s32 $0x8100  }
0x6: {  	s22 =	simm.s32 $0x2;
	s23 =	simm.s32 $0x9100;
	s28 =	simm.s32 $0x0  }
0x7: {  	s1 =	sand.u32 $0x1, s1;
	s4 =	sshll.u32 s8, $0x1;
	s7 =	smul.u32 $0x13C00, s8  }
0x8: {  	[smem:$0x7FF] =	sst s5;
	s5 =	sadd.s32 $0x1600, s0;
	s13 =	smul.u32 $0x4F00, s8  }
0x9: {  	s4 =	sor.u32 s1, s4;
	s6 =	smul.u32 $0x9E00, s1;
	s1 =	ssub.s32 $0x2, s1  }
0xa: {  	_ =	strace $0x8000004A;
	s4 =	smul.u32 $0x510, s4;
	s25 =	sshrl.u32 s1, $0x1  }
0xb: {  	s29 =	sshrl.u32 s7, $0x2;
	s8 =	sadd.s32 s13, s3;
	s31 =	sshrl.u32 s13, $0x3  }
0xc: {  	s1 =	ssub.s32 s1, s25;
	s30 =	sadd.s32 s29, s3;
	s25 =	simm.s32 $0x3  }
.Ltmp0:
0xd: {  	s4 =	sadd.s32 s4, s0;
	s0 =	sadd.s32 s6, s0;
	(pc) =	sbr.rel .LBB2_1-.Ltmp0, $4  }
0xe: {  	s9 =	sadd.s32 $0x1000, s30;
	s10 =	sadd.s32 $0x2000, s30;
	s11 =	sadd.s32 $0x3000, s30  }
0xf: {  	s12 =	sadd.s32 $0x4000, s30;
	s13 =	smax.u32 s1, $0x1;
	s6 =	simm.s32 $0x2880  }
0x10: {  	s26 =	sadd.s32 $0x46400, s4;
	s7 =	sadd.s32 $0x3C200, s4;
	s0 =	sadd.s32 $0xB400, s0  }
0x11: {  	v0 =	vimm.f32 $0.0e+00;
	v1 =	vimm.s32 $0x0;
	[dreg:$0x4] =	wrdreg s26;
	s24 =	sadd.s32 s31, s0;
	s26 =	simm.s32 $0x4  }
.LBB2_11:
0x12: {  	_ =	swait.ge [sflag:s25], $0x1000  }
0x13: {  	[sflag:s25] =	ssyncset.done $0x0  }
0x14: {  	[sflag:s25] =	ssyncadd.s32 $0xFFFFF000  }
0x15: {  	s0 =	stileid.u32;
	_ =	swait.ge [sflag:s26], $0x1000  }
0x16: {  	s1 =	sshrl.u32 s8, $0x3;
	s28 =	sadd.s32 $0x1, s28;
	[sflag:s26] =	ssyncset.done $0x0  }
0x17: {  	s0 =	sshll.u32 s0, $0x6;
	p0 =	sne.s32 s28, s13;
	[sflag:s26] =	ssyncadd.s32 $0xFFFFF000  }
.Ltmp1:
0x18: {  	s0 =	sor.u32 $0x1C05, s0;
	[bflag:$0x0] =	sbarrier.arrive $0xFFFF;
	(pc) =	sbr.rel @!p0 .LBB2_12-.Ltmp1, $4  }
0x19: {  	[hbm:s24], [sflag:s0] =	dma.local [spmem:s1], $0x9E0  }
0x1a: {  	_ =	swait.ge [sflag:s14], $0x9E0  }
0x1b: {  	[sflag:s14] =	ssyncset.done $0x0  }
0x1c: {  	s6 =	simm.s32 $0x2880;
	[sflag:s14] =	ssyncadd.s32 $0xFFFFF620  }
.LBB2_1:
0x1d: {  	s0 =	simm.s32 $0x0;
	s1 =	rddreg [dreg:$0x4]  }
0x1e: {  	[tilespmem:s0], [sflag:$0x5] =	stream.linear.gather [hbm4b:s1+s0], $0x2880, $0x38;
	[tilespmem:$0x10000] =	vst v63  }
0x1f: {  	_ =	swait.ge [sflag:s14], $0x2880  }
0x20: {  	[sflag:s14] =	ssyncset.done $0x0  }
0x21: {  	[sflag:s14] =	ssyncadd.s32 $0xFFFFD780  }
0x22: {  	[tilespmem:s6], [sflag:$0x5] =	stream.linear.gather [hbm4b:s7+s0], $0x2880, $0x38;
	[tilespmem:$0x10000] =	vst v63  }
0x23: {  	_ =	swait.ge [sflag:s14], $0x2880  }
0x24: {  	[sflag:s14] =	ssyncset.done $0x0  }
0x25: {  	s1 =	simm.s32 $0x0;
	s0 =	simm.s32 $0x80;
	[sflag:s14] =	ssyncadd.s32 $0xFFFFD780  }
.LBB2_2:
0x26: {  	p0 =	sne.s32 s0, $0x3F80;
	[tilespmem:s1+$0xA100] =	vst v0;
	s4 =	smov.u32 s0;
	s0 =	sadd.s32 $0x80, s0  }
.Ltmp2:
0x27: {  	[tilespmem:s1+$0xA110] =	vst v0;
	(pc) =	sbr.rel @p0 .LBB2_2-.Ltmp2, $2  }
0x28: {  	_ =	sdelay $0x2  }
0x29: {  	s1 =	sshra.s32 s4, $0x2  }
0x2a: {  	[tilespmem:s1+$0xA100] =	vst v0  }
0x2b: {  	[tilespmem:s1+$0xA110] =	vst v0  }
0x2c: {  	[spmem:s8] =	stream.linear.scatter [tilespmem:s16], [sflag:$0x5], $0x1000, $0x38;
	[tilespmem:$0x10000] =	vst v63  }
0x2d: {  	_ =	swait.ge [sflag:s14], $0x1000  }
0x2e: {  	[sflag:s14] =	ssyncset.done $0x0  }
0x2f: {  	[sflag:s14] =	ssyncadd.s32 $0xFFFFF000  }
0x30: {  	[spmem:s9] =	stream.linear.scatter [tilespmem:s16], [sflag:$0x5], $0x1000, $0x38;
	[tilespmem:$0x10000] =	vst v63  }
0x31: {  	_ =	swait.ge [sflag:s14], $0x1000  }
0x32: {  	[sflag:s14] =	ssyncset.done $0x0  }
0x33: {  	[sflag:s14] =	ssyncadd.s32 $0xFFFFF000  }
0x34: {  	[spmem:s10] =	stream.linear.scatter [tilespmem:s16], [sflag:$0x5], $0x1000, $0x38;
	[tilespmem:$0x10000] =	vst v63  }
0x35: {  	_ =	swait.ge [sflag:s14], $0x1000  }
0x36: {  	[sflag:s14] =	ssyncset.done $0x0  }
0x37: {  	[sflag:s14] =	ssyncadd.s32 $0xFFFFF000  }
0x38: {  	[spmem:s11] =	stream.linear.scatter [tilespmem:s16], [sflag:$0x5], $0x1000, $0x38;
	[tilespmem:$0x10000] =	vst v63  }
0x39: {  	_ =	swait.ge [sflag:s14], $0x1000  }
0x3a: {  	[sflag:s14] =	ssyncset.done $0x0  }
0x3b: {  	[sflag:s14] =	ssyncadd.s32 $0xFFFFF000  }
0x3c: {  	[spmem:s12] =	stream.linear.scatter [tilespmem:s16], [sflag:$0x5], $0xF00, $0x38;
	[tilespmem:$0x10000] =	vst v63  }
0x3d: {  	_ =	swait.ge [sflag:s14], $0xF00  }
0x3e: {  	[sflag:s14] =	ssyncset.done $0x0  }
.Ltmp3:
0x3f: {  	[sflag:s14] =	ssyncadd.s32 $0xFFFFF100;
	(pc) =	sbr.rel .LBB2_4-.Ltmp3, $4  }
0x40: {  	s29 =	simm.s32 $0x0;
	[bflag:$0x0] =	sbarrier.arrive $0xFFFF  }
0x41: {  	[tilespmem:s18], [sflag:$0x1] =	stream.indirect.gather [hbm4b:s5+s17], $0x20, s29, s17, $0xb8;
	[tilespmem:$0x10000] =	vst v63  }
0x42: {  	_ = 	snop  }
0x43: {  	[tilespmem:s19], [sflag:$0x1] =	stream.indirect.gather [hbm4b:s2+s17], $0x10, s6, s17, $0xb8;
	[tilespmem:$0x10000] =	vst v63  }
.LBB2_10:
0x44: {  	s29 =	sadd.s32 $0x1, s29  }
0x45: {  	p0 =	sne.s32 s29, $0x29  }
.Ltmp4:
0x46: {  	_ = 	snop;
	(pc) =	sbr.rel @!p0 .LBB2_11-.Ltmp4, $1  }
0x47: {  	_ =	sdelay $0x3  }
.LBB2_4:
0x48: {  	_ =	swait.ge [sflag:s20], $0x1000  }
0x49: {  	[sflag:s20] =	ssyncset.done $0x0  }
0x4a: {  	s30 =	sshllo.u32 s29, $0x1;
	[sflag:s20] =	ssyncadd.s32 $0xFFFFF000  }
0x4b: {  	p1 =	sgt.u32 s30, $0x50;
	_ =	swait.ge [sflag:s20], $0x800  }
0x4c: {  	s0 =	sshll.u32 @!p1 s30, $0x7;
	[sflag:s20] =	ssyncset.done $0x0  }
0x4d: {  	s1 =	simm.s32 @!p1 $0x80;
	s4 =	simm.s32 @!p1 $0x6100;
	[sflag:s20] =	ssyncadd.s32 $0xFFFFF800  }
0x4e: {  	[tilespmem:s4], [sflag:$0x2] =	stream.indirect.gather @!p1 [hbm4b:s5+s1], $0x20, s0, s1, $0xb8;
	[tilespmem:$0x10000] =	vst v63  }
0x4f: {  	p0 =	seq.s32 s29, $0x0;
	s0 =	sadd.s32 @!p1 $0x2880, s0;
	s4 =	simm.s32 @!p1 $0x7900  }
0x50: {  	[tilespmem:s4], [sflag:$0x2] =	stream.indirect.gather @!p1 [hbm4b:s2+s1], $0x10, s0, s1, $0xb8;
	[tilespmem:$0x10000] =	vst v63  }
0x51: {  	s0 =	simm.s32 @!p0 $0x3  }
0x52: {  	_ =	swait.ge @!p0 [sflag:s0], $0x1000  }
0x53: {  	[sflag:s0] =	ssyncset.done @!p0 $0x0  }
0x54: {  	s4 =	simm.s32 $0x5180;
	[sflag:s0] =	ssyncadd.s32 @!p0 $0xFFFFF000  }
0x55: {  	s15 =	simm.s32 $0x7140;
	v2 =	vld [tilespmem:s4+$0x70]  }
0x56: {  	v3 =	vld [tilespmem:s15+$0x30];
	_ =	sdelay $0x2  }
0x57: {  	v4 =	vld [tilespmem:s15+$0xFFFFFFC0]  }
0x58: {  	v5 =	vld [tilespmem:s4+$0xFFFFFFB0]  }
0x59: {  	v6 =	vld [tilespmem:s4+$0xFFFFFFD0];
	v2 =	vadd.f32 v3, v2  }
0x5a: {  	v3 =	vld [tilespmem:s15+$0xFFFFFFD0]  }
0x5b: {  	v8 =	vld [tilespmem:s15+$0xFFFFFFE0];
	v7 =	vmul.f32 $2.000000030e-01, v2  }
0x5c: {  	v9 =	vld [tilespmem:s4+$0xFFFFFFF0]  }
0x5d: {  	v2 =	vmax.f32 v2, v7;
	v7 =	vld [tilespmem:s15+$0xFFFFFFF0]  }
0x5e: {  	v10 =	vld [tilespmem:s4+$0x10]  }
0x5f: {  	v2 =	vmul.f32 $1.442695020e+00, v2;
	v3 =	vadd.f32 v3, v5;
	v5 =	vld [tilespmem:s15+$0x0]  }
0x60: {  	v11 =	vld [tilespmem:s15+$0x10]  }
0x61: {  	(erf) = vpow2.f32 v2;
	v2 =	vadd.f32 v8, v6;
	v6 =	vld [tilespmem:s4+$0x30];
	v8 =	vmul.f32 $2.000000030e-01, v3  }
0x62: {  	v7 =	vadd.f32 v7, v9;
	v9 =	vld [tilespmem:s4+$0x50]  }
0x63: {  	v12 =	vmul.f32 $2.000000030e-01, v2;
	v3 =	vmax.f32 v3, v8;
	v8 =	vld [tilespmem:s15+$0x20]  }
0x64: {  	v13 =	vld [tilespmem:s4+$0xFFFFFF90];
	v5 =	vadd.f32 v5, v10  }
0x65: {  	v3 =	vmul.f32 $1.442695020e+00, v3;
	v2 =	vmax.f32 v2, v12;
	v12 =	vmul.f32 $2.000000030e-01, v7  }
0x66: {  	s0 =	simm.s32 $0x71C0;
	v10 =	vmul.f32 $2.000000030e-01, v5;
	v6 =	vadd.f32 v11, v6  }
0x67: {  	s1 =	simm.s32 $0x5280;
	v14 =	vld [tilespmem:s0+$0xFFFFFFF0];
	v2 =	vmul.f32 $1.442695020e+00, v2;
	(erf) = vpow2.f32 v3;
	v7 =	vmax.f32 v7, v12  }
0x68: {  	v17 =	vld [tilespmem:s1+$0x10];
	v3 =	vmax.f32 v5, v10;
	v5 =	vmul.f32 $2.000000030e-01, v6;
	v8 =	vadd.f32 v8, v9  }
0x69: {  	v22 =	vld [tilespmem:s0+$0x10];
	v4 =	vadd.f32 v4, v13;
	v7 =	vmul.f32 $1.442695020e+00, v7;
	v3 =	vmul.f32 $1.442695020e+00, v3  }
0x6a: {  	v11 =	vld [tilespmem:s0+$0x30];
	v9 =	vpop (erf);
	(erf) = vpow2.f32 v2;
	v5 =	vmax.f32 v6, v5;
	v6 =	vmul.f32 $2.000000030e-01, v8  }
0x6b: {  	v10 =	vmul.f32 $2.000000030e-01, v4;
	v2 =	vld [tilespmem:s1+$0x70];
	(erf) = vpow2.f32 v7  }
0x6c: {  	s31 =	simm.s32 $0x8180;
	v12 =	vld [tilespmem:s0+$0xFFFFFFD0];
	v5 =	vmul.f32 $1.442695020e+00, v5;
	v6 =	vmax.f32 v8, v6;
	(erf) = vpow2.f32 v3  }
0x6d: {  	[tilespmem:s31+$0x70] =	vst v9;
	v3 =	vmax.f32 v4, v10;
	v10 =	vld [tilespmem:s1+$0xFFFFFFB0];
	v4 =	vmul.f32 $1.442695020e+00, v6  }
0x6e: {  	v7 =	vld [tilespmem:s4+$0x60];
	(erf) = vpow2.f32 v5;
	v3 =	vmul.f32 $1.442695020e+00, v3  }
0x6f: {  	v13 =	vld [tilespmem:s0+$0xFFFFFFE0];
	(erf) = vpow2.f32 v4  }
0x70: {  	v4 =	vld [tilespmem:s1+$0xFFFFFFD0];
	(erf) = vpow2.f32 v3;
	v3 =	vadd.f32 v11, v2  }
0x71: {  	v11 =	vld [tilespmem:s1+$0xFFFFFFF0];
	v2 =	vperm.xlane v9, v1  }
0x72: {  	v24 =	vld [tilespmem:s1+$0x50];
	v9 =	vpop (erf);
	v10 =	vadd.f32 v12, v10;
	v16 =	vmul.f32 $2.000000030e-01, v3  }
0x73: {  	v20 =	vmul.f32 v2, v7;
	v7 =	vld [tilespmem:s0+$0x0];
	v15 =	vpop (erf)  }
0x74: {  	v5 =	vperm.xlane v9, v1;
	v23 =	vmul.f32 $2.000000030e-01, v10;
	v18 =	vpop (erf);
	v12 =	vmax.f32 v3, v16;
	v16 =	vld [tilespmem:s1+$0x30]  }
0x75: {  	v26 =	vld [tilespmem:s0+$0x20];
	v6 =	vperm.xlane v15, v1;
	v13 =	vadd.f32 v13, v4;
	v19 =	vpop (erf);
	v12 =	vmul.f32 $1.442695020e+00, v12  }
0x76: {  	v2 =	vperm.xlane v18, v1;
	v11 =	vadd.f32 v14, v11;
	v3 =	vperm.xlane v19, v1  }
0x77: {  	v10 =	vmax.f32 v10, v23;
	v21 =	vpop (erf);
	v14 =	vmul.f32 $2.000000030e-01, v13;
	(erf) = vpow2.f32 v12  }
0x78: {  	v8 =	vld [tilespmem:s0+$0xFFFFFFC0];
	[tilespmem:s31+$0xFFFFFFB0] =	vst v9;
	v10 =	vmul.f32 $1.442695020e+00, v10;
	v4 =	vperm.xlane v21, v1  }
0x79: {  	[tilespmem:s31+$0xFFFFFFD0] =	vst v15;
	v23 =	vld [tilespmem:s1+$0xFFFFFF90];
	v27 =	vmul.f32 $2.000000030e-01, v11;
	v17 =	vadd.f32 v7, v17;
	v25 =	vpop (erf);
	v16 =	vadd.f32 v22, v16  }
0x7a: {  	[tilespmem:s31+$0xFFFFFFF0] =	vst v18;
	v15 =	vld [tilespmem:s4+$0xFFFFFFC0];
	v18 =	vadd.f32 v26, v24;
	(erf) = vpow2.f32 v10;
	v12 =	vpop (erf);
	v7 =	vperm.xlane v25, v1  }
0x7b: {  	v9 =	vmax.f32 v13, v14;
	v14 =	vld [tilespmem:s4+$0xFFFFFFA0];
	v62 =	vmul.f32 $2.000000030e-01, v17;
	[tilespmem:s31+$0xFFFFFF90] =	vst v12;
	v63 =	vmul.f32 $2.000000030e-01, v16  }
0x7c: {  	[tilespmem:s31+$0x60] =	vst v20;
	v11 =	vmax.f32 v11, v27;
	v9 =	vmul.f32 $1.442695020e+00, v9;
	v12 =	vperm.xlane v12, v1;
	v13 =	vld [tilespmem:s4+$0xFFFFFF80]  }
0x7d: {  	[tilespmem:s31+$0x10] =	vst v19;
	v10 =	vld [tilespmem:s4+$0xFFFFFFE0];
	v11 =	vmul.f32 $1.442695020e+00, v11;
	v22 =	vmax.f32 v17, v62;
	v16 =	vmax.f32 v16, v63  }
0x7e: {  	[tilespmem:s31+$0x30] =	vst v21;
	v17 =	vadd.f32 v8, v23;
	(erf) = vpow2.f32 v9;
	v9 =	vld [tilespmem:s4+$0x0];
	v19 =	vmul.f32 $1.442695020e+00, v22  }
0x7f: {  	s6 =	simm.s32 $0x5380;
	[tilespmem:s31+$0x50] =	vst v25;
	v8 =	vld [tilespmem:s4+$0x20];
	v22 =	vmul.f32 $2.000000030e-01, v18;
	(erf) = vpow2.f32 v11  }
0x80: {  	s15 =	simm.s32 $0x8;
	v11 =	vld [tilespmem:s4+$0x40];
	s4 =	simm.s32 $0x8280;
	v21 =	vmul.f32 $2.000000030e-01, v17;
	v20 =	vmul.f32 $1.442695020e+00, v16;
	v16 =	vpop (erf)  }
.LBB2_5:
0x81: {  	v23 =	vld [tilespmem:s6+$0x70];
	v18 =	vmax.f32 v18, v22;
	[tilespmem:s4+$0x70] =	vst v16;
	(erf) = vpow2.f32 v19;
	v12 =	vmul.f32 v12, v13  }
0x82: {  	s0 =	sadd.s32 $0x80, s0;
	v13 =	vmax.f32 v17, v21;
	v17 =	vmul.f32 $1.442695020e+00, v18;
	v18 =	vld [tilespmem:s1+$0x60];
	(erf) = vpow2.f32 v20  }
0x83: {  	s15 =	sadd.s32 $0x8, s15;
	v5 =	vmul.f32 v5, v14;
	v19 =	vld [tilespmem:s0+$0x30];
	v21 =	vmul.f32 $1.442695020e+00, v13;
	[tilespmem:s31+$0xFFFFFF80] =	vst v12  }
0x84: {  	v6 =	vmul.f32 v6, v15;
	p2 =	slt.u32 s15, $0x78;
	v20 =	vld [tilespmem:s0+$0xFFFFFFC0];
	(erf) = vpow2.f32 v17  }
0x85: {  	v14 =	vperm.xlane v16, v1;
	v12 =	vld [tilespmem:s6+$0xFFFFFFB0];
	(erf) = vpow2.f32 v21;
	v13 =	vpop (erf);
	[tilespmem:s31+$0xFFFFFFA0] =	vst v5  }
0x86: {  	v10 =	vmul.f32 v2, v10;
	v15 =	vld [tilespmem:s0+$0xFFFFFFD0];
	[tilespmem:s4+$0xFFFFFFB0] =	vst v13;
	v5 =	vperm.xlane v13, v1  }
0x87: {  	v9 =	vmul.f32 v3, v9;
	v13 =	vld [tilespmem:s6+$0xFFFFFFD0];
	v14 =	vmul.f32 v14, v18;
	v2 =	vpop (erf);
	[tilespmem:s31+$0xFFFFFFC0] =	vst v6  }
0x88: {  	v8 =	vmul.f32 v4, v8;
	v16 =	vld [tilespmem:s0+$0xFFFFFFE0];
	v17 =	vadd.f32 v19, v23;
	[tilespmem:s4+$0xFFFFFFD0] =	vst v2;
	v6 =	vperm.xlane v2, v1;
	v3 =	vpop (erf)  }
0x89: {  	v11 =	vmul.f32 v7, v11;
	v18 =	vld [tilespmem:s6+$0xFFFFFFF0];
	v2 =	vperm.xlane v3, v1;
	[tilespmem:s4+$0x60] =	vst v14  }
0x8a: {  	v14 =	vld [tilespmem:s0+$0xFFFFFFF0];
	v4 =	vmul.f32 $2.000000030e-01, v17;
	[tilespmem:s4+$0xFFFFFFF0] =	vst v3;
	v3 =	vpop (erf)  }
0x8b: {  	v12 =	vadd.f32 v15, v12;
	v15 =	vld [tilespmem:s6+$0x10];
	[tilespmem:s4+$0x10] =	vst v3;
	v3 =	vperm.xlane v3, v1;
	v7 =	vpop (erf)  }
0x8c: {  	v19 =	vld [tilespmem:s0+$0x0];
	v17 =	vmax.f32 v17, v4;
	[tilespmem:s4+$0x30] =	vst v7;
	v4 =	vperm.xlane v7, v1  }
0x8d: {  	v21 =	vmul.f32 $2.000000030e-01, v12;
	v13 =	vadd.f32 v16, v13;
	v16 =	vld [tilespmem:s6+$0x30];
	v17 =	vmul.f32 $1.442695020e+00, v17;
	v7 =	vpop (erf);
	[tilespmem:s31+$0xFFFFFFE0] =	vst v10  }
0x8e: {  	v10 =	vld [tilespmem:s0+$0x10];
	[tilespmem:s4+$0x50] =	vst v7;
	v7 =	vperm.xlane v7, v1;
	v22 =	vpop (erf)  }
0x8f: {  	v23 =	vmul.f32 $2.000000030e-01, v13;
	v14 =	vadd.f32 v14, v18;
	v18 =	vld [tilespmem:s6+$0x50];
	(erf) = vpow2.f32 v17;
	[tilespmem:s4+$0xFFFFFF90] =	vst v22  }
0x90: {  	v17 =	vmax.f32 v12, v21;
	v12 =	vperm.xlane v22, v1;
	v21 =	vld [tilespmem:s0+$0x20];
	[tilespmem:s31+$0x0] =	vst v9  }
0x91: {  	v9 =	vld [tilespmem:s6+$0xFFFFFF90];
	v13 =	vmax.f32 v13, v23;
	v22 =	vmul.f32 $2.000000030e-01, v14;
	v19 =	vadd.f32 v19, v15;
	[tilespmem:s31+$0x20] =	vst v8  }
0x92: {  	v8 =	vmul.f32 $1.442695020e+00, v17;
	v23 =	vmul.f32 $1.442695020e+00, v13;
	v13 =	vld [tilespmem:s1+$0xFFFFFF80];
	[tilespmem:s31+$0x40] =	vst v11;
	s31 =	smov.u32 s4  }
0x93: {  	v11 =	vmax.f32 v14, v22;
	v17 =	vmul.f32 $2.000000030e-01, v19;
	v16 =	vadd.f32 v10, v16;
	v14 =	vld [tilespmem:s1+$0xFFFFFFA0]  }
.Ltmp5:
0x94: {  	v11 =	vmul.f32 $1.442695020e+00, v11;
	(erf) = vpow2.f32 v8;
	v15 =	vld [tilespmem:s1+$0xFFFFFFC0];
	(pc) =	sbr.rel @p2 .LBB2_5-.Ltmp5, $4  }
0x95: {  	v8 =	vmax.f32 v19, v17;
	v22 =	vmul.f32 $2.000000030e-01, v16;
	v18 =	vadd.f32 v21, v18;
	v10 =	vld [tilespmem:s1+$0xFFFFFFE0]  }
0x96: {  	v17 =	vadd.f32 v20, v9;
	v19 =	vmul.f32 $1.442695020e+00, v8;
	(erf) = vpow2.f32 v23;
	v9 =	vld [tilespmem:s1+$0x0]  }
0x97: {  	v23 =	vmax.f32 v16, v22;
	v22 =	vmul.f32 $2.000000030e-01, v18;
	(erf) = vpow2.f32 v11;
	v8 =	vld [tilespmem:s1+$0x20]  }
0x98: {  	s4 =	sadd.s32 $0x100, s4;
	v21 =	vmul.f32 $2.000000030e-01, v17;
	v20 =	vmul.f32 $1.442695020e+00, v23;
	v16 =	vpop (erf);
	v11 =	vld [tilespmem:s1+$0x40];
	s1 =	smov.u32 s6;
	s6 =	sadd.s32 $0x100, s6  }
0x99: {  	(erf) = vpow2.f32 v19;
	v12 =	vmul.f32 v12, v13  }
0x9a: {  	v18 =	vmax.f32 v18, v22;
	[tilespmem:s4+$0x70] =	vst v16;
	v5 =	vmul.f32 v5, v14;
	v6 =	vmul.f32 v6, v15  }
0x9b: {  	v17 =	vmax.f32 v17, v21;
	v18 =	vmul.f32 $1.442695020e+00, v18;
	(erf) = vpow2.f32 v20;
	[tilespmem:s31+$0xFFFFFF80] =	vst v12  }
0x9c: {  	v2 =	vmul.f32 v2, v10;
	v17 =	vmul.f32 $1.442695020e+00, v17;
	[tilespmem:s31+$0xFFFFFFA0] =	vst v5  }
0x9d: {  	[tilespmem:s31+$0xFFFFFFC0] =	vst v6;
	v3 =	vmul.f32 v3, v9;
	(erf) = vpow2.f32 v18  }
0x9e: {  	[tilespmem:s31+$0xFFFFFFE0] =	vst v2;
	(erf) = vpow2.f32 v17  }
0x9f: {  	v4 =	vmul.f32 v4, v8;
	v44 =	vpop (erf);
	[tilespmem:s31+$0x0] =	vst v3  }
0xa0: {  	v7 =	vmul.f32 v7, v11;
	[tilespmem:s4+$0xFFFFFFB0] =	vst v44  }
0xa1: {  	[tilespmem:s31+$0x20] =	vst v4  }
0xa2: {  	v43 =	vld [tilespmem:s1+$0x60];
	v46 =	vpop (erf);
	[tilespmem:s31+$0x40] =	vst v7  }
0xa3: {  	v53 =	vld [tilespmem:s1+$0xFFFFFFA0];
	v47 =	vpop (erf);
	[tilespmem:s4+$0xFFFFFFD0] =	vst v46  }
0xa4: {  	[tilespmem:s4+$0xFFFFFFF0] =	vst v47;
	v2 =	vld [tilespmem:s1+$0xFFFFFFC0];
	v48 =	vpop (erf)  }
0xa5: {  	v45 =	vperm.xlane v16, v1;
	v55 =	vld [tilespmem:s1+$0xFFFFFFE0];
	v49 =	vpop (erf);
	[tilespmem:s4+$0x10] =	vst v48  }
0xa6: {  	v12 =	vperm.xlane v44, v1;
	[tilespmem:s4+$0x30] =	vst v49;
	v3 =	vld [tilespmem:s1+$0x0];
	v50 =	vpop (erf)  }
0xa7: {  	v13 =	vmul.f32 v45, v43;
	v5 =	vperm.xlane v46, v1;
	v56 =	vld [tilespmem:s1+$0x20];
	v51 =	vpop (erf);
	[tilespmem:s4+$0x50] =	vst v50  }
0xa8: {  	v57 =	vperm.xlane v47, v1;
	v59 =	vmul.f32 v12, v53;
	[tilespmem:s4+$0xFFFFFF90] =	vst v51;
	v58 =	vld [tilespmem:s1+$0x40]  }
0xa9: {  	[tilespmem:s4+$0x60] =	vst v13;
	v6 =	vperm.xlane v48, v1;
	v2 =	vmul.f32 v5, v2;
	v52 =	vld [tilespmem:s1+$0xFFFFFF80]  }
0xaa: {  	v60 =	vperm.xlane v49, v1;
	[tilespmem:s4+$0xFFFFFFA0] =	vst v59;
	v61 =	vmul.f32 v57, v55  }
0xab: {  	v62 =	vperm.xlane v50, v1;
	[tilespmem:s4+$0xFFFFFFC0] =	vst v2;
	v2 =	vmul.f32 v6, v3  }
0xac: {  	v54 =	vperm.xlane v51, v1;
	[tilespmem:s4+$0xFFFFFFE0] =	vst v61;
	v3 =	vmul.f32 v60, v56  }
.Ltmp6:
0xad: {  	[tilespmem:s4+$0x0] =	vst v2;
	v63 =	vmul.f32 v62, v58;
	(pc) =	sbr.rel @p1 .LBB2_10-.Ltmp6, $4  }
0xae: {  	s0 =	sshll.u32 s29, $0x8;
	[tilespmem:s4+$0x20] =	vst v3;
	v8 =	vmul.f32 v54, v52  }
0xaf: {  	s31 =	sand.u32 $0x3FFFFF00, s0;
	[tilespmem:s4+$0x40] =	vst v63  }
0xb0: {  	s1 =	sadd.s32 $0x2880, s31;
	[tilespmem:s4+$0xFFFFFF80] =	vst v8  }
0xb1: {  	[spmem:s3] =	stream.indirect.scatter.add.f32 [tilespmem:s21], [sflag:$0x3], $0x20, s1, s17, $0xb8;
	[tilespmem:$0x10000] =	vst v63  }
0xb2: {  	_ =	swait.ge [sflag:s22], $0x1000  }
0xb3: {  	[sflag:s22] =	ssyncset.done $0x0  }
0xb4: {  	[sflag:s22] =	ssyncadd.s32 $0xFFFFF000  }
0xb5: {  	_ =	swait.ge [sflag:s22], $0x800  }
0xb6: {  	[sflag:s22] =	ssyncset.done $0x0  }
0xb7: {  	s1 =	sadd.s32 $0x100, s0;
	[sflag:s22] =	ssyncadd.s32 $0xFFFFF800  }
0xb8: {  	[tilespmem:s18], [sflag:$0x1] =	stream.indirect.gather [hbm4b:s5+s17], $0x20, s1, s17, $0xb8;
	[tilespmem:$0x10000] =	vst v63  }
0xb9: {  	s6 =	sadd.s32 $0x2980, s0;
	s0 =	simm.s32 @!p0 $0x4  }
0xba: {  	[tilespmem:s19], [sflag:$0x1] =	stream.indirect.gather [hbm4b:s2+s17], $0x10, s6, s17, $0xb8;
	[tilespmem:$0x10000] =	vst v63  }
0xbb: {  	_ =	swait.ge @!p0 [sflag:s0], $0x1000  }
0xbc: {  	[sflag:s0] =	ssyncset.done @!p0 $0x0  }
0xbd: {  	s4 =	simm.s32 $0x6180;
	[sflag:s0] =	ssyncadd.s32 @!p0 $0xFFFFF000  }
0xbe: {  	s15 =	simm.s32 $0x7940;
	v2 =	vld [tilespmem:s4+$0x70]  }
0xbf: {  	v3 =	vld [tilespmem:s15+$0x30];
	_ =	sdelay $0x2  }
0xc0: {  	v4 =	vld [tilespmem:s15+$0xFFFFFFC0]  }
0xc1: {  	v5 =	vld [tilespmem:s4+$0xFFFFFFB0]  }
0xc2: {  	v6 =	vld [tilespmem:s4+$0xFFFFFFD0];
	v2 =	vadd.f32 v3, v2  }
0xc3: {  	v3 =	vld [tilespmem:s15+$0xFFFFFFD0]  }
0xc4: {  	v8 =	vld [tilespmem:s15+$0xFFFFFFE0];
	v7 =	vmul.f32 $2.000000030e-01, v2  }
0xc5: {  	v9 =	vld [tilespmem:s4+$0xFFFFFFF0]  }
0xc6: {  	v2 =	vmax.f32 v2, v7;
	v7 =	vld [tilespmem:s15+$0xFFFFFFF0]  }
0xc7: {  	v10 =	vld [tilespmem:s4+$0x10]  }
0xc8: {  	v2 =	vmul.f32 $1.442695020e+00, v2;
	v3 =	vadd.f32 v3, v5;
	v5 =	vld [tilespmem:s15+$0x0]  }
0xc9: {  	v11 =	vld [tilespmem:s15+$0x10]  }
0xca: {  	(erf) = vpow2.f32 v2;
	v2 =	vadd.f32 v8, v6;
	v6 =	vld [tilespmem:s4+$0x30];
	v8 =	vmul.f32 $2.000000030e-01, v3  }
0xcb: {  	v7 =	vadd.f32 v7, v9;
	v9 =	vld [tilespmem:s4+$0x50]  }
0xcc: {  	v12 =	vmul.f32 $2.000000030e-01, v2;
	v3 =	vmax.f32 v3, v8;
	v8 =	vld [tilespmem:s15+$0x20]  }
0xcd: {  	v13 =	vld [tilespmem:s4+$0xFFFFFF90];
	v5 =	vadd.f32 v5, v10  }
0xce: {  	v3 =	vmul.f32 $1.442695020e+00, v3;
	v2 =	vmax.f32 v2, v12;
	v12 =	vmul.f32 $2.000000030e-01, v7  }
0xcf: {  	s0 =	simm.s32 $0x79C0;
	v10 =	vmul.f32 $2.000000030e-01, v5;
	v6 =	vadd.f32 v11, v6  }
0xd0: {  	s1 =	simm.s32 $0x6280;
	v14 =	vld [tilespmem:s0+$0xFFFFFFF0];
	v2 =	vmul.f32 $1.442695020e+00, v2;
	(erf) = vpow2.f32 v3;
	v7 =	vmax.f32 v7, v12  }
0xd1: {  	v17 =	vld [tilespmem:s1+$0x10];
	v3 =	vmax.f32 v5, v10;
	v5 =	vmul.f32 $2.000000030e-01, v6;
	v8 =	vadd.f32 v8, v9  }
0xd2: {  	v22 =	vld [tilespmem:s0+$0x10];
	v4 =	vadd.f32 v4, v13;
	v7 =	vmul.f32 $1.442695020e+00, v7;
	v3 =	vmul.f32 $1.442695020e+00, v3  }
0xd3: {  	v11 =	vld [tilespmem:s0+$0x30];
	v9 =	vpop (erf);
	(erf) = vpow2.f32 v2;
	v5 =	vmax.f32 v6, v5;
	v6 =	vmul.f32 $2.000000030e-01, v8  }
0xd4: {  	v10 =	vmul.f32 $2.000000030e-01, v4;
	v2 =	vld [tilespmem:s1+$0x70];
	(erf) = vpow2.f32 v7  }
0xd5: {  	s31 =	simm.s32 $0x9180;
	v12 =	vld [tilespmem:s0+$0xFFFFFFD0];
	v5 =	vmul.f32 $1.442695020e+00, v5;
	v6 =	vmax.f32 v8, v6;
	(erf) = vpow2.f32 v3  }
0xd6: {  	[tilespmem:s31+$0x70] =	vst v9;
	v3 =	vmax.f32 v4, v10;
	v10 =	vld [tilespmem:s1+$0xFFFFFFB0];
	v4 =	vmul.f32 $1.442695020e+00, v6  }
0xd7: {  	v7 =	vld [tilespmem:s4+$0x60];
	(erf) = vpow2.f32 v5;
	v3 =	vmul.f32 $1.442695020e+00, v3  }
0xd8: {  	v13 =	vld [tilespmem:s0+$0xFFFFFFE0];
	(erf) = vpow2.f32 v4  }
0xd9: {  	v4 =	vld [tilespmem:s1+$0xFFFFFFD0];
	(erf) = vpow2.f32 v3;
	v3 =	vadd.f32 v11, v2  }
0xda: {  	v11 =	vld [tilespmem:s1+$0xFFFFFFF0];
	v2 =	vperm.xlane v9, v1  }
0xdb: {  	v24 =	vld [tilespmem:s1+$0x50];
	v9 =	vpop (erf);
	v10 =	vadd.f32 v12, v10;
	v16 =	vmul.f32 $2.000000030e-01, v3  }
0xdc: {  	v20 =	vmul.f32 v2, v7;
	v7 =	vld [tilespmem:s0+$0x0];
	v15 =	vpop (erf)  }
0xdd: {  	v5 =	vperm.xlane v9, v1;
	v23 =	vmul.f32 $2.000000030e-01, v10;
	v18 =	vpop (erf);
	v12 =	vmax.f32 v3, v16;
	v16 =	vld [tilespmem:s1+$0x30]  }
0xde: {  	v26 =	vld [tilespmem:s0+$0x20];
	v6 =	vperm.xlane v15, v1;
	v13 =	vadd.f32 v13, v4;
	v19 =	vpop (erf);
	v12 =	vmul.f32 $1.442695020e+00, v12  }
0xdf: {  	v2 =	vperm.xlane v18, v1;
	v11 =	vadd.f32 v14, v11;
	v3 =	vperm.xlane v19, v1  }
0xe0: {  	v10 =	vmax.f32 v10, v23;
	v21 =	vpop (erf);
	v14 =	vmul.f32 $2.000000030e-01, v13;
	(erf) = vpow2.f32 v12  }
0xe1: {  	v8 =	vld [tilespmem:s0+$0xFFFFFFC0];
	[tilespmem:s31+$0xFFFFFFB0] =	vst v9;
	v10 =	vmul.f32 $1.442695020e+00, v10;
	v4 =	vperm.xlane v21, v1  }
0xe2: {  	[tilespmem:s31+$0xFFFFFFD0] =	vst v15;
	v23 =	vld [tilespmem:s1+$0xFFFFFF90];
	v27 =	vmul.f32 $2.000000030e-01, v11;
	v17 =	vadd.f32 v7, v17;
	v25 =	vpop (erf);
	v16 =	vadd.f32 v22, v16  }
0xe3: {  	[tilespmem:s31+$0xFFFFFFF0] =	vst v18;
	v15 =	vld [tilespmem:s4+$0xFFFFFFC0];
	v18 =	vadd.f32 v26, v24;
	(erf) = vpow2.f32 v10;
	v12 =	vpop (erf);
	v7 =	vperm.xlane v25, v1  }
0xe4: {  	v9 =	vmax.f32 v13, v14;
	v14 =	vld [tilespmem:s4+$0xFFFFFFA0];
	v62 =	vmul.f32 $2.000000030e-01, v17;
	[tilespmem:s31+$0xFFFFFF90] =	vst v12;
	v63 =	vmul.f32 $2.000000030e-01, v16  }
0xe5: {  	[tilespmem:s31+$0x60] =	vst v20;
	v11 =	vmax.f32 v11, v27;
	v9 =	vmul.f32 $1.442695020e+00, v9;
	v12 =	vperm.xlane v12, v1;
	v13 =	vld [tilespmem:s4+$0xFFFFFF80]  }
0xe6: {  	[tilespmem:s31+$0x10] =	vst v19;
	v10 =	vld [tilespmem:s4+$0xFFFFFFE0];
	v11 =	vmul.f32 $1.442695020e+00, v11;
	v22 =	vmax.f32 v17, v62;
	v16 =	vmax.f32 v16, v63  }
0xe7: {  	[tilespmem:s31+$0x30] =	vst v21;
	v17 =	vadd.f32 v8, v23;
	(erf) = vpow2.f32 v9;
	v9 =	vld [tilespmem:s4+$0x0];
	v19 =	vmul.f32 $1.442695020e+00, v22  }
0xe8: {  	s6 =	simm.s32 $0x6380;
	[tilespmem:s31+$0x50] =	vst v25;
	v8 =	vld [tilespmem:s4+$0x20];
	v22 =	vmul.f32 $2.000000030e-01, v18;
	(erf) = vpow2.f32 v11  }
0xe9: {  	s15 =	simm.s32 $0x8;
	v11 =	vld [tilespmem:s4+$0x40];
	s4 =	simm.s32 $0x9280;
	v21 =	vmul.f32 $2.000000030e-01, v17;
	v20 =	vmul.f32 $1.442695020e+00, v16;
	v16 =	vpop (erf)  }
.LBB2_8:
0xea: {  	v23 =	vld [tilespmem:s6+$0x70];
	v18 =	vmax.f32 v18, v22;
	[tilespmem:s4+$0x70] =	vst v16;
	(erf) = vpow2.f32 v19;
	v12 =	vmul.f32 v12, v13  }
0xeb: {  	s0 =	sadd.s32 $0x80, s0;
	v13 =	vmax.f32 v17, v21;
	v17 =	vmul.f32 $1.442695020e+00, v18;
	v18 =	vld [tilespmem:s1+$0x60];
	(erf) = vpow2.f32 v20  }
0xec: {  	s15 =	sadd.s32 $0x8, s15;
	v5 =	vmul.f32 v5, v14;
	v19 =	vld [tilespmem:s0+$0x30];
	v21 =	vmul.f32 $1.442695020e+00, v13;
	[tilespmem:s31+$0xFFFFFF80] =	vst v12  }
0xed: {  	v6 =	vmul.f32 v6, v15;
	p0 =	slt.u32 s15, $0x78;
	v20 =	vld [tilespmem:s0+$0xFFFFFFC0];
	(erf) = vpow2.f32 v17  }
0xee: {  	v14 =	vperm.xlane v16, v1;
	v12 =	vld [tilespmem:s6+$0xFFFFFFB0];
	(erf) = vpow2.f32 v21;
	v13 =	vpop (erf);
	[tilespmem:s31+$0xFFFFFFA0] =	vst v5  }
0xef: {  	v10 =	vmul.f32 v2, v10;
	v15 =	vld [tilespmem:s0+$0xFFFFFFD0];
	[tilespmem:s4+$0xFFFFFFB0] =	vst v13;
	v5 =	vperm.xlane v13, v1  }
0xf0: {  	v9 =	vmul.f32 v3, v9;
	v13 =	vld [tilespmem:s6+$0xFFFFFFD0];
	v14 =	vmul.f32 v14, v18;
	v2 =	vpop (erf);
	[tilespmem:s31+$0xFFFFFFC0] =	vst v6  }
0xf1: {  	v8 =	vmul.f32 v4, v8;
	v16 =	vld [tilespmem:s0+$0xFFFFFFE0];
	v17 =	vadd.f32 v19, v23;
	[tilespmem:s4+$0xFFFFFFD0] =	vst v2;
	v6 =	vperm.xlane v2, v1;
	v3 =	vpop (erf)  }
0xf2: {  	v11 =	vmul.f32 v7, v11;
	v18 =	vld [tilespmem:s6+$0xFFFFFFF0];
	v2 =	vperm.xlane v3, v1;
	[tilespmem:s4+$0x60] =	vst v14  }
0xf3: {  	v14 =	vld [tilespmem:s0+$0xFFFFFFF0];
	v4 =	vmul.f32 $2.000000030e-01, v17;
	[tilespmem:s4+$0xFFFFFFF0] =	vst v3;
	v3 =	vpop (erf)  }
0xf4: {  	v12 =	vadd.f32 v15, v12;
	v15 =	vld [tilespmem:s6+$0x10];
	[tilespmem:s4+$0x10] =	vst v3;
	v3 =	vperm.xlane v3, v1;
	v7 =	vpop (erf)  }
0xf5: {  	v19 =	vld [tilespmem:s0+$0x0];
	v17 =	vmax.f32 v17, v4;
	[tilespmem:s4+$0x30] =	vst v7;
	v4 =	vperm.xlane v7, v1  }
0xf6: {  	v21 =	vmul.f32 $2.000000030e-01, v12;
	v13 =	vadd.f32 v16, v13;
	v16 =	vld [tilespmem:s6+$0x30];
	v17 =	vmul.f32 $1.442695020e+00, v17;
	v7 =	vpop (erf);
	[tilespmem:s31+$0xFFFFFFE0] =	vst v10  }
0xf7: {  	v10 =	vld [tilespmem:s0+$0x10];
	[tilespmem:s4+$0x50] =	vst v7;
	v7 =	vperm.xlane v7, v1;
	v22 =	vpop (erf)  }
0xf8: {  	v23 =	vmul.f32 $2.000000030e-01, v13;
	v14 =	vadd.f32 v14, v18;
	v18 =	vld [tilespmem:s6+$0x50];
	(erf) = vpow2.f32 v17;
	[tilespmem:s4+$0xFFFFFF90] =	vst v22  }
0xf9: {  	v17 =	vmax.f32 v12, v21;
	v12 =	vperm.xlane v22, v1;
	v21 =	vld [tilespmem:s0+$0x20];
	[tilespmem:s31+$0x0] =	vst v9  }
0xfa: {  	v9 =	vld [tilespmem:s6+$0xFFFFFF90];
	v13 =	vmax.f32 v13, v23;
	v22 =	vmul.f32 $2.000000030e-01, v14;
	v19 =	vadd.f32 v19, v15;
	[tilespmem:s31+$0x20] =	vst v8  }
0xfb: {  	v8 =	vmul.f32 $1.442695020e+00, v17;
	v23 =	vmul.f32 $1.442695020e+00, v13;
	v13 =	vld [tilespmem:s1+$0xFFFFFF80];
	[tilespmem:s31+$0x40] =	vst v11;
	s31 =	smov.u32 s4  }
0xfc: {  	v11 =	vmax.f32 v14, v22;
	v17 =	vmul.f32 $2.000000030e-01, v19;
	v16 =	vadd.f32 v10, v16;
	v14 =	vld [tilespmem:s1+$0xFFFFFFA0]  }
.Ltmp7:
0xfd: {  	v11 =	vmul.f32 $1.442695020e+00, v11;
	(erf) = vpow2.f32 v8;
	v15 =	vld [tilespmem:s1+$0xFFFFFFC0];
	(pc) =	sbr.rel @p0 .LBB2_8-.Ltmp7, $4  }
0xfe: {  	v8 =	vmax.f32 v19, v17;
	v22 =	vmul.f32 $2.000000030e-01, v16;
	v18 =	vadd.f32 v21, v18;
	v10 =	vld [tilespmem:s1+$0xFFFFFFE0]  }
0xff: {  	v17 =	vadd.f32 v20, v9;
	v19 =	vmul.f32 $1.442695020e+00, v8;
	(erf) = vpow2.f32 v23;
	v9 =	vld [tilespmem:s1+$0x0]  }
0x100: {  	v23 =	vmax.f32 v16, v22;
	v22 =	vmul.f32 $2.000000030e-01, v18;
	(erf) = vpow2.f32 v11;
	v8 =	vld [tilespmem:s1+$0x20]  }
0x101: {  	s4 =	sadd.s32 $0x100, s4;
	v21 =	vmul.f32 $2.000000030e-01, v17;
	v20 =	vmul.f32 $1.442695020e+00, v23;
	v16 =	vpop (erf);
	v11 =	vld [tilespmem:s1+$0x40];
	s1 =	smov.u32 s6;
	s6 =	sadd.s32 $0x100, s6  }
0x102: {  	(erf) = vpow2.f32 v19;
	v12 =	vmul.f32 v12, v13  }
0x103: {  	v18 =	vmax.f32 v18, v22;
	[tilespmem:s4+$0x70] =	vst v16;
	v5 =	vmul.f32 v5, v14;
	v6 =	vmul.f32 v6, v15  }
0x104: {  	v17 =	vmax.f32 v17, v21;
	v18 =	vmul.f32 $1.442695020e+00, v18;
	(erf) = vpow2.f32 v20;
	[tilespmem:s31+$0xFFFFFF80] =	vst v12  }
0x105: {  	v2 =	vmul.f32 v2, v10;
	v17 =	vmul.f32 $1.442695020e+00, v17;
	[tilespmem:s31+$0xFFFFFFA0] =	vst v5  }
0x106: {  	[tilespmem:s31+$0xFFFFFFC0] =	vst v6;
	v3 =	vmul.f32 v3, v9;
	(erf) = vpow2.f32 v18  }
0x107: {  	[tilespmem:s31+$0xFFFFFFE0] =	vst v2;
	(erf) = vpow2.f32 v17  }
0x108: {  	v4 =	vmul.f32 v4, v8;
	v44 =	vpop (erf);
	[tilespmem:s31+$0x0] =	vst v3  }
0x109: {  	v7 =	vmul.f32 v7, v11;
	[tilespmem:s4+$0xFFFFFFB0] =	vst v44  }
0x10a: {  	[tilespmem:s31+$0x20] =	vst v4  }
0x10b: {  	v43 =	vld [tilespmem:s1+$0x60];
	v46 =	vpop (erf);
	[tilespmem:s31+$0x40] =	vst v7  }
0x10c: {  	v53 =	vld [tilespmem:s1+$0xFFFFFFA0];
	v47 =	vpop (erf);
	[tilespmem:s4+$0xFFFFFFD0] =	vst v46  }
0x10d: {  	[tilespmem:s4+$0xFFFFFFF0] =	vst v47;
	v2 =	vld [tilespmem:s1+$0xFFFFFFC0];
	v48 =	vpop (erf)  }
0x10e: {  	v45 =	vperm.xlane v16, v1;
	v55 =	vld [tilespmem:s1+$0xFFFFFFE0];
	v49 =	vpop (erf);
	[tilespmem:s4+$0x10] =	vst v48  }
0x10f: {  	v12 =	vperm.xlane v44, v1;
	[tilespmem:s4+$0x30] =	vst v49;
	v3 =	vld [tilespmem:s1+$0x0];
	v50 =	vpop (erf)  }
0x110: {  	v13 =	vmul.f32 v45, v43;
	v5 =	vperm.xlane v46, v1;
	v56 =	vld [tilespmem:s1+$0x20];
	v51 =	vpop (erf);
	[tilespmem:s4+$0x50] =	vst v50  }
0x111: {  	v57 =	vperm.xlane v47, v1;
	v59 =	vmul.f32 v12, v53;
	[tilespmem:s4+$0xFFFFFF90] =	vst v51;
	v58 =	vld [tilespmem:s1+$0x40]  }
0x112: {  	[tilespmem:s4+$0x60] =	vst v13;
	v6 =	vperm.xlane v48, v1;
	v2 =	vmul.f32 v5, v2;
	v52 =	vld [tilespmem:s1+$0xFFFFFF80]  }
0x113: {  	v60 =	vperm.xlane v49, v1;
	[tilespmem:s4+$0xFFFFFFA0] =	vst v59;
	v61 =	vmul.f32 v57, v55  }
0x114: {  	v62 =	vperm.xlane v50, v1;
	[tilespmem:s4+$0xFFFFFFC0] =	vst v2;
	v2 =	vmul.f32 v6, v3  }
0x115: {  	v54 =	vperm.xlane v51, v1;
	[tilespmem:s4+$0xFFFFFFE0] =	vst v61;
	v3 =	vmul.f32 v60, v56  }
.Ltmp8:
0x116: {  	[tilespmem:s4+$0x0] =	vst v2;
	v63 =	vmul.f32 v62, v58;
	(pc) =	sbr.rel .LBB2_10-.Ltmp8, $4  }
0x117: {  	s0 =	sshll.u32 s30, $0x7;
	[tilespmem:s4+$0x20] =	vst v3;
	v8 =	vmul.f32 v54, v52  }
0x118: {  	s0 =	sand.u32 $0x3FFFFF80, s0;
	[tilespmem:s4+$0x40] =	vst v63  }
0x119: {  	s0 =	sadd.s32 $0x2880, s0;
	[tilespmem:s4+$0xFFFFFF80] =	vst v8  }
0x11a: {  	[spmem:s3] =	stream.indirect.scatter.add.f32 [tilespmem:s23], [sflag:$0x4], $0x20, s0, s17, $0xb8;
	[tilespmem:$0x10000] =	vst v63  }
.LBB2_12:
0x11b: {  	_ =	sfence.sel $0x180000  }
0x11c: {  	[bflag:$0x0] =	sbarrier.arrive $0xFFFF  }
0x11d: {  	_ =	strace $0x9000004A  }
0x11e: {  	s0 =	stileid.u32;
	[bflag:$0x2] =	sbarrier.arrive $0xFFFF  }
0x11f: {  	p0 =	sne.s32 s0, $0x0;
	s0 =	rddreg [dreg:$0x3]  }
0x120: {  	s0 =	sadd.s32 @!p0 $0x100000, s0  }
0x121: {  	[sflag:s0] =	ssyncadd.tile.s32 @!p0 $0x1;
	_ =	shalt  }
.Lfunc_end2:
_tile_overlayer_lowered:
.L_overlay_start_2:
0x122: {  	(tag) =	ssettag $0x2  }
0x123: {  	s0 =	rddreg [dreg:$0x0];
	s2 =	stileid.u32  }
0x124: {  	s1 =	rddreg [dreg:$0x1];
	p0 =	sne.s32 s2, $0x0  }
0x125: {  	s3 =	rddreg [dreg:$0x2];
	[bflag:$0x3] =	sbarrier.arrive $0xFFFF;
	s2 =	simm.s32 @!p0 $0x1C05  }
0x126: {  	[timem:s3], [sflag:s2] =	dma.local @!p0 [hbm:s0], s1  }
0x127: {  	s0 =	simm.s32 @!p0 $0x5  }
0x128: {  	_ =	swait.ge @!p0 [sflag:s0], s1  }
0x129: {  	s1 =	ssub.s32 @!p0 $0x0, s1;
	[sflag:s0] =	ssyncset.done @!p0 $0x0  }
0x12a: {  	[sflag:s0] =	ssyncadd.s32 @!p0 s1  }
0x12b: {  	[bflag:$0x3] =	sbarrier.arrive $0xFFFF  }
0x12c: {  	_ =	shalt  }

// kernel: kernel.7.cloned.1.call-start
scs
__scs_entry_jumppad:
0x0: {  	(pc) =	sbr.rel $0x88, $3  }
0x1: {  	(tag) =	ssettag $0x0;
	lr =	simm.s32 $0x1  }
0x2: {  	[smem:$0x3F97] =	sst lr;
	_ =	strace $0xD0000000  }
0x3: {  	_ = 	snop  }
0x4: {  	_ = 	snop  }
0x5: {  	_ = 	snop  }
0x6: {  	_ = 	snop  }
0x7: {  	_ = 	snop  }
__scs_overlays_trampoline_lowered:
0x8: {  	[smem:$0x3FA6] =	sst s0  }
0x9: {  	[smem:$0x3FA7] =	sst s1  }
0xa: {  	[smem:$0x3FA8] =	sst s2  }
0xb: {  	[smem:$0x3FA9] =	sst s3  }
0xc: {  	[smem:$0x3FAA] =	sst s4  }
0xd: {  	[smem:$0x3FAB] =	sst s5  }
0xe: {  	[smem:$0x3FAC] =	sst s6  }
0xf: {  	[smem:$0x3FAD] =	sst s7  }
0x10: {  	[smem:$0x3FAE] =	sst s8  }
0x11: {  	[smem:$0x3FAF] =	sst s9;
	s0 =	simm.s32 @!p0 $0x0  }
0x12: {  	s1 =	sld [smem:$0x3F95];
	s0 =	simm.s32 @p0 $0x1  }
0x13: {  	[smem:$0x3FB0] =	sst s0;
	s0 =	simm.s32 @!p1 $0x0  }
0x14: {  	s2 =	sld [smem:$0x3F94];
	s0 =	simm.s32 @p1 $0x1  }
0x15: {  	[smem:$0x3FB1] =	sst s0;
	s0 =	simm.s32 @!p2 $0x0  }
0x16: {  	s3 =	sld [smem:$0x3FDB];
	s0 =	simm.s32 @p2 $0x1  }
0x17: {  	s4 =	simm.s32 $0x1BF5;
	[smem:$0x3FB3] =	sst s0  }
0x18: {  	s0 =	sld [smem:$0x3F96];
	_ =	swait.ge [sflag:s4], $0x0  }
0x19: {  	s7 =	sld [smem:$0x3F97]  }
0x1a: {  	s8 =	sadd.s32 $0xFFFFE003, lr  }
0x1b: {  	s9 =	sadd.s32 $0xFFFFFEF7, lr;
	s5 =	simm.s32 $0xFFFFFFFF;
	p2 =	slt.u32 s8, $0xFFFFF086  }
0x1c: {  	p1 =	slt.u32 s9, $0xF7A;
	s5 =	simm.s32 @!p2 $0x0  }
0x1d: {  	s5 =	simm.s32 @p1 $0x1;
	p0 =	seq.s32 s7, s2  }
0x1e: {  	s7 =	smul.u32 @!p0 $0xF7A, s2;
	p2 =	seq.s32 @!p0 s5, $0x0  }
0x1f: {  	s9 =	smul.u32 $0xF7A, s1;
	s8 =	simm.s32 @!p0 $0x1BF5;
	p2 =	por !p2, p0  }
0x20: {  	[sflag:s8] =	ssyncset.s32 @!p0 $0xFFFFF086;
	s6 =	sadd.s32 @!p0 s3, s7;
	s7 =	simm.s32 @!p0 $0x108  }
0x21: {  	s3 =	sadd.s32 s3, s9;
	s6 =	sadd.s32 @!p0 $0x88, s6;
	s7 =	simm.s32 @p2 $0x1082  }
0x22: {  	[simem:s7], [sflag:s8] =	dma.local @!p0 [hbm:s6], $0xF7A  }
0x23: {  	s9 =	sor.u32 $0xD0000000, s2;
	s6 =	simm.s32 $0x108;
	_ =	swait.ge @!p0 [sflag:s8], $0x0  }
0x24: {  	s3 =	sadd.s32 $0x88, s3;
	s6 =	simm.s32 @!p1 $0x1082;
	[sflag:s4] =	ssyncset.s32 $0xFFFFF086  }
0x25: {  	[simem:s6], [sflag:s4] =	dma.local [hbm:s3], $0xF7A  }
0x26: {  	[smem:$0x3F97] =	sst s1;
	(tag) =	ssettag s2;
	_ =	strace s9  }
0x27: {  	s1 =	sld [smem:$0x3FA7]  }
0x28: {  	s2 =	sld [smem:$0x3FA8]  }
0x29: {  	s4 =	sld [smem:$0x3FAA]  }
0x2a: {  	p0 =	seq.s32 s5, $0x0;
	s5 =	sld [smem:$0x3FAB]  }
0x2b: {  	s6 =	sld [smem:$0x3FAC]  }
0x2c: {  	s7 =	sld [smem:$0x3FAD]  }
0x2d: {  	s3 =	simm.s32 $0x108;
	s8 =	sld [smem:$0x3FAE]  }
0x2e: {  	s3 =	simm.s32 @!p0 $0x1082;
	s9 =	sld [smem:$0x3FAF]  }
0x2f: {  	lr =	sadd.s32 s0, s3;
	s0 =	sld [smem:$0x3FA6]  }
0x30: {  	s3 =	sld [smem:$0x3FA9]  }
0x31: {  	[smem:$0x3FB2] =	sst s10  }
0x32: {  	s10 =	sld [smem:$0x3FB0];
	_ =	sdelay $0x3  }
0x33: {  	p0 =	seq.s32 s10, $0x1;
	s10 =	sld [smem:$0x3FB2];
	_ =	sdelay $0x3  }
0x34: {  	[smem:$0x3FB2] =	sst s10  }
0x35: {  	s10 =	sld [smem:$0x3FB1];
	_ =	sdelay $0x3  }
0x36: {  	p1 =	seq.s32 s10, $0x1;
	s10 =	sld [smem:$0x3FB2];
	_ =	sdelay $0x3  }
0x37: {  	[smem:$0x3FB2] =	sst s10  }
0x38: {  	s10 =	sld [smem:$0x3FB3]  }
0x39: {  	_ = 	snop;
	(pc) =	sbr.ind lr, $3  }
0x3a: {  	_ = 	snop  }
0x3b: {  	_ = 	snop  }
0x3c: {  	p2 =	seq.s32 s10, $0x1;
	s10 =	sld [smem:$0x3FB2]  }
0x3d: {  	_ =	shalt  }
0x3e: {  	_ =	shalt  }
0x3f: {  	_ =	shalt  }
0x40: {  	_ =	shalt  }
0x41: {  	_ =	shalt  }
0x42: {  	_ =	shalt  }
0x43: {  	_ =	shalt  }
0x44: {  	_ =	shalt  }
0x45: {  	_ =	shalt  }
0x46: {  	_ =	shalt  }
0x47: {  	_ =	shalt  }
0x48: {  	_ =	shalt  }
0x49: {  	_ =	shalt  }
0x4a: {  	_ =	shalt  }
0x4b: {  	_ =	shalt  }
0x4c: {  	_ =	shalt  }
0x4d: {  	_ =	shalt  }
0x4e: {  	_ =	shalt  }
0x4f: {  	_ =	shalt  }
0x50: {  	_ =	shalt  }
0x51: {  	_ =	shalt  }
0x52: {  	_ =	shalt  }
0x53: {  	_ =	shalt  }
0x54: {  	_ =	shalt  }
0x55: {  	_ =	shalt  }
0x56: {  	_ =	shalt  }
0x57: {  	_ =	shalt  }
0x58: {  	_ =	shalt  }
0x59: {  	_ =	shalt  }
0x5a: {  	_ =	shalt  }
0x5b: {  	_ =	shalt  }
0x5c: {  	_ =	shalt  }
0x5d: {  	_ =	shalt  }
0x5e: {  	_ =	shalt  }
0x5f: {  	_ =	shalt  }
0x60: {  	_ =	shalt  }
0x61: {  	_ =	shalt  }
0x62: {  	_ =	shalt  }
0x63: {  	_ =	shalt  }
0x64: {  	_ =	shalt  }
0x65: {  	_ =	shalt  }
0x66: {  	_ =	shalt  }
0x67: {  	_ =	shalt  }
0x68: {  	_ =	shalt  }
0x69: {  	_ =	shalt  }
0x6a: {  	_ =	shalt  }
0x6b: {  	_ =	shalt  }
0x6c: {  	_ =	shalt  }
0x6d: {  	_ =	shalt  }
0x6e: {  	_ =	shalt  }
0x6f: {  	_ =	shalt  }
0x70: {  	_ =	shalt  }
0x71: {  	_ =	shalt  }
0x72: {  	_ =	shalt  }
0x73: {  	_ =	shalt  }
0x74: {  	_ =	shalt  }
0x75: {  	_ =	shalt  }
0x76: {  	_ =	shalt  }
0x77: {  	_ =	shalt  }
0x78: {  	_ =	shalt  }
0x79: {  	_ =	shalt  }
0x7a: {  	_ =	shalt  }
0x7b: {  	_ =	shalt  }
0x7c: {  	_ =	shalt  }
0x7d: {  	_ =	shalt  }
0x7e: {  	_ =	shalt  }
0x7f: {  	_ =	shalt  }
0x80: {  	_ =	shalt  }
0x81: {  	_ =	shalt  }
0x82: {  	_ =	shalt  }
0x83: {  	_ =	shalt  }
0x84: {  	_ =	shalt  }
0x85: {  	_ =	shalt  }
0x86: {  	_ =	shalt  }
0x87: {  	_ =	shalt  }
.Lfunc_end0:
.L_simem_size_0:
called_computation_lowered:
.L_overlay_start_0:
0x88: {  	s2 =	sld [smem:$0x3FD9]  }
0x89: {  	s3 =	sld [smem:$0x3FFE];
	_ =	sdelay $0x1  }
0x8a: {  	s1 =	srdreg.scid  }
0x8b: {  	s0 =	sand.u32 $0x1, s1  }
0x8c: {  	s16 =	sshll.u32 s0, $0xA;
	s2 =	sadd.s32 s3, s2  }
0x8d: {  	s2 =	sadd.s32 s2, s16  }
0x8e: {  	[smem:$0x3FBE] =	sst s2  }
0x8f: {  	_ = 	snop  }
0x90: {  	(tm) =	ssettm $0x1  }
0x91: {  	s17 =	sld [smem:$0x3FFB];
	_ =	sdelay $0x3  }
0x92: {  	_ =	strace s17  }
0x93: {  	s2 =	sld [smem:$0x3FFC];
	_ =	sdelay $0x3  }
0x94: {  	_ =	strace s2  }
0x95: {  	s2 =	sld [smem:$0x3FFD];
	_ =	sdelay $0x3  }
0x96: {  	_ =	strace s2  }
0x97: {  	_ =	strace $0x8FFFFFFF  }
0x98: {  	s18 =	sld [smem:$0x3FDB];
	_ =	sdelay $0x1  }
0x99: {  	s19 =	simm.s32 $_scs_section_size  }
0x9a: {  	s4 =	simm.s32 $_size__tile_overlayer_lowered;
	s5 =	simm.s32 $_tile_overlayer_lowered  }
0x9b: {  	s22 =	simm.s32 $0x1BFF;
	s21 =	sshll.u32 s5, $0x1;
	s2 =	sadd.s32 s19, s18  }
0x9c: {  	s6 =	simm.s32 $0x0;
	s20 =	sshll.u32 s4, $0x1;
	s4 =	sadd.s32 s21, s2  }
0x9d: {  	[timem:s6], [sflag:s22] =	dma.local [hbm:s4], s20  }
0x9e: {  	_ =	swait.ge [sflag:s22], s20  }
0x9f: {  	s3 =	ssub.s32 $0x0, s20;
	[sflag:s22] =	ssyncset.done $0x0  }
0xa0: {  	[sflag:s22] =	ssyncadd.s32 s3;
	_ =	sdelay $0x1  }
0xa1: {  	s23 =	simm.s32 $0x1B8B  }
0xa2: {  	_ =	swait.ge [sflag:s23], $0x1  }
0xa3: {  	[sflag:s23] =	ssyncset.done $0x0  }
0xa4: {  	s25 =	simm.s32 $0x1B8E;
	s24 =	sld [smem:$0x3FFE];
	[sflag:s23] =	ssyncadd.s32 $0xFFFFFFFF  }
0xa5: {  	s26 =	simm.s32 $execute0_lowered;
	[smem:$0x3FD2] =	sst s25  }
0xa6: {  	s4 =	sshll.u32 s26, $0x1;
	_ =	strace $0x80000046;
	[dreg:$0x1] =	wrdreg $0xFFFFFFFF  }
0xa7: {  	s28 =	simm.s32 $_size_execute0_lowered;
	s2 =	sadd.s32 s2, s4;
	[dreg:$0x0] =	wrdreg $0x0  }
0xa8: {  	s4 =	sshll.u32 s28, $0x1;
	[dreg:$0x2] =	wrdreg s2  }
0xa9: {  	[dreg:$0x3] =	wrdreg s4  }
0xaa: {  	[dreg:$0x4] =	wrdreg $0xC0  }
0xab: {  	_ =	task [dreg:s6], $0x5FFFF  }
0xac: {  	[dreg:$0x1] =	wrdreg $0xFFFFFFFF  }
0xad: {  	[dreg:$0x0] =	wrdreg $0x60  }
0xae: {  	[dreg:$0x2] =	wrdreg s24  }
0xaf: {  	[dreg:$0x3] =	wrdreg $0x129000  }
0xb0: {  	[dreg:$0x4] =	wrdreg $0x9  }
0xb1: {  	_ =	task.clear_ibuf [dreg:s6], $0x5FFFF;
	_ =	strace $0x90000046  }
0xb2: {  	s29 =	simm.s32 $0x9;
	_ =	strace $0x80000048  }
0xb3: {  	_ =	swait.ge [sflag:s29], $0x1  }
0xb4: {  	[sflag:s29] =	ssyncadd.s32 $0xFFFFFFFF  }
0xb5: {  	_ =	strace $0x90000048  }
0xb6: {  	_ =	sfence  }
0xb7: {  	s30 =	sld [smem:$0x0];
	_ =	sdelay $0x2  }
0xb8: {  	s31 =	sshll.u32 s1, $0xD;
	s1 =	sshrl.u32 s1, $0x2  }
0xb9: {  	s3 =	sand.u32 $0x4000, s31;
	s1 =	sadd.s32 s1, s30  }
0xba: {  	s0 =	sor.u32 s3, s0;
	s1 =	sshll.u32 s1, $0x11  }
0xbb: {  	s0 =	sor.u32 s1, s0  }
0xbc: {  	s0 =	sadd.s32 $0x8F2B, s0  }
0xbd: {  	[sflag:s0] =	ssyncadd.remote.s32 $0x1  }
0xbe: {  	_ =	sfence.sel $0xFFFF  }
0xbf: {  	[dreg:$0x0] =	wrdreg $0xFFFFFFFF;
	(pc) =	sbr.abs _section_cstart, $3  }
0xc0: {  	[dreg:$0x1] =	wrdreg $0xFFFFFFFF  }
0xc1: {  	_ =	task.clear_ibuf [dreg:s6], $0x2FFFF;
	_ =	strace $0x9FFFFFFF  }
0xc2: {  	(tm) =	ssettm $0x7FFFFFFF  }
0xc3: {  	_ =	shalt  }
tec
execute0_lowered:
.L_overlay_start_1:
0x0: {  	(tag) =	ssettag $0x1  }
0x1: {  	s0 =	srdreg.scid;
	s1 =	rddreg [dreg:$0x0]  }
0x2: {  	s10 =	stileid.u32;
	s2 =	rddreg [dreg:$0x1]  }
0x3: {  	s4 =	simm.s32 $0x0;
	s16 =	simm.s32 $0x5;
	s18 =	simm.s32 $0x10100  }
0x4: {  	s19 =	simm.s32 $0x80;
	s20 =	simm.s32 $0x5100;
	s28 =	simm.s32 $0xD900  }
0x5: {  	s30 =	simm.s32 $0x4;
	s31 =	simm.s32 $0x0;
	s0 =	sand.u32 $0x1, s0  }
0x6: {  	s3 =	sshll.u32 s10, $0x1;
	[smem:$0x7FF] =	sst s4;
	s7 =	smul.u32 $0x31600, s10  }
0x7: {  	s4 =	sadd.s32 $0xB400, s1;
	s5 =	sadd.s32 $0x1600, s1;
	s10 =	smul.u32 $0xC580, s10  }
0x8: {  	s13 =	sadd.s32 $0x23AA0, s1;
	s14 =	sadd.s32 $0x6500, s1;
	s3 =	sor.u32 s0, s3  }
0x9: {  	_ =	strace $0x80000047;
	s6 =	smul.u32 $0x18B00, s0;
	s0 =	ssub.s32 $0x2, s0  }
0xa: {  	s3 =	smul.u32 $0x510, s3;
	s8 =	sshrl.u32 s0, $0x1;
	s7 =	sshrl.u32 s7, $0x2  }
0xb: {  	s25 =	sshrl.u32 s10, $0x3;
	s9 =	sadd.s32 s6, s1;
	s0 =	ssub.s32 s0, s8  }
0xc: {  	s22 =	sadd.s32 s7, s2;
	s8 =	sadd.s32 s10, s2;
	s3 =	sadd.s32 s3, s1  }
0xd: {  	s11 =	sadd.s32 $0x2800, s22;
	s24 =	sadd.s32 $0x5000, s22;
	s7 =	sadd.s32 $0x7800, s22  }
0xe: {  	s23 =	sadd.s32 $0x50600, s9;
	s0 =	smax.u32 s0, $0x1;
	[dreg:$0x5] =	wrdreg s7  }
0xf: {  	s1 =	sadd.s32 $0x81C00, s1;
	s21 =	sadd.s32 $0x46400, s3;
	[dreg:$0x7] =	wrdreg s0  }
.Ltmp0:
0x10: {  	s3 =	sadd.s32 $0x3C200, s3;
	[dreg:$0x3] =	wrdreg s21;
	(pc) =	sbr.rel .LBB2_1-.Ltmp0, $4  }
0x11: {  	s26 =	sadd.s32 s6, s1;
	s29 =	sadd.s32 s25, s23;
	[dreg:$0x4] =	wrdreg s3  }
0x12: {  	s3 =	sadd.s32 $0xA000, s22;
	s21 =	simm.s32 $0xA100;
	[dreg:$0x8] =	wrdreg s29  }
0x13: {  	v0 =	vimm.f32 $0.0e+00;
	v1 =	vimm.s32 $0x0;
	s22 =	simm.s32 $0x1;
	s0 =	sadd.s32 s25, s26;
	[dreg:$0x6] =	wrdreg s3  }
0x14: {  	v2 =	vimm.s32 $0x1;
	v3 =	vimm.s32 $0x2;
	v4 =	vimm.s32 $0x3;
	s25 =	simm.s32 $0xB100;
	s26 =	simm.s32 $0x2;
	[dreg:$0x9] =	wrdreg s0  }
.LBB2_19:
0x15: {  	s3 =	simm.s32 $0x3  }
0x16: {  	_ =	swait.ge [sflag:s3], $0x2800  }
0x17: {  	[sflag:s3] =	ssyncset.done $0x0  }
0x18: {  	[sflag:s3] =	ssyncadd.s32 $0xFFFFD800  }
0x19: {  	_ =	swait.ge [sflag:s30], $0x2800  }
0x1a: {  	[sflag:s30] =	ssyncset.done $0x0  }
0x1b: {  	[sflag:s30] =	ssyncadd.s32 $0xFFFFD800  }
0x1c: {  	[bflag:$0x0] =	sbarrier.arrive $0xFFFF  }
0x1d: {  	s23 =	rddreg [dreg:$0x9]  }
0x1e: {  	[hbm:s23], [sflag:s1] =	dma.local [spmem:s0], $0x18B0  }
0x1f: {  	_ =	swait.ge [sflag:s16], $0x18B0  }
0x20: {  	s31 =	sadd.s32 $0x1, s31;
	s24 =	rddreg [dreg:$0x7]  }
0x21: {  	p0 =	sne.s32 s31, s24  }
.Ltmp1:
0x22: {  	_ = 	snop;
	(pc) =	sbr.rel @!p0 .LBB2_20-.Ltmp1, $3  }
0x23: {  	_ =	sdelay $0x1  }
0x24: {  	s11 =	smov.u32 s12;
	[sflag:s16] =	ssyncset.done $0x0  }
0x25: {  	[sflag:s16] =	ssyncadd.s32 $0xFFFFE750;
	s24 =	smov.u32 s8;
	s8 =	smov.u32 s29  }
.LBB2_1:
0x26: {  	s0 =	simm.s32 $0x0;
	s1 =	rddreg [dreg:$0x3]  }
0x27: {  	[tilespmem:s0], [sflag:$0x5] =	stream.linear.gather [hbm4b:s1+s0], $0x2880, $0x38;
	[tilespmem:$0x1EE80] =	vst v63  }
0x28: {  	_ =	swait.ge [sflag:s16], $0x2880  }
0x29: {  	[sflag:s16] =	ssyncset.done $0x0  }
0x2a: {  	s3 =	simm.s32 $0x2880;
	s29 =	rddreg [dreg:$0x4];
	[sflag:s16] =	ssyncadd.s32 $0xFFFFD780  }
0x2b: {  	[tilespmem:s3], [sflag:$0x5] =	stream.linear.gather [hbm4b:s29+s0], $0x2880, $0x38;
	[tilespmem:$0x1EE80] =	vst v63  }
0x2c: {  	_ =	swait.ge [sflag:s16], $0x2880  }
0x2d: {  	[sflag:s16] =	ssyncset.done $0x0  }
0x2e: {  	s1 =	simm.s32 $0x140;
	s0 =	simm.s32 $0x0;
	[sflag:s16] =	ssyncadd.s32 $0xFFFFD780  }
.LBB2_2:
0x2f: {  	p0 =	sne.s32 s1, $0x9EC0;
	[tilespmem:s0+$0x10140] =	vst v0;
	s3 =	smov.u32 s1;
	s1 =	sadd.s32 $0x140, s1  }
.Ltmp2:
0x30: {  	[tilespmem:s0+$0x10130] =	vst v0;
	(pc) =	sbr.rel @p0 .LBB2_2-.Ltmp2, $4  }
0x31: {  	[tilespmem:s0+$0x10120] =	vst v0  }
0x32: {  	[tilespmem:s0+$0x10100] =	vst v0  }
0x33: {  	[tilespmem:s0+$0x10110] =	vst v0  }
0x34: {  	s0 =	sshra.s32 s3, $0x2  }
0x35: {  	[tilespmem:s0+$0x10140] =	vst v0  }
0x36: {  	[tilespmem:s0+$0x10130] =	vst v0  }
0x37: {  	[tilespmem:s0+$0x10120] =	vst v0  }
0x38: {  	[tilespmem:s0+$0x10100] =	vst v0  }
0x39: {  	[tilespmem:s0+$0x10110] =	vst v0  }
0x3a: {  	[spmem:s8] =	stream.linear.scatter [tilespmem:s18], [sflag:$0x5], $0x2800, $0x38;
	[tilespmem:$0x1EE80] =	vst v63  }
0x3b: {  	_ =	swait.ge [sflag:s16], $0x2800  }
0x3c: {  	[sflag:s16] =	ssyncset.done $0x0  }
0x3d: {  	[sflag:s16] =	ssyncadd.s32 $0xFFFFD800  }
0x3e: {  	[spmem:s11] =	stream.linear.scatter [tilespmem:s18], [sflag:$0x5], $0x2800, $0x38;
	[tilespmem:$0x1EE80] =	vst v63  }
0x3f: {  	_ =	swait.ge [sflag:s16], $0x2800  }
0x40: {  	[sflag:s16] =	ssyncset.done $0x0  }
0x41: {  	[sflag:s16] =	ssyncadd.s32 $0xFFFFD800  }
0x42: {  	[spmem:s24] =	stream.linear.scatter [tilespmem:s18], [sflag:$0x5], $0x2800, $0x38;
	[tilespmem:$0x1EE80] =	vst v63  }
0x43: {  	_ =	swait.ge [sflag:s16], $0x2800  }
0x44: {  	[sflag:s16] =	ssyncset.done $0x0  }
0x45: {  	s23 =	rddreg [dreg:$0x5];
	[sflag:s16] =	ssyncadd.s32 $0xFFFFD800  }
0x46: {  	[spmem:s23] =	stream.linear.scatter [tilespmem:s18], [sflag:$0x5], $0x2800, $0x38;
	[tilespmem:$0x1EE80] =	vst v63  }
0x47: {  	_ =	swait.ge [sflag:s16], $0x2800  }
0x48: {  	[sflag:s16] =	ssyncset.done $0x0  }
0x49: {  	s29 =	rddreg [dreg:$0x6];
	[sflag:s16] =	ssyncadd.s32 $0xFFFFD800  }
0x4a: {  	[spmem:s29] =	stream.linear.scatter [tilespmem:s18], [sflag:$0x5], $0x2580, $0x38;
	[tilespmem:$0x1EE80] =	vst v63  }
0x4b: {  	_ =	swait.ge [sflag:s16], $0x2580  }
0x4c: {  	[sflag:s16] =	ssyncset.done $0x0  }
.Ltmp3:
0x4d: {  	[sflag:s16] =	ssyncadd.s32 $0xFFFFDA80;
	(pc) =	sbr.rel .LBB2_4-.Ltmp3, $4  }
0x4e: {  	s0 =	simm.s32 $0x0;
	[bflag:$0x0] =	sbarrier.arrive $0xFFFF  }
0x4f: {  	[tilespmem:s20], [sflag:$0x1] =	stream.indirect.gather [hbm4b:s4+s19], $0x50, s0, s19, $0xb8;
	[tilespmem:$0x1EE80] =	vst v63  }
0x50: {  	s1 =	simm.s32 $0x2880  }
0x51: {  	[tilespmem:s21], [sflag:$0x1] =	stream.indirect.gather [hbm4b:s5+s19], $0x10, s1, s19, $0xb8;
	[tilespmem:$0x1EE80] =	vst v63  }
.LBB2_10:
0x52: {  	s0 =	sadd.s32 $0x1, s0  }
0x53: {  	p0 =	sne.s32 s0, $0x29  }
.Ltmp4:
0x54: {  	_ = 	snop;
	(pc) =	sbr.rel @!p0 .LBB2_11-.Ltmp4, $1  }
0x55: {  	_ =	sdelay $0x3  }
.LBB2_4:
0x56: {  	_ =	swait.ge [sflag:s22], $0x2800  }
0x57: {  	[sflag:s22] =	ssyncset.done $0x0  }
0x58: {  	s1 =	sshllo.u32 s0, $0x1;
	[sflag:s22] =	ssyncadd.s32 $0xFFFFD800  }
0x59: {  	p1 =	sgt.u32 s1, $0x50;
	_ =	swait.ge [sflag:s22], $0x800  }
0x5a: {  	s3 =	sshll.u32 @!p1 s1, $0x7;
	[sflag:s22] =	ssyncset.done $0x0  }
0x5b: {  	s6 =	simm.s32 @!p1 $0x80;
	s7 =	simm.s32 @!p1 $0x7900;
	[sflag:s22] =	ssyncadd.s32 $0xFFFFF800  }
0x5c: {  	[tilespmem:s7], [sflag:$0x2] =	stream.indirect.gather @!p1 [hbm4b:s4+s6], $0x50, s3, s6, $0xb8;
	[tilespmem:$0x1EE80] =	vst v63  }
0x5d: {  	p0 =	seq.s32 s0, $0x0;
	s3 =	sadd.s32 @!p1 $0x2880, s3;
	s7 =	simm.s32 @!p1 $0xA900  }
0x5e: {  	[tilespmem:s7], [sflag:$0x2] =	stream.indirect.gather @!p1 [hbm4b:s5+s6], $0x10, s3, s6, $0xb8;
	[tilespmem:$0x1EE80] =	vst v63  }
0x5f: {  	s3 =	simm.s32 @!p0 $0x3  }
0x60: {  	_ =	swait.ge @!p0 [sflag:s3], $0x2800  }
0x61: {  	[sflag:s3] =	ssyncset.done @!p0 $0x0  }
0x62: {  	s9 =	simm.s32 $0x5240;
	[sflag:s3] =	ssyncadd.s32 @!p0 $0xFFFFD800  }
0x63: {  	s23 =	simm.s32 $0xA140;
	v5 =	vld [tilespmem:s9+$0x130]  }
0x64: {  	v6 =	vld [tilespmem:s23+$0x30];
	_ =	sdelay $0x1  }
0x65: {  	v7 =	vld [tilespmem:s23+$0xFFFFFFC0]  }
0x66: {  	v8 =	vld [tilespmem:s9+$0xFFFFFF50]  }
0x67: {  	v9 =	vld [tilespmem:s23+$0xFFFFFFD0]  }
0x68: {  	v10 =	vld [tilespmem:s9+$0xFFFFFFA0];
	v5 =	vadd.f32 v6, v5  }
0x69: {  	v11 =	vld [tilespmem:s23+$0xFFFFFFE0]  }
0x6a: {  	v12 =	vld [tilespmem:s23+$0xFFFFFFF0];
	v13 =	vmul.f32 $2.000000030e-01, v5  }
0x6b: {  	v14 =	vld [tilespmem:s9+$0x40]  }
0x6c: {  	v6 =	vld [tilespmem:s9+$0xFFFFFFF0];
	v5 =	vmax.f32 v5, v13  }
0x6d: {  	v15 =	vld [tilespmem:s23+$0x0];
	v5 =	vmul.f32 $1.442695020e+00, v5  }
0x6e: {  	v16 =	vld [tilespmem:s9+$0xE0];
	v8 =	vadd.f32 v9, v8  }
0x6f: {  	v9 =	vld [tilespmem:s9+$0x90];
	v10 =	vadd.f32 v11, v10;
	(erf) = vpow2.f32 v5  }
0x70: {  	v11 =	vld [tilespmem:s23+$0x10];
	v13 =	vmul.f32 $2.000000030e-01, v8  }
0x71: {  	v6 =	vadd.f32 v12, v6;
	v12 =	vld [tilespmem:s23+$0x20];
	v5 =	vmul.f32 $2.000000030e-01, v10  }
0x72: {  	v8 =	vmax.f32 v8, v13;
	v13 =	vld [tilespmem:s9+$0xFFFFFF00]  }
0x73: {  	v8 =	vmul.f32 $1.442695020e+00, v8;
	v5 =	vmax.f32 v10, v5  }
0x74: {  	v14 =	vadd.f32 v15, v14;
	v10 =	vmul.f32 $2.000000030e-01, v6;
	v5 =	vmul.f32 $1.442695020e+00, v5  }
0x75: {  	v9 =	vadd.f32 v11, v9;
	(erf) = vpow2.f32 v8  }
0x76: {  	v8 =	vadd.f32 v12, v16;
	v6 =	vmax.f32 v6, v10;
	v10 =	vmul.f32 $2.000000030e-01, v14  }
0x77: {  	v11 =	vmul.f32 $2.000000030e-01, v9;
	v7 =	vadd.f32 v7, v13;
	v6 =	vmul.f32 $1.442695020e+00, v6  }
0x78: {  	s3 =	simm.s32 $0xB240;
	v12 =	vmul.f32 $2.000000030e-01, v8;
	(erf) = vpow2.f32 v5;
	v10 =	vmax.f32 v14, v10;
	v5 =	vpop (erf)  }
0x79: {  	v9 =	vmax.f32 v9, v11;
	v11 =	vmul.f32 $2.000000030e-01, v7;
	v10 =	vmul.f32 $1.442695020e+00, v10;
	[tilespmem:s3+$0x130] =	vst v5  }
0x7a: {  	s29 =	simm.s32 $0xA1C0;
	v8 =	vmax.f32 v8, v12;
	(erf) = vpow2.f32 v6;
	v6 =	vmul.f32 $1.442695020e+00, v9;
	v9 =	vld [tilespmem:s9+$0xF0]  }
0x7b: {  	s6 =	simm.s32 $0x54C0;
	v26 =	vld [tilespmem:s29+$0xFFFFFFC0];
	v7 =	vmax.f32 v7, v11;
	v8 =	vmul.f32 $1.442695020e+00, v8;
	(erf) = vpow2.f32 v10  }
0x7c: {  	v29 =	vld [tilespmem:s6+$0xFFFFFF50];
	(erf) = vpow2.f32 v6;
	v6 =	vmul.f32 $1.442695020e+00, v7  }
0x7d: {  	v31 =	vld [tilespmem:s29+$0xFFFFFFD0];
	v7 =	vperm.xlane v5, v1;
	(erf) = vpow2.f32 v8  }
0x7e: {  	v34 =	vld [tilespmem:s6+$0xFFFFFFA0];
	(erf) = vpow2.f32 v6  }
0x7f: {  	v37 =	vld [tilespmem:s29+$0xFFFFFFE0];
	v6 =	vmul.f32 v7, v9  }
0x80: {  	v40 =	vld [tilespmem:s6+$0xFFFFFFF0];
	v8 =	vpop (erf)  }
0x81: {  	v42 =	vld [tilespmem:s29+$0xFFFFFFF0];
	[tilespmem:s3+$0xFFFFFF50] =	vst v8;
	v7 =	vpop (erf)  }
0x82: {  	v9 =	vld [tilespmem:s9+$0xFFFFFF10];
	[tilespmem:s3+$0xFFFFFFA0] =	vst v7  }
0x83: {  	v15 =	vperm.xlane v8, v1;
	[tilespmem:s3+$0xF0] =	vst v6;
	v11 =	vld [tilespmem:s9+$0xFFFFFF60];
	v6 =	vpop (erf)  }
0x84: {  	v10 =	vld [tilespmem:s9+$0x100];
	[tilespmem:s3+$0xFFFFFFF0] =	vst v6;
	v13 =	vpop (erf)  }
0x85: {  	v16 =	vld [tilespmem:s9+$0xFFFFFFB0];
	[tilespmem:s3+$0x40] =	vst v13;
	v14 =	vpop (erf)  }
0x86: {  	v18 =	vperm.xlane v5, v2;
	v17 =	vld [tilespmem:s9+$0x0];
	[tilespmem:s3+$0x90] =	vst v14;
	v12 =	vpop (erf)  }
0x87: {  	v19 =	vperm.xlane v7, v1;
	v9 =	vmul.f32 v15, v9;
	v20 =	vld [tilespmem:s9+$0x50];
	[tilespmem:s3+$0xE0] =	vst v12;
	v15 =	vpop (erf)  }
0x88: {  	v21 =	vperm.xlane v6, v1;
	[tilespmem:s3+$0xFFFFFF00] =	vst v15;
	v22 =	vld [tilespmem:s9+$0xA0]  }
0x89: {  	v11 =	vmul.f32 v19, v11;
	v10 =	vmul.f32 v18, v10;
	v19 =	vld [tilespmem:s9+$0xFFFFFEC0]  }
0x8a: {  	v61 =	vld [tilespmem:s29+$0x10];
	[tilespmem:s3+$0xFFFFFF10] =	vst v9;
	v9 =	vperm.xlane v14, v1;
	v18 =	vperm.xlane v13, v1  }
0x8b: {  	v29 =	vadd.f32 v31, v29;
	[tilespmem:s3+$0x100] =	vst v10;
	v10 =	vperm.xlane v12, v1;
	v16 =	vmul.f32 v21, v16;
	v21 =	vld [tilespmem:s9+$0xFFFFFF20]  }
0x8c: {  	v31 =	vadd.f32 v37, v34;
	[tilespmem:s3+$0xFFFFFF60] =	vst v11;
	v11 =	vperm.xlane v15, v1;
	v17 =	vmul.f32 v18, v17;
	v18 =	vld [tilespmem:s9+$0x110]  }
0x8d: {  	v62 =	vadd.f32 v42, v40;
	v9 =	vmul.f32 v9, v20;
	v20 =	vld [tilespmem:s9+$0xFFFFFF70];
	[tilespmem:s3+$0xFFFFFFB0] =	vst v16;
	v10 =	vmul.f32 v10, v22  }
0x8e: {  	v44 =	vmul.f32 $2.000000030e-01, v29;
	v16 =	vld [tilespmem:s9+$0xFFFFFFC0];
	[tilespmem:s3+$0x0] =	vst v17;
	v11 =	vmul.f32 v11, v19  }
0x8f: {  	v45 =	vmul.f32 $2.000000030e-01, v31;
	v48 =	vmul.f32 $2.000000030e-01, v62;
	[tilespmem:s3+$0xA0] =	vst v10;
	v10 =	vld [tilespmem:s6+$0x130]  }
0x90: {  	v41 =	vperm.xlane v5, v3;
	v24 =	vperm.xlane v8, v2;
	[tilespmem:s3+$0xFFFFFEC0] =	vst v11;
	v11 =	vld [tilespmem:s29+$0x30]  }
0x91: {  	v25 =	vperm.xlane v8, v3;
	v27 =	vperm.xlane v7, v2;
	v17 =	vld [tilespmem:s9+$0x10];
	[tilespmem:s3+$0x50] =	vst v9  }
0x92: {  	v30 =	vperm.xlane v7, v3;
	v28 =	vperm.xlane v6, v2;
	v19 =	vld [tilespmem:s9+$0x60]  }
0x93: {  	v32 =	vperm.xlane v13, v2;
	v21 =	vmul.f32 v24, v21;
	v24 =	vld [tilespmem:s6+$0x40]  }
0x94: {  	v33 =	vperm.xlane v14, v2;
	v36 =	vperm.xlane v12, v2;
	v22 =	vld [tilespmem:s9+$0xB0]  }
0x95: {  	v35 =	vperm.xlane v15, v2;
	v20 =	vmul.f32 v27, v20;
	v27 =	vld [tilespmem:s29+$0x0];
	v38 =	vadd.f32 v11, v10  }
0x96: {  	v39 =	vperm.xlane v15, v3;
	v9 =	vperm.xlane v6, v3;
	v23 =	vld [tilespmem:s9+$0xFFFFFED0]  }
0x97: {  	v63 =	vld [tilespmem:s6+$0xE0];
	v18 =	vmul.f32 v41, v18;
	v43 =	vmul.f32 $2.000000030e-01, v38  }
0x98: {  	v16 =	vmul.f32 v28, v16;
	v28 =	vld [tilespmem:s6+$0x90];
	v17 =	vmul.f32 v32, v17  }
0x99: {  	v46 =	vld [tilespmem:s29+$0x20];
	v19 =	vmul.f32 v33, v19;
	v10 =	vperm.xlane v13, v3;
	v38 =	vmax.f32 v38, v43  }
0x9a: {  	v47 =	vld [tilespmem:s6+$0xFFFFFF00];
	[tilespmem:s3+$0xFFFFFF20] =	vst v21;
	v22 =	vmul.f32 v36, v22;
	v24 =	vadd.f32 v27, v24;
	v38 =	vmul.f32 $1.442695020e+00, v38  }
0x9b: {  	[tilespmem:s3+$0x110] =	vst v18;
	v18 =	vld [tilespmem:s9+$0xFFFFFF30];
	v23 =	vmul.f32 v35, v23;
	v27 =	vmax.f32 v29, v44;
	v29 =	vmax.f32 v31, v45  }
0x9c: {  	v31 =	vmax.f32 v62, v48;
	[tilespmem:s3+$0x60] =	vst v19;
	v19 =	vperm.xlane v8, v4;
	(erf) = vpow2.f32 v38  }
0x9d: {  	v27 =	vmul.f32 $1.442695020e+00, v27;
	v28 =	vadd.f32 v61, v28;
	v49 =	vmul.f32 $2.000000030e-01, v24;
	[tilespmem:s3+$0xFFFFFED0] =	vst v23  }
0x9e: {  	v23 =	vmul.f32 $1.442695020e+00, v29;
	v29 =	vmul.f32 $1.442695020e+00, v31;
	v31 =	vld [tilespmem:s9+$0xFFFFFEE0]  }
0x9f: {  	v26 =	vadd.f32 v26, v47;
	v21 =	vmul.f32 $2.000000030e-01, v28;
	(erf) = vpow2.f32 v27  }
0xa0: {  	v18 =	vmul.f32 v25, v18;
	v24 =	vmax.f32 v24, v49;
	v27 =	vadd.f32 v46, v63  }
0xa1: {  	[tilespmem:s3+$0xFFFFFF70] =	vst v20;
	v24 =	vmul.f32 $1.442695020e+00, v24;
	v20 =	vmax.f32 v28, v21;
	v28 =	vmul.f32 $2.000000030e-01, v26  }
0xa2: {  	[tilespmem:s3+$0xFFFFFFC0] =	vst v16;
	(erf) = vpow2.f32 v23;
	v23 =	vmul.f32 $2.000000030e-01, v27  }
0xa3: {  	v50 =	vld [tilespmem:s9+$0x120];
	[tilespmem:s3+$0x10] =	vst v17;
	v20 =	vmul.f32 $1.442695020e+00, v20;
	v16 =	vmul.f32 v39, v31  }
0xa4: {  	[tilespmem:s3+$0xB0] =	vst v22;
	v25 =	vld [tilespmem:s9+$0x70];
	v31 =	vperm.xlane v12, v3;
	(erf) = vpow2.f32 v29;
	v23 =	vmax.f32 v27, v23  }
0xa5: {  	s7 =	simm.s32 $0xB4C0;
	v29 =	vld [tilespmem:s9+$0xFFFFFF80];
	(erf) = vpow2.f32 v24;
	v24 =	vmax.f32 v26, v28;
	[tilespmem:s3+$0xFFFFFEE0] =	vst v16;
	v23 =	vmul.f32 $1.442695020e+00, v23;
	v21 =	vpop (erf)  }
0xa6: {  	(erf) = vpow2.f32 v20;
	v17 =	vmul.f32 $1.442695020e+00, v24;
	v22 =	vld [tilespmem:s9+$0xFFFFFEF0];
	[tilespmem:s7+$0x130] =	vst v21  }
0xa7: {  	v20 =	vperm.xlane v15, v4;
	(erf) = vpow2.f32 v23;
	v26 =	vld [tilespmem:s6+$0xF0]  }
0xa8: {  	v28 =	vld [tilespmem:s9+$0x20];
	v23 =	vperm.xlane v21, v1;
	(erf) = vpow2.f32 v17;
	v16 =	vpop (erf)  }
0xa9: {  	v27 =	vld [tilespmem:s9+$0xFFFFFFD0];
	v17 =	vperm.xlane v7, v4;
	v7 =	vperm.xlane v5, v4;
	[tilespmem:s7+$0xFFFFFF50] =	vst v16  }
0xaa: {  	v5 =	vperm.xlane v6, v4;
	v6 =	vperm.xlane v13, v4;
	v13 =	vld [tilespmem:s6+$0xFFFFFF10]  }
0xab: {  	s15 =	simm.s32 $0x5740;
	v15 =	vld [tilespmem:s9+$0xC0];
	v20 =	vmul.f32 v20, v22;
	v32 =	vmul.f32 v7, v50  }
0xac: {  	[tilespmem:s3+$0xFFFFFF30] =	vst v18;
	v22 =	vld [tilespmem:s15+$0xFFFFFF00];
	v7 =	vperm.xlane v12, v4;
	v8 =	vmul.f32 v23, v26;
	v26 =	vpop (erf)  }
0xad: {  	v12 =	vmul.f32 v30, v29;
	v30 =	vperm.xlane v16, v1;
	v23 =	vld [tilespmem:s9+$0xFFFFFF40];
	[tilespmem:s7+$0xFFFFFFA0] =	vst v26  }
0xae: {  	v11 =	vperm.xlane v14, v3;
	v33 =	vpop (erf);
	[tilespmem:s7+$0xF0] =	vst v8;
	v24 =	vld [tilespmem:s6+$0xFFFFFF60]  }
0xaf: {  	v13 =	vmul.f32 v30, v13;
	v8 =	vperm.xlane v14, v4;
	[tilespmem:s7+$0xFFFFFFF0] =	vst v33;
	v29 =	vpop (erf);
	v14 =	vld [tilespmem:s6+$0x100]  }
0xb0: {  	v51 =	vld [tilespmem:s6+$0xFFFFFFB0];
	[tilespmem:s7+$0x40] =	vst v29  }
0xb1: {  	v36 =	vpop (erf);
	[tilespmem:s7+$0xFFFFFF10] =	vst v13;
	v52 =	vld [tilespmem:s6+$0x0]  }
0xb2: {  	v53 =	vperm.xlane v21, v2;
	v31 =	vmul.f32 v31, v15;
	[tilespmem:s7+$0x90] =	vst v36;
	v41 =	vpop (erf);
	v44 =	vld [tilespmem:s6+$0xFFFFFF20]  }
0xb3: {  	v34 =	vperm.xlane v16, v2;
	v54 =	vperm.xlane v26, v1;
	v30 =	vld [tilespmem:s6+$0x50];
	[tilespmem:s7+$0xE0] =	vst v41;
	v42 =	vpop (erf)  }
0xb4: {  	v55 =	vperm.xlane v33, v1;
	v57 =	vperm.xlane v29, v1;
	[tilespmem:s7+$0xFFFFFF00] =	vst v42;
	v56 =	vld [tilespmem:s6+$0xA0]  }
0xb5: {  	s17 =	simm.s32 $0xA240;
	v13 =	vperm.xlane v36, v1;
	v50 =	vperm.xlane v42, v2;
	v58 =	vld [tilespmem:s6+$0xFFFFFEC0]  }
0xb6: {  	v15 =	vperm.xlane v42, v4;
	v35 =	vmul.f32 v55, v51;
	v55 =	vld [tilespmem:s17+$0x30]  }
0xb7: {  	v24 =	vmul.f32 v54, v24;
	v37 =	vmul.f32 v57, v52;
	v52 =	vld [tilespmem:s15+$0x130]  }
0xb8: {  	v14 =	vmul.f32 v53, v14;
	v34 =	vmul.f32 v34, v44;
	v44 =	vld [tilespmem:s17+$0xFFFFFFC0]  }
0xb9: {  	v53 =	vperm.xlane v42, v3;
	[tilespmem:s7+$0xFFFFFF60] =	vst v24;
	v24 =	vperm.xlane v42, v1;
	v42 =	vld [tilespmem:s15+$0xFFFFFFA0]  }
0xba: {  	[tilespmem:s7+$0x100] =	vst v14;
	v13 =	vmul.f32 v13, v30;
	v30 =	vld [tilespmem:s6+$0xFFFFFF70]  }
0xbb: {  	v25 =	vmul.f32 v11, v25;
	[tilespmem:s7+$0xFFFFFFB0] =	vst v35;
	v35 =	vld [tilespmem:s15+$0xFFFFFF50]  }
0xbc: {  	v28 =	vmul.f32 v10, v28;
	v27 =	vmul.f32 v9, v27;
	v59 =	vld [tilespmem:s6+$0x110]  }
0xbd: {  	v18 =	vperm.xlane v16, v3;
	v14 =	vperm.xlane v41, v1;
	v45 =	vld [tilespmem:s6+$0xFFFFFFC0];
	[tilespmem:s7+$0x0] =	vst v37  }
0xbe: {  	v60 =	vperm.xlane v26, v2;
	v46 =	vperm.xlane v33, v2;
	v62 =	vld [tilespmem:s6+$0x10]  }
0xbf: {  	v38 =	vperm.xlane v33, v3;
	v14 =	vmul.f32 v14, v56;
	v56 =	vld [tilespmem:s17+$0xFFFFFFE0]  }
0xc0: {  	v11 =	vperm.xlane v33, v4;
	v61 =	vmul.f32 v24, v58;
	[tilespmem:s7+$0x50] =	vst v13;
	v58 =	vld [tilespmem:s17+$0x10]  }
0xc1: {  	v40 =	vperm.xlane v29, v3;
	v10 =	vperm.xlane v29, v4;
	v47 =	vld [tilespmem:s6+$0x60]  }
0xc2: {  	v48 =	vperm.xlane v36, v2;
	v39 =	vperm.xlane v36, v3;
	[tilespmem:s7+$0xFFFFFEC0] =	vst v61;
	v61 =	vld [tilespmem:s17+$0xFFFFFFF0]  }
0xc3: {  	v13 =	vperm.xlane v21, v3;
	[tilespmem:s7+$0xA0] =	vst v14;
	v14 =	vperm.xlane v29, v2;
	v29 =	vld [tilespmem:s17+$0x0]  }
0xc4: {  	v24 =	vperm.xlane v26, v3;
	v63 =	vld [tilespmem:s6+$0xB0];
	v30 =	vmul.f32 v60, v30  }
0xc5: {  	v49 =	vld [tilespmem:s6+$0xFFFFFED0];
	v13 =	vmul.f32 v13, v59;
	v43 =	vmul.f32 v14, v62  }
0xc6: {  	[tilespmem:s3+$0xFFFFFFD0] =	vst v27;
	v60 =	vld [tilespmem:s15+$0xFFFFFFF0];
	v14 =	vperm.xlane v16, v4;
	v16 =	vperm.xlane v26, v4;
	v26 =	vadd.f32 v55, v52  }
0xc7: {  	v9 =	vperm.xlane v36, v4;
	v45 =	vmul.f32 v46, v45;
	v46 =	vld [tilespmem:s17+$0xFFFFFFD0];
	[tilespmem:s7+$0xFFFFFF70] =	vst v30  }
0xc8: {  	v51 =	vperm.xlane v41, v2;
	[tilespmem:s7+$0x110] =	vst v13;
	v27 =	vld [tilespmem:s6+$0xFFFFFF80];
	v62 =	vmul.f32 $2.000000030e-01, v26  }
0xc9: {  	v19 =	vmul.f32 v19, v23;
	v21 =	vperm.xlane v21, v4;
	v56 =	vadd.f32 v56, v42;
	v54 =	vld [tilespmem:s6+$0x120]  }
0xca: {  	[tilespmem:s3+$0xFFFFFF80] =	vst v12;
	v13 =	vperm.xlane v41, v3;
	v37 =	vmul.f32 v51, v63;
	v63 =	vld [tilespmem:s15+$0x40];
	v12 =	vmax.f32 v26, v62  }
0xcb: {  	[tilespmem:s3+$0x70] =	vst v25;
	v47 =	vmul.f32 v48, v47;
	v59 =	vadd.f32 v61, v60;
	v60 =	vld [tilespmem:s15+$0xE0];
	v57 =	vmul.f32 $1.442695020e+00, v12  }
0xcc: {  	[tilespmem:s3+$0xFFFFFF40] =	vst v19;
	v42 =	vmul.f32 $2.000000030e-01, v56;
	v49 =	vmul.f32 v50, v49;
	v61 =	vld [tilespmem:s17+$0x20];
	v55 =	vadd.f32 v46, v35  }
0xcd: {  	[tilespmem:s7+$0xFFFFFF20] =	vst v34;
	v26 =	vld [tilespmem:s15+$0x90];
	v12 =	vperm.xlane v41, v4;
	(erf) = vpow2.f32 v57  }
0xce: {  	[tilespmem:s7+$0x60] =	vst v47;
	v47 =	vld [tilespmem:s6+$0xFFFFFF30];
	v62 =	vmul.f32 $2.000000030e-01, v59;
	v30 =	vmul.f32 $2.000000030e-01, v55  }
0xcf: {  	[tilespmem:s7+$0xFFFFFFC0] =	vst v45;
	v51 =	vadd.f32 v44, v22;
	v19 =	vmul.f32 v24, v27;
	v21 =	vmul.f32 v21, v54  }
0xd0: {  	[tilespmem:s7+$0x10] =	vst v43;
	v43 =	vmax.f32 v59, v62;
	v29 =	vadd.f32 v29, v63;
	v23 =	vmax.f32 v55, v30  }
0xd1: {  	[tilespmem:s3+$0xC0] =	vst v31;
	v48 =	vld [tilespmem:s6+$0xFFFFFFD0];
	v30 =	vmax.f32 v56, v42;
	v33 =	vmul.f32 $1.442695020e+00, v43;
	v23 =	vmul.f32 $1.442695020e+00, v23  }
0xd2: {  	[tilespmem:s7+$0xFFFFFED0] =	vst v49;
	v63 =	vld [tilespmem:s9+$0xFFFFFF90];
	v30 =	vmul.f32 $1.442695020e+00, v30;
	v26 =	vadd.f32 v58, v26;
	v46 =	vmul.f32 $2.000000030e-01, v29  }
0xd3: {  	[tilespmem:s7+$0xB0] =	vst v37;
	v37 =	vld [tilespmem:s9+$0xD0];
	v34 =	vadd.f32 v61, v60;
	v18 =	vmul.f32 v18, v47;
	(erf) = vpow2.f32 v23  }
0xd4: {  	v24 =	vld [tilespmem:s9+$0x80];
	[tilespmem:s7+$0x120] =	vst v21;
	v21 =	vmul.f32 $2.000000030e-01, v26;
	v23 =	vmax.f32 v29, v46;
	(erf) = vpow2.f32 v30  }
0xd5: {  	v42 =	vld [tilespmem:s6+$0xFFFFFEE0];
	v22 =	vmul.f32 $1.442695020e+00, v23;
	v23 =	vmul.f32 $2.000000030e-01, v34  }
0xd6: {  	s23 =	simm.s32 $0xB740;
	[tilespmem:s3+$0xFFFFFEF0] =	vst v20;
	v55 =	vld [tilespmem:s6+$0x20];
	v21 =	vmax.f32 v26, v21;
	(erf) = vpow2.f32 v33;
	v26 =	vmul.f32 $2.000000030e-01, v51;
	v25 =	vpop (erf)  }
0xd7: {  	v56 =	vld [tilespmem:s6+$0x70];
	v54 =	vmul.f32 v17, v63;
	v17 =	vmul.f32 $1.442695020e+00, v21;
	v21 =	vmax.f32 v34, v23;
	[tilespmem:s23+$0x130] =	vst v25  }
0xd8: {  	[tilespmem:s7+$0xFFFFFF80] =	vst v19;
	(erf) = vpow2.f32 v22;
	v20 =	vmax.f32 v51, v26;
	v21 =	vmul.f32 $1.442695020e+00, v21;
	v26 =	vld [tilespmem:s15+$0xF0]  }
0xd9: {  	v36 =	vld [tilespmem:s6+$0xFFFFFF90];
	[tilespmem:s7+$0xFFFFFF30] =	vst v18;
	(erf) = vpow2.f32 v17;
	v17 =	vmul.f32 $1.442695020e+00, v20  }
0xda: {  	[tilespmem:s3+$0x120] =	vst v32;
	v32 =	vld [tilespmem:s6+$0xFFFFFF40];
	v23 =	vmul.f32 v53, v42;
	(erf) = vpow2.f32 v21  }
0xdb: {  	[tilespmem:s3+$0x20] =	vst v28;
	v29 =	vld [tilespmem:s6+$0xC0];
	v20 =	vperm.xlane v25, v1;
	(erf) = vpow2.f32 v17  }
0xdc: {  	v48 =	vmul.f32 v38, v48;
	v40 =	vmul.f32 v40, v55;
	v22 =	vld [tilespmem:s9+$0xFFFFFFE0];
	[tilespmem:s3+$0xFFFFFF90] =	vst v54  }
0xdd: {  	v38 =	vmul.f32 v39, v56;
	[tilespmem:s7+$0xFFFFFEE0] =	vst v23;
	v23 =	vld [tilespmem:s9+$0x30];
	v27 =	vpop (erf);
	v17 =	vmul.f32 v20, v26  }
0xde: {  	v63 =	vperm.xlane v25, v2;
	v28 =	vld [tilespmem:s6+$0xFFFFFEF0];
	[tilespmem:s23+$0xFFFFFF50] =	vst v27;
	v21 =	vperm.xlane v27, v1  }
0xdf: {  	v49 =	vperm.xlane v27, v2;
	v18 =	vperm.xlane v27, v3;
	v30 =	vpop (erf);
	v60 =	vld [tilespmem:s15+$0xFFFFFF10];
	[tilespmem:s23+$0xF0] =	vst v17  }
0xe0: {  	[tilespmem:s23+$0xFFFFFFA0] =	vst v30;
	v57 =	vperm.xlane v30, v2;
	v19 =	vperm.xlane v30, v3;
	v26 =	vpop (erf);
	v62 =	vld [tilespmem:s15+$0x100]  }
0xe1: {  	v20 =	vperm.xlane v30, v1;
	v61 =	vld [tilespmem:s15+$0xFFFFFF60];
	v46 =	vperm.xlane v26, v1;
	[tilespmem:s23+$0xFFFFFFF0] =	vst v26;
	v31 =	vpop (erf)  }
0xe2: {  	v42 =	vperm.xlane v26, v2;
	v17 =	vperm.xlane v26, v3;
	v47 =	vld [tilespmem:s15+$0xFFFFFFB0];
	[tilespmem:s23+$0x40] =	vst v31;
	v33 =	vpop (erf)  }
0xe3: {  	v50 =	vperm.xlane v31, v1;
	v43 =	vperm.xlane v31, v2;
	v34 =	vld [tilespmem:s15+$0x0];
	[tilespmem:s23+$0x90] =	vst v33;
	v35 =	vpop (erf)  }
0xe4: {  	v51 =	vperm.xlane v33, v1;
	v21 =	vmul.f32 v21, v60;
	v52 =	vld [tilespmem:s15+$0x50];
	[tilespmem:s23+$0xE0] =	vst v35;
	v41 =	vpop (erf)  }
0xe5: {  	v44 =	vperm.xlane v33, v2;
	[tilespmem:s23+$0xFFFFFF00] =	vst v41;
	v59 =	vld [tilespmem:s15+$0xA0];
	v53 =	vmul.f32 v63, v62  }
0xe6: {  	v20 =	vmul.f32 v20, v61;
	v54 =	vperm.xlane v35, v1;
	[tilespmem:s23+$0xFFFFFF10] =	vst v21;
	v60 =	vld [tilespmem:s15+$0xFFFFFEC0]  }
0xe7: {  	v58 =	vperm.xlane v41, v1;
	v21 =	vmul.f32 v46, v47;
	v61 =	vld [tilespmem:s15+$0xFFFFFF20];
	[tilespmem:s23+$0x100] =	vst v53  }
0xe8: {  	v45 =	vperm.xlane v41, v2;
	[tilespmem:s23+$0xFFFFFF60] =	vst v20;
	v46 =	vmul.f32 v50, v34;
	v53 =	vld [tilespmem:s15+$0x110]  }
0xe9: {  	v47 =	vperm.xlane v35, v2;
	v62 =	vld [tilespmem:s15+$0xFFFFFF70];
	v52 =	vmul.f32 v51, v52;
	[tilespmem:s23+$0xFFFFFFB0] =	vst v21  }
0xea: {  	v20 =	vperm.xlane v33, v3;
	v50 =	vld [tilespmem:s15+$0xFFFFFFC0];
	[tilespmem:s23+$0x0] =	vst v46;
	v54 =	vmul.f32 v54, v59  }
0xeb: {  	v51 =	vld [tilespmem:s15+$0x10];
	[tilespmem:s23+$0x50] =	vst v52;
	v59 =	vperm.xlane v25, v3;
	v58 =	vmul.f32 v58, v60  }
0xec: {  	v34 =	vperm.xlane v41, v3;
	v60 =	vmul.f32 v49, v61;
	v49 =	vld [tilespmem:s15+$0x60];
	[tilespmem:s23+$0xA0] =	vst v54  }
0xed: {  	v46 =	vperm.xlane v35, v3;
	[tilespmem:s23+$0xFFFFFEC0] =	vst v58;
	v52 =	vld [tilespmem:s15+$0xB0];
	v54 =	vmul.f32 v59, v53  }
0xee: {  	s10 =	simm.s32 $0x59C0;
	s9 =	simm.s32 $0x10;
	v21 =	vperm.xlane v31, v3;
	v55 =	vmul.f32 v57, v62;
	[tilespmem:s23+$0xFFFFFF20] =	vst v60;
	v53 =	vld [tilespmem:s15+$0xFFFFFED0]  }
.LBB2_5:
0xef: {  	v39 =	vld [tilespmem:s10+$0x130];
	v42 =	vmul.f32 v42, v50;
	[tilespmem:s23+$0x110] =	vst v54;
	v29 =	vmul.f32 v13, v29;
	v13 =	vmov v46  }
0xf0: {  	v41 =	vperm.xlane v41, v4;
	s17 =	sadd.s32 $0x80, s17;
	[tilespmem:s23+$0xFFFFFF70] =	vst v55;
	v43 =	vmul.f32 v43, v51;
	v46 =	vld [tilespmem:s15+$0x120]  }
0xf1: {  	s9 =	sadd.s32 $0x8, s9;
	v27 =	vperm.xlane v27, v4;
	v50 =	vld [tilespmem:s17+$0x30];
	[tilespmem:s23+$0xFFFFFFC0] =	vst v42;
	v42 =	vmul.f32 v44, v49  }
0xf2: {  	v30 =	vperm.xlane v30, v4;
	p2 =	slt.u32 s9, $0x78;
	v44 =	vld [tilespmem:s17+$0xFFFFFFC0];
	[tilespmem:s23+$0x10] =	vst v43;
	v43 =	vmul.f32 v47, v52  }
0xf3: {  	v25 =	vperm.xlane v25, v4;
	v47 =	vld [tilespmem:s10+$0xFFFFFF50];
	v45 =	vmul.f32 v45, v53;
	[tilespmem:s23+$0x60] =	vst v42  }
0xf4: {  	v26 =	vperm.xlane v26, v4;
	v31 =	vperm.xlane v31, v4;
	v42 =	vld [tilespmem:s17+$0xFFFFFFD0];
	[tilespmem:s23+$0xB0] =	vst v43  }
0xf5: {  	v33 =	vperm.xlane v33, v4;
	v43 =	vld [tilespmem:s10+$0xFFFFFFA0];
	[tilespmem:s23+$0xFFFFFED0] =	vst v45;
	v25 =	vmul.f32 v25, v46  }
0xf6: {  	v35 =	vperm.xlane v35, v4;
	v28 =	vmul.f32 v15, v28;
	v45 =	vld [tilespmem:s17+$0xFFFFFFE0];
	v39 =	vadd.f32 v50, v39;
	[tilespmem:s7+$0xFFFFFFD0] =	vst v48  }
0xf7: {  	v15 =	vmovc v41;
	v46 =	vld [tilespmem:s10+$0xFFFFFFF0];
	[tilespmem:s23+$0x120] =	vst v25;
	v25 =	vmul.f32 v14, v32;
	v32 =	vmul.f32 v16, v36;
	v14 =	vmov v27  }
0xf8: {  	v22 =	vmul.f32 v5, v22;
	v5 =	vmovc v11;
	v11 =	vmovc v26;
	v16 =	vmov v30;
	v27 =	vld [tilespmem:s17+$0xFFFFFFF0];
	v36 =	vmul.f32 $2.000000030e-01, v39;
	[tilespmem:s7+$0x20] =	vst v40  }
0xf9: {  	v23 =	vmul.f32 v6, v23;
	v24 =	vmul.f32 v8, v24;
	v26 =	vadd.f32 v42, v47;
	v30 =	vld [tilespmem:s10+$0x40];
	[tilespmem:s7+$0x70] =	vst v38  }
0xfa: {  	v6 =	vmovc v10;
	v10 =	vmov v31;
	v38 =	vld [tilespmem:s17+$0x0];
	v40 =	vmax.f32 v39, v36;
	[tilespmem:s7+$0xC0] =	vst v29;
	v29 =	vmul.f32 v7, v37  }
0xfb: {  	v8 =	vmovc v9;
	v9 =	vmovc v33;
	v31 =	vmul.f32 $2.000000030e-01, v26;
	v36 =	vadd.f32 v45, v43;
	v37 =	vld [tilespmem:s10+$0x90];
	v39 =	vmul.f32 $1.442695020e+00, v40;
	[tilespmem:s7+$0xFFFFFEF0] =	vst v28  }
0xfc: {  	v7 =	vmov v12;
	v12 =	vmov v35;
	v28 =	vld [tilespmem:s17+$0x10];
	[tilespmem:s7+$0xFFFFFF40] =	vst v25  }
0xfd: {  	v25 =	vmul.f32 $2.000000030e-01, v36;
	v27 =	vadd.f32 v27, v46;
	v33 =	vld [tilespmem:s10+$0xE0];
	(erf) = vpow2.f32 v39;
	[tilespmem:s7+$0xFFFFFF90] =	vst v32  }
0xfe: {  	v26 =	vmax.f32 v26, v31;
	v31 =	vld [tilespmem:s17+$0x20];
	[tilespmem:s3+$0xFFFFFFE0] =	vst v22  }
0xff: {  	v22 =	vld [tilespmem:s10+$0xFFFFFF00];
	v25 =	vmax.f32 v36, v25;
	v32 =	vmul.f32 $2.000000030e-01, v27;
	v30 =	vadd.f32 v38, v30;
	[tilespmem:s3+$0x30] =	vst v23  }
0x100: {  	v23 =	vmul.f32 $1.442695020e+00, v26;
	v25 =	vmul.f32 $1.442695020e+00, v25;
	v26 =	vld [tilespmem:s15+$0xFFFFFEE0];
	[tilespmem:s3+$0x80] =	vst v24  }
0x101: {  	v24 =	vmax.f32 v27, v32;
	v27 =	vmul.f32 $2.000000030e-01, v30;
	v28 =	vadd.f32 v28, v37;
	v32 =	vld [tilespmem:s15+$0xFFFFFF30];
	[tilespmem:s3+$0xD0] =	vst v29;
	s3 =	smov.u32 s7;
	s7 =	smov.u32 s23  }
0x102: {  	v24 =	vmul.f32 $1.442695020e+00, v24;
	(erf) = vpow2.f32 v23;
	v35 =	vld [tilespmem:s15+$0xFFFFFF80]  }
0x103: {  	v23 =	vmax.f32 v30, v27;
	v27 =	vmul.f32 $2.000000030e-01, v28;
	v30 =	vadd.f32 v31, v33;
	v40 =	vld [tilespmem:s15+$0xFFFFFFD0]  }
0x104: {  	v31 =	vadd.f32 v44, v22;
	v22 =	vmul.f32 $1.442695020e+00, v23;
	(erf) = vpow2.f32 v25;
	v39 =	vld [tilespmem:s15+$0x20]  }
0x105: {  	s23 =	sadd.s32 $0x280, s23;
	v23 =	vmax.f32 v28, v27;
	v27 =	vmul.f32 $2.000000030e-01, v30;
	(erf) = vpow2.f32 v24;
	v38 =	vld [tilespmem:s15+$0x70]  }
0x106: {  	v24 =	vmul.f32 $2.000000030e-01, v31;
	v23 =	vmul.f32 $1.442695020e+00, v23;
	v25 =	vpop (erf);
	v29 =	vld [tilespmem:s15+$0xC0]  }
0x107: {  	v26 =	vmul.f32 v34, v26;
	v27 =	vmax.f32 v30, v27;
	[tilespmem:s23+$0x130] =	vst v25;
	(erf) = vpow2.f32 v22;
	v22 =	vld [tilespmem:s6+$0xFFFFFFE0]  }
0x108: {  	v24 =	vmax.f32 v31, v24;
	v31 =	vmul.f32 $1.442695020e+00, v27;
	v30 =	vld [tilespmem:s10+$0xF0];
	(erf) = vpow2.f32 v23  }
0x109: {  	v18 =	vmul.f32 v18, v32;
	v24 =	vmul.f32 $1.442695020e+00, v24;
	[tilespmem:s7+$0xFFFFFEE0] =	vst v26;
	v23 =	vld [tilespmem:s6+$0x30]  }
0x10a: {  	v19 =	vmul.f32 v19, v35;
	(erf) = vpow2.f32 v31;
	v28 =	vld [tilespmem:s15+$0xFFFFFEF0]  }
0x10b: {  	v33 =	vperm.xlane v25, v1;
	(erf) = vpow2.f32 v24;
	v27 =	vpop (erf);
	[tilespmem:s7+$0xFFFFFF30] =	vst v18;
	v24 =	vld [tilespmem:s6+$0x80]  }
0x10c: {  	[tilespmem:s23+$0xFFFFFF50] =	vst v27;
	v34 =	vperm.xlane v27, v1;
	v48 =	vperm.xlane v27, v2;
	v32 =	vld [tilespmem:s15+$0xFFFFFF40]  }
0x10d: {  	v18 =	vperm.xlane v27, v3;
	v35 =	vld [tilespmem:s10+$0xFFFFFF10];
	v33 =	vmul.f32 v33, v30;
	v30 =	vpop (erf);
	[tilespmem:s7+$0xFFFFFF80] =	vst v19  }
0x10e: {  	[tilespmem:s23+$0xFFFFFFA0] =	vst v30;
	v37 =	vperm.xlane v30, v1;
	v55 =	vperm.xlane v30, v2;
	v26 =	vpop (erf);
	v36 =	vld [tilespmem:s15+$0xFFFFFF90]  }
0x10f: {  	v41 =	vld [tilespmem:s10+$0xFFFFFF60];
	v46 =	vperm.xlane v26, v1;
	v42 =	vperm.xlane v26, v2;
	[tilespmem:s23+$0xF0] =	vst v33  }
0x110: {  	v19 =	vperm.xlane v30, v3;
	v52 =	vperm.xlane v26, v3;
	[tilespmem:s23+$0xFFFFFFF0] =	vst v26;
	v45 =	vld [tilespmem:s10+$0x100];
	v31 =	vpop (erf)  }
0x111: {  	v47 =	vld [tilespmem:s10+$0xFFFFFFB0];
	[tilespmem:s23+$0x40] =	vst v31;
	v49 =	vperm.xlane v31, v1;
	v43 =	vperm.xlane v31, v2;
	v33 =	vpop (erf)  }
0x112: {  	v34 =	vmul.f32 v34, v35;
	v50 =	vld [tilespmem:s10+$0x0];
	[tilespmem:s23+$0x90] =	vst v33;
	v51 =	vperm.xlane v33, v1  }
0x113: {  	v54 =	vperm.xlane v25, v2;
	v44 =	vperm.xlane v33, v2;
	v53 =	vld [tilespmem:s10+$0x50];
	v35 =	vpop (erf)  }
0x114: {  	v56 =	vmul.f32 v37, v41;
	[tilespmem:s23+$0xE0] =	vst v35;
	v57 =	vperm.xlane v35, v1;
	v41 =	vpop (erf);
	v37 =	vld [tilespmem:s6+$0xD0];
	s6 =	smov.u32 s15;
	s15 =	smov.u32 s10  }
0x115: {  	[tilespmem:s23+$0xFFFFFF00] =	vst v41;
	v58 =	vperm.xlane v41, v1;
	v59 =	vld [tilespmem:s10+$0xA0];
	v54 =	vmul.f32 v54, v45  }
0x116: {  	v45 =	vperm.xlane v41, v2;
	v60 =	vld [tilespmem:s10+$0xFFFFFEC0];
	[tilespmem:s23+$0xFFFFFF10] =	vst v34;
	v46 =	vmul.f32 v46, v47  }
0x117: {  	v47 =	vperm.xlane v35, v2;
	v61 =	vld [tilespmem:s10+$0xFFFFFF20];
	v49 =	vmul.f32 v49, v50;
	[tilespmem:s23+$0x100] =	vst v54  }
0x118: {  	v34 =	vperm.xlane v41, v3;
	[tilespmem:s23+$0xFFFFFF60] =	vst v56;
	v53 =	vmul.f32 v51, v53;
	v54 =	vld [tilespmem:s10+$0x110]  }
0x119: {  	v62 =	vperm.xlane v31, v3;
	v63 =	vperm.xlane v33, v3;
	v56 =	vld [tilespmem:s10+$0xFFFFFF70];
	[tilespmem:s23+$0xFFFFFFB0] =	vst v46  }
.Ltmp5:
0x11a: {  	v46 =	vperm.xlane v35, v3;
	v50 =	vld [tilespmem:s10+$0xFFFFFFC0];
	[tilespmem:s23+$0x0] =	vst v49;
	v57 =	vmul.f32 v57, v59;
	(pc) =	sbr.rel @p2 .LBB2_5-.Ltmp5, $4  }
0x11b: {  	v58 =	vmul.f32 v58, v60;
	v51 =	vld [tilespmem:s10+$0x10];
	[tilespmem:s23+$0x50] =	vst v53;
	v53 =	vperm.xlane v25, v3  }
0x11c: {  	v59 =	vmul.f32 v48, v61;
	v49 =	vld [tilespmem:s10+$0x60];
	[tilespmem:s23+$0xA0] =	vst v57;
	v48 =	vmul.f32 v17, v40;
	v17 =	vmov v52  }
0x11d: {  	v40 =	vmul.f32 v21, v39;
	v21 =	vmov v62;
	[tilespmem:s23+$0xFFFFFEC0] =	vst v58;
	v52 =	vld [tilespmem:s10+$0xB0];
	v54 =	vmul.f32 v53, v54  }
0x11e: {  	v38 =	vmul.f32 v20, v38;
	v20 =	vmov v63;
	s10 =	sadd.s32 $0x280, s10;
	v53 =	vld [tilespmem:s15+$0xFFFFFED0];
	[tilespmem:s23+$0xFFFFFF20] =	vst v59;
	v55 =	vmul.f32 v55, v56  }
0x11f: {  	[tilespmem:s23+$0x110] =	vst v54  }
0x120: {  	[tilespmem:s7+$0xFFFFFFD0] =	vst v48  }
0x121: {  	[tilespmem:s7+$0x20] =	vst v40  }
0x122: {  	v39 =	vmul.f32 v42, v50;
	[tilespmem:s23+$0xFFFFFF70] =	vst v55  }
0x123: {  	v13 =	vmul.f32 v13, v29;
	[tilespmem:s7+$0x70] =	vst v38  }
0x124: {  	v15 =	vmul.f32 v15, v28;
	[tilespmem:s23+$0xFFFFFFC0] =	vst v39  }
0x125: {  	v14 =	vmul.f32 v14, v32;
	[tilespmem:s7+$0xC0] =	vst v13  }
0x126: {  	v16 =	vmul.f32 v16, v36;
	[tilespmem:s7+$0xFFFFFEF0] =	vst v15  }
0x127: {  	v5 =	vmul.f32 v5, v22;
	[tilespmem:s7+$0xFFFFFF40] =	vst v14  }
0x128: {  	v6 =	vmul.f32 v6, v23;
	[tilespmem:s7+$0xFFFFFF90] =	vst v16  }
0x129: {  	v8 =	vmul.f32 v8, v24;
	[tilespmem:s3+$0xFFFFFFE0] =	vst v5  }
0x12a: {  	v48 =	vld [tilespmem:s15+$0xFFFFFF30];
	v7 =	vmul.f32 v7, v37;
	[tilespmem:s3+$0x30] =	vst v6  }
0x12b: {  	v59 =	vmul.f32 v43, v51;
	v60 =	vld [tilespmem:s15+$0x120];
	[tilespmem:s3+$0x80] =	vst v8  }
0x12c: {  	v61 =	vmul.f32 v44, v49;
	v49 =	vld [tilespmem:s15+$0xFFFFFF80];
	[tilespmem:s3+$0xD0] =	vst v7  }
0x12d: {  	v55 =	vld [tilespmem:s6+$0xFFFFFFE0];
	[tilespmem:s23+$0x10] =	vst v59;
	v63 =	vmul.f32 v45, v53  }
0x12e: {  	v25 =	vperm.xlane v25, v4;
	v62 =	vmul.f32 v47, v52;
	v5 =	vld [tilespmem:s15+$0xFFFFFFD0];
	[tilespmem:s23+$0x60] =	vst v61  }
0x12f: {  	v6 =	vld [tilespmem:s15+$0x20];
	v15 =	vmul.f32 v18, v48;
	[tilespmem:s23+$0xFFFFFED0] =	vst v63  }
0x130: {  	[tilespmem:s23+$0xB0] =	vst v62;
	v25 =	vmul.f32 v25, v60;
	v47 =	vld [tilespmem:s15+$0xFFFFFEE0]  }
0x131: {  	v50 =	vld [tilespmem:s15+$0x70];
	v52 =	vmul.f32 v19, v49;
	[tilespmem:s23+$0xFFFFFF30] =	vst v15  }
0x132: {  	v51 =	vld [tilespmem:s15+$0xC0];
	v11 =	vmul.f32 v11, v55;
	[tilespmem:s23+$0x120] =	vst v25  }
0x133: {  	v15 =	vld [tilespmem:s15+$0xFFFFFF40];
	v5 =	vmul.f32 v17, v5;
	[tilespmem:s23+$0xFFFFFF80] =	vst v52  }
0x134: {  	[tilespmem:s7+$0xFFFFFFE0] =	vst v11;
	v6 =	vmul.f32 v21, v6;
	v7 =	vld [tilespmem:s15+$0xFFFFFF90]  }
0x135: {  	v56 =	vld [tilespmem:s6+$0x30];
	[tilespmem:s23+$0xFFFFFFD0] =	vst v5;
	v13 =	vmul.f32 v34, v47  }
0x136: {  	v57 =	vld [tilespmem:s6+$0x80];
	v8 =	vmul.f32 v20, v50;
	v5 =	vperm.xlane v27, v4;
	[tilespmem:s23+$0x20] =	vst v6  }
0x137: {  	v58 =	vld [tilespmem:s6+$0xD0];
	v16 =	vmul.f32 v46, v51;
	v6 =	vperm.xlane v30, v4;
	[tilespmem:s23+$0xFFFFFEE0] =	vst v13  }
0x138: {  	[tilespmem:s23+$0x70] =	vst v8;
	v5 =	vmul.f32 v5, v15;
	v53 =	vld [tilespmem:s15+$0xFFFFFEF0]  }
0x139: {  	[tilespmem:s23+$0xC0] =	vst v16;
	v6 =	vmul.f32 v6, v7;
	v7 =	vld [tilespmem:s15+$0xFFFFFFE0]  }
0x13a: {  	v10 =	vmul.f32 v10, v56;
	[tilespmem:s23+$0xFFFFFF40] =	vst v5;
	v5 =	vld [tilespmem:s15+$0x30]  }
0x13b: {  	v54 =	vperm.xlane v41, v4;
	v9 =	vmul.f32 v9, v57;
	[tilespmem:s23+$0xFFFFFF90] =	vst v6;
	v6 =	vld [tilespmem:s15+$0x80]  }
0x13c: {  	v59 =	vperm.xlane v26, v4;
	[tilespmem:s7+$0x30] =	vst v10;
	v8 =	vmul.f32 v12, v58;
	v60 =	vld [tilespmem:s15+$0xD0]  }
0x13d: {  	v61 =	vperm.xlane v31, v4;
	[tilespmem:s7+$0x80] =	vst v9;
	v13 =	vmul.f32 v54, v53  }
0x13e: {  	v62 =	vperm.xlane v33, v4;
	[tilespmem:s7+$0xD0] =	vst v8;
	v7 =	vmul.f32 v59, v7  }
0x13f: {  	v63 =	vperm.xlane v35, v4;
	v5 =	vmul.f32 v61, v5;
	[tilespmem:s23+$0xFFFFFEF0] =	vst v13  }
.Ltmp6:
0x140: {  	v6 =	vmul.f32 v62, v6;
	[tilespmem:s23+$0xFFFFFFE0] =	vst v7;
	(pc) =	sbr.rel @p1 .LBB2_10-.Ltmp6, $4  }
0x141: {  	s3 =	sshll.u32 s0, $0x8;
	v7 =	vmul.f32 v63, v60;
	[tilespmem:s23+$0x30] =	vst v5  }
0x142: {  	s29 =	sand.u32 $0x3FFFFF00, s3;
	[tilespmem:s23+$0x80] =	vst v6  }
0x143: {  	s6 =	sadd.s32 $0x2880, s29;
	[tilespmem:s23+$0xD0] =	vst v7  }
0x144: {  	[spmem:s2] =	stream.indirect.scatter.add.f32 [tilespmem:s25], [sflag:$0x3], $0x50, s6, s19, $0xb8;
	[tilespmem:$0x1EE80] =	vst v63  }
0x145: {  	_ =	swait.ge [sflag:s26], $0x2800  }
0x146: {  	[sflag:s26] =	ssyncset.done $0x0  }
0x147: {  	[sflag:s26] =	ssyncadd.s32 $0xFFFFD800  }
0x148: {  	_ =	swait.ge [sflag:s26], $0x800  }
0x149: {  	[sflag:s26] =	ssyncset.done $0x0  }
0x14a: {  	s6 =	sadd.s32 $0x100, s3;
	[sflag:s26] =	ssyncadd.s32 $0xFFFFF800  }
0x14b: {  	[tilespmem:s20], [sflag:$0x1] =	stream.indirect.gather [hbm4b:s4+s19], $0x50, s6, s19, $0xb8;
	[tilespmem:$0x1EE80] =	vst v63  }
0x14c: {  	s23 =	sadd.s32 $0x2980, s3;
	s3 =	simm.s32 @!p0 $0x4  }
0x14d: {  	[tilespmem:s21], [sflag:$0x1] =	stream.indirect.gather [hbm4b:s5+s19], $0x10, s23, s19, $0xb8;
	[tilespmem:$0x1EE80] =	vst v63  }
0x14e: {  	_ =	swait.ge @!p0 [sflag:s3], $0x2800  }
0x14f: {  	[sflag:s3] =	ssyncset.done @!p0 $0x0  }
0x150: {  	s9 =	simm.s32 $0x7A40;
	[sflag:s3] =	ssyncadd.s32 @!p0 $0xFFFFD800  }
0x151: {  	s29 =	simm.s32 $0xA940;
	v5 =	vld [tilespmem:s9+$0x130]  }
0x152: {  	v6 =	vld [tilespmem:s29+$0x30];
	_ =	sdelay $0x1  }
0x153: {  	v7 =	vld [tilespmem:s29+$0xFFFFFFC0]  }
0x154: {  	v8 =	vld [tilespmem:s9+$0xFFFFFF50]  }
0x155: {  	v9 =	vld [tilespmem:s29+$0xFFFFFFD0]  }
0x156: {  	v10 =	vld [tilespmem:s9+$0xFFFFFFA0];
	v5 =	vadd.f32 v6, v5  }
0x157: {  	v11 =	vld [tilespmem:s29+$0xFFFFFFE0]  }
0x158: {  	v12 =	vld [tilespmem:s29+$0xFFFFFFF0];
	v13 =	vmul.f32 $2.000000030e-01, v5  }
0x159: {  	v14 =	vld [tilespmem:s9+$0x40]  }
0x15a: {  	v6 =	vld [tilespmem:s9+$0xFFFFFFF0];
	v5 =	vmax.f32 v5, v13  }
0x15b: {  	v15 =	vld [tilespmem:s29+$0x0];
	v5 =	vmul.f32 $1.442695020e+00, v5  }
0x15c: {  	v16 =	vld [tilespmem:s9+$0xE0];
	v8 =	vadd.f32 v9, v8  }
0x15d: {  	v9 =	vld [tilespmem:s9+$0x90];
	v10 =	vadd.f32 v11, v10;
	(erf) = vpow2.f32 v5  }
0x15e: {  	v11 =	vld [tilespmem:s29+$0x10];
	v13 =	vmul.f32 $2.000000030e-01, v8  }
0x15f: {  	v6 =	vadd.f32 v12, v6;
	v12 =	vld [tilespmem:s29+$0x20];
	v5 =	vmul.f32 $2.000000030e-01, v10  }
0x160: {  	v8 =	vmax.f32 v8, v13;
	v13 =	vld [tilespmem:s9+$0xFFFFFF00]  }
0x161: {  	v8 =	vmul.f32 $1.442695020e+00, v8;
	v5 =	vmax.f32 v10, v5  }
0x162: {  	v14 =	vadd.f32 v15, v14;
	v10 =	vmul.f32 $2.000000030e-01, v6;
	v5 =	vmul.f32 $1.442695020e+00, v5  }
0x163: {  	v9 =	vadd.f32 v11, v9;
	(erf) = vpow2.f32 v8  }
0x164: {  	v8 =	vadd.f32 v12, v16;
	v6 =	vmax.f32 v6, v10;
	v10 =	vmul.f32 $2.000000030e-01, v14  }
0x165: {  	v11 =	vmul.f32 $2.000000030e-01, v9;
	v7 =	vadd.f32 v7, v13;
	v6 =	vmul.f32 $1.442695020e+00, v6  }
0x166: {  	s3 =	simm.s32 $0xDA40;
	v12 =	vmul.f32 $2.000000030e-01, v8;
	(erf) = vpow2.f32 v5;
	v10 =	vmax.f32 v14, v10;
	v5 =	vpop (erf)  }
0x167: {  	v9 =	vmax.f32 v9, v11;
	v11 =	vmul.f32 $2.000000030e-01, v7;
	v10 =	vmul.f32 $1.442695020e+00, v10;
	[tilespmem:s3+$0x130] =	vst v5  }
0x168: {  	s7 =	simm.s32 $0xA9C0;
	v8 =	vmax.f32 v8, v12;
	(erf) = vpow2.f32 v6;
	v6 =	vmul.f32 $1.442695020e+00, v9;
	v9 =	vld [tilespmem:s9+$0xF0]  }
0x169: {  	s6 =	simm.s32 $0x7CC0;
	v26 =	vld [tilespmem:s7+$0xFFFFFFC0];
	v7 =	vmax.f32 v7, v11;
	v8 =	vmul.f32 $1.442695020e+00, v8;
	(erf) = vpow2.f32 v10  }
0x16a: {  	v29 =	vld [tilespmem:s6+$0xFFFFFF50];
	(erf) = vpow2.f32 v6;
	v6 =	vmul.f32 $1.442695020e+00, v7  }
0x16b: {  	v31 =	vld [tilespmem:s7+$0xFFFFFFD0];
	v7 =	vperm.xlane v5, v1;
	(erf) = vpow2.f32 v8  }
0x16c: {  	v34 =	vld [tilespmem:s6+$0xFFFFFFA0];
	(erf) = vpow2.f32 v6  }
0x16d: {  	v37 =	vld [tilespmem:s7+$0xFFFFFFE0];
	v6 =	vmul.f32 v7, v9  }
0x16e: {  	v40 =	vld [tilespmem:s6+$0xFFFFFFF0];
	v8 =	vpop (erf)  }
0x16f: {  	v42 =	vld [tilespmem:s7+$0xFFFFFFF0];
	[tilespmem:s3+$0xFFFFFF50] =	vst v8;
	v7 =	vpop (erf)  }
0x170: {  	v9 =	vld [tilespmem:s9+$0xFFFFFF10];
	[tilespmem:s3+$0xFFFFFFA0] =	vst v7  }
0x171: {  	v15 =	vperm.xlane v8, v1;
	[tilespmem:s3+$0xF0] =	vst v6;
	v11 =	vld [tilespmem:s9+$0xFFFFFF60];
	v6 =	vpop (erf)  }
0x172: {  	v10 =	vld [tilespmem:s9+$0x100];
	[tilespmem:s3+$0xFFFFFFF0] =	vst v6;
	v13 =	vpop (erf)  }
0x173: {  	v16 =	vld [tilespmem:s9+$0xFFFFFFB0];
	[tilespmem:s3+$0x40] =	vst v13;
	v14 =	vpop (erf)  }
0x174: {  	v18 =	vperm.xlane v5, v2;
	v17 =	vld [tilespmem:s9+$0x0];
	[tilespmem:s3+$0x90] =	vst v14;
	v12 =	vpop (erf)  }
0x175: {  	v19 =	vperm.xlane v7, v1;
	v9 =	vmul.f32 v15, v9;
	v20 =	vld [tilespmem:s9+$0x50];
	[tilespmem:s3+$0xE0] =	vst v12;
	v15 =	vpop (erf)  }
0x176: {  	v21 =	vperm.xlane v6, v1;
	[tilespmem:s3+$0xFFFFFF00] =	vst v15;
	v22 =	vld [tilespmem:s9+$0xA0]  }
0x177: {  	v11 =	vmul.f32 v19, v11;
	v10 =	vmul.f32 v18, v10;
	v19 =	vld [tilespmem:s9+$0xFFFFFEC0]  }
0x178: {  	v61 =	vld [tilespmem:s7+$0x10];
	[tilespmem:s3+$0xFFFFFF10] =	vst v9;
	v9 =	vperm.xlane v14, v1;
	v18 =	vperm.xlane v13, v1  }
0x179: {  	v29 =	vadd.f32 v31, v29;
	[tilespmem:s3+$0x100] =	vst v10;
	v10 =	vperm.xlane v12, v1;
	v16 =	vmul.f32 v21, v16;
	v21 =	vld [tilespmem:s9+$0xFFFFFF20]  }
0x17a: {  	v31 =	vadd.f32 v37, v34;
	[tilespmem:s3+$0xFFFFFF60] =	vst v11;
	v11 =	vperm.xlane v15, v1;
	v17 =	vmul.f32 v18, v17;
	v18 =	vld [tilespmem:s9+$0x110]  }
0x17b: {  	v62 =	vadd.f32 v42, v40;
	v9 =	vmul.f32 v9, v20;
	v20 =	vld [tilespmem:s9+$0xFFFFFF70];
	[tilespmem:s3+$0xFFFFFFB0] =	vst v16;
	v10 =	vmul.f32 v10, v22  }
0x17c: {  	v44 =	vmul.f32 $2.000000030e-01, v29;
	v16 =	vld [tilespmem:s9+$0xFFFFFFC0];
	[tilespmem:s3+$0x0] =	vst v17;
	v11 =	vmul.f32 v11, v19  }
0x17d: {  	v45 =	vmul.f32 $2.000000030e-01, v31;
	v48 =	vmul.f32 $2.000000030e-01, v62;
	[tilespmem:s3+$0xA0] =	vst v10;
	v10 =	vld [tilespmem:s6+$0x130]  }
0x17e: {  	v41 =	vperm.xlane v5, v3;
	v24 =	vperm.xlane v8, v2;
	[tilespmem:s3+$0xFFFFFEC0] =	vst v11;
	v11 =	vld [tilespmem:s7+$0x30]  }
0x17f: {  	v25 =	vperm.xlane v8, v3;
	v27 =	vperm.xlane v7, v2;
	v17 =	vld [tilespmem:s9+$0x10];
	[tilespmem:s3+$0x50] =	vst v9  }
0x180: {  	v30 =	vperm.xlane v7, v3;
	v28 =	vperm.xlane v6, v2;
	v19 =	vld [tilespmem:s9+$0x60]  }
0x181: {  	v32 =	vperm.xlane v13, v2;
	v21 =	vmul.f32 v24, v21;
	v24 =	vld [tilespmem:s6+$0x40]  }
0x182: {  	v33 =	vperm.xlane v14, v2;
	v36 =	vperm.xlane v12, v2;
	v22 =	vld [tilespmem:s9+$0xB0]  }
0x183: {  	v35 =	vperm.xlane v15, v2;
	v20 =	vmul.f32 v27, v20;
	v27 =	vld [tilespmem:s7+$0x0];
	v38 =	vadd.f32 v11, v10  }
0x184: {  	v39 =	vperm.xlane v15, v3;
	v9 =	vperm.xlane v6, v3;
	v23 =	vld [tilespmem:s9+$0xFFFFFED0]  }
0x185: {  	v63 =	vld [tilespmem:s6+$0xE0];
	v18 =	vmul.f32 v41, v18;
	v43 =	vmul.f32 $2.000000030e-01, v38  }
0x186: {  	v16 =	vmul.f32 v28, v16;
	v28 =	vld [tilespmem:s6+$0x90];
	v17 =	vmul.f32 v32, v17  }
0x187: {  	v46 =	vld [tilespmem:s7+$0x20];
	v19 =	vmul.f32 v33, v19;
	v10 =	vperm.xlane v13, v3;
	v38 =	vmax.f32 v38, v43  }
0x188: {  	v47 =	vld [tilespmem:s6+$0xFFFFFF00];
	[tilespmem:s3+$0xFFFFFF20] =	vst v21;
	v22 =	vmul.f32 v36, v22;
	v24 =	vadd.f32 v27, v24;
	v38 =	vmul.f32 $1.442695020e+00, v38  }
0x189: {  	[tilespmem:s3+$0x110] =	vst v18;
	v18 =	vld [tilespmem:s9+$0xFFFFFF30];
	v23 =	vmul.f32 v35, v23;
	v27 =	vmax.f32 v29, v44;
	v29 =	vmax.f32 v31, v45  }
0x18a: {  	v31 =	vmax.f32 v62, v48;
	[tilespmem:s3+$0x60] =	vst v19;
	v19 =	vperm.xlane v8, v4;
	(erf) = vpow2.f32 v38  }
0x18b: {  	v27 =	vmul.f32 $1.442695020e+00, v27;
	v28 =	vadd.f32 v61, v28;
	v49 =	vmul.f32 $2.000000030e-01, v24;
	[tilespmem:s3+$0xFFFFFED0] =	vst v23  }
0x18c: {  	v23 =	vmul.f32 $1.442695020e+00, v29;
	v29 =	vmul.f32 $1.442695020e+00, v31;
	v31 =	vld [tilespmem:s9+$0xFFFFFEE0]  }
0x18d: {  	v26 =	vadd.f32 v26, v47;
	v21 =	vmul.f32 $2.000000030e-01, v28;
	(erf) = vpow2.f32 v27  }
0x18e: {  	v18 =	vmul.f32 v25, v18;
	v24 =	vmax.f32 v24, v49;
	v27 =	vadd.f32 v46, v63  }
0x18f: {  	[tilespmem:s3+$0xFFFFFF70] =	vst v20;
	v24 =	vmul.f32 $1.442695020e+00, v24;
	v20 =	vmax.f32 v28, v21;
	v28 =	vmul.f32 $2.000000030e-01, v26  }
0x190: {  	[tilespmem:s3+$0xFFFFFFC0] =	vst v16;
	(erf) = vpow2.f32 v23;
	v23 =	vmul.f32 $2.000000030e-01, v27  }
0x191: {  	v50 =	vld [tilespmem:s9+$0x120];
	[tilespmem:s3+$0x10] =	vst v17;
	v20 =	vmul.f32 $1.442695020e+00, v20;
	v16 =	vmul.f32 v39, v31  }
0x192: {  	[tilespmem:s3+$0xB0] =	vst v22;
	v25 =	vld [tilespmem:s9+$0x70];
	v31 =	vperm.xlane v12, v3;
	(erf) = vpow2.f32 v29;
	v23 =	vmax.f32 v27, v23  }
0x193: {  	s7 =	simm.s32 $0xDCC0;
	v29 =	vld [tilespmem:s9+$0xFFFFFF80];
	(erf) = vpow2.f32 v24;
	v24 =	vmax.f32 v26, v28;
	[tilespmem:s3+$0xFFFFFEE0] =	vst v16;
	v23 =	vmul.f32 $1.442695020e+00, v23;
	v21 =	vpop (erf)  }
0x194: {  	(erf) = vpow2.f32 v20;
	v17 =	vmul.f32 $1.442695020e+00, v24;
	v22 =	vld [tilespmem:s9+$0xFFFFFEF0];
	[tilespmem:s7+$0x130] =	vst v21  }
0x195: {  	v20 =	vperm.xlane v15, v4;
	(erf) = vpow2.f32 v23;
	v26 =	vld [tilespmem:s6+$0xF0]  }
0x196: {  	v28 =	vld [tilespmem:s9+$0x20];
	v23 =	vperm.xlane v21, v1;
	(erf) = vpow2.f32 v17;
	v16 =	vpop (erf)  }
0x197: {  	v27 =	vld [tilespmem:s9+$0xFFFFFFD0];
	v17 =	vperm.xlane v7, v4;
	v7 =	vperm.xlane v5, v4;
	[tilespmem:s7+$0xFFFFFF50] =	vst v16  }
0x198: {  	v5 =	vperm.xlane v6, v4;
	v6 =	vperm.xlane v13, v4;
	v13 =	vld [tilespmem:s6+$0xFFFFFF10]  }
0x199: {  	s15 =	simm.s32 $0x7F40;
	v15 =	vld [tilespmem:s9+$0xC0];
	v20 =	vmul.f32 v20, v22;
	v32 =	vmul.f32 v7, v50  }
0x19a: {  	[tilespmem:s3+$0xFFFFFF30] =	vst v18;
	v22 =	vld [tilespmem:s15+$0xFFFFFF00];
	v7 =	vperm.xlane v12, v4;
	v8 =	vmul.f32 v23, v26;
	v26 =	vpop (erf)  }
0x19b: {  	v12 =	vmul.f32 v30, v29;
	v30 =	vperm.xlane v16, v1;
	v23 =	vld [tilespmem:s9+$0xFFFFFF40];
	[tilespmem:s7+$0xFFFFFFA0] =	vst v26  }
0x19c: {  	v11 =	vperm.xlane v14, v3;
	v33 =	vpop (erf);
	[tilespmem:s7+$0xF0] =	vst v8;
	v24 =	vld [tilespmem:s6+$0xFFFFFF60]  }
0x19d: {  	v13 =	vmul.f32 v30, v13;
	v8 =	vperm.xlane v14, v4;
	[tilespmem:s7+$0xFFFFFFF0] =	vst v33;
	v29 =	vpop (erf);
	v14 =	vld [tilespmem:s6+$0x100]  }
0x19e: {  	v51 =	vld [tilespmem:s6+$0xFFFFFFB0];
	[tilespmem:s7+$0x40] =	vst v29  }
0x19f: {  	v36 =	vpop (erf);
	[tilespmem:s7+$0xFFFFFF10] =	vst v13;
	v52 =	vld [tilespmem:s6+$0x0]  }
0x1a0: {  	v53 =	vperm.xlane v21, v2;
	v31 =	vmul.f32 v31, v15;
	[tilespmem:s7+$0x90] =	vst v36;
	v41 =	vpop (erf);
	v44 =	vld [tilespmem:s6+$0xFFFFFF20]  }
0x1a1: {  	v34 =	vperm.xlane v16, v2;
	v54 =	vperm.xlane v26, v1;
	v30 =	vld [tilespmem:s6+$0x50];
	[tilespmem:s7+$0xE0] =	vst v41;
	v42 =	vpop (erf)  }
0x1a2: {  	v55 =	vperm.xlane v33, v1;
	v57 =	vperm.xlane v29, v1;
	[tilespmem:s7+$0xFFFFFF00] =	vst v42;
	v56 =	vld [tilespmem:s6+$0xA0]  }
0x1a3: {  	s17 =	simm.s32 $0xAA40;
	v13 =	vperm.xlane v36, v1;
	v50 =	vperm.xlane v42, v2;
	v58 =	vld [tilespmem:s6+$0xFFFFFEC0]  }
0x1a4: {  	v15 =	vperm.xlane v42, v4;
	v35 =	vmul.f32 v55, v51;
	v55 =	vld [tilespmem:s17+$0x30]  }
0x1a5: {  	v24 =	vmul.f32 v54, v24;
	v37 =	vmul.f32 v57, v52;
	v52 =	vld [tilespmem:s15+$0x130]  }
0x1a6: {  	v14 =	vmul.f32 v53, v14;
	v34 =	vmul.f32 v34, v44;
	v44 =	vld [tilespmem:s17+$0xFFFFFFC0]  }
0x1a7: {  	v53 =	vperm.xlane v42, v3;
	[tilespmem:s7+$0xFFFFFF60] =	vst v24;
	v24 =	vperm.xlane v42, v1;
	v42 =	vld [tilespmem:s15+$0xFFFFFFA0]  }
0x1a8: {  	[tilespmem:s7+$0x100] =	vst v14;
	v13 =	vmul.f32 v13, v30;
	v30 =	vld [tilespmem:s6+$0xFFFFFF70]  }
0x1a9: {  	v25 =	vmul.f32 v11, v25;
	[tilespmem:s7+$0xFFFFFFB0] =	vst v35;
	v35 =	vld [tilespmem:s15+$0xFFFFFF50]  }
0x1aa: {  	v28 =	vmul.f32 v10, v28;
	v27 =	vmul.f32 v9, v27;
	v59 =	vld [tilespmem:s6+$0x110]  }
0x1ab: {  	v18 =	vperm.xlane v16, v3;
	v14 =	vperm.xlane v41, v1;
	v45 =	vld [tilespmem:s6+$0xFFFFFFC0];
	[tilespmem:s7+$0x0] =	vst v37  }
0x1ac: {  	v60 =	vperm.xlane v26, v2;
	v46 =	vperm.xlane v33, v2;
	v62 =	vld [tilespmem:s6+$0x10]  }
0x1ad: {  	v38 =	vperm.xlane v33, v3;
	v14 =	vmul.f32 v14, v56;
	v56 =	vld [tilespmem:s17+$0xFFFFFFE0]  }
0x1ae: {  	v11 =	vperm.xlane v33, v4;
	v61 =	vmul.f32 v24, v58;
	[tilespmem:s7+$0x50] =	vst v13;
	v58 =	vld [tilespmem:s17+$0x10]  }
0x1af: {  	v40 =	vperm.xlane v29, v3;
	v10 =	vperm.xlane v29, v4;
	v47 =	vld [tilespmem:s6+$0x60]  }
0x1b0: {  	v48 =	vperm.xlane v36, v2;
	v39 =	vperm.xlane v36, v3;
	[tilespmem:s7+$0xFFFFFEC0] =	vst v61;
	v61 =	vld [tilespmem:s17+$0xFFFFFFF0]  }
0x1b1: {  	v13 =	vperm.xlane v21, v3;
	[tilespmem:s7+$0xA0] =	vst v14;
	v14 =	vperm.xlane v29, v2;
	v29 =	vld [tilespmem:s17+$0x0]  }
0x1b2: {  	v24 =	vperm.xlane v26, v3;
	v63 =	vld [tilespmem:s6+$0xB0];
	v30 =	vmul.f32 v60, v30  }
0x1b3: {  	v49 =	vld [tilespmem:s6+$0xFFFFFED0];
	v13 =	vmul.f32 v13, v59;
	v43 =	vmul.f32 v14, v62  }
0x1b4: {  	[tilespmem:s3+$0xFFFFFFD0] =	vst v27;
	v60 =	vld [tilespmem:s15+$0xFFFFFFF0];
	v14 =	vperm.xlane v16, v4;
	v16 =	vperm.xlane v26, v4;
	v26 =	vadd.f32 v55, v52  }
0x1b5: {  	v9 =	vperm.xlane v36, v4;
	v45 =	vmul.f32 v46, v45;
	v46 =	vld [tilespmem:s17+$0xFFFFFFD0];
	[tilespmem:s7+$0xFFFFFF70] =	vst v30  }
0x1b6: {  	v51 =	vperm.xlane v41, v2;
	[tilespmem:s7+$0x110] =	vst v13;
	v27 =	vld [tilespmem:s6+$0xFFFFFF80];
	v62 =	vmul.f32 $2.000000030e-01, v26  }
0x1b7: {  	v19 =	vmul.f32 v19, v23;
	v21 =	vperm.xlane v21, v4;
	v56 =	vadd.f32 v56, v42;
	v54 =	vld [tilespmem:s6+$0x120]  }
0x1b8: {  	[tilespmem:s3+$0xFFFFFF80] =	vst v12;
	v13 =	vperm.xlane v41, v3;
	v37 =	vmul.f32 v51, v63;
	v63 =	vld [tilespmem:s15+$0x40];
	v12 =	vmax.f32 v26, v62  }
0x1b9: {  	[tilespmem:s3+$0x70] =	vst v25;
	v47 =	vmul.f32 v48, v47;
	v59 =	vadd.f32 v61, v60;
	v60 =	vld [tilespmem:s15+$0xE0];
	v57 =	vmul.f32 $1.442695020e+00, v12  }
0x1ba: {  	[tilespmem:s3+$0xFFFFFF40] =	vst v19;
	v42 =	vmul.f32 $2.000000030e-01, v56;
	v49 =	vmul.f32 v50, v49;
	v61 =	vld [tilespmem:s17+$0x20];
	v55 =	vadd.f32 v46, v35  }
0x1bb: {  	[tilespmem:s7+$0xFFFFFF20] =	vst v34;
	v26 =	vld [tilespmem:s15+$0x90];
	v12 =	vperm.xlane v41, v4;
	(erf) = vpow2.f32 v57  }
0x1bc: {  	[tilespmem:s7+$0x60] =	vst v47;
	v47 =	vld [tilespmem:s6+$0xFFFFFF30];
	v62 =	vmul.f32 $2.000000030e-01, v59;
	v30 =	vmul.f32 $2.000000030e-01, v55  }
0x1bd: {  	[tilespmem:s7+$0xFFFFFFC0] =	vst v45;
	v51 =	vadd.f32 v44, v22;
	v19 =	vmul.f32 v24, v27;
	v21 =	vmul.f32 v21, v54  }
0x1be: {  	[tilespmem:s7+$0x10] =	vst v43;
	v43 =	vmax.f32 v59, v62;
	v29 =	vadd.f32 v29, v63;
	v23 =	vmax.f32 v55, v30  }
0x1bf: {  	[tilespmem:s3+$0xC0] =	vst v31;
	v48 =	vld [tilespmem:s6+$0xFFFFFFD0];
	v30 =	vmax.f32 v56, v42;
	v33 =	vmul.f32 $1.442695020e+00, v43;
	v23 =	vmul.f32 $1.442695020e+00, v23  }
0x1c0: {  	[tilespmem:s7+$0xFFFFFED0] =	vst v49;
	v63 =	vld [tilespmem:s9+$0xFFFFFF90];
	v30 =	vmul.f32 $1.442695020e+00, v30;
	v26 =	vadd.f32 v58, v26;
	v46 =	vmul.f32 $2.000000030e-01, v29  }
0x1c1: {  	[tilespmem:s7+$0xB0] =	vst v37;
	v37 =	vld [tilespmem:s9+$0xD0];
	v34 =	vadd.f32 v61, v60;
	v18 =	vmul.f32 v18, v47;
	(erf) = vpow2.f32 v23  }
0x1c2: {  	v24 =	vld [tilespmem:s9+$0x80];
	[tilespmem:s7+$0x120] =	vst v21;
	v21 =	vmul.f32 $2.000000030e-01, v26;
	v23 =	vmax.f32 v29, v46;
	(erf) = vpow2.f32 v30  }
0x1c3: {  	v42 =	vld [tilespmem:s6+$0xFFFFFEE0];
	v22 =	vmul.f32 $1.442695020e+00, v23;
	v23 =	vmul.f32 $2.000000030e-01, v34  }
0x1c4: {  	s23 =	simm.s32 $0xDF40;
	[tilespmem:s3+$0xFFFFFEF0] =	vst v20;
	v55 =	vld [tilespmem:s6+$0x20];
	v21 =	vmax.f32 v26, v21;
	(erf) = vpow2.f32 v33;
	v26 =	vmul.f32 $2.000000030e-01, v51;
	v25 =	vpop (erf)  }
0x1c5: {  	v56 =	vld [tilespmem:s6+$0x70];
	v54 =	vmul.f32 v17, v63;
	v17 =	vmul.f32 $1.442695020e+00, v21;
	v21 =	vmax.f32 v34, v23;
	[tilespmem:s23+$0x130] =	vst v25  }
0x1c6: {  	[tilespmem:s7+$0xFFFFFF80] =	vst v19;
	(erf) = vpow2.f32 v22;
	v20 =	vmax.f32 v51, v26;
	v21 =	vmul.f32 $1.442695020e+00, v21;
	v26 =	vld [tilespmem:s15+$0xF0]  }
0x1c7: {  	v36 =	vld [tilespmem:s6+$0xFFFFFF90];
	[tilespmem:s7+$0xFFFFFF30] =	vst v18;
	(erf) = vpow2.f32 v17;
	v17 =	vmul.f32 $1.442695020e+00, v20  }
0x1c8: {  	[tilespmem:s3+$0x120] =	vst v32;
	v32 =	vld [tilespmem:s6+$0xFFFFFF40];
	v23 =	vmul.f32 v53, v42;
	(erf) = vpow2.f32 v21  }
0x1c9: {  	[tilespmem:s3+$0x20] =	vst v28;
	v29 =	vld [tilespmem:s6+$0xC0];
	v20 =	vperm.xlane v25, v1;
	(erf) = vpow2.f32 v17  }
0x1ca: {  	v48 =	vmul.f32 v38, v48;
	v40 =	vmul.f32 v40, v55;
	v22 =	vld [tilespmem:s9+$0xFFFFFFE0];
	[tilespmem:s3+$0xFFFFFF90] =	vst v54  }
0x1cb: {  	v38 =	vmul.f32 v39, v56;
	[tilespmem:s7+$0xFFFFFEE0] =	vst v23;
	v23 =	vld [tilespmem:s9+$0x30];
	v27 =	vpop (erf);
	v17 =	vmul.f32 v20, v26  }
0x1cc: {  	v63 =	vperm.xlane v25, v2;
	v28 =	vld [tilespmem:s6+$0xFFFFFEF0];
	[tilespmem:s23+$0xFFFFFF50] =	vst v27;
	v21 =	vperm.xlane v27, v1  }
0x1cd: {  	v49 =	vperm.xlane v27, v2;
	v18 =	vperm.xlane v27, v3;
	v30 =	vpop (erf);
	v60 =	vld [tilespmem:s15+$0xFFFFFF10];
	[tilespmem:s23+$0xF0] =	vst v17  }
0x1ce: {  	[tilespmem:s23+$0xFFFFFFA0] =	vst v30;
	v57 =	vperm.xlane v30, v2;
	v19 =	vperm.xlane v30, v3;
	v26 =	vpop (erf);
	v62 =	vld [tilespmem:s15+$0x100]  }
0x1cf: {  	v20 =	vperm.xlane v30, v1;
	v61 =	vld [tilespmem:s15+$0xFFFFFF60];
	v46 =	vperm.xlane v26, v1;
	[tilespmem:s23+$0xFFFFFFF0] =	vst v26;
	v31 =	vpop (erf)  }
0x1d0: {  	v42 =	vperm.xlane v26, v2;
	v17 =	vperm.xlane v26, v3;
	v47 =	vld [tilespmem:s15+$0xFFFFFFB0];
	[tilespmem:s23+$0x40] =	vst v31;
	v33 =	vpop (erf)  }
0x1d1: {  	v50 =	vperm.xlane v31, v1;
	v43 =	vperm.xlane v31, v2;
	v34 =	vld [tilespmem:s15+$0x0];
	[tilespmem:s23+$0x90] =	vst v33;
	v35 =	vpop (erf)  }
0x1d2: {  	v51 =	vperm.xlane v33, v1;
	v21 =	vmul.f32 v21, v60;
	v52 =	vld [tilespmem:s15+$0x50];
	[tilespmem:s23+$0xE0] =	vst v35;
	v41 =	vpop (erf)  }
0x1d3: {  	v44 =	vperm.xlane v33, v2;
	[tilespmem:s23+$0xFFFFFF00] =	vst v41;
	v59 =	vld [tilespmem:s15+$0xA0];
	v53 =	vmul.f32 v63, v62  }
0x1d4: {  	v20 =	vmul.f32 v20, v61;
	v54 =	vperm.xlane v35, v1;
	[tilespmem:s23+$0xFFFFFF10] =	vst v21;
	v60 =	vld [tilespmem:s15+$0xFFFFFEC0]  }
0x1d5: {  	v58 =	vperm.xlane v41, v1;
	v21 =	vmul.f32 v46, v47;
	v61 =	vld [tilespmem:s15+$0xFFFFFF20];
	[tilespmem:s23+$0x100] =	vst v53  }
0x1d6: {  	v45 =	vperm.xlane v41, v2;
	[tilespmem:s23+$0xFFFFFF60] =	vst v20;
	v46 =	vmul.f32 v50, v34;
	v53 =	vld [tilespmem:s15+$0x110]  }
0x1d7: {  	v47 =	vperm.xlane v35, v2;
	v62 =	vld [tilespmem:s15+$0xFFFFFF70];
	v52 =	vmul.f32 v51, v52;
	[tilespmem:s23+$0xFFFFFFB0] =	vst v21  }
0x1d8: {  	v20 =	vperm.xlane v33, v3;
	v50 =	vld [tilespmem:s15+$0xFFFFFFC0];
	[tilespmem:s23+$0x0] =	vst v46;
	v54 =	vmul.f32 v54, v59  }
0x1d9: {  	v51 =	vld [tilespmem:s15+$0x10];
	[tilespmem:s23+$0x50] =	vst v52;
	v59 =	vperm.xlane v25, v3;
	v58 =	vmul.f32 v58, v60  }
0x1da: {  	v34 =	vperm.xlane v41, v3;
	v60 =	vmul.f32 v49, v61;
	v49 =	vld [tilespmem:s15+$0x60];
	[tilespmem:s23+$0xA0] =	vst v54  }
0x1db: {  	v46 =	vperm.xlane v35, v3;
	[tilespmem:s23+$0xFFFFFEC0] =	vst v58;
	v52 =	vld [tilespmem:s15+$0xB0];
	v54 =	vmul.f32 v59, v53  }
0x1dc: {  	s10 =	simm.s32 $0x81C0;
	s9 =	simm.s32 $0x10;
	v21 =	vperm.xlane v31, v3;
	v55 =	vmul.f32 v57, v62;
	[tilespmem:s23+$0xFFFFFF20] =	vst v60;
	v53 =	vld [tilespmem:s15+$0xFFFFFED0]  }
.LBB2_8:
0x1dd: {  	v39 =	vld [tilespmem:s10+$0x130];
	v42 =	vmul.f32 v42, v50;
	[tilespmem:s23+$0x110] =	vst v54;
	v29 =	vmul.f32 v13, v29;
	v13 =	vmov v46  }
0x1de: {  	v41 =	vperm.xlane v41, v4;
	s17 =	sadd.s32 $0x80, s17;
	[tilespmem:s23+$0xFFFFFF70] =	vst v55;
	v43 =	vmul.f32 v43, v51;
	v46 =	vld [tilespmem:s15+$0x120]  }
0x1df: {  	s9 =	sadd.s32 $0x8, s9;
	v27 =	vperm.xlane v27, v4;
	v50 =	vld [tilespmem:s17+$0x30];
	[tilespmem:s23+$0xFFFFFFC0] =	vst v42;
	v42 =	vmul.f32 v44, v49  }
0x1e0: {  	v30 =	vperm.xlane v30, v4;
	p0 =	slt.u32 s9, $0x78;
	v44 =	vld [tilespmem:s17+$0xFFFFFFC0];
	[tilespmem:s23+$0x10] =	vst v43;
	v43 =	vmul.f32 v47, v52  }
0x1e1: {  	v25 =	vperm.xlane v25, v4;
	v47 =	vld [tilespmem:s10+$0xFFFFFF50];
	v45 =	vmul.f32 v45, v53;
	[tilespmem:s23+$0x60] =	vst v42  }
0x1e2: {  	v26 =	vperm.xlane v26, v4;
	v31 =	vperm.xlane v31, v4;
	v42 =	vld [tilespmem:s17+$0xFFFFFFD0];
	[tilespmem:s23+$0xB0] =	vst v43  }
0x1e3: {  	v33 =	vperm.xlane v33, v4;
	v43 =	vld [tilespmem:s10+$0xFFFFFFA0];
	[tilespmem:s23+$0xFFFFFED0] =	vst v45;
	v25 =	vmul.f32 v25, v46  }
0x1e4: {  	v35 =	vperm.xlane v35, v4;
	v28 =	vmul.f32 v15, v28;
	v45 =	vld [tilespmem:s17+$0xFFFFFFE0];
	v39 =	vadd.f32 v50, v39;
	[tilespmem:s7+$0xFFFFFFD0] =	vst v48  }
0x1e5: {  	v15 =	vmovc v41;
	v46 =	vld [tilespmem:s10+$0xFFFFFFF0];
	[tilespmem:s23+$0x120] =	vst v25;
	v25 =	vmul.f32 v14, v32;
	v32 =	vmul.f32 v16, v36;
	v14 =	vmov v27  }
0x1e6: {  	v22 =	vmul.f32 v5, v22;
	v5 =	vmovc v11;
	v11 =	vmovc v26;
	v16 =	vmov v30;
	v27 =	vld [tilespmem:s17+$0xFFFFFFF0];
	v36 =	vmul.f32 $2.000000030e-01, v39;
	[tilespmem:s7+$0x20] =	vst v40  }
0x1e7: {  	v23 =	vmul.f32 v6, v23;
	v24 =	vmul.f32 v8, v24;
	v26 =	vadd.f32 v42, v47;
	v30 =	vld [tilespmem:s10+$0x40];
	[tilespmem:s7+$0x70] =	vst v38  }
0x1e8: {  	v6 =	vmovc v10;
	v10 =	vmov v31;
	v38 =	vld [tilespmem:s17+$0x0];
	v40 =	vmax.f32 v39, v36;
	[tilespmem:s7+$0xC0] =	vst v29;
	v29 =	vmul.f32 v7, v37  }
0x1e9: {  	v8 =	vmovc v9;
	v9 =	vmovc v33;
	v31 =	vmul.f32 $2.000000030e-01, v26;
	v36 =	vadd.f32 v45, v43;
	v37 =	vld [tilespmem:s10+$0x90];
	v39 =	vmul.f32 $1.442695020e+00, v40;
	[tilespmem:s7+$0xFFFFFEF0] =	vst v28  }
0x1ea: {  	v7 =	vmov v12;
	v12 =	vmov v35;
	v28 =	vld [tilespmem:s17+$0x10];
	[tilespmem:s7+$0xFFFFFF40] =	vst v25  }
0x1eb: {  	v25 =	vmul.f32 $2.000000030e-01, v36;
	v27 =	vadd.f32 v27, v46;
	v33 =	vld [tilespmem:s10+$0xE0];
	(erf) = vpow2.f32 v39;
	[tilespmem:s7+$0xFFFFFF90] =	vst v32  }
0x1ec: {  	v26 =	vmax.f32 v26, v31;
	v31 =	vld [tilespmem:s17+$0x20];
	[tilespmem:s3+$0xFFFFFFE0] =	vst v22  }
0x1ed: {  	v22 =	vld [tilespmem:s10+$0xFFFFFF00];
	v25 =	vmax.f32 v36, v25;
	v32 =	vmul.f32 $2.000000030e-01, v27;
	v30 =	vadd.f32 v38, v30;
	[tilespmem:s3+$0x30] =	vst v23  }
0x1ee: {  	v23 =	vmul.f32 $1.442695020e+00, v26;
	v25 =	vmul.f32 $1.442695020e+00, v25;
	v26 =	vld [tilespmem:s15+$0xFFFFFEE0];
	[tilespmem:s3+$0x80] =	vst v24  }
0x1ef: {  	v24 =	vmax.f32 v27, v32;
	v27 =	vmul.f32 $2.000000030e-01, v30;
	v28 =	vadd.f32 v28, v37;
	v32 =	vld [tilespmem:s15+$0xFFFFFF30];
	[tilespmem:s3+$0xD0] =	vst v29;
	s3 =	smov.u32 s7;
	s7 =	smov.u32 s23  }
0x1f0: {  	v24 =	vmul.f32 $1.442695020e+00, v24;
	(erf) = vpow2.f32 v23;
	v35 =	vld [tilespmem:s15+$0xFFFFFF80]  }
0x1f1: {  	v23 =	vmax.f32 v30, v27;
	v27 =	vmul.f32 $2.000000030e-01, v28;
	v30 =	vadd.f32 v31, v33;
	v40 =	vld [tilespmem:s15+$0xFFFFFFD0]  }
0x1f2: {  	v31 =	vadd.f32 v44, v22;
	v22 =	vmul.f32 $1.442695020e+00, v23;
	(erf) = vpow2.f32 v25;
	v39 =	vld [tilespmem:s15+$0x20]  }
0x1f3: {  	s23 =	sadd.s32 $0x280, s23;
	v23 =	vmax.f32 v28, v27;
	v27 =	vmul.f32 $2.000000030e-01, v30;
	(erf) = vpow2.f32 v24;
	v38 =	vld [tilespmem:s15+$0x70]  }
0x1f4: {  	v24 =	vmul.f32 $2.000000030e-01, v31;
	v23 =	vmul.f32 $1.442695020e+00, v23;
	v25 =	vpop (erf);
	v29 =	vld [tilespmem:s15+$0xC0]  }
0x1f5: {  	v26 =	vmul.f32 v34, v26;
	v27 =	vmax.f32 v30, v27;
	[tilespmem:s23+$0x130] =	vst v25;
	(erf) = vpow2.f32 v22;
	v22 =	vld [tilespmem:s6+$0xFFFFFFE0]  }
0x1f6: {  	v24 =	vmax.f32 v31, v24;
	v31 =	vmul.f32 $1.442695020e+00, v27;
	v30 =	vld [tilespmem:s10+$0xF0];
	(erf) = vpow2.f32 v23  }
0x1f7: {  	v18 =	vmul.f32 v18, v32;
	v24 =	vmul.f32 $1.442695020e+00, v24;
	[tilespmem:s7+$0xFFFFFEE0] =	vst v26;
	v23 =	vld [tilespmem:s6+$0x30]  }
0x1f8: {  	v19 =	vmul.f32 v19, v35;
	(erf) = vpow2.f32 v31;
	v28 =	vld [tilespmem:s15+$0xFFFFFEF0]  }
0x1f9: {  	v33 =	vperm.xlane v25, v1;
	(erf) = vpow2.f32 v24;
	v27 =	vpop (erf);
	[tilespmem:s7+$0xFFFFFF30] =	vst v18;
	v24 =	vld [tilespmem:s6+$0x80]  }
0x1fa: {  	[tilespmem:s23+$0xFFFFFF50] =	vst v27;
	v34 =	vperm.xlane v27, v1;
	v48 =	vperm.xlane v27, v2;
	v32 =	vld [tilespmem:s15+$0xFFFFFF40]  }
0x1fb: {  	v18 =	vperm.xlane v27, v3;
	v35 =	vld [tilespmem:s10+$0xFFFFFF10];
	v33 =	vmul.f32 v33, v30;
	v30 =	vpop (erf);
	[tilespmem:s7+$0xFFFFFF80] =	vst v19  }
0x1fc: {  	[tilespmem:s23+$0xFFFFFFA0] =	vst v30;
	v37 =	vperm.xlane v30, v1;
	v55 =	vperm.xlane v30, v2;
	v26 =	vpop (erf);
	v36 =	vld [tilespmem:s15+$0xFFFFFF90]  }
0x1fd: {  	v41 =	vld [tilespmem:s10+$0xFFFFFF60];
	v46 =	vperm.xlane v26, v1;
	v42 =	vperm.xlane v26, v2;
	[tilespmem:s23+$0xF0] =	vst v33  }
0x1fe: {  	v19 =	vperm.xlane v30, v3;
	v52 =	vperm.xlane v26, v3;
	[tilespmem:s23+$0xFFFFFFF0] =	vst v26;
	v45 =	vld [tilespmem:s10+$0x100];
	v31 =	vpop (erf)  }
0x1ff: {  	v47 =	vld [tilespmem:s10+$0xFFFFFFB0];
	[tilespmem:s23+$0x40] =	vst v31;
	v49 =	vperm.xlane v31, v1;
	v43 =	vperm.xlane v31, v2;
	v33 =	vpop (erf)  }
0x200: {  	v34 =	vmul.f32 v34, v35;
	v50 =	vld [tilespmem:s10+$0x0];
	[tilespmem:s23+$0x90] =	vst v33;
	v51 =	vperm.xlane v33, v1  }
0x201: {  	v54 =	vperm.xlane v25, v2;
	v44 =	vperm.xlane v33, v2;
	v53 =	vld [tilespmem:s10+$0x50];
	v35 =	vpop (erf)  }
0x202: {  	v56 =	vmul.f32 v37, v41;
	[tilespmem:s23+$0xE0] =	vst v35;
	v57 =	vperm.xlane v35, v1;
	v41 =	vpop (erf);
	v37 =	vld [tilespmem:s6+$0xD0];
	s6 =	smov.u32 s15;
	s15 =	smov.u32 s10  }
0x203: {  	[tilespmem:s23+$0xFFFFFF00] =	vst v41;
	v58 =	vperm.xlane v41, v1;
	v59 =	vld [tilespmem:s10+$0xA0];
	v54 =	vmul.f32 v54, v45  }
0x204: {  	v45 =	vperm.xlane v41, v2;
	v60 =	vld [tilespmem:s10+$0xFFFFFEC0];
	[tilespmem:s23+$0xFFFFFF10] =	vst v34;
	v46 =	vmul.f32 v46, v47  }
0x205: {  	v47 =	vperm.xlane v35, v2;
	v61 =	vld [tilespmem:s10+$0xFFFFFF20];
	v49 =	vmul.f32 v49, v50;
	[tilespmem:s23+$0x100] =	vst v54  }
0x206: {  	v34 =	vperm.xlane v41, v3;
	[tilespmem:s23+$0xFFFFFF60] =	vst v56;
	v53 =	vmul.f32 v51, v53;
	v54 =	vld [tilespmem:s10+$0x110]  }
0x207: {  	v62 =	vperm.xlane v31, v3;
	v63 =	vperm.xlane v33, v3;
	v56 =	vld [tilespmem:s10+$0xFFFFFF70];
	[tilespmem:s23+$0xFFFFFFB0] =	vst v46  }
.Ltmp7:
0x208: {  	v46 =	vperm.xlane v35, v3;
	v50 =	vld [tilespmem:s10+$0xFFFFFFC0];
	[tilespmem:s23+$0x0] =	vst v49;
	v57 =	vmul.f32 v57, v59;
	(pc) =	sbr.rel @p0 .LBB2_8-.Ltmp7, $4  }
0x209: {  	v58 =	vmul.f32 v58, v60;
	v51 =	vld [tilespmem:s10+$0x10];
	[tilespmem:s23+$0x50] =	vst v53;
	v53 =	vperm.xlane v25, v3  }
0x20a: {  	v59 =	vmul.f32 v48, v61;
	v49 =	vld [tilespmem:s10+$0x60];
	[tilespmem:s23+$0xA0] =	vst v57;
	v48 =	vmul.f32 v17, v40;
	v17 =	vmov v52  }
0x20b: {  	v40 =	vmul.f32 v21, v39;
	v21 =	vmov v62;
	[tilespmem:s23+$0xFFFFFEC0] =	vst v58;
	v52 =	vld [tilespmem:s10+$0xB0];
	v54 =	vmul.f32 v53, v54  }
0x20c: {  	v38 =	vmul.f32 v20, v38;
	v20 =	vmov v63;
	s10 =	sadd.s32 $0x280, s10;
	v53 =	vld [tilespmem:s15+$0xFFFFFED0];
	[tilespmem:s23+$0xFFFFFF20] =	vst v59;
	v55 =	vmul.f32 v55, v56  }
0x20d: {  	[tilespmem:s23+$0x110] =	vst v54  }
0x20e: {  	[tilespmem:s7+$0xFFFFFFD0] =	vst v48  }
0x20f: {  	[tilespmem:s7+$0x20] =	vst v40  }
0x210: {  	v39 =	vmul.f32 v42, v50;
	[tilespmem:s23+$0xFFFFFF70] =	vst v55  }
0x211: {  	v13 =	vmul.f32 v13, v29;
	[tilespmem:s7+$0x70] =	vst v38  }
0x212: {  	v15 =	vmul.f32 v15, v28;
	[tilespmem:s23+$0xFFFFFFC0] =	vst v39  }
0x213: {  	v14 =	vmul.f32 v14, v32;
	[tilespmem:s7+$0xC0] =	vst v13  }
0x214: {  	v16 =	vmul.f32 v16, v36;
	[tilespmem:s7+$0xFFFFFEF0] =	vst v15  }
0x215: {  	v5 =	vmul.f32 v5, v22;
	[tilespmem:s7+$0xFFFFFF40] =	vst v14  }
0x216: {  	v6 =	vmul.f32 v6, v23;
	[tilespmem:s7+$0xFFFFFF90] =	vst v16  }
0x217: {  	v8 =	vmul.f32 v8, v24;
	[tilespmem:s3+$0xFFFFFFE0] =	vst v5  }
0x218: {  	v48 =	vld [tilespmem:s15+$0xFFFFFF30];
	v7 =	vmul.f32 v7, v37;
	[tilespmem:s3+$0x30] =	vst v6  }
0x219: {  	v59 =	vmul.f32 v43, v51;
	v60 =	vld [tilespmem:s15+$0x120];
	[tilespmem:s3+$0x80] =	vst v8  }
0x21a: {  	v61 =	vmul.f32 v44, v49;
	v49 =	vld [tilespmem:s15+$0xFFFFFF80];
	[tilespmem:s3+$0xD0] =	vst v7  }
0x21b: {  	v55 =	vld [tilespmem:s6+$0xFFFFFFE0];
	[tilespmem:s23+$0x10] =	vst v59;
	v63 =	vmul.f32 v45, v53  }
0x21c: {  	v25 =	vperm.xlane v25, v4;
	v62 =	vmul.f32 v47, v52;
	v5 =	vld [tilespmem:s15+$0xFFFFFFD0];
	[tilespmem:s23+$0x60] =	vst v61  }
0x21d: {  	v6 =	vld [tilespmem:s15+$0x20];
	v15 =	vmul.f32 v18, v48;
	[tilespmem:s23+$0xFFFFFED0] =	vst v63  }
0x21e: {  	[tilespmem:s23+$0xB0] =	vst v62;
	v25 =	vmul.f32 v25, v60;
	v47 =	vld [tilespmem:s15+$0xFFFFFEE0]  }
0x21f: {  	v50 =	vld [tilespmem:s15+$0x70];
	v52 =	vmul.f32 v19, v49;
	[tilespmem:s23+$0xFFFFFF30] =	vst v15  }
0x220: {  	v51 =	vld [tilespmem:s15+$0xC0];
	v11 =	vmul.f32 v11, v55;
	[tilespmem:s23+$0x120] =	vst v25  }
0x221: {  	v15 =	vld [tilespmem:s15+$0xFFFFFF40];
	v5 =	vmul.f32 v17, v5;
	[tilespmem:s23+$0xFFFFFF80] =	vst v52  }
0x222: {  	[tilespmem:s7+$0xFFFFFFE0] =	vst v11;
	v6 =	vmul.f32 v21, v6;
	v7 =	vld [tilespmem:s15+$0xFFFFFF90]  }
0x223: {  	v56 =	vld [tilespmem:s6+$0x30];
	[tilespmem:s23+$0xFFFFFFD0] =	vst v5;
	v13 =	vmul.f32 v34, v47  }
0x224: {  	v57 =	vld [tilespmem:s6+$0x80];
	v8 =	vmul.f32 v20, v50;
	v5 =	vperm.xlane v27, v4;
	[tilespmem:s23+$0x20] =	vst v6  }
0x225: {  	v58 =	vld [tilespmem:s6+$0xD0];
	v16 =	vmul.f32 v46, v51;
	v6 =	vperm.xlane v30, v4;
	[tilespmem:s23+$0xFFFFFEE0] =	vst v13  }
0x226: {  	[tilespmem:s23+$0x70] =	vst v8;
	v5 =	vmul.f32 v5, v15;
	v53 =	vld [tilespmem:s15+$0xFFFFFEF0]  }
0x227: {  	[tilespmem:s23+$0xC0] =	vst v16;
	v6 =	vmul.f32 v6, v7;
	v7 =	vld [tilespmem:s15+$0xFFFFFFE0]  }
0x228: {  	v10 =	vmul.f32 v10, v56;
	[tilespmem:s23+$0xFFFFFF40] =	vst v5;
	v5 =	vld [tilespmem:s15+$0x30]  }
0x229: {  	v54 =	vperm.xlane v41, v4;
	v9 =	vmul.f32 v9, v57;
	[tilespmem:s23+$0xFFFFFF90] =	vst v6;
	v6 =	vld [tilespmem:s15+$0x80]  }
0x22a: {  	v59 =	vperm.xlane v26, v4;
	[tilespmem:s7+$0x30] =	vst v10;
	v8 =	vmul.f32 v12, v58;
	v60 =	vld [tilespmem:s15+$0xD0]  }
0x22b: {  	v61 =	vperm.xlane v31, v4;
	[tilespmem:s7+$0x80] =	vst v9;
	v13 =	vmul.f32 v54, v53  }
0x22c: {  	v62 =	vperm.xlane v33, v4;
	[tilespmem:s7+$0xD0] =	vst v8;
	v7 =	vmul.f32 v59, v7  }
0x22d: {  	v63 =	vperm.xlane v35, v4;
	v5 =	vmul.f32 v61, v5;
	[tilespmem:s23+$0xFFFFFEF0] =	vst v13  }
.Ltmp8:
0x22e: {  	v6 =	vmul.f32 v62, v6;
	[tilespmem:s23+$0xFFFFFFE0] =	vst v7;
	(pc) =	sbr.rel .LBB2_10-.Ltmp8, $4  }
0x22f: {  	s1 =	sshll.u32 s1, $0x7;
	v7 =	vmul.f32 v63, v60;
	[tilespmem:s23+$0x30] =	vst v5  }
0x230: {  	s1 =	sand.u32 $0x3FFFFF80, s1;
	[tilespmem:s23+$0x80] =	vst v6  }
0x231: {  	s1 =	sadd.s32 $0x2880, s1;
	[tilespmem:s23+$0xD0] =	vst v7  }
0x232: {  	[spmem:s2] =	stream.indirect.scatter.add.f32 [tilespmem:s28], [sflag:$0x4], $0x50, s1, s19, $0xb8;
	[tilespmem:$0x1EE80] =	vst v63  }
.LBB2_11:
0x233: {  	s0 =	simm.s32 $0x3  }
0x234: {  	_ =	swait.ge [sflag:s0], $0x2800  }
0x235: {  	[sflag:s0] =	ssyncset.done $0x0  }
0x236: {  	[sflag:s0] =	ssyncadd.s32 $0xFFFFD800  }
0x237: {  	_ =	swait.ge [sflag:s30], $0x2800  }
0x238: {  	[sflag:s30] =	ssyncset.done $0x0  }
0x239: {  	s17 =	stileid.u32;
	[sflag:s30] =	ssyncadd.s32 $0xFFFFD800  }
0x23a: {  	s0 =	sshll.u32 s17, $0x6;
	[bflag:$0x0] =	sbarrier.arrive $0xFFFF  }
0x23b: {  	s1 =	sor.u32 $0x1C05, s0;
	s0 =	sshrl.u32 s8, $0x3;
	s3 =	rddreg [dreg:$0x8]  }
0x23c: {  	[hbm:s3], [sflag:s1] =	dma.local [spmem:s0], $0x18B0  }
0x23d: {  	_ =	swait.ge [sflag:s16], $0x18B0  }
0x23e: {  	[sflag:s16] =	ssyncset.done $0x0  }
0x23f: {  	[sflag:s16] =	ssyncadd.s32 $0xFFFFE750  }
0x240: {  	[spmem:s8] =	stream.linear.scatter [tilespmem:s18], [sflag:$0x5], $0x2800, $0x38;
	[tilespmem:$0x1EE80] =	vst v63  }
0x241: {  	_ =	swait.ge [sflag:s16], $0x2800  }
0x242: {  	[sflag:s16] =	ssyncset.done $0x0  }
0x243: {  	[sflag:s16] =	ssyncadd.s32 $0xFFFFD800  }
0x244: {  	[spmem:s11] =	stream.linear.scatter [tilespmem:s18], [sflag:$0x5], $0x2800, $0x38;
	[tilespmem:$0x1EE80] =	vst v63  }
0x245: {  	_ =	swait.ge [sflag:s16], $0x2800  }
0x246: {  	[sflag:s16] =	ssyncset.done $0x0  }
0x247: {  	[sflag:s16] =	ssyncadd.s32 $0xFFFFD800  }
0x248: {  	[spmem:s24] =	stream.linear.scatter [tilespmem:s18], [sflag:$0x5], $0x2800, $0x38;
	[tilespmem:$0x1EE80] =	vst v63  }
0x249: {  	_ =	swait.ge [sflag:s16], $0x2800  }
0x24a: {  	[sflag:s16] =	ssyncset.done $0x0  }
0x24b: {  	s23 =	rddreg [dreg:$0x5];
	[sflag:s16] =	ssyncadd.s32 $0xFFFFD800  }
0x24c: {  	[spmem:s23] =	stream.linear.scatter [tilespmem:s18], [sflag:$0x5], $0x2800, $0x38;
	[tilespmem:$0x1EE80] =	vst v63  }
0x24d: {  	_ =	swait.ge [sflag:s16], $0x2800  }
0x24e: {  	s29 =	smov.u32 s8;
	[sflag:s16] =	ssyncset.done $0x0  }
0x24f: {  	s8 =	smov.u32 s24;
	s24 =	rddreg [dreg:$0x6];
	[sflag:s16] =	ssyncadd.s32 $0xFFFFD800  }
0x250: {  	[spmem:s24] =	stream.linear.scatter [tilespmem:s18], [sflag:$0x5], $0x2580, $0x38;
	[tilespmem:$0x1EE80] =	vst v63  }
0x251: {  	_ =	swait.ge [sflag:s16], $0x2580  }
0x252: {  	[sflag:s16] =	ssyncset.done $0x0  }
.Ltmp9:
0x253: {  	[sflag:s16] =	ssyncadd.s32 $0xFFFFDA80;
	(pc) =	sbr.rel .LBB2_12-.Ltmp9, $4  }
0x254: {  	s3 =	simm.s32 $0x0;
	[bflag:$0x0] =	sbarrier.arrive $0xFFFF  }
0x255: {  	[tilespmem:s20], [sflag:$0x1] =	stream.indirect.gather [hbm4b:s13+s19], $0x50, s3, s19, $0xb8;
	[tilespmem:$0x1EE80] =	vst v63  }
0x256: {  	s12 =	smov.u32 s11;
	s6 =	simm.s32 $0x2880  }
0x257: {  	[tilespmem:s21], [sflag:$0x1] =	stream.indirect.gather [hbm4b:s14+s19], $0x10, s6, s19, $0xb8;
	[tilespmem:$0x1EE80] =	vst v63  }
.LBB2_18:
0x258: {  	s3 =	sadd.s32 $0x1, s3  }
0x259: {  	p0 =	sne.s32 s3, $0x29  }
.Ltmp10:
0x25a: {  	_ = 	snop;
	(pc) =	sbr.rel @!p0 .LBB2_19-.Ltmp10, $1  }
0x25b: {  	_ =	sdelay $0x3  }
.LBB2_12:
0x25c: {  	_ =	swait.ge [sflag:s22], $0x2800  }
0x25d: {  	[sflag:s22] =	ssyncset.done $0x0  }
0x25e: {  	s6 =	sshllo.u32 s3, $0x1;
	[sflag:s22] =	ssyncadd.s32 $0xFFFFD800  }
0x25f: {  	p1 =	sgt.u32 s6, $0x50;
	_ =	swait.ge [sflag:s22], $0x800  }
0x260: {  	s7 =	sshll.u32 @!p1 s6, $0x7;
	[sflag:s22] =	ssyncset.done $0x0  }
0x261: {  	s9 =	simm.s32 @!p1 $0x80;
	s10 =	simm.s32 @!p1 $0x7900;
	[sflag:s22] =	ssyncadd.s32 $0xFFFFF800  }
0x262: {  	[tilespmem:s10], [sflag:$0x2] =	stream.indirect.gather @!p1 [hbm4b:s13+s9], $0x50, s7, s9, $0xb8;
	[tilespmem:$0x1EE80] =	vst v63  }
0x263: {  	p0 =	seq.s32 s3, $0x0;
	s7 =	sadd.s32 @!p1 $0x2880, s7;
	s10 =	simm.s32 @!p1 $0xA900  }
0x264: {  	[tilespmem:s10], [sflag:$0x2] =	stream.indirect.gather @!p1 [hbm4b:s14+s9], $0x10, s7, s9, $0xb8;
	[tilespmem:$0x1EE80] =	vst v63  }
0x265: {  	s7 =	simm.s32 @!p0 $0x3  }
0x266: {  	_ =	swait.ge @!p0 [sflag:s7], $0x2800  }
0x267: {  	[sflag:s7] =	ssyncset.done @!p0 $0x0  }
0x268: {  	s11 =	simm.s32 $0x5240;
	[sflag:s7] =	ssyncadd.s32 @!p0 $0xFFFFD800  }
0x269: {  	s23 =	simm.s32 $0xA140;
	v5 =	vld [tilespmem:s11+$0x130]  }
0x26a: {  	v6 =	vld [tilespmem:s23+$0x30];
	_ =	sdelay $0x1  }
0x26b: {  	v7 =	vld [tilespmem:s23+$0xFFFFFFC0]  }
0x26c: {  	v8 =	vld [tilespmem:s11+$0xFFFFFF50]  }
0x26d: {  	v9 =	vld [tilespmem:s23+$0xFFFFFFD0]  }
0x26e: {  	v10 =	vld [tilespmem:s11+$0xFFFFFFA0];
	v5 =	vadd.f32 v6, v5  }
0x26f: {  	v11 =	vld [tilespmem:s23+$0xFFFFFFE0]  }
0x270: {  	v12 =	vld [tilespmem:s23+$0xFFFFFFF0];
	v13 =	vmul.f32 $2.000000030e-01, v5  }
0x271: {  	v14 =	vld [tilespmem:s11+$0x40]  }
0x272: {  	v6 =	vld [tilespmem:s11+$0xFFFFFFF0];
	v5 =	vmax.f32 v5, v13  }
0x273: {  	v15 =	vld [tilespmem:s23+$0x0];
	v5 =	vmul.f32 $1.442695020e+00, v5  }
0x274: {  	v16 =	vld [tilespmem:s11+$0xE0];
	v8 =	vadd.f32 v9, v8  }
0x275: {  	v9 =	vld [tilespmem:s11+$0x90];
	v10 =	vadd.f32 v11, v10;
	(erf) = vpow2.f32 v5  }
0x276: {  	v11 =	vld [tilespmem:s23+$0x10];
	v13 =	vmul.f32 $2.000000030e-01, v8  }
0x277: {  	v6 =	vadd.f32 v12, v6;
	v12 =	vld [tilespmem:s23+$0x20];
	v5 =	vmul.f32 $2.000000030e-01, v10  }
0x278: {  	v8 =	vmax.f32 v8, v13;
	v13 =	vld [tilespmem:s11+$0xFFFFFF00]  }
0x279: {  	v8 =	vmul.f32 $1.442695020e+00, v8;
	v5 =	vmax.f32 v10, v5  }
0x27a: {  	v14 =	vadd.f32 v15, v14;
	v10 =	vmul.f32 $2.000000030e-01, v6;
	v5 =	vmul.f32 $1.442695020e+00, v5  }
0x27b: {  	v9 =	vadd.f32 v11, v9;
	(erf) = vpow2.f32 v8  }
0x27c: {  	v8 =	vadd.f32 v12, v16;
	v6 =	vmax.f32 v6, v10;
	v10 =	vmul.f32 $2.000000030e-01, v14  }
0x27d: {  	v11 =	vmul.f32 $2.000000030e-01, v9;
	v7 =	vadd.f32 v7, v13;
	v6 =	vmul.f32 $1.442695020e+00, v6  }
0x27e: {  	s7 =	simm.s32 $0xB240;
	v12 =	vmul.f32 $2.000000030e-01, v8;
	(erf) = vpow2.f32 v5;
	v10 =	vmax.f32 v14, v10;
	v5 =	vpop (erf)  }
0x27f: {  	v9 =	vmax.f32 v9, v11;
	v11 =	vmul.f32 $2.000000030e-01, v7;
	v10 =	vmul.f32 $1.442695020e+00, v10;
	[tilespmem:s7+$0x130] =	vst v5  }
0x280: {  	s24 =	simm.s32 $0xA1C0;
	v8 =	vmax.f32 v8, v12;
	(erf) = vpow2.f32 v6;
	v6 =	vmul.f32 $1.442695020e+00, v9;
	v9 =	vld [tilespmem:s11+$0xF0]  }
0x281: {  	s15 =	simm.s32 $0x54C0;
	v26 =	vld [tilespmem:s24+$0xFFFFFFC0];
	v7 =	vmax.f32 v7, v11;
	v8 =	vmul.f32 $1.442695020e+00, v8;
	(erf) = vpow2.f32 v10  }
0x282: {  	v29 =	vld [tilespmem:s15+$0xFFFFFF50];
	(erf) = vpow2.f32 v6;
	v6 =	vmul.f32 $1.442695020e+00, v7  }
0x283: {  	v31 =	vld [tilespmem:s24+$0xFFFFFFD0];
	v7 =	vperm.xlane v5, v1;
	(erf) = vpow2.f32 v8  }
0x284: {  	v34 =	vld [tilespmem:s15+$0xFFFFFFA0];
	(erf) = vpow2.f32 v6  }
0x285: {  	v37 =	vld [tilespmem:s24+$0xFFFFFFE0];
	v6 =	vmul.f32 v7, v9  }
0x286: {  	v40 =	vld [tilespmem:s15+$0xFFFFFFF0];
	v8 =	vpop (erf)  }
0x287: {  	v42 =	vld [tilespmem:s24+$0xFFFFFFF0];
	[tilespmem:s7+$0xFFFFFF50] =	vst v8;
	v7 =	vpop (erf)  }
0x288: {  	v9 =	vld [tilespmem:s11+$0xFFFFFF10];
	[tilespmem:s7+$0xFFFFFFA0] =	vst v7  }
0x289: {  	v15 =	vperm.xlane v8, v1;
	[tilespmem:s7+$0xF0] =	vst v6;
	v11 =	vld [tilespmem:s11+$0xFFFFFF60];
	v6 =	vpop (erf)  }
0x28a: {  	v10 =	vld [tilespmem:s11+$0x100];
	[tilespmem:s7+$0xFFFFFFF0] =	vst v6;
	v13 =	vpop (erf)  }
0x28b: {  	v16 =	vld [tilespmem:s11+$0xFFFFFFB0];
	[tilespmem:s7+$0x40] =	vst v13;
	v14 =	vpop (erf)  }
0x28c: {  	v18 =	vperm.xlane v5, v2;
	v17 =	vld [tilespmem:s11+$0x0];
	[tilespmem:s7+$0x90] =	vst v14;
	v12 =	vpop (erf)  }
0x28d: {  	v19 =	vperm.xlane v7, v1;
	v9 =	vmul.f32 v15, v9;
	v20 =	vld [tilespmem:s11+$0x50];
	[tilespmem:s7+$0xE0] =	vst v12;
	v15 =	vpop (erf)  }
0x28e: {  	v21 =	vperm.xlane v6, v1;
	[tilespmem:s7+$0xFFFFFF00] =	vst v15;
	v22 =	vld [tilespmem:s11+$0xA0]  }
0x28f: {  	v11 =	vmul.f32 v19, v11;
	v10 =	vmul.f32 v18, v10;
	v19 =	vld [tilespmem:s11+$0xFFFFFEC0]  }
0x290: {  	v61 =	vld [tilespmem:s24+$0x10];
	[tilespmem:s7+$0xFFFFFF10] =	vst v9;
	v9 =	vperm.xlane v14, v1;
	v18 =	vperm.xlane v13, v1  }
0x291: {  	v29 =	vadd.f32 v31, v29;
	[tilespmem:s7+$0x100] =	vst v10;
	v10 =	vperm.xlane v12, v1;
	v16 =	vmul.f32 v21, v16;
	v21 =	vld [tilespmem:s11+$0xFFFFFF20]  }
0x292: {  	v31 =	vadd.f32 v37, v34;
	[tilespmem:s7+$0xFFFFFF60] =	vst v11;
	v11 =	vperm.xlane v15, v1;
	v17 =	vmul.f32 v18, v17;
	v18 =	vld [tilespmem:s11+$0x110]  }
0x293: {  	v62 =	vadd.f32 v42, v40;
	v9 =	vmul.f32 v9, v20;
	v20 =	vld [tilespmem:s11+$0xFFFFFF70];
	[tilespmem:s7+$0xFFFFFFB0] =	vst v16;
	v10 =	vmul.f32 v10, v22  }
0x294: {  	v44 =	vmul.f32 $2.000000030e-01, v29;
	v16 =	vld [tilespmem:s11+$0xFFFFFFC0];
	[tilespmem:s7+$0x0] =	vst v17;
	v11 =	vmul.f32 v11, v19  }
0x295: {  	v45 =	vmul.f32 $2.000000030e-01, v31;
	v48 =	vmul.f32 $2.000000030e-01, v62;
	[tilespmem:s7+$0xA0] =	vst v10;
	v10 =	vld [tilespmem:s15+$0x130]  }
0x296: {  	v41 =	vperm.xlane v5, v3;
	v24 =	vperm.xlane v8, v2;
	[tilespmem:s7+$0xFFFFFEC0] =	vst v11;
	v11 =	vld [tilespmem:s24+$0x30]  }
0x297: {  	v25 =	vperm.xlane v8, v3;
	v27 =	vperm.xlane v7, v2;
	v17 =	vld [tilespmem:s11+$0x10];
	[tilespmem:s7+$0x50] =	vst v9  }
0x298: {  	v30 =	vperm.xlane v7, v3;
	v28 =	vperm.xlane v6, v2;
	v19 =	vld [tilespmem:s11+$0x60]  }
0x299: {  	v32 =	vperm.xlane v13, v2;
	v21 =	vmul.f32 v24, v21;
	v24 =	vld [tilespmem:s15+$0x40]  }
0x29a: {  	v33 =	vperm.xlane v14, v2;
	v36 =	vperm.xlane v12, v2;
	v22 =	vld [tilespmem:s11+$0xB0]  }
0x29b: {  	v35 =	vperm.xlane v15, v2;
	v20 =	vmul.f32 v27, v20;
	v27 =	vld [tilespmem:s24+$0x0];
	v38 =	vadd.f32 v11, v10  }
0x29c: {  	v39 =	vperm.xlane v15, v3;
	v9 =	vperm.xlane v6, v3;
	v23 =	vld [tilespmem:s11+$0xFFFFFED0]  }
0x29d: {  	v63 =	vld [tilespmem:s15+$0xE0];
	v18 =	vmul.f32 v41, v18;
	v43 =	vmul.f32 $2.000000030e-01, v38  }
0x29e: {  	v16 =	vmul.f32 v28, v16;
	v28 =	vld [tilespmem:s15+$0x90];
	v17 =	vmul.f32 v32, v17  }
0x29f: {  	v46 =	vld [tilespmem:s24+$0x20];
	v19 =	vmul.f32 v33, v19;
	v10 =	vperm.xlane v13, v3;
	v38 =	vmax.f32 v38, v43  }
0x2a0: {  	v47 =	vld [tilespmem:s15+$0xFFFFFF00];
	[tilespmem:s7+$0xFFFFFF20] =	vst v21;
	v22 =	vmul.f32 v36, v22;
	v24 =	vadd.f32 v27, v24;
	v38 =	vmul.f32 $1.442695020e+00, v38  }
0x2a1: {  	[tilespmem:s7+$0x110] =	vst v18;
	v18 =	vld [tilespmem:s11+$0xFFFFFF30];
	v23 =	vmul.f32 v35, v23;
	v27 =	vmax.f32 v29, v44;
	v29 =	vmax.f32 v31, v45  }
0x2a2: {  	v31 =	vmax.f32 v62, v48;
	[tilespmem:s7+$0x60] =	vst v19;
	v19 =	vperm.xlane v8, v4;
	(erf) = vpow2.f32 v38  }
0x2a3: {  	v27 =	vmul.f32 $1.442695020e+00, v27;
	v28 =	vadd.f32 v61, v28;
	v49 =	vmul.f32 $2.000000030e-01, v24;
	[tilespmem:s7+$0xFFFFFED0] =	vst v23  }
0x2a4: {  	v23 =	vmul.f32 $1.442695020e+00, v29;
	v29 =	vmul.f32 $1.442695020e+00, v31;
	v31 =	vld [tilespmem:s11+$0xFFFFFEE0]  }
0x2a5: {  	v26 =	vadd.f32 v26, v47;
	v21 =	vmul.f32 $2.000000030e-01, v28;
	(erf) = vpow2.f32 v27  }
0x2a6: {  	v18 =	vmul.f32 v25, v18;
	v24 =	vmax.f32 v24, v49;
	v27 =	vadd.f32 v46, v63  }
0x2a7: {  	[tilespmem:s7+$0xFFFFFF70] =	vst v20;
	v24 =	vmul.f32 $1.442695020e+00, v24;
	v20 =	vmax.f32 v28, v21;
	v28 =	vmul.f32 $2.000000030e-01, v26  }
0x2a8: {  	[tilespmem:s7+$0xFFFFFFC0] =	vst v16;
	(erf) = vpow2.f32 v23;
	v23 =	vmul.f32 $2.000000030e-01, v27  }
0x2a9: {  	v50 =	vld [tilespmem:s11+$0x120];
	[tilespmem:s7+$0x10] =	vst v17;
	v20 =	vmul.f32 $1.442695020e+00, v20;
	v16 =	vmul.f32 v39, v31  }
0x2aa: {  	[tilespmem:s7+$0xB0] =	vst v22;
	v25 =	vld [tilespmem:s11+$0x70];
	v31 =	vperm.xlane v12, v3;
	(erf) = vpow2.f32 v29;
	v23 =	vmax.f32 v27, v23  }
0x2ab: {  	s23 =	simm.s32 $0xB4C0;
	v29 =	vld [tilespmem:s11+$0xFFFFFF80];
	(erf) = vpow2.f32 v24;
	v24 =	vmax.f32 v26, v28;
	[tilespmem:s7+$0xFFFFFEE0] =	vst v16;
	v23 =	vmul.f32 $1.442695020e+00, v23;
	v21 =	vpop (erf)  }
0x2ac: {  	(erf) = vpow2.f32 v20;
	v17 =	vmul.f32 $1.442695020e+00, v24;
	v22 =	vld [tilespmem:s11+$0xFFFFFEF0];
	[tilespmem:s23+$0x130] =	vst v21  }
0x2ad: {  	v20 =	vperm.xlane v15, v4;
	(erf) = vpow2.f32 v23;
	v26 =	vld [tilespmem:s15+$0xF0]  }
0x2ae: {  	v28 =	vld [tilespmem:s11+$0x20];
	v23 =	vperm.xlane v21, v1;
	(erf) = vpow2.f32 v17;
	v16 =	vpop (erf)  }
0x2af: {  	v27 =	vld [tilespmem:s11+$0xFFFFFFD0];
	v17 =	vperm.xlane v7, v4;
	v7 =	vperm.xlane v5, v4;
	[tilespmem:s23+$0xFFFFFF50] =	vst v16  }
0x2b0: {  	v5 =	vperm.xlane v6, v4;
	v6 =	vperm.xlane v13, v4;
	v13 =	vld [tilespmem:s15+$0xFFFFFF10]  }
0x2b1: {  	s24 =	simm.s32 $0x5740;
	v15 =	vld [tilespmem:s11+$0xC0];
	v20 =	vmul.f32 v20, v22;
	v32 =	vmul.f32 v7, v50  }
0x2b2: {  	[tilespmem:s7+$0xFFFFFF30] =	vst v18;
	v22 =	vld [tilespmem:s24+$0xFFFFFF00];
	v7 =	vperm.xlane v12, v4;
	v8 =	vmul.f32 v23, v26;
	v26 =	vpop (erf)  }
0x2b3: {  	v12 =	vmul.f32 v30, v29;
	v30 =	vperm.xlane v16, v1;
	v23 =	vld [tilespmem:s11+$0xFFFFFF40];
	[tilespmem:s23+$0xFFFFFFA0] =	vst v26  }
0x2b4: {  	v11 =	vperm.xlane v14, v3;
	v33 =	vpop (erf);
	[tilespmem:s23+$0xF0] =	vst v8;
	v24 =	vld [tilespmem:s15+$0xFFFFFF60]  }
0x2b5: {  	v13 =	vmul.f32 v30, v13;
	v8 =	vperm.xlane v14, v4;
	[tilespmem:s23+$0xFFFFFFF0] =	vst v33;
	v29 =	vpop (erf);
	v14 =	vld [tilespmem:s15+$0x100]  }
0x2b6: {  	v51 =	vld [tilespmem:s15+$0xFFFFFFB0];
	[tilespmem:s23+$0x40] =	vst v29  }
0x2b7: {  	v36 =	vpop (erf);
	[tilespmem:s23+$0xFFFFFF10] =	vst v13;
	v52 =	vld [tilespmem:s15+$0x0]  }
0x2b8: {  	v53 =	vperm.xlane v21, v2;
	v31 =	vmul.f32 v31, v15;
	[tilespmem:s23+$0x90] =	vst v36;
	v41 =	vpop (erf);
	v44 =	vld [tilespmem:s15+$0xFFFFFF20]  }
0x2b9: {  	v34 =	vperm.xlane v16, v2;
	v54 =	vperm.xlane v26, v1;
	v30 =	vld [tilespmem:s15+$0x50];
	[tilespmem:s23+$0xE0] =	vst v41;
	v42 =	vpop (erf)  }
0x2ba: {  	v55 =	vperm.xlane v33, v1;
	v57 =	vperm.xlane v29, v1;
	[tilespmem:s23+$0xFFFFFF00] =	vst v42;
	v56 =	vld [tilespmem:s15+$0xA0]  }
0x2bb: {  	s9 =	simm.s32 $0xA240;
	v13 =	vperm.xlane v36, v1;
	v50 =	vperm.xlane v42, v2;
	v58 =	vld [tilespmem:s15+$0xFFFFFEC0]  }
0x2bc: {  	v15 =	vperm.xlane v42, v4;
	v35 =	vmul.f32 v55, v51;
	v55 =	vld [tilespmem:s9+$0x30]  }
0x2bd: {  	v24 =	vmul.f32 v54, v24;
	v37 =	vmul.f32 v57, v52;
	v52 =	vld [tilespmem:s24+$0x130]  }
0x2be: {  	v14 =	vmul.f32 v53, v14;
	v34 =	vmul.f32 v34, v44;
	v44 =	vld [tilespmem:s9+$0xFFFFFFC0]  }
0x2bf: {  	v53 =	vperm.xlane v42, v3;
	[tilespmem:s23+$0xFFFFFF60] =	vst v24;
	v24 =	vperm.xlane v42, v1;
	v42 =	vld [tilespmem:s24+$0xFFFFFFA0]  }
0x2c0: {  	[tilespmem:s23+$0x100] =	vst v14;
	v13 =	vmul.f32 v13, v30;
	v30 =	vld [tilespmem:s15+$0xFFFFFF70]  }
0x2c1: {  	v25 =	vmul.f32 v11, v25;
	[tilespmem:s23+$0xFFFFFFB0] =	vst v35;
	v35 =	vld [tilespmem:s24+$0xFFFFFF50]  }
0x2c2: {  	v28 =	vmul.f32 v10, v28;
	v27 =	vmul.f32 v9, v27;
	v59 =	vld [tilespmem:s15+$0x110]  }
0x2c3: {  	v18 =	vperm.xlane v16, v3;
	v14 =	vperm.xlane v41, v1;
	v45 =	vld [tilespmem:s15+$0xFFFFFFC0];
	[tilespmem:s23+$0x0] =	vst v37  }
0x2c4: {  	v60 =	vperm.xlane v26, v2;
	v46 =	vperm.xlane v33, v2;
	v62 =	vld [tilespmem:s15+$0x10]  }
0x2c5: {  	v38 =	vperm.xlane v33, v3;
	v14 =	vmul.f32 v14, v56;
	v56 =	vld [tilespmem:s9+$0xFFFFFFE0]  }
0x2c6: {  	v11 =	vperm.xlane v33, v4;
	v61 =	vmul.f32 v24, v58;
	[tilespmem:s23+$0x50] =	vst v13;
	v58 =	vld [tilespmem:s9+$0x10]  }
0x2c7: {  	v40 =	vperm.xlane v29, v3;
	v10 =	vperm.xlane v29, v4;
	v47 =	vld [tilespmem:s15+$0x60]  }
0x2c8: {  	v48 =	vperm.xlane v36, v2;
	v39 =	vperm.xlane v36, v3;
	[tilespmem:s23+$0xFFFFFEC0] =	vst v61;
	v61 =	vld [tilespmem:s9+$0xFFFFFFF0]  }
0x2c9: {  	v13 =	vperm.xlane v21, v3;
	[tilespmem:s23+$0xA0] =	vst v14;
	v14 =	vperm.xlane v29, v2;
	v29 =	vld [tilespmem:s9+$0x0]  }
0x2ca: {  	v24 =	vperm.xlane v26, v3;
	v63 =	vld [tilespmem:s15+$0xB0];
	v30 =	vmul.f32 v60, v30  }
0x2cb: {  	v49 =	vld [tilespmem:s15+$0xFFFFFED0];
	v13 =	vmul.f32 v13, v59;
	v43 =	vmul.f32 v14, v62  }
0x2cc: {  	[tilespmem:s7+$0xFFFFFFD0] =	vst v27;
	v60 =	vld [tilespmem:s24+$0xFFFFFFF0];
	v14 =	vperm.xlane v16, v4;
	v16 =	vperm.xlane v26, v4;
	v26 =	vadd.f32 v55, v52  }
0x2cd: {  	v9 =	vperm.xlane v36, v4;
	v45 =	vmul.f32 v46, v45;
	v46 =	vld [tilespmem:s9+$0xFFFFFFD0];
	[tilespmem:s23+$0xFFFFFF70] =	vst v30  }
0x2ce: {  	v51 =	vperm.xlane v41, v2;
	[tilespmem:s23+$0x110] =	vst v13;
	v27 =	vld [tilespmem:s15+$0xFFFFFF80];
	v62 =	vmul.f32 $2.000000030e-01, v26  }
0x2cf: {  	v19 =	vmul.f32 v19, v23;
	v21 =	vperm.xlane v21, v4;
	v56 =	vadd.f32 v56, v42;
	v54 =	vld [tilespmem:s15+$0x120]  }
0x2d0: {  	[tilespmem:s7+$0xFFFFFF80] =	vst v12;
	v13 =	vperm.xlane v41, v3;
	v37 =	vmul.f32 v51, v63;
	v63 =	vld [tilespmem:s24+$0x40];
	v12 =	vmax.f32 v26, v62  }
0x2d1: {  	[tilespmem:s7+$0x70] =	vst v25;
	v47 =	vmul.f32 v48, v47;
	v59 =	vadd.f32 v61, v60;
	v60 =	vld [tilespmem:s24+$0xE0];
	v57 =	vmul.f32 $1.442695020e+00, v12  }
0x2d2: {  	[tilespmem:s7+$0xFFFFFF40] =	vst v19;
	v42 =	vmul.f32 $2.000000030e-01, v56;
	v49 =	vmul.f32 v50, v49;
	v61 =	vld [tilespmem:s9+$0x20];
	v55 =	vadd.f32 v46, v35  }
0x2d3: {  	[tilespmem:s23+$0xFFFFFF20] =	vst v34;
	v26 =	vld [tilespmem:s24+$0x90];
	v12 =	vperm.xlane v41, v4;
	(erf) = vpow2.f32 v57  }
0x2d4: {  	[tilespmem:s23+$0x60] =	vst v47;
	v47 =	vld [tilespmem:s15+$0xFFFFFF30];
	v62 =	vmul.f32 $2.000000030e-01, v59;
	v30 =	vmul.f32 $2.000000030e-01, v55  }
0x2d5: {  	[tilespmem:s23+$0xFFFFFFC0] =	vst v45;
	v51 =	vadd.f32 v44, v22;
	v19 =	vmul.f32 v24, v27;
	v21 =	vmul.f32 v21, v54  }
0x2d6: {  	[tilespmem:s23+$0x10] =	vst v43;
	v43 =	vmax.f32 v59, v62;
	v29 =	vadd.f32 v29, v63;
	v23 =	vmax.f32 v55, v30  }
0x2d7: {  	[tilespmem:s7+$0xC0] =	vst v31;
	v48 =	vld [tilespmem:s15+$0xFFFFFFD0];
	v30 =	vmax.f32 v56, v42;
	v33 =	vmul.f32 $1.442695020e+00, v43;
	v23 =	vmul.f32 $1.442695020e+00, v23  }
0x2d8: {  	[tilespmem:s23+$0xFFFFFED0] =	vst v49;
	v63 =	vld [tilespmem:s11+$0xFFFFFF90];
	v30 =	vmul.f32 $1.442695020e+00, v30;
	v26 =	vadd.f32 v58, v26;
	v46 =	vmul.f32 $2.000000030e-01, v29  }
0x2d9: {  	[tilespmem:s23+$0xB0] =	vst v37;
	v37 =	vld [tilespmem:s11+$0xD0];
	v34 =	vadd.f32 v61, v60;
	v18 =	vmul.f32 v18, v47;
	(erf) = vpow2.f32 v23  }
0x2da: {  	v24 =	vld [tilespmem:s11+$0x80];
	[tilespmem:s23+$0x120] =	vst v21;
	v21 =	vmul.f32 $2.000000030e-01, v26;
	v23 =	vmax.f32 v29, v46;
	(erf) = vpow2.f32 v30  }
0x2db: {  	v42 =	vld [tilespmem:s15+$0xFFFFFEE0];
	v22 =	vmul.f32 $1.442695020e+00, v23;
	v23 =	vmul.f32 $2.000000030e-01, v34  }
0x2dc: {  	s17 =	simm.s32 $0xB740;
	[tilespmem:s7+$0xFFFFFEF0] =	vst v20;
	v55 =	vld [tilespmem:s15+$0x20];
	v21 =	vmax.f32 v26, v21;
	(erf) = vpow2.f32 v33;
	v26 =	vmul.f32 $2.000000030e-01, v51;
	v25 =	vpop (erf)  }
0x2dd: {  	v56 =	vld [tilespmem:s15+$0x70];
	v54 =	vmul.f32 v17, v63;
	v17 =	vmul.f32 $1.442695020e+00, v21;
	v21 =	vmax.f32 v34, v23;
	[tilespmem:s17+$0x130] =	vst v25  }
0x2de: {  	[tilespmem:s23+$0xFFFFFF80] =	vst v19;
	(erf) = vpow2.f32 v22;
	v20 =	vmax.f32 v51, v26;
	v21 =	vmul.f32 $1.442695020e+00, v21;
	v26 =	vld [tilespmem:s24+$0xF0]  }
0x2df: {  	v36 =	vld [tilespmem:s15+$0xFFFFFF90];
	[tilespmem:s23+$0xFFFFFF30] =	vst v18;
	(erf) = vpow2.f32 v17;
	v17 =	vmul.f32 $1.442695020e+00, v20  }
0x2e0: {  	[tilespmem:s7+$0x120] =	vst v32;
	v32 =	vld [tilespmem:s15+$0xFFFFFF40];
	v23 =	vmul.f32 v53, v42;
	(erf) = vpow2.f32 v21  }
0x2e1: {  	[tilespmem:s7+$0x20] =	vst v28;
	v29 =	vld [tilespmem:s15+$0xC0];
	v20 =	vperm.xlane v25, v1;
	(erf) = vpow2.f32 v17  }
0x2e2: {  	v48 =	vmul.f32 v38, v48;
	v40 =	vmul.f32 v40, v55;
	v22 =	vld [tilespmem:s11+$0xFFFFFFE0];
	[tilespmem:s7+$0xFFFFFF90] =	vst v54  }
0x2e3: {  	v38 =	vmul.f32 v39, v56;
	[tilespmem:s23+$0xFFFFFEE0] =	vst v23;
	v23 =	vld [tilespmem:s11+$0x30];
	v27 =	vpop (erf);
	v17 =	vmul.f32 v20, v26  }
0x2e4: {  	v63 =	vperm.xlane v25, v2;
	v28 =	vld [tilespmem:s15+$0xFFFFFEF0];
	[tilespmem:s17+$0xFFFFFF50] =	vst v27;
	v21 =	vperm.xlane v27, v1  }
0x2e5: {  	v49 =	vperm.xlane v27, v2;
	v18 =	vperm.xlane v27, v3;
	v30 =	vpop (erf);
	v60 =	vld [tilespmem:s24+$0xFFFFFF10];
	[tilespmem:s17+$0xF0] =	vst v17  }
0x2e6: {  	[tilespmem:s17+$0xFFFFFFA0] =	vst v30;
	v57 =	vperm.xlane v30, v2;
	v19 =	vperm.xlane v30, v3;
	v26 =	vpop (erf);
	v62 =	vld [tilespmem:s24+$0x100]  }
0x2e7: {  	v20 =	vperm.xlane v30, v1;
	v61 =	vld [tilespmem:s24+$0xFFFFFF60];
	v46 =	vperm.xlane v26, v1;
	[tilespmem:s17+$0xFFFFFFF0] =	vst v26;
	v31 =	vpop (erf)  }
0x2e8: {  	v42 =	vperm.xlane v26, v2;
	v17 =	vperm.xlane v26, v3;
	v47 =	vld [tilespmem:s24+$0xFFFFFFB0];
	[tilespmem:s17+$0x40] =	vst v31;
	v33 =	vpop (erf)  }
0x2e9: {  	v50 =	vperm.xlane v31, v1;
	v43 =	vperm.xlane v31, v2;
	v34 =	vld [tilespmem:s24+$0x0];
	[tilespmem:s17+$0x90] =	vst v33;
	v35 =	vpop (erf)  }
0x2ea: {  	v51 =	vperm.xlane v33, v1;
	v21 =	vmul.f32 v21, v60;
	v52 =	vld [tilespmem:s24+$0x50];
	[tilespmem:s17+$0xE0] =	vst v35;
	v41 =	vpop (erf)  }
0x2eb: {  	v44 =	vperm.xlane v33, v2;
	[tilespmem:s17+$0xFFFFFF00] =	vst v41;
	v59 =	vld [tilespmem:s24+$0xA0];
	v53 =	vmul.f32 v63, v62  }
0x2ec: {  	v20 =	vmul.f32 v20, v61;
	v54 =	vperm.xlane v35, v1;
	[tilespmem:s17+$0xFFFFFF10] =	vst v21;
	v60 =	vld [tilespmem:s24+$0xFFFFFEC0]  }
0x2ed: {  	v58 =	vperm.xlane v41, v1;
	v21 =	vmul.f32 v46, v47;
	v61 =	vld [tilespmem:s24+$0xFFFFFF20];
	[tilespmem:s17+$0x100] =	vst v53  }
0x2ee: {  	v45 =	vperm.xlane v41, v2;
	[tilespmem:s17+$0xFFFFFF60] =	vst v20;
	v46 =	vmul.f32 v50, v34;
	v53 =	vld [tilespmem:s24+$0x110]  }
0x2ef: {  	v47 =	vperm.xlane v35, v2;
	v62 =	vld [tilespmem:s24+$0xFFFFFF70];
	v52 =	vmul.f32 v51, v52;
	[tilespmem:s17+$0xFFFFFFB0] =	vst v21  }
0x2f0: {  	v20 =	vperm.xlane v33, v3;
	v50 =	vld [tilespmem:s24+$0xFFFFFFC0];
	[tilespmem:s17+$0x0] =	vst v46;
	v54 =	vmul.f32 v54, v59  }
0x2f1: {  	v51 =	vld [tilespmem:s24+$0x10];
	[tilespmem:s17+$0x50] =	vst v52;
	v59 =	vperm.xlane v25, v3;
	v58 =	vmul.f32 v58, v60  }
0x2f2: {  	v34 =	vperm.xlane v41, v3;
	v60 =	vmul.f32 v49, v61;
	v49 =	vld [tilespmem:s24+$0x60];
	[tilespmem:s17+$0xA0] =	vst v54  }
0x2f3: {  	v46 =	vperm.xlane v35, v3;
	[tilespmem:s17+$0xFFFFFEC0] =	vst v58;
	v52 =	vld [tilespmem:s24+$0xB0];
	v54 =	vmul.f32 v59, v53  }
0x2f4: {  	s10 =	simm.s32 $0x10;
	s11 =	simm.s32 $0x59C0;
	v21 =	vperm.xlane v31, v3;
	v55 =	vmul.f32 v57, v62;
	[tilespmem:s17+$0xFFFFFF20] =	vst v60;
	v53 =	vld [tilespmem:s24+$0xFFFFFED0]  }
.LBB2_13:
0x2f5: {  	v39 =	vld [tilespmem:s11+$0x130];
	v42 =	vmul.f32 v42, v50;
	[tilespmem:s17+$0x110] =	vst v54;
	v29 =	vmul.f32 v13, v29;
	v13 =	vmov v46  }
0x2f6: {  	v41 =	vperm.xlane v41, v4;
	s9 =	sadd.s32 $0x80, s9;
	[tilespmem:s17+$0xFFFFFF70] =	vst v55;
	v43 =	vmul.f32 v43, v51;
	v46 =	vld [tilespmem:s24+$0x120]  }
0x2f7: {  	s10 =	sadd.s32 $0x8, s10;
	v27 =	vperm.xlane v27, v4;
	v50 =	vld [tilespmem:s9+$0x30];
	[tilespmem:s17+$0xFFFFFFC0] =	vst v42;
	v42 =	vmul.f32 v44, v49  }
0x2f8: {  	v30 =	vperm.xlane v30, v4;
	p2 =	slt.u32 s10, $0x78;
	v44 =	vld [tilespmem:s9+$0xFFFFFFC0];
	[tilespmem:s17+$0x10] =	vst v43;
	v43 =	vmul.f32 v47, v52  }
0x2f9: {  	v25 =	vperm.xlane v25, v4;
	v47 =	vld [tilespmem:s11+$0xFFFFFF50];
	v45 =	vmul.f32 v45, v53;
	[tilespmem:s17+$0x60] =	vst v42  }
0x2fa: {  	v26 =	vperm.xlane v26, v4;
	v31 =	vperm.xlane v31, v4;
	v42 =	vld [tilespmem:s9+$0xFFFFFFD0];
	[tilespmem:s17+$0xB0] =	vst v43  }
0x2fb: {  	v33 =	vperm.xlane v33, v4;
	v43 =	vld [tilespmem:s11+$0xFFFFFFA0];
	[tilespmem:s17+$0xFFFFFED0] =	vst v45;
	v25 =	vmul.f32 v25, v46  }
0x2fc: {  	v35 =	vperm.xlane v35, v4;
	v28 =	vmul.f32 v15, v28;
	v45 =	vld [tilespmem:s9+$0xFFFFFFE0];
	v39 =	vadd.f32 v50, v39;
	[tilespmem:s23+$0xFFFFFFD0] =	vst v48  }
0x2fd: {  	v15 =	vmovc v41;
	v46 =	vld [tilespmem:s11+$0xFFFFFFF0];
	[tilespmem:s17+$0x120] =	vst v25;
	v25 =	vmul.f32 v14, v32;
	v32 =	vmul.f32 v16, v36;
	v14 =	vmov v27  }
0x2fe: {  	v22 =	vmul.f32 v5, v22;
	v5 =	vmovc v11;
	v11 =	vmovc v26;
	v16 =	vmov v30;
	v27 =	vld [tilespmem:s9+$0xFFFFFFF0];
	v36 =	vmul.f32 $2.000000030e-01, v39;
	[tilespmem:s23+$0x20] =	vst v40  }
0x2ff: {  	v23 =	vmul.f32 v6, v23;
	v24 =	vmul.f32 v8, v24;
	v26 =	vadd.f32 v42, v47;
	v30 =	vld [tilespmem:s11+$0x40];
	[tilespmem:s23+$0x70] =	vst v38  }
0x300: {  	v6 =	vmovc v10;
	v10 =	vmov v31;
	v38 =	vld [tilespmem:s9+$0x0];
	v40 =	vmax.f32 v39, v36;
	[tilespmem:s23+$0xC0] =	vst v29;
	v29 =	vmul.f32 v7, v37  }
0x301: {  	v8 =	vmovc v9;
	v9 =	vmovc v33;
	v31 =	vmul.f32 $2.000000030e-01, v26;
	v36 =	vadd.f32 v45, v43;
	v37 =	vld [tilespmem:s11+$0x90];
	v39 =	vmul.f32 $1.442695020e+00, v40;
	[tilespmem:s23+$0xFFFFFEF0] =	vst v28  }
0x302: {  	v7 =	vmov v12;
	v12 =	vmov v35;
	v28 =	vld [tilespmem:s9+$0x10];
	[tilespmem:s23+$0xFFFFFF40] =	vst v25  }
0x303: {  	v25 =	vmul.f32 $2.000000030e-01, v36;
	v27 =	vadd.f32 v27, v46;
	v33 =	vld [tilespmem:s11+$0xE0];
	(erf) = vpow2.f32 v39;
	[tilespmem:s23+$0xFFFFFF90] =	vst v32  }
0x304: {  	v26 =	vmax.f32 v26, v31;
	v31 =	vld [tilespmem:s9+$0x20];
	[tilespmem:s7+$0xFFFFFFE0] =	vst v22  }
0x305: {  	v22 =	vld [tilespmem:s11+$0xFFFFFF00];
	v25 =	vmax.f32 v36, v25;
	v32 =	vmul.f32 $2.000000030e-01, v27;
	v30 =	vadd.f32 v38, v30;
	[tilespmem:s7+$0x30] =	vst v23  }
0x306: {  	v23 =	vmul.f32 $1.442695020e+00, v26;
	v25 =	vmul.f32 $1.442695020e+00, v25;
	v26 =	vld [tilespmem:s24+$0xFFFFFEE0];
	[tilespmem:s7+$0x80] =	vst v24  }
0x307: {  	v24 =	vmax.f32 v27, v32;
	v27 =	vmul.f32 $2.000000030e-01, v30;
	v28 =	vadd.f32 v28, v37;
	v32 =	vld [tilespmem:s24+$0xFFFFFF30];
	[tilespmem:s7+$0xD0] =	vst v29;
	s7 =	smov.u32 s23;
	s23 =	smov.u32 s17  }
0x308: {  	v24 =	vmul.f32 $1.442695020e+00, v24;
	(erf) = vpow2.f32 v23;
	v35 =	vld [tilespmem:s24+$0xFFFFFF80]  }
0x309: {  	v23 =	vmax.f32 v30, v27;
	v27 =	vmul.f32 $2.000000030e-01, v28;
	v30 =	vadd.f32 v31, v33;
	v40 =	vld [tilespmem:s24+$0xFFFFFFD0]  }
0x30a: {  	v31 =	vadd.f32 v44, v22;
	v22 =	vmul.f32 $1.442695020e+00, v23;
	(erf) = vpow2.f32 v25;
	v39 =	vld [tilespmem:s24+$0x20]  }
0x30b: {  	s17 =	sadd.s32 $0x280, s17;
	v23 =	vmax.f32 v28, v27;
	v27 =	vmul.f32 $2.000000030e-01, v30;
	(erf) = vpow2.f32 v24;
	v38 =	vld [tilespmem:s24+$0x70]  }
0x30c: {  	v24 =	vmul.f32 $2.000000030e-01, v31;
	v23 =	vmul.f32 $1.442695020e+00, v23;
	v25 =	vpop (erf);
	v29 =	vld [tilespmem:s24+$0xC0]  }
0x30d: {  	v26 =	vmul.f32 v34, v26;
	v27 =	vmax.f32 v30, v27;
	[tilespmem:s17+$0x130] =	vst v25;
	(erf) = vpow2.f32 v22;
	v22 =	vld [tilespmem:s15+$0xFFFFFFE0]  }
0x30e: {  	v24 =	vmax.f32 v31, v24;
	v31 =	vmul.f32 $1.442695020e+00, v27;
	v30 =	vld [tilespmem:s11+$0xF0];
	(erf) = vpow2.f32 v23  }
0x30f: {  	v18 =	vmul.f32 v18, v32;
	v24 =	vmul.f32 $1.442695020e+00, v24;
	[tilespmem:s23+$0xFFFFFEE0] =	vst v26;
	v23 =	vld [tilespmem:s15+$0x30]  }
0x310: {  	v19 =	vmul.f32 v19, v35;
	(erf) = vpow2.f32 v31;
	v28 =	vld [tilespmem:s24+$0xFFFFFEF0]  }
0x311: {  	v33 =	vperm.xlane v25, v1;
	(erf) = vpow2.f32 v24;
	v27 =	vpop (erf);
	[tilespmem:s23+$0xFFFFFF30] =	vst v18;
	v24 =	vld [tilespmem:s15+$0x80]  }
0x312: {  	[tilespmem:s17+$0xFFFFFF50] =	vst v27;
	v34 =	vperm.xlane v27, v1;
	v48 =	vperm.xlane v27, v2;
	v32 =	vld [tilespmem:s24+$0xFFFFFF40]  }
0x313: {  	v18 =	vperm.xlane v27, v3;
	v35 =	vld [tilespmem:s11+$0xFFFFFF10];
	v33 =	vmul.f32 v33, v30;
	v30 =	vpop (erf);
	[tilespmem:s23+$0xFFFFFF80] =	vst v19  }
0x314: {  	[tilespmem:s17+$0xFFFFFFA0] =	vst v30;
	v37 =	vperm.xlane v30, v1;
	v55 =	vperm.xlane v30, v2;
	v26 =	vpop (erf);
	v36 =	vld [tilespmem:s24+$0xFFFFFF90]  }
0x315: {  	v41 =	vld [tilespmem:s11+$0xFFFFFF60];
	v46 =	vperm.xlane v26, v1;
	v42 =	vperm.xlane v26, v2;
	[tilespmem:s17+$0xF0] =	vst v33  }
0x316: {  	v19 =	vperm.xlane v30, v3;
	v52 =	vperm.xlane v26, v3;
	[tilespmem:s17+$0xFFFFFFF0] =	vst v26;
	v45 =	vld [tilespmem:s11+$0x100];
	v31 =	vpop (erf)  }
0x317: {  	v47 =	vld [tilespmem:s11+$0xFFFFFFB0];
	[tilespmem:s17+$0x40] =	vst v31;
	v49 =	vperm.xlane v31, v1;
	v43 =	vperm.xlane v31, v2;
	v33 =	vpop (erf)  }
0x318: {  	v34 =	vmul.f32 v34, v35;
	v50 =	vld [tilespmem:s11+$0x0];
	[tilespmem:s17+$0x90] =	vst v33;
	v51 =	vperm.xlane v33, v1  }
0x319: {  	v54 =	vperm.xlane v25, v2;
	v44 =	vperm.xlane v33, v2;
	v53 =	vld [tilespmem:s11+$0x50];
	v35 =	vpop (erf)  }
0x31a: {  	v56 =	vmul.f32 v37, v41;
	[tilespmem:s17+$0xE0] =	vst v35;
	v57 =	vperm.xlane v35, v1;
	v41 =	vpop (erf);
	v37 =	vld [tilespmem:s15+$0xD0];
	s15 =	smov.u32 s24;
	s24 =	smov.u32 s11  }
0x31b: {  	[tilespmem:s17+$0xFFFFFF00] =	vst v41;
	v58 =	vperm.xlane v41, v1;
	v59 =	vld [tilespmem:s11+$0xA0];
	v54 =	vmul.f32 v54, v45  }
0x31c: {  	v45 =	vperm.xlane v41, v2;
	v60 =	vld [tilespmem:s11+$0xFFFFFEC0];
	[tilespmem:s17+$0xFFFFFF10] =	vst v34;
	v46 =	vmul.f32 v46, v47  }
0x31d: {  	v47 =	vperm.xlane v35, v2;
	v61 =	vld [tilespmem:s11+$0xFFFFFF20];
	v49 =	vmul.f32 v49, v50;
	[tilespmem:s17+$0x100] =	vst v54  }
0x31e: {  	v34 =	vperm.xlane v41, v3;
	[tilespmem:s17+$0xFFFFFF60] =	vst v56;
	v53 =	vmul.f32 v51, v53;
	v54 =	vld [tilespmem:s11+$0x110]  }
0x31f: {  	v62 =	vperm.xlane v31, v3;
	v63 =	vperm.xlane v33, v3;
	v56 =	vld [tilespmem:s11+$0xFFFFFF70];
	[tilespmem:s17+$0xFFFFFFB0] =	vst v46  }
.Ltmp11:
0x320: {  	v46 =	vperm.xlane v35, v3;
	v50 =	vld [tilespmem:s11+$0xFFFFFFC0];
	[tilespmem:s17+$0x0] =	vst v49;
	v57 =	vmul.f32 v57, v59;
	(pc) =	sbr.rel @p2 .LBB2_13-.Ltmp11, $4  }
0x321: {  	v58 =	vmul.f32 v58, v60;
	v51 =	vld [tilespmem:s11+$0x10];
	[tilespmem:s17+$0x50] =	vst v53;
	v53 =	vperm.xlane v25, v3  }
0x322: {  	v59 =	vmul.f32 v48, v61;
	v49 =	vld [tilespmem:s11+$0x60];
	[tilespmem:s17+$0xA0] =	vst v57;
	v48 =	vmul.f32 v17, v40;
	v17 =	vmov v52  }
0x323: {  	v40 =	vmul.f32 v21, v39;
	v21 =	vmov v62;
	[tilespmem:s17+$0xFFFFFEC0] =	vst v58;
	v52 =	vld [tilespmem:s11+$0xB0];
	v54 =	vmul.f32 v53, v54  }
0x324: {  	v38 =	vmul.f32 v20, v38;
	v20 =	vmov v63;
	s11 =	sadd.s32 $0x280, s11;
	v53 =	vld [tilespmem:s24+$0xFFFFFED0];
	[tilespmem:s17+$0xFFFFFF20] =	vst v59;
	v55 =	vmul.f32 v55, v56  }
0x325: {  	[tilespmem:s17+$0x110] =	vst v54  }
0x326: {  	[tilespmem:s23+$0xFFFFFFD0] =	vst v48  }
0x327: {  	[tilespmem:s23+$0x20] =	vst v40  }
0x328: {  	v39 =	vmul.f32 v42, v50;
	[tilespmem:s17+$0xFFFFFF70] =	vst v55  }
0x329: {  	v13 =	vmul.f32 v13, v29;
	[tilespmem:s23+$0x70] =	vst v38  }
0x32a: {  	v15 =	vmul.f32 v15, v28;
	[tilespmem:s17+$0xFFFFFFC0] =	vst v39  }
0x32b: {  	v14 =	vmul.f32 v14, v32;
	[tilespmem:s23+$0xC0] =	vst v13  }
0x32c: {  	v16 =	vmul.f32 v16, v36;
	[tilespmem:s23+$0xFFFFFEF0] =	vst v15  }
0x32d: {  	v5 =	vmul.f32 v5, v22;
	[tilespmem:s23+$0xFFFFFF40] =	vst v14  }
0x32e: {  	v6 =	vmul.f32 v6, v23;
	[tilespmem:s23+$0xFFFFFF90] =	vst v16  }
0x32f: {  	v8 =	vmul.f32 v8, v24;
	[tilespmem:s7+$0xFFFFFFE0] =	vst v5  }
0x330: {  	v48 =	vld [tilespmem:s24+$0xFFFFFF30];
	v7 =	vmul.f32 v7, v37;
	[tilespmem:s7+$0x30] =	vst v6  }
0x331: {  	v59 =	vmul.f32 v43, v51;
	v60 =	vld [tilespmem:s24+$0x120];
	[tilespmem:s7+$0x80] =	vst v8  }
0x332: {  	v61 =	vmul.f32 v44, v49;
	v49 =	vld [tilespmem:s24+$0xFFFFFF80];
	[tilespmem:s7+$0xD0] =	vst v7  }
0x333: {  	v55 =	vld [tilespmem:s15+$0xFFFFFFE0];
	[tilespmem:s17+$0x10] =	vst v59;
	v63 =	vmul.f32 v45, v53  }
0x334: {  	v25 =	vperm.xlane v25, v4;
	v62 =	vmul.f32 v47, v52;
	v5 =	vld [tilespmem:s24+$0xFFFFFFD0];
	[tilespmem:s17+$0x60] =	vst v61  }
0x335: {  	v6 =	vld [tilespmem:s24+$0x20];
	v15 =	vmul.f32 v18, v48;
	[tilespmem:s17+$0xFFFFFED0] =	vst v63  }
0x336: {  	[tilespmem:s17+$0xB0] =	vst v62;
	v25 =	vmul.f32 v25, v60;
	v47 =	vld [tilespmem:s24+$0xFFFFFEE0]  }
0x337: {  	v50 =	vld [tilespmem:s24+$0x70];
	v52 =	vmul.f32 v19, v49;
	[tilespmem:s17+$0xFFFFFF30] =	vst v15  }
0x338: {  	v51 =	vld [tilespmem:s24+$0xC0];
	v11 =	vmul.f32 v11, v55;
	[tilespmem:s17+$0x120] =	vst v25  }
0x339: {  	v15 =	vld [tilespmem:s24+$0xFFFFFF40];
	v5 =	vmul.f32 v17, v5;
	[tilespmem:s17+$0xFFFFFF80] =	vst v52  }
0x33a: {  	[tilespmem:s23+$0xFFFFFFE0] =	vst v11;
	v6 =	vmul.f32 v21, v6;
	v7 =	vld [tilespmem:s24+$0xFFFFFF90]  }
0x33b: {  	v56 =	vld [tilespmem:s15+$0x30];
	[tilespmem:s17+$0xFFFFFFD0] =	vst v5;
	v13 =	vmul.f32 v34, v47  }
0x33c: {  	v57 =	vld [tilespmem:s15+$0x80];
	v8 =	vmul.f32 v20, v50;
	v5 =	vperm.xlane v27, v4;
	[tilespmem:s17+$0x20] =	vst v6  }
0x33d: {  	v58 =	vld [tilespmem:s15+$0xD0];
	v16 =	vmul.f32 v46, v51;
	v6 =	vperm.xlane v30, v4;
	[tilespmem:s17+$0xFFFFFEE0] =	vst v13  }
0x33e: {  	[tilespmem:s17+$0x70] =	vst v8;
	v5 =	vmul.f32 v5, v15;
	v53 =	vld [tilespmem:s24+$0xFFFFFEF0]  }
0x33f: {  	[tilespmem:s17+$0xC0] =	vst v16;
	v6 =	vmul.f32 v6, v7;
	v7 =	vld [tilespmem:s24+$0xFFFFFFE0]  }
0x340: {  	v10 =	vmul.f32 v10, v56;
	[tilespmem:s17+$0xFFFFFF40] =	vst v5;
	v5 =	vld [tilespmem:s24+$0x30]  }
0x341: {  	v54 =	vperm.xlane v41, v4;
	v9 =	vmul.f32 v9, v57;
	[tilespmem:s17+$0xFFFFFF90] =	vst v6;
	v6 =	vld [tilespmem:s24+$0x80]  }
0x342: {  	v59 =	vperm.xlane v26, v4;
	[tilespmem:s23+$0x30] =	vst v10;
	v8 =	vmul.f32 v12, v58;
	v60 =	vld [tilespmem:s24+$0xD0]  }
0x343: {  	v61 =	vperm.xlane v31, v4;
	[tilespmem:s23+$0x80] =	vst v9;
	v13 =	vmul.f32 v54, v53  }
0x344: {  	v62 =	vperm.xlane v33, v4;
	[tilespmem:s23+$0xD0] =	vst v8;
	v7 =	vmul.f32 v59, v7  }
0x345: {  	v63 =	vperm.xlane v35, v4;
	v5 =	vmul.f32 v61, v5;
	[tilespmem:s17+$0xFFFFFEF0] =	vst v13  }
.Ltmp12:
0x346: {  	v6 =	vmul.f32 v62, v6;
	[tilespmem:s17+$0xFFFFFFE0] =	vst v7;
	(pc) =	sbr.rel @p1 .LBB2_18-.Ltmp12, $4  }
0x347: {  	s7 =	sshll.u32 s3, $0x8;
	v7 =	vmul.f32 v63, v60;
	[tilespmem:s17+$0x30] =	vst v5  }
0x348: {  	s9 =	sand.u32 $0x3FFFFF00, s7;
	[tilespmem:s17+$0x80] =	vst v6  }
0x349: {  	s9 =	sadd.s32 $0x2880, s9;
	[tilespmem:s17+$0xD0] =	vst v7  }
0x34a: {  	[spmem:s2] =	stream.indirect.scatter.add.f32 [tilespmem:s25], [sflag:$0x3], $0x50, s9, s19, $0xb8;
	[tilespmem:$0x1EE80] =	vst v63  }
0x34b: {  	_ =	swait.ge [sflag:s26], $0x2800  }
0x34c: {  	[sflag:s26] =	ssyncset.done $0x0  }
0x34d: {  	[sflag:s26] =	ssyncadd.s32 $0xFFFFD800  }
0x34e: {  	_ =	swait.ge [sflag:s26], $0x800  }
0x34f: {  	[sflag:s26] =	ssyncset.done $0x0  }
0x350: {  	s9 =	sadd.s32 $0x100, s7;
	[sflag:s26] =	ssyncadd.s32 $0xFFFFF800  }
0x351: {  	[tilespmem:s20], [sflag:$0x1] =	stream.indirect.gather [hbm4b:s13+s19], $0x50, s9, s19, $0xb8;
	[tilespmem:$0x1EE80] =	vst v63  }
0x352: {  	s17 =	sadd.s32 $0x2980, s7;
	s7 =	simm.s32 @!p0 $0x4  }
0x353: {  	[tilespmem:s21], [sflag:$0x1] =	stream.indirect.gather [hbm4b:s14+s19], $0x10, s17, s19, $0xb8;
	[tilespmem:$0x1EE80] =	vst v63  }
0x354: {  	_ =	swait.ge @!p0 [sflag:s7], $0x2800  }
0x355: {  	[sflag:s7] =	ssyncset.done @!p0 $0x0  }
0x356: {  	s10 =	simm.s32 $0x7A40;
	[sflag:s7] =	ssyncadd.s32 @!p0 $0xFFFFD800  }
0x357: {  	s23 =	simm.s32 $0xA940;
	v5 =	vld [tilespmem:s10+$0x130]  }
0x358: {  	v6 =	vld [tilespmem:s23+$0x30];
	_ =	sdelay $0x1  }
0x359: {  	v7 =	vld [tilespmem:s23+$0xFFFFFFC0]  }
0x35a: {  	v8 =	vld [tilespmem:s10+$0xFFFFFF50]  }
0x35b: {  	v9 =	vld [tilespmem:s23+$0xFFFFFFD0]  }
0x35c: {  	v10 =	vld [tilespmem:s10+$0xFFFFFFA0];
	v5 =	vadd.f32 v6, v5  }
0x35d: {  	v11 =	vld [tilespmem:s23+$0xFFFFFFE0]  }
0x35e: {  	v12 =	vld [tilespmem:s23+$0xFFFFFFF0];
	v13 =	vmul.f32 $2.000000030e-01, v5  }
0x35f: {  	v14 =	vld [tilespmem:s10+$0x40]  }
0x360: {  	v6 =	vld [tilespmem:s10+$0xFFFFFFF0];
	v5 =	vmax.f32 v5, v13  }
0x361: {  	v15 =	vld [tilespmem:s23+$0x0];
	v5 =	vmul.f32 $1.442695020e+00, v5  }
0x362: {  	v16 =	vld [tilespmem:s10+$0xE0];
	v8 =	vadd.f32 v9, v8  }
0x363: {  	v9 =	vld [tilespmem:s10+$0x90];
	v10 =	vadd.f32 v11, v10;
	(erf) = vpow2.f32 v5  }
0x364: {  	v11 =	vld [tilespmem:s23+$0x10];
	v13 =	vmul.f32 $2.000000030e-01, v8  }
0x365: {  	v6 =	vadd.f32 v12, v6;
	v12 =	vld [tilespmem:s23+$0x20];
	v5 =	vmul.f32 $2.000000030e-01, v10  }
0x366: {  	v8 =	vmax.f32 v8, v13;
	v13 =	vld [tilespmem:s10+$0xFFFFFF00]  }
0x367: {  	v8 =	vmul.f32 $1.442695020e+00, v8;
	v5 =	vmax.f32 v10, v5  }
0x368: {  	v14 =	vadd.f32 v15, v14;
	v10 =	vmul.f32 $2.000000030e-01, v6;
	v5 =	vmul.f32 $1.442695020e+00, v5  }
0x369: {  	v9 =	vadd.f32 v11, v9;
	(erf) = vpow2.f32 v8  }
0x36a: {  	v8 =	vadd.f32 v12, v16;
	v6 =	vmax.f32 v6, v10;
	v10 =	vmul.f32 $2.000000030e-01, v14  }
0x36b: {  	v11 =	vmul.f32 $2.000000030e-01, v9;
	v7 =	vadd.f32 v7, v13;
	v6 =	vmul.f32 $1.442695020e+00, v6  }
0x36c: {  	s7 =	simm.s32 $0xDA40;
	v12 =	vmul.f32 $2.000000030e-01, v8;
	(erf) = vpow2.f32 v5;
	v10 =	vmax.f32 v14, v10;
	v5 =	vpop (erf)  }
0x36d: {  	v9 =	vmax.f32 v9, v11;
	v11 =	vmul.f32 $2.000000030e-01, v7;
	v10 =	vmul.f32 $1.442695020e+00, v10;
	[tilespmem:s7+$0x130] =	vst v5  }
0x36e: {  	s24 =	simm.s32 $0xA9C0;
	v8 =	vmax.f32 v8, v12;
	(erf) = vpow2.f32 v6;
	v6 =	vmul.f32 $1.442695020e+00, v9;
	v9 =	vld [tilespmem:s10+$0xF0]  }
0x36f: {  	s15 =	simm.s32 $0x7CC0;
	v26 =	vld [tilespmem:s24+$0xFFFFFFC0];
	v7 =	vmax.f32 v7, v11;
	v8 =	vmul.f32 $1.442695020e+00, v8;
	(erf) = vpow2.f32 v10  }
0x370: {  	v29 =	vld [tilespmem:s15+$0xFFFFFF50];
	(erf) = vpow2.f32 v6;
	v6 =	vmul.f32 $1.442695020e+00, v7  }
0x371: {  	v31 =	vld [tilespmem:s24+$0xFFFFFFD0];
	v7 =	vperm.xlane v5, v1;
	(erf) = vpow2.f32 v8  }
0x372: {  	v34 =	vld [tilespmem:s15+$0xFFFFFFA0];
	(erf) = vpow2.f32 v6  }
0x373: {  	v37 =	vld [tilespmem:s24+$0xFFFFFFE0];
	v6 =	vmul.f32 v7, v9  }
0x374: {  	v40 =	vld [tilespmem:s15+$0xFFFFFFF0];
	v8 =	vpop (erf)  }
0x375: {  	v42 =	vld [tilespmem:s24+$0xFFFFFFF0];
	[tilespmem:s7+$0xFFFFFF50] =	vst v8;
	v7 =	vpop (erf)  }
0x376: {  	v9 =	vld [tilespmem:s10+$0xFFFFFF10];
	[tilespmem:s7+$0xFFFFFFA0] =	vst v7  }
0x377: {  	v15 =	vperm.xlane v8, v1;
	[tilespmem:s7+$0xF0] =	vst v6;
	v11 =	vld [tilespmem:s10+$0xFFFFFF60];
	v6 =	vpop (erf)  }
0x378: {  	v10 =	vld [tilespmem:s10+$0x100];
	[tilespmem:s7+$0xFFFFFFF0] =	vst v6;
	v13 =	vpop (erf)  }
0x379: {  	v16 =	vld [tilespmem:s10+$0xFFFFFFB0];
	[tilespmem:s7+$0x40] =	vst v13;
	v14 =	vpop (erf)  }
0x37a: {  	v18 =	vperm.xlane v5, v2;
	v17 =	vld [tilespmem:s10+$0x0];
	[tilespmem:s7+$0x90] =	vst v14;
	v12 =	vpop (erf)  }
0x37b: {  	v19 =	vperm.xlane v7, v1;
	v9 =	vmul.f32 v15, v9;
	v20 =	vld [tilespmem:s10+$0x50];
	[tilespmem:s7+$0xE0] =	vst v12;
	v15 =	vpop (erf)  }
0x37c: {  	v21 =	vperm.xlane v6, v1;
	[tilespmem:s7+$0xFFFFFF00] =	vst v15;
	v22 =	vld [tilespmem:s10+$0xA0]  }
0x37d: {  	v11 =	vmul.f32 v19, v11;
	v10 =	vmul.f32 v18, v10;
	v19 =	vld [tilespmem:s10+$0xFFFFFEC0]  }
0x37e: {  	v61 =	vld [tilespmem:s24+$0x10];
	[tilespmem:s7+$0xFFFFFF10] =	vst v9;
	v9 =	vperm.xlane v14, v1;
	v18 =	vperm.xlane v13, v1  }
0x37f: {  	v29 =	vadd.f32 v31, v29;
	[tilespmem:s7+$0x100] =	vst v10;
	v10 =	vperm.xlane v12, v1;
	v16 =	vmul.f32 v21, v16;
	v21 =	vld [tilespmem:s10+$0xFFFFFF20]  }
0x380: {  	v31 =	vadd.f32 v37, v34;
	[tilespmem:s7+$0xFFFFFF60] =	vst v11;
	v11 =	vperm.xlane v15, v1;
	v17 =	vmul.f32 v18, v17;
	v18 =	vld [tilespmem:s10+$0x110]  }
0x381: {  	v62 =	vadd.f32 v42, v40;
	v9 =	vmul.f32 v9, v20;
	v20 =	vld [tilespmem:s10+$0xFFFFFF70];
	[tilespmem:s7+$0xFFFFFFB0] =	vst v16;
	v10 =	vmul.f32 v10, v22  }
0x382: {  	v44 =	vmul.f32 $2.000000030e-01, v29;
	v16 =	vld [tilespmem:s10+$0xFFFFFFC0];
	[tilespmem:s7+$0x0] =	vst v17;
	v11 =	vmul.f32 v11, v19  }
0x383: {  	v45 =	vmul.f32 $2.000000030e-01, v31;
	v48 =	vmul.f32 $2.000000030e-01, v62;
	[tilespmem:s7+$0xA0] =	vst v10;
	v10 =	vld [tilespmem:s15+$0x130]  }
0x384: {  	v41 =	vperm.xlane v5, v3;
	v24 =	vperm.xlane v8, v2;
	[tilespmem:s7+$0xFFFFFEC0] =	vst v11;
	v11 =	vld [tilespmem:s24+$0x30]  }
0x385: {  	v25 =	vperm.xlane v8, v3;
	v27 =	vperm.xlane v7, v2;
	v17 =	vld [tilespmem:s10+$0x10];
	[tilespmem:s7+$0x50] =	vst v9  }
0x386: {  	v30 =	vperm.xlane v7, v3;
	v28 =	vperm.xlane v6, v2;
	v19 =	vld [tilespmem:s10+$0x60]  }
0x387: {  	v32 =	vperm.xlane v13, v2;
	v21 =	vmul.f32 v24, v21;
	v24 =	vld [tilespmem:s15+$0x40]  }
0x388: {  	v33 =	vperm.xlane v14, v2;
	v36 =	vperm.xlane v12, v2;
	v22 =	vld [tilespmem:s10+$0xB0]  }
0x389: {  	v35 =	vperm.xlane v15, v2;
	v20 =	vmul.f32 v27, v20;
	v27 =	vld [tilespmem:s24+$0x0];
	v38 =	vadd.f32 v11, v10  }
0x38a: {  	v39 =	vperm.xlane v15, v3;
	v9 =	vperm.xlane v6, v3;
	v23 =	vld [tilespmem:s10+$0xFFFFFED0]  }
0x38b: {  	v63 =	vld [tilespmem:s15+$0xE0];
	v18 =	vmul.f32 v41, v18;
	v43 =	vmul.f32 $2.000000030e-01, v38  }
0x38c: {  	v16 =	vmul.f32 v28, v16;
	v28 =	vld [tilespmem:s15+$0x90];
	v17 =	vmul.f32 v32, v17  }
0x38d: {  	v46 =	vld [tilespmem:s24+$0x20];
	v19 =	vmul.f32 v33, v19;
	v10 =	vperm.xlane v13, v3;
	v38 =	vmax.f32 v38, v43  }
0x38e: {  	v47 =	vld [tilespmem:s15+$0xFFFFFF00];
	[tilespmem:s7+$0xFFFFFF20] =	vst v21;
	v22 =	vmul.f32 v36, v22;
	v24 =	vadd.f32 v27, v24;
	v38 =	vmul.f32 $1.442695020e+00, v38  }
0x38f: {  	[tilespmem:s7+$0x110] =	vst v18;
	v18 =	vld [tilespmem:s10+$0xFFFFFF30];
	v23 =	vmul.f32 v35, v23;
	v27 =	vmax.f32 v29, v44;
	v29 =	vmax.f32 v31, v45  }
0x390: {  	v31 =	vmax.f32 v62, v48;
	[tilespmem:s7+$0x60] =	vst v19;
	v19 =	vperm.xlane v8, v4;
	(erf) = vpow2.f32 v38  }
0x391: {  	v27 =	vmul.f32 $1.442695020e+00, v27;
	v28 =	vadd.f32 v61, v28;
	v49 =	vmul.f32 $2.000000030e-01, v24;
	[tilespmem:s7+$0xFFFFFED0] =	vst v23  }
0x392: {  	v23 =	vmul.f32 $1.442695020e+00, v29;
	v29 =	vmul.f32 $1.442695020e+00, v31;
	v31 =	vld [tilespmem:s10+$0xFFFFFEE0]  }
0x393: {  	v26 =	vadd.f32 v26, v47;
	v21 =	vmul.f32 $2.000000030e-01, v28;
	(erf) = vpow2.f32 v27  }
0x394: {  	v18 =	vmul.f32 v25, v18;
	v24 =	vmax.f32 v24, v49;
	v27 =	vadd.f32 v46, v63  }
0x395: {  	[tilespmem:s7+$0xFFFFFF70] =	vst v20;
	v24 =	vmul.f32 $1.442695020e+00, v24;
	v20 =	vmax.f32 v28, v21;
	v28 =	vmul.f32 $2.000000030e-01, v26  }
0x396: {  	[tilespmem:s7+$0xFFFFFFC0] =	vst v16;
	(erf) = vpow2.f32 v23;
	v23 =	vmul.f32 $2.000000030e-01, v27  }
0x397: {  	v50 =	vld [tilespmem:s10+$0x120];
	[tilespmem:s7+$0x10] =	vst v17;
	v20 =	vmul.f32 $1.442695020e+00, v20;
	v16 =	vmul.f32 v39, v31  }
0x398: {  	[tilespmem:s7+$0xB0] =	vst v22;
	v25 =	vld [tilespmem:s10+$0x70];
	v31 =	vperm.xlane v12, v3;
	(erf) = vpow2.f32 v29;
	v23 =	vmax.f32 v27, v23  }
0x399: {  	s23 =	simm.s32 $0xDCC0;
	v29 =	vld [tilespmem:s10+$0xFFFFFF80];
	(erf) = vpow2.f32 v24;
	v24 =	vmax.f32 v26, v28;
	[tilespmem:s7+$0xFFFFFEE0] =	vst v16;
	v23 =	vmul.f32 $1.442695020e+00, v23;
	v21 =	vpop (erf)  }
0x39a: {  	(erf) = vpow2.f32 v20;
	v17 =	vmul.f32 $1.442695020e+00, v24;
	v22 =	vld [tilespmem:s10+$0xFFFFFEF0];
	[tilespmem:s23+$0x130] =	vst v21  }
0x39b: {  	v20 =	vperm.xlane v15, v4;
	(erf) = vpow2.f32 v23;
	v26 =	vld [tilespmem:s15+$0xF0]  }
0x39c: {  	v28 =	vld [tilespmem:s10+$0x20];
	v23 =	vperm.xlane v21, v1;
	(erf) = vpow2.f32 v17;
	v16 =	vpop (erf)  }
0x39d: {  	v27 =	vld [tilespmem:s10+$0xFFFFFFD0];
	v17 =	vperm.xlane v7, v4;
	v7 =	vperm.xlane v5, v4;
	[tilespmem:s23+$0xFFFFFF50] =	vst v16  }
0x39e: {  	v5 =	vperm.xlane v6, v4;
	v6 =	vperm.xlane v13, v4;
	v13 =	vld [tilespmem:s15+$0xFFFFFF10]  }
0x39f: {  	s24 =	simm.s32 $0x7F40;
	v15 =	vld [tilespmem:s10+$0xC0];
	v20 =	vmul.f32 v20, v22;
	v32 =	vmul.f32 v7, v50  }
0x3a0: {  	[tilespmem:s7+$0xFFFFFF30] =	vst v18;
	v22 =	vld [tilespmem:s24+$0xFFFFFF00];
	v7 =	vperm.xlane v12, v4;
	v8 =	vmul.f32 v23, v26;
	v26 =	vpop (erf)  }
0x3a1: {  	v12 =	vmul.f32 v30, v29;
	v30 =	vperm.xlane v16, v1;
	v23 =	vld [tilespmem:s10+$0xFFFFFF40];
	[tilespmem:s23+$0xFFFFFFA0] =	vst v26  }
0x3a2: {  	v11 =	vperm.xlane v14, v3;
	v33 =	vpop (erf);
	[tilespmem:s23+$0xF0] =	vst v8;
	v24 =	vld [tilespmem:s15+$0xFFFFFF60]  }
0x3a3: {  	v13 =	vmul.f32 v30, v13;
	v8 =	vperm.xlane v14, v4;
	[tilespmem:s23+$0xFFFFFFF0] =	vst v33;
	v29 =	vpop (erf);
	v14 =	vld [tilespmem:s15+$0x100]  }
0x3a4: {  	v51 =	vld [tilespmem:s15+$0xFFFFFFB0];
	[tilespmem:s23+$0x40] =	vst v29  }
0x3a5: {  	v36 =	vpop (erf);
	[tilespmem:s23+$0xFFFFFF10] =	vst v13;
	v52 =	vld [tilespmem:s15+$0x0]  }
0x3a6: {  	v53 =	vperm.xlane v21, v2;
	v31 =	vmul.f32 v31, v15;
	[tilespmem:s23+$0x90] =	vst v36;
	v41 =	vpop (erf);
	v44 =	vld [tilespmem:s15+$0xFFFFFF20]  }
0x3a7: {  	v34 =	vperm.xlane v16, v2;
	v54 =	vperm.xlane v26, v1;
	v30 =	vld [tilespmem:s15+$0x50];
	[tilespmem:s23+$0xE0] =	vst v41;
	v42 =	vpop (erf)  }
0x3a8: {  	v55 =	vperm.xlane v33, v1;
	v57 =	vperm.xlane v29, v1;
	[tilespmem:s23+$0xFFFFFF00] =	vst v42;
	v56 =	vld [tilespmem:s15+$0xA0]  }
0x3a9: {  	s9 =	simm.s32 $0xAA40;
	v13 =	vperm.xlane v36, v1;
	v50 =	vperm.xlane v42, v2;
	v58 =	vld [tilespmem:s15+$0xFFFFFEC0]  }
0x3aa: {  	v15 =	vperm.xlane v42, v4;
	v35 =	vmul.f32 v55, v51;
	v55 =	vld [tilespmem:s9+$0x30]  }
0x3ab: {  	v24 =	vmul.f32 v54, v24;
	v37 =	vmul.f32 v57, v52;
	v52 =	vld [tilespmem:s24+$0x130]  }
0x3ac: {  	v14 =	vmul.f32 v53, v14;
	v34 =	vmul.f32 v34, v44;
	v44 =	vld [tilespmem:s9+$0xFFFFFFC0]  }
0x3ad: {  	v53 =	vperm.xlane v42, v3;
	[tilespmem:s23+$0xFFFFFF60] =	vst v24;
	v24 =	vperm.xlane v42, v1;
	v42 =	vld [tilespmem:s24+$0xFFFFFFA0]  }
0x3ae: {  	[tilespmem:s23+$0x100] =	vst v14;
	v13 =	vmul.f32 v13, v30;
	v30 =	vld [tilespmem:s15+$0xFFFFFF70]  }
0x3af: {  	v25 =	vmul.f32 v11, v25;
	[tilespmem:s23+$0xFFFFFFB0] =	vst v35;
	v35 =	vld [tilespmem:s24+$0xFFFFFF50]  }
0x3b0: {  	v28 =	vmul.f32 v10, v28;
	v27 =	vmul.f32 v9, v27;
	v59 =	vld [tilespmem:s15+$0x110]  }
0x3b1: {  	v18 =	vperm.xlane v16, v3;
	v14 =	vperm.xlane v41, v1;
	v45 =	vld [tilespmem:s15+$0xFFFFFFC0];
	[tilespmem:s23+$0x0] =	vst v37  }
0x3b2: {  	v60 =	vperm.xlane v26, v2;
	v46 =	vperm.xlane v33, v2;
	v62 =	vld [tilespmem:s15+$0x10]  }
0x3b3: {  	v38 =	vperm.xlane v33, v3;
	v14 =	vmul.f32 v14, v56;
	v56 =	vld [tilespmem:s9+$0xFFFFFFE0]  }
0x3b4: {  	v11 =	vperm.xlane v33, v4;
	v61 =	vmul.f32 v24, v58;
	[tilespmem:s23+$0x50] =	vst v13;
	v58 =	vld [tilespmem:s9+$0x10]  }
0x3b5: {  	v40 =	vperm.xlane v29, v3;
	v10 =	vperm.xlane v29, v4;
	v47 =	vld [tilespmem:s15+$0x60]  }
0x3b6: {  	v48 =	vperm.xlane v36, v2;
	v39 =	vperm.xlane v36, v3;
	[tilespmem:s23+$0xFFFFFEC0] =	vst v61;
	v61 =	vld [tilespmem:s9+$0xFFFFFFF0]  }
0x3b7: {  	v13 =	vperm.xlane v21, v3;
	[tilespmem:s23+$0xA0] =	vst v14;
	v14 =	vperm.xlane v29, v2;
	v29 =	vld [tilespmem:s9+$0x0]  }
0x3b8: {  	v24 =	vperm.xlane v26, v3;
	v63 =	vld [tilespmem:s15+$0xB0];
	v30 =	vmul.f32 v60, v30  }
0x3b9: {  	v49 =	vld [tilespmem:s15+$0xFFFFFED0];
	v13 =	vmul.f32 v13, v59;
	v43 =	vmul.f32 v14, v62  }
0x3ba: {  	[tilespmem:s7+$0xFFFFFFD0] =	vst v27;
	v60 =	vld [tilespmem:s24+$0xFFFFFFF0];
	v14 =	vperm.xlane v16, v4;
	v16 =	vperm.xlane v26, v4;
	v26 =	vadd.f32 v55, v52  }
0x3bb: {  	v9 =	vperm.xlane v36, v4;
	v45 =	vmul.f32 v46, v45;
	v46 =	vld [tilespmem:s9+$0xFFFFFFD0];
	[tilespmem:s23+$0xFFFFFF70] =	vst v30  }
0x3bc: {  	v51 =	vperm.xlane v41, v2;
	[tilespmem:s23+$0x110] =	vst v13;
	v27 =	vld [tilespmem:s15+$0xFFFFFF80];
	v62 =	vmul.f32 $2.000000030e-01, v26  }
0x3bd: {  	v19 =	vmul.f32 v19, v23;
	v21 =	vperm.xlane v21, v4;
	v56 =	vadd.f32 v56, v42;
	v54 =	vld [tilespmem:s15+$0x120]  }
0x3be: {  	[tilespmem:s7+$0xFFFFFF80] =	vst v12;
	v13 =	vperm.xlane v41, v3;
	v37 =	vmul.f32 v51, v63;
	v63 =	vld [tilespmem:s24+$0x40];
	v12 =	vmax.f32 v26, v62  }
0x3bf: {  	[tilespmem:s7+$0x70] =	vst v25;
	v47 =	vmul.f32 v48, v47;
	v59 =	vadd.f32 v61, v60;
	v60 =	vld [tilespmem:s24+$0xE0];
	v57 =	vmul.f32 $1.442695020e+00, v12  }
0x3c0: {  	[tilespmem:s7+$0xFFFFFF40] =	vst v19;
	v42 =	vmul.f32 $2.000000030e-01, v56;
	v49 =	vmul.f32 v50, v49;
	v61 =	vld [tilespmem:s9+$0x20];
	v55 =	vadd.f32 v46, v35  }
0x3c1: {  	[tilespmem:s23+$0xFFFFFF20] =	vst v34;
	v26 =	vld [tilespmem:s24+$0x90];
	v12 =	vperm.xlane v41, v4;
	(erf) = vpow2.f32 v57  }
0x3c2: {  	[tilespmem:s23+$0x60] =	vst v47;
	v47 =	vld [tilespmem:s15+$0xFFFFFF30];
	v62 =	vmul.f32 $2.000000030e-01, v59;
	v30 =	vmul.f32 $2.000000030e-01, v55  }
0x3c3: {  	[tilespmem:s23+$0xFFFFFFC0] =	vst v45;
	v51 =	vadd.f32 v44, v22;
	v19 =	vmul.f32 v24, v27;
	v21 =	vmul.f32 v21, v54  }
0x3c4: {  	[tilespmem:s23+$0x10] =	vst v43;
	v43 =	vmax.f32 v59, v62;
	v29 =	vadd.f32 v29, v63;
	v23 =	vmax.f32 v55, v30  }
0x3c5: {  	[tilespmem:s7+$0xC0] =	vst v31;
	v48 =	vld [tilespmem:s15+$0xFFFFFFD0];
	v30 =	vmax.f32 v56, v42;
	v33 =	vmul.f32 $1.442695020e+00, v43;
	v23 =	vmul.f32 $1.442695020e+00, v23  }
0x3c6: {  	[tilespmem:s23+$0xFFFFFED0] =	vst v49;
	v63 =	vld [tilespmem:s10+$0xFFFFFF90];
	v30 =	vmul.f32 $1.442695020e+00, v30;
	v26 =	vadd.f32 v58, v26;
	v46 =	vmul.f32 $2.000000030e-01, v29  }
0x3c7: {  	[tilespmem:s23+$0xB0] =	vst v37;
	v37 =	vld [tilespmem:s10+$0xD0];
	v34 =	vadd.f32 v61, v60;
	v18 =	vmul.f32 v18, v47;
	(erf) = vpow2.f32 v23  }
0x3c8: {  	v24 =	vld [tilespmem:s10+$0x80];
	[tilespmem:s23+$0x120] =	vst v21;
	v21 =	vmul.f32 $2.000000030e-01, v26;
	v23 =	vmax.f32 v29, v46;
	(erf) = vpow2.f32 v30  }
0x3c9: {  	v42 =	vld [tilespmem:s15+$0xFFFFFEE0];
	v22 =	vmul.f32 $1.442695020e+00, v23;
	v23 =	vmul.f32 $2.000000030e-01, v34  }
0x3ca: {  	s17 =	simm.s32 $0xDF40;
	[tilespmem:s7+$0xFFFFFEF0] =	vst v20;
	v55 =	vld [tilespmem:s15+$0x20];
	v21 =	vmax.f32 v26, v21;
	(erf) = vpow2.f32 v33;
	v26 =	vmul.f32 $2.000000030e-01, v51;
	v25 =	vpop (erf)  }
0x3cb: {  	v56 =	vld [tilespmem:s15+$0x70];
	v54 =	vmul.f32 v17, v63;
	v17 =	vmul.f32 $1.442695020e+00, v21;
	v21 =	vmax.f32 v34, v23;
	[tilespmem:s17+$0x130] =	vst v25  }
0x3cc: {  	[tilespmem:s23+$0xFFFFFF80] =	vst v19;
	(erf) = vpow2.f32 v22;
	v20 =	vmax.f32 v51, v26;
	v21 =	vmul.f32 $1.442695020e+00, v21;
	v26 =	vld [tilespmem:s24+$0xF0]  }
0x3cd: {  	v36 =	vld [tilespmem:s15+$0xFFFFFF90];
	[tilespmem:s23+$0xFFFFFF30] =	vst v18;
	(erf) = vpow2.f32 v17;
	v17 =	vmul.f32 $1.442695020e+00, v20  }
0x3ce: {  	[tilespmem:s7+$0x120] =	vst v32;
	v32 =	vld [tilespmem:s15+$0xFFFFFF40];
	v23 =	vmul.f32 v53, v42;
	(erf) = vpow2.f32 v21  }
0x3cf: {  	[tilespmem:s7+$0x20] =	vst v28;
	v29 =	vld [tilespmem:s15+$0xC0];
	v20 =	vperm.xlane v25, v1;
	(erf) = vpow2.f32 v17  }
0x3d0: {  	v48 =	vmul.f32 v38, v48;
	v40 =	vmul.f32 v40, v55;
	v22 =	vld [tilespmem:s10+$0xFFFFFFE0];
	[tilespmem:s7+$0xFFFFFF90] =	vst v54  }
0x3d1: {  	v38 =	vmul.f32 v39, v56;
	[tilespmem:s23+$0xFFFFFEE0] =	vst v23;
	v23 =	vld [tilespmem:s10+$0x30];
	v27 =	vpop (erf);
	v17 =	vmul.f32 v20, v26  }
0x3d2: {  	v63 =	vperm.xlane v25, v2;
	v28 =	vld [tilespmem:s15+$0xFFFFFEF0];
	[tilespmem:s17+$0xFFFFFF50] =	vst v27;
	v21 =	vperm.xlane v27, v1  }
0x3d3: {  	v49 =	vperm.xlane v27, v2;
	v18 =	vperm.xlane v27, v3;
	v30 =	vpop (erf);
	v60 =	vld [tilespmem:s24+$0xFFFFFF10];
	[tilespmem:s17+$0xF0] =	vst v17  }
0x3d4: {  	[tilespmem:s17+$0xFFFFFFA0] =	vst v30;
	v57 =	vperm.xlane v30, v2;
	v19 =	vperm.xlane v30, v3;
	v26 =	vpop (erf);
	v62 =	vld [tilespmem:s24+$0x100]  }
0x3d5: {  	v20 =	vperm.xlane v30, v1;
	v61 =	vld [tilespmem:s24+$0xFFFFFF60];
	v46 =	vperm.xlane v26, v1;
	[tilespmem:s17+$0xFFFFFFF0] =	vst v26;
	v31 =	vpop (erf)  }
0x3d6: {  	v42 =	vperm.xlane v26, v2;
	v17 =	vperm.xlane v26, v3;
	v47 =	vld [tilespmem:s24+$0xFFFFFFB0];
	[tilespmem:s17+$0x40] =	vst v31;
	v33 =	vpop (erf)  }
0x3d7: {  	v50 =	vperm.xlane v31, v1;
	v43 =	vperm.xlane v31, v2;
	v34 =	vld [tilespmem:s24+$0x0];
	[tilespmem:s17+$0x90] =	vst v33;
	v35 =	vpop (erf)  }
0x3d8: {  	v51 =	vperm.xlane v33, v1;
	v21 =	vmul.f32 v21, v60;
	v52 =	vld [tilespmem:s24+$0x50];
	[tilespmem:s17+$0xE0] =	vst v35;
	v41 =	vpop (erf)  }
0x3d9: {  	v44 =	vperm.xlane v33, v2;
	[tilespmem:s17+$0xFFFFFF00] =	vst v41;
	v59 =	vld [tilespmem:s24+$0xA0];
	v53 =	vmul.f32 v63, v62  }
0x3da: {  	v20 =	vmul.f32 v20, v61;
	v54 =	vperm.xlane v35, v1;
	[tilespmem:s17+$0xFFFFFF10] =	vst v21;
	v60 =	vld [tilespmem:s24+$0xFFFFFEC0]  }
0x3db: {  	v58 =	vperm.xlane v41, v1;
	v21 =	vmul.f32 v46, v47;
	v61 =	vld [tilespmem:s24+$0xFFFFFF20];
	[tilespmem:s17+$0x100] =	vst v53  }
0x3dc: {  	v45 =	vperm.xlane v41, v2;
	[tilespmem:s17+$0xFFFFFF60] =	vst v20;
	v46 =	vmul.f32 v50, v34;
	v53 =	vld [tilespmem:s24+$0x110]  }
0x3dd: {  	v47 =	vperm.xlane v35, v2;
	v62 =	vld [tilespmem:s24+$0xFFFFFF70];
	v52 =	vmul.f32 v51, v52;
	[tilespmem:s17+$0xFFFFFFB0] =	vst v21  }
0x3de: {  	v20 =	vperm.xlane v33, v3;
	v50 =	vld [tilespmem:s24+$0xFFFFFFC0];
	[tilespmem:s17+$0x0] =	vst v46;
	v54 =	vmul.f32 v54, v59  }
0x3df: {  	v51 =	vld [tilespmem:s24+$0x10];
	[tilespmem:s17+$0x50] =	vst v52;
	v59 =	vperm.xlane v25, v3;
	v58 =	vmul.f32 v58, v60  }
0x3e0: {  	v34 =	vperm.xlane v41, v3;
	v60 =	vmul.f32 v49, v61;
	v49 =	vld [tilespmem:s24+$0x60];
	[tilespmem:s17+$0xA0] =	vst v54  }
0x3e1: {  	v46 =	vperm.xlane v35, v3;
	[tilespmem:s17+$0xFFFFFEC0] =	vst v58;
	v52 =	vld [tilespmem:s24+$0xB0];
	v54 =	vmul.f32 v59, v53  }
0x3e2: {  	s11 =	simm.s32 $0x81C0;
	s10 =	simm.s32 $0x10;
	v21 =	vperm.xlane v31, v3;
	v55 =	vmul.f32 v57, v62;
	[tilespmem:s17+$0xFFFFFF20] =	vst v60;
	v53 =	vld [tilespmem:s24+$0xFFFFFED0]  }
.LBB2_16:
0x3e3: {  	v39 =	vld [tilespmem:s11+$0x130];
	v42 =	vmul.f32 v42, v50;
	[tilespmem:s17+$0x110] =	vst v54;
	v29 =	vmul.f32 v13, v29;
	v13 =	vmov v46  }
0x3e4: {  	v41 =	vperm.xlane v41, v4;
	s9 =	sadd.s32 $0x80, s9;
	[tilespmem:s17+$0xFFFFFF70] =	vst v55;
	v43 =	vmul.f32 v43, v51;
	v46 =	vld [tilespmem:s24+$0x120]  }
0x3e5: {  	s10 =	sadd.s32 $0x8, s10;
	v27 =	vperm.xlane v27, v4;
	v50 =	vld [tilespmem:s9+$0x30];
	[tilespmem:s17+$0xFFFFFFC0] =	vst v42;
	v42 =	vmul.f32 v44, v49  }
0x3e6: {  	v30 =	vperm.xlane v30, v4;
	p0 =	slt.u32 s10, $0x78;
	v44 =	vld [tilespmem:s9+$0xFFFFFFC0];
	[tilespmem:s17+$0x10] =	vst v43;
	v43 =	vmul.f32 v47, v52  }
0x3e7: {  	v25 =	vperm.xlane v25, v4;
	v47 =	vld [tilespmem:s11+$0xFFFFFF50];
	v45 =	vmul.f32 v45, v53;
	[tilespmem:s17+$0x60] =	vst v42  }
0x3e8: {  	v26 =	vperm.xlane v26, v4;
	v31 =	vperm.xlane v31, v4;
	v42 =	vld [tilespmem:s9+$0xFFFFFFD0];
	[tilespmem:s17+$0xB0] =	vst v43  }
0x3e9: {  	v33 =	vperm.xlane v33, v4;
	v43 =	vld [tilespmem:s11+$0xFFFFFFA0];
	[tilespmem:s17+$0xFFFFFED0] =	vst v45;
	v25 =	vmul.f32 v25, v46  }
0x3ea: {  	v35 =	vperm.xlane v35, v4;
	v28 =	vmul.f32 v15, v28;
	v45 =	vld [tilespmem:s9+$0xFFFFFFE0];
	v39 =	vadd.f32 v50, v39;
	[tilespmem:s23+$0xFFFFFFD0] =	vst v48  }
0x3eb: {  	v15 =	vmovc v41;
	v46 =	vld [tilespmem:s11+$0xFFFFFFF0];
	[tilespmem:s17+$0x120] =	vst v25;
	v25 =	vmul.f32 v14, v32;
	v32 =	vmul.f32 v16, v36;
	v14 =	vmov v27  }
0x3ec: {  	v22 =	vmul.f32 v5, v22;
	v5 =	vmovc v11;
	v11 =	vmovc v26;
	v16 =	vmov v30;
	v27 =	vld [tilespmem:s9+$0xFFFFFFF0];
	v36 =	vmul.f32 $2.000000030e-01, v39;
	[tilespmem:s23+$0x20] =	vst v40  }
0x3ed: {  	v23 =	vmul.f32 v6, v23;
	v24 =	vmul.f32 v8, v24;
	v26 =	vadd.f32 v42, v47;
	v30 =	vld [tilespmem:s11+$0x40];
	[tilespmem:s23+$0x70] =	vst v38  }
0x3ee: {  	v6 =	vmovc v10;
	v10 =	vmov v31;
	v38 =	vld [tilespmem:s9+$0x0];
	v40 =	vmax.f32 v39, v36;
	[tilespmem:s23+$0xC0] =	vst v29;
	v29 =	vmul.f32 v7, v37  }
0x3ef: {  	v8 =	vmovc v9;
	v9 =	vmovc v33;
	v31 =	vmul.f32 $2.000000030e-01, v26;
	v36 =	vadd.f32 v45, v43;
	v37 =	vld [tilespmem:s11+$0x90];
	v39 =	vmul.f32 $1.442695020e+00, v40;
	[tilespmem:s23+$0xFFFFFEF0] =	vst v28  }
0x3f0: {  	v7 =	vmov v12;
	v12 =	vmov v35;
	v28 =	vld [tilespmem:s9+$0x10];
	[tilespmem:s23+$0xFFFFFF40] =	vst v25  }
0x3f1: {  	v25 =	vmul.f32 $2.000000030e-01, v36;
	v27 =	vadd.f32 v27, v46;
	v33 =	vld [tilespmem:s11+$0xE0];
	(erf) = vpow2.f32 v39;
	[tilespmem:s23+$0xFFFFFF90] =	vst v32  }
0x3f2: {  	v26 =	vmax.f32 v26, v31;
	v31 =	vld [tilespmem:s9+$0x20];
	[tilespmem:s7+$0xFFFFFFE0] =	vst v22  }
0x3f3: {  	v22 =	vld [tilespmem:s11+$0xFFFFFF00];
	v25 =	vmax.f32 v36, v25;
	v32 =	vmul.f32 $2.000000030e-01, v27;
	v30 =	vadd.f32 v38, v30;
	[tilespmem:s7+$0x30] =	vst v23  }
0x3f4: {  	v23 =	vmul.f32 $1.442695020e+00, v26;
	v25 =	vmul.f32 $1.442695020e+00, v25;
	v26 =	vld [tilespmem:s24+$0xFFFFFEE0];
	[tilespmem:s7+$0x80] =	vst v24  }
0x3f5: {  	v24 =	vmax.f32 v27, v32;
	v27 =	vmul.f32 $2.000000030e-01, v30;
	v28 =	vadd.f32 v28, v37;
	v32 =	vld [tilespmem:s24+$0xFFFFFF30];
	[tilespmem:s7+$0xD0] =	vst v29;
	s7 =	smov.u32 s23;
	s23 =	smov.u32 s17  }
0x3f6: {  	v24 =	vmul.f32 $1.442695020e+00, v24;
	(erf) = vpow2.f32 v23;
	v35 =	vld [tilespmem:s24+$0xFFFFFF80]  }
0x3f7: {  	v23 =	vmax.f32 v30, v27;
	v27 =	vmul.f32 $2.000000030e-01, v28;
	v30 =	vadd.f32 v31, v33;
	v40 =	vld [tilespmem:s24+$0xFFFFFFD0]  }
0x3f8: {  	v31 =	vadd.f32 v44, v22;
	v22 =	vmul.f32 $1.442695020e+00, v23;
	(erf) = vpow2.f32 v25;
	v39 =	vld [tilespmem:s24+$0x20]  }
0x3f9: {  	s17 =	sadd.s32 $0x280, s17;
	v23 =	vmax.f32 v28, v27;
	v27 =	vmul.f32 $2.000000030e-01, v30;
	(erf) = vpow2.f32 v24;
	v38 =	vld [tilespmem:s24+$0x70]  }
0x3fa: {  	v24 =	vmul.f32 $2.000000030e-01, v31;
	v23 =	vmul.f32 $1.442695020e+00, v23;
	v25 =	vpop (erf);
	v29 =	vld [tilespmem:s24+$0xC0]  }
0x3fb: {  	v26 =	vmul.f32 v34, v26;
	v27 =	vmax.f32 v30, v27;
	[tilespmem:s17+$0x130] =	vst v25;
	(erf) = vpow2.f32 v22;
	v22 =	vld [tilespmem:s15+$0xFFFFFFE0]  }
0x3fc: {  	v24 =	vmax.f32 v31, v24;
	v31 =	vmul.f32 $1.442695020e+00, v27;
	v30 =	vld [tilespmem:s11+$0xF0];
	(erf) = vpow2.f32 v23  }
0x3fd: {  	v18 =	vmul.f32 v18, v32;
	v24 =	vmul.f32 $1.442695020e+00, v24;
	[tilespmem:s23+$0xFFFFFEE0] =	vst v26;
	v23 =	vld [tilespmem:s15+$0x30]  }
0x3fe: {  	v19 =	vmul.f32 v19, v35;
	(erf) = vpow2.f32 v31;
	v28 =	vld [tilespmem:s24+$0xFFFFFEF0]  }
0x3ff: {  	v33 =	vperm.xlane v25, v1;
	(erf) = vpow2.f32 v24;
	v27 =	vpop (erf);
	[tilespmem:s23+$0xFFFFFF30] =	vst v18;
	v24 =	vld [tilespmem:s15+$0x80]  }
0x400: {  	[tilespmem:s17+$0xFFFFFF50] =	vst v27;
	v34 =	vperm.xlane v27, v1;
	v48 =	vperm.xlane v27, v2;
	v32 =	vld [tilespmem:s24+$0xFFFFFF40]  }
0x401: {  	v18 =	vperm.xlane v27, v3;
	v35 =	vld [tilespmem:s11+$0xFFFFFF10];
	v33 =	vmul.f32 v33, v30;
	v30 =	vpop (erf);
	[tilespmem:s23+$0xFFFFFF80] =	vst v19  }
0x402: {  	[tilespmem:s17+$0xFFFFFFA0] =	vst v30;
	v37 =	vperm.xlane v30, v1;
	v55 =	vperm.xlane v30, v2;
	v26 =	vpop (erf);
	v36 =	vld [tilespmem:s24+$0xFFFFFF90]  }
0x403: {  	v41 =	vld [tilespmem:s11+$0xFFFFFF60];
	v46 =	vperm.xlane v26, v1;
	v42 =	vperm.xlane v26, v2;
	[tilespmem:s17+$0xF0] =	vst v33  }
0x404: {  	v19 =	vperm.xlane v30, v3;
	v52 =	vperm.xlane v26, v3;
	[tilespmem:s17+$0xFFFFFFF0] =	vst v26;
	v45 =	vld [tilespmem:s11+$0x100];
	v31 =	vpop (erf)  }
0x405: {  	v47 =	vld [tilespmem:s11+$0xFFFFFFB0];
	[tilespmem:s17+$0x40] =	vst v31;
	v49 =	vperm.xlane v31, v1;
	v43 =	vperm.xlane v31, v2;
	v33 =	vpop (erf)  }
0x406: {  	v34 =	vmul.f32 v34, v35;
	v50 =	vld [tilespmem:s11+$0x0];
	[tilespmem:s17+$0x90] =	vst v33;
	v51 =	vperm.xlane v33, v1  }
0x407: {  	v54 =	vperm.xlane v25, v2;
	v44 =	vperm.xlane v33, v2;
	v53 =	vld [tilespmem:s11+$0x50];
	v35 =	vpop (erf)  }
0x408: {  	v56 =	vmul.f32 v37, v41;
	[tilespmem:s17+$0xE0] =	vst v35;
	v57 =	vperm.xlane v35, v1;
	v41 =	vpop (erf);
	v37 =	vld [tilespmem:s15+$0xD0];
	s15 =	smov.u32 s24;
	s24 =	smov.u32 s11  }
0x409: {  	[tilespmem:s17+$0xFFFFFF00] =	vst v41;
	v58 =	vperm.xlane v41, v1;
	v59 =	vld [tilespmem:s11+$0xA0];
	v54 =	vmul.f32 v54, v45  }
0x40a: {  	v45 =	vperm.xlane v41, v2;
	v60 =	vld [tilespmem:s11+$0xFFFFFEC0];
	[tilespmem:s17+$0xFFFFFF10] =	vst v34;
	v46 =	vmul.f32 v46, v47  }
0x40b: {  	v47 =	vperm.xlane v35, v2;
	v61 =	vld [tilespmem:s11+$0xFFFFFF20];
	v49 =	vmul.f32 v49, v50;
	[tilespmem:s17+$0x100] =	vst v54  }
0x40c: {  	v34 =	vperm.xlane v41, v3;
	[tilespmem:s17+$0xFFFFFF60] =	vst v56;
	v53 =	vmul.f32 v51, v53;
	v54 =	vld [tilespmem:s11+$0x110]  }
0x40d: {  	v62 =	vperm.xlane v31, v3;
	v63 =	vperm.xlane v33, v3;
	v56 =	vld [tilespmem:s11+$0xFFFFFF70];
	[tilespmem:s17+$0xFFFFFFB0] =	vst v46  }
.Ltmp13:
0x40e: {  	v46 =	vperm.xlane v35, v3;
	v50 =	vld [tilespmem:s11+$0xFFFFFFC0];
	[tilespmem:s17+$0x0] =	vst v49;
	v57 =	vmul.f32 v57, v59;
	(pc) =	sbr.rel @p0 .LBB2_16-.Ltmp13, $4  }
0x40f: {  	v58 =	vmul.f32 v58, v60;
	v51 =	vld [tilespmem:s11+$0x10];
	[tilespmem:s17+$0x50] =	vst v53;
	v53 =	vperm.xlane v25, v3  }
0x410: {  	v59 =	vmul.f32 v48, v61;
	v49 =	vld [tilespmem:s11+$0x60];
	[tilespmem:s17+$0xA0] =	vst v57;
	v48 =	vmul.f32 v17, v40;
	v17 =	vmov v52  }
0x411: {  	v40 =	vmul.f32 v21, v39;
	v21 =	vmov v62;
	[tilespmem:s17+$0xFFFFFEC0] =	vst v58;
	v52 =	vld [tilespmem:s11+$0xB0];
	v54 =	vmul.f32 v53, v54  }
0x412: {  	v38 =	vmul.f32 v20, v38;
	v20 =	vmov v63;
	s11 =	sadd.s32 $0x280, s11;
	v53 =	vld [tilespmem:s24+$0xFFFFFED0];
	[tilespmem:s17+$0xFFFFFF20] =	vst v59;
	v55 =	vmul.f32 v55, v56  }
0x413: {  	[tilespmem:s17+$0x110] =	vst v54  }
0x414: {  	[tilespmem:s23+$0xFFFFFFD0] =	vst v48  }
0x415: {  	[tilespmem:s23+$0x20] =	vst v40  }
0x416: {  	v39 =	vmul.f32 v42, v50;
	[tilespmem:s17+$0xFFFFFF70] =	vst v55  }
0x417: {  	v13 =	vmul.f32 v13, v29;
	[tilespmem:s23+$0x70] =	vst v38  }
0x418: {  	v15 =	vmul.f32 v15, v28;
	[tilespmem:s17+$0xFFFFFFC0] =	vst v39  }
0x419: {  	v14 =	vmul.f32 v14, v32;
	[tilespmem:s23+$0xC0] =	vst v13  }
0x41a: {  	v16 =	vmul.f32 v16, v36;
	[tilespmem:s23+$0xFFFFFEF0] =	vst v15  }
0x41b: {  	v5 =	vmul.f32 v5, v22;
	[tilespmem:s23+$0xFFFFFF40] =	vst v14  }
0x41c: {  	v6 =	vmul.f32 v6, v23;
	[tilespmem:s23+$0xFFFFFF90] =	vst v16  }
0x41d: {  	v8 =	vmul.f32 v8, v24;
	[tilespmem:s7+$0xFFFFFFE0] =	vst v5  }
0x41e: {  	v48 =	vld [tilespmem:s24+$0xFFFFFF30];
	v7 =	vmul.f32 v7, v37;
	[tilespmem:s7+$0x30] =	vst v6  }
0x41f: {  	v59 =	vmul.f32 v43, v51;
	v60 =	vld [tilespmem:s24+$0x120];
	[tilespmem:s7+$0x80] =	vst v8  }
0x420: {  	v61 =	vmul.f32 v44, v49;
	v49 =	vld [tilespmem:s24+$0xFFFFFF80];
	[tilespmem:s7+$0xD0] =	vst v7  }
0x421: {  	v55 =	vld [tilespmem:s15+$0xFFFFFFE0];
	[tilespmem:s17+$0x10] =	vst v59;
	v63 =	vmul.f32 v45, v53  }
0x422: {  	v25 =	vperm.xlane v25, v4;
	v62 =	vmul.f32 v47, v52;
	v5 =	vld [tilespmem:s24+$0xFFFFFFD0];
	[tilespmem:s17+$0x60] =	vst v61  }
0x423: {  	v6 =	vld [tilespmem:s24+$0x20];
	v15 =	vmul.f32 v18, v48;
	[tilespmem:s17+$0xFFFFFED0] =	vst v63  }
0x424: {  	[tilespmem:s17+$0xB0] =	vst v62;
	v25 =	vmul.f32 v25, v60;
	v47 =	vld [tilespmem:s24+$0xFFFFFEE0]  }
0x425: {  	v50 =	vld [tilespmem:s24+$0x70];
	v52 =	vmul.f32 v19, v49;
	[tilespmem:s17+$0xFFFFFF30] =	vst v15  }
0x426: {  	v51 =	vld [tilespmem:s24+$0xC0];
	v11 =	vmul.f32 v11, v55;
	[tilespmem:s17+$0x120] =	vst v25  }
0x427: {  	v15 =	vld [tilespmem:s24+$0xFFFFFF40];
	v5 =	vmul.f32 v17, v5;
	[tilespmem:s17+$0xFFFFFF80] =	vst v52  }
0x428: {  	[tilespmem:s23+$0xFFFFFFE0] =	vst v11;
	v6 =	vmul.f32 v21, v6;
	v7 =	vld [tilespmem:s24+$0xFFFFFF90]  }
0x429: {  	v56 =	vld [tilespmem:s15+$0x30];
	[tilespmem:s17+$0xFFFFFFD0] =	vst v5;
	v13 =	vmul.f32 v34, v47  }
0x42a: {  	v57 =	vld [tilespmem:s15+$0x80];
	v8 =	vmul.f32 v20, v50;
	v5 =	vperm.xlane v27, v4;
	[tilespmem:s17+$0x20] =	vst v6  }
0x42b: {  	v58 =	vld [tilespmem:s15+$0xD0];
	v16 =	vmul.f32 v46, v51;
	v6 =	vperm.xlane v30, v4;
	[tilespmem:s17+$0xFFFFFEE0] =	vst v13  }
0x42c: {  	[tilespmem:s17+$0x70] =	vst v8;
	v5 =	vmul.f32 v5, v15;
	v53 =	vld [tilespmem:s24+$0xFFFFFEF0]  }
0x42d: {  	[tilespmem:s17+$0xC0] =	vst v16;
	v6 =	vmul.f32 v6, v7;
	v7 =	vld [tilespmem:s24+$0xFFFFFFE0]  }
0x42e: {  	v10 =	vmul.f32 v10, v56;
	[tilespmem:s17+$0xFFFFFF40] =	vst v5;
	v5 =	vld [tilespmem:s24+$0x30]  }
0x42f: {  	v54 =	vperm.xlane v41, v4;
	v9 =	vmul.f32 v9, v57;
	[tilespmem:s17+$0xFFFFFF90] =	vst v6;
	v6 =	vld [tilespmem:s24+$0x80]  }
0x430: {  	v59 =	vperm.xlane v26, v4;
	[tilespmem:s23+$0x30] =	vst v10;
	v8 =	vmul.f32 v12, v58;
	v60 =	vld [tilespmem:s24+$0xD0]  }
0x431: {  	v61 =	vperm.xlane v31, v4;
	[tilespmem:s23+$0x80] =	vst v9;
	v13 =	vmul.f32 v54, v53  }
0x432: {  	v62 =	vperm.xlane v33, v4;
	[tilespmem:s23+$0xD0] =	vst v8;
	v7 =	vmul.f32 v59, v7  }
0x433: {  	v63 =	vperm.xlane v35, v4;
	v5 =	vmul.f32 v61, v5;
	[tilespmem:s17+$0xFFFFFEF0] =	vst v13  }
.Ltmp14:
0x434: {  	v6 =	vmul.f32 v62, v6;
	[tilespmem:s17+$0xFFFFFFE0] =	vst v7;
	(pc) =	sbr.rel .LBB2_18-.Ltmp14, $4  }
0x435: {  	s6 =	sshll.u32 s6, $0x7;
	v7 =	vmul.f32 v63, v60;
	[tilespmem:s17+$0x30] =	vst v5  }
0x436: {  	s6 =	sand.u32 $0x3FFFFF80, s6;
	[tilespmem:s17+$0x80] =	vst v6  }
0x437: {  	s6 =	sadd.s32 $0x2880, s6;
	[tilespmem:s17+$0xD0] =	vst v7  }
0x438: {  	[spmem:s2] =	stream.indirect.scatter.add.f32 [tilespmem:s28], [sflag:$0x4], $0x50, s6, s19, $0xb8;
	[tilespmem:$0x1EE80] =	vst v63  }
.LBB2_20:
0x439: {  	_ =	sfence.sel $0x180000  }
0x43a: {  	[bflag:$0x0] =	sbarrier.arrive $0xFFFF  }
0x43b: {  	_ =	strace $0x90000047  }
0x43c: {  	s0 =	stileid.u32;
	[bflag:$0x2] =	sbarrier.arrive $0xFFFF  }
0x43d: {  	p0 =	sne.s32 s0, $0x0;
	s0 =	rddreg [dreg:$0x2]  }
0x43e: {  	s0 =	sadd.s32 @!p0 $0x100000, s0  }
0x43f: {  	[sflag:s0] =	ssyncadd.tile.s32 @!p0 $0x1;
	_ =	shalt  }
.Lfunc_end2:
_tile_overlayer_lowered:
.L_overlay_start_2:
0x440: {  	(tag) =	ssettag $0x2  }
0x441: {  	s0 =	rddreg [dreg:$0x0];
	s2 =	stileid.u32  }
0x442: {  	s1 =	rddreg [dreg:$0x1];
	p0 =	sne.s32 s2, $0x0  }
0x443: {  	s3 =	rddreg [dreg:$0x2];
	[bflag:$0x3] =	sbarrier.arrive $0xFFFF;
	s2 =	simm.s32 @!p0 $0x1C05  }
0x444: {  	[timem:s3], [sflag:s2] =	dma.local @!p0 [hbm:s0], s1  }
0x445: {  	s0 =	simm.s32 @!p0 $0x5  }
0x446: {  	_ =	swait.ge @!p0 [sflag:s0], s1  }
0x447: {  	s1 =	ssub.s32 @!p0 $0x0, s1;
	[sflag:s0] =	ssyncset.done @!p0 $0x0  }
0x448: {  	[sflag:s0] =	ssyncadd.s32 @!p0 s1  }
0x449: {  	[bflag:$0x3] =	sbarrier.arrive $0xFFFF  }
0x44a: {  	_ =	shalt  }

</sc_bundles>
